<compile_context>
chip_gen: v7x
topology: tpu7x:2x2x1
jax: 0.10.2.dev20260603
libtpu: 0.0.44.dev20260713+nightly
codegen_flags: <defaults>
</compile_context>

<pallas_src>
import jax
import jax.numpy as jnp
from jax import lax
from jax.experimental import pallas as pl
from jax.experimental.pallas import tpu as pltpu, tpu_sc as plsc

N_NODES = 10000
N_EDGES = 160000
STATES = 128
BATCH = 2

NC = 2
NS = 16
L = 16

EPW = N_EDGES // NS
NSTAGE = 10
SROWS = N_NODES // NSTAGE
K = 40
EPS = 2000
CPS = EPS // K
PAIRS = CPS // 2
NPH = EPW // EPS


def _edge_diff(tab, src_idx, dst_idx, out,
               stab_ref, siA, diA, siB, diB, sr0, sr1, dr0, dr1, ob0, ob1,
               gs0, gs1, ss0, ss1, isem):
    srows = (sr0, sr1)
    drows = (dr0, dr1)
    obufs = (ob0, ob1)
    gsem = (gs0, gs1)
    ssem = (ss0, ss1)
    idx_bufs = ((siA, diA), (siB, diB))

    core = lax.axis_index("c")
    sub = lax.axis_index("s")

    @pl.when(sub < NSTAGE)
    def _():
        pltpu.sync_copy(tab.at[pl.ds(core * N_NODES + sub * SROWS, SROWS)],
                        stab_ref.at[pl.ds(sub * SROWS, SROWS)])

    plsc.subcore_barrier()

    ebase = sub * EPW
    obase = core * N_EDGES + ebase

    def refill_sync(ph, bufs):
        pltpu.sync_copy(src_idx.at[pl.ds(ebase + ph * EPS, EPS)], bufs[0])
        pltpu.sync_copy(dst_idx.at[pl.ds(ebase + ph * EPS, EPS)], bufs[1])

    def refill_async(ph, bufs):
        pltpu.async_copy(src_idx.at[pl.ds(ebase + ph * EPS, EPS)], bufs[0],
                         isem)
        pltpu.async_copy(dst_idx.at[pl.ds(ebase + ph * EPS, EPS)], bufs[1],
                         isem)

    def refill_wait(ph, bufs):
        pltpu.make_async_copy(src_idx.at[pl.ds(ebase, EPS)], bufs[0],
                              isem).wait()
        pltpu.make_async_copy(dst_idx.at[pl.ds(ebase, EPS)], bufs[1],
                              isem).wait()

    def issue_gather(bufs, lc, b):
        pltpu.async_copy(stab_ref.at[bufs[0].at[pl.ds(lc * K, K)]],
                         srows[b], gsem[b])
        pltpu.async_copy(stab_ref.at[bufs[1].at[pl.ds(lc * K, K)]],
                         drows[b], gsem[b])

    def wait_gather(bufs, b):
        pltpu.make_async_copy(stab_ref.at[bufs[0].at[pl.ds(0, K)]],
                              srows[b], gsem[b]).wait()
        pltpu.make_async_copy(stab_ref.at[bufs[1].at[pl.ds(0, K)]],
                              drows[b], gsem[b]).wait()

    def issue_scatter(gc, b):
        pltpu.async_copy(obufs[b], out.at[pl.ds(obase + gc * K, K)], ssem[b])

    def wait_scatter(b):
        pltpu.make_async_copy(
            obufs[b], out.at[pl.ds(obase, K)], ssem[b]).wait()

    refill_sync(0, idx_bufs[0])
    issue_gather(idx_bufs[0], 0, 0)
    issue_gather(idx_bufs[0], 1, 1)

    for ph in range(NPH):
        cur = idx_bufs[ph % 2]
        nxt = idx_bufs[(ph + 1) % 2]
        if ph < NPH - 1:
            refill_async(ph + 1, nxt)

        def step(g, carry, ph=ph, cur=cur):
            for b in range(2):
                lc = g * 2 + b
                gc = ph * CPS + lc
                wait_gather(cur, b)

                if ph == 0:
                    @pl.when(g > 0)
                    def _():
                        wait_scatter(b)
                else:
                    wait_scatter(b)

                sb, db, ob = srows[b], drows[b], obufs[b]

                @plsc.parallel_loop(0, K, step=1, unroll=8)
                def sub_row(r):
                    for j in range(STATES // L):
                        sl = pl.ds(j * L, L)
                        ob[r, sl] = sb[r, sl] - db[r, sl]

                @pl.when(lc < CPS - 2)
                def _():
                    issue_gather(cur, lc + 2, b)

                issue_scatter(gc, b)
            return carry

        lax.fori_loop(0, PAIRS, step, 0)

        if ph < NPH - 1:
            refill_wait(ph + 1, nxt)
            issue_gather(nxt, 0, 0)
            issue_gather(nxt, 1, 1)

    wait_scatter(0)
    wait_scatter(1)


def kernel(x0, edge_index):
    node_attr = x0.reshape(BATCH, N_NODES, STATES)
    tab = x0.reshape(BATCH * N_NODES, STATES)
    src_idx = edge_index[0]
    dst_idx = edge_index[1]

    mesh = plsc.VectorSubcoreMesh(core_axis_name="c", subcore_axis_name="s")
    edge_flat = pl.kernel(
        _edge_diff,
        out_type=jax.ShapeDtypeStruct((BATCH * N_EDGES, STATES), jnp.float32),
        mesh=mesh,
        scratch_types=[
            pltpu.VMEM_SHARED((N_NODES, STATES), jnp.float32),
            pltpu.VMEM((EPS,), jnp.int32),
            pltpu.VMEM((EPS,), jnp.int32),
            pltpu.VMEM((EPS,), jnp.int32),
            pltpu.VMEM((EPS,), jnp.int32),
            pltpu.VMEM((K, STATES), jnp.float32),
            pltpu.VMEM((K, STATES), jnp.float32),
            pltpu.VMEM((K, STATES), jnp.float32),
            pltpu.VMEM((K, STATES), jnp.float32),
            pltpu.VMEM((K, STATES), jnp.float32),
            pltpu.VMEM((K, STATES), jnp.float32),
            pltpu.SemaphoreType.DMA,
            pltpu.SemaphoreType.DMA,
            pltpu.SemaphoreType.DMA,
            pltpu.SemaphoreType.DMA,
            pltpu.SemaphoreType.DMA,
        ],
    )(tab, src_idx, dst_idx)

    edge_attr = edge_flat.reshape(BATCH, N_EDGES, STATES)
    return (node_attr, edge_attr)

# --- scband reference (transcript-rebuilt; emitter-appended) ---
"""Pipeline reference for scband-rcpreprocessor-91027536871907 (READ-ONLY COPY).

The authoritative reference and input builder live on the scoring server;
editing this copy changes nothing except your own understanding.
"""

import jax, jax.numpy as jnp
import numpy as np

N_NODES = 10000
N_EDGES = 160000
STATES = 128
BATCH = 2


def setup_inputs(seed: int = 0) -> dict:
    key = jax.random.key(seed)
    k1, k2 = jax.random.split(key)
    x0 = jax.random.normal(k1, (BATCH, N_NODES * STATES), dtype=jnp.float32)
    edge_index = jax.random.randint(k2, (2, N_EDGES), 0, N_NODES, dtype=jnp.int32)
    return {"x0": x0, "edge_index": edge_index}


def reference(x0, edge_index):
    # Faithful translation of RCPreprocessor.forward
    # node_attr = data['x0']; (ndim==3 branch unused for 2D input)
    batch, nodestates = x0.shape
    states = nodestates // N_NODES
    node_attr = x0.reshape(batch, N_NODES, states)
    # edge_attr = node_attr[:, edge_index[0], :] - node_attr[:, edge_index[1], :]
    src = jnp.take(node_attr, edge_index[0], axis=1)
    dst = jnp.take(node_attr, edge_index[1], axis=1)
    edge_attr = src - dst
    # original returns dict {'node_attr', 'edge_attr', 'edge_index'}; return float outputs as tuple
    return (node_attr, edge_attr)

if __name__ == "__main__":
    import jax
    _d = setup_inputs()
    print(jax.jit(kernel)(*tuple(_d.values())))

</pallas_src>

<mosaic_0001>
#map = affine_map<(d0, d1) -> (0, 0)>
#map1 = affine_map<(d0, d1) -> (0)>
module attributes {stable_mosaic.version = 14 : i64} {
  func.func @_edge_diff(%arg0: i32, %arg1: i32, %arg2: memref<20000x128xf32, #tpu.memory_space<hbm>>, %arg3: memref<160000xi32, #tpu.memory_space<hbm>>, %arg4: memref<160000xi32, #tpu.memory_space<hbm>>, %arg5: memref<320000x128xf32, #tpu.memory_space<hbm>>, %arg6: memref<10000x128xf32, #tpu.memory_space<vmem_shared>>, %arg7: memref<2000xi32, #tpu.memory_space<vmem>>, %arg8: memref<2000xi32, #tpu.memory_space<vmem>>, %arg9: memref<2000xi32, #tpu.memory_space<vmem>>, %arg10: memref<2000xi32, #tpu.memory_space<vmem>>, %arg11: memref<40x128xf32, #tpu.memory_space<vmem>>, %arg12: memref<40x128xf32, #tpu.memory_space<vmem>>, %arg13: memref<40x128xf32, #tpu.memory_space<vmem>>, %arg14: memref<40x128xf32, #tpu.memory_space<vmem>>, %arg15: memref<40x128xf32, #tpu.memory_space<vmem>>, %arg16: memref<40x128xf32, #tpu.memory_space<vmem>>, %arg17: memref<!tpu.dma_semaphore, #tpu.memory_space<semaphore_mem>>, %arg18: memref<!tpu.dma_semaphore, #tpu.memory_space<semaphore_mem>>, %arg19: memref<!tpu.dma_semaphore, #tpu.memory_space<semaphore_mem>>, %arg20: memref<!tpu.dma_semaphore, #tpu.memory_space<semaphore_mem>>, %arg21: memref<!tpu.dma_semaphore, #tpu.memory_space<semaphore_mem>>) attributes {dimension_semantics = [#tpu.dimension_semantics<core_parallel>, #tpu.dimension_semantics<subcore_parallel>], iteration_bounds = array<i64: 2, 16>, scalar_prefetch = 0 : i64, scratch_operands = 16 : i64, tpu.core_type = #tpu.core_type<sc_vector_subcore>, window_params = [{transform_indices = #map}, {transform_indices = #map1}, {transform_indices = #map1}, {transform_indices = #map}]} {
    %lt3A = arith.constant 10 : i32
    %lt3A_0 = arith.cmpi slt, %arg1, %lt3A : i32
    %convert_element_type3A = arith.extui %lt3A_0 : i1 to i32
    %cond3A = arith.constant 0 : i32
    %cond3A_1 = arith.cmpi ne, %convert_element_type3A, %cond3A : i32
    scf.if %cond3A_1 {
      %mul3A_192 = arith.constant 10000 : i32
      %mul3A_193 = arith.muli %arg0, %mul3A_192 : i32
      %mul3A_194 = arith.constant 1000 : i32
      %mul3A_195 = arith.muli %arg1, %mul3A_194 : i32
      %add3A_196 = arith.addi %mul3A_193, %mul3A_195 : i32
      %mul3A_197 = arith.constant 1000 : i32
      %mul3A_198 = arith.muli %arg1, %mul3A_197 : i32
      "tpu.region"() ({
        %run_scoped3A = tpu.sem_alloc : memref<!tpu.dma_semaphore, #tpu.memory_space<semaphore_mem>>
        %dma_start3A_199 = arith.constant 0 : i32
        %dma_start3A_200 = tpu.memref_slice %arg6[%mul3A_198, %dma_start3A_199] : memref<10000x128xf32, #tpu.memory_space<vmem_shared>> -> memref<1000x128xf32, #tpu.memory_space<vmem_shared>>
        %dma_start3A_201 = arith.constant 0 : i32
        %dma_start3A_202 = tpu.memref_slice %arg2[%add3A_196, %dma_start3A_201] : memref<20000x128xf32, #tpu.memory_space<hbm>> -> memref<1000x128xf32, #tpu.memory_space<hbm>>
        tpu.enqueue_dma source(%dma_start3A_202 : memref<1000x128xf32, #tpu.memory_space<hbm>>) target(%dma_start3A_200 : memref<1000x128xf32, #tpu.memory_space<vmem_shared>>) target_semaphore(%run_scoped3A : memref<!tpu.dma_semaphore, #tpu.memory_space<semaphore_mem>>)
        %dma_wait3A_203 = arith.constant 0 : i32
        %dma_wait3A_204 = tpu.memref_slice %arg6[%mul3A_198, %dma_wait3A_203] : memref<10000x128xf32, #tpu.memory_space<vmem_shared>> -> memref<1000x128xf32, #tpu.memory_space<vmem_shared>>
        %dma_wait3A_205 = arith.constant 0 : i32
        %dma_wait3A_206 = tpu.memref_slice %arg2[%add3A_196, %dma_wait3A_205] : memref<20000x128xf32, #tpu.memory_space<hbm>> -> memref<1000x128xf32, #tpu.memory_space<hbm>>
        tpu.wait_dma2 semaphore(%run_scoped3A : memref<!tpu.dma_semaphore, #tpu.memory_space<semaphore_mem>>) src(%dma_wait3A_206 : memref<1000x128xf32, #tpu.memory_space<hbm>>) dst(%dma_wait3A_204 : memref<1000x128xf32, #tpu.memory_space<vmem_shared>>)
        tpu.yield
      }) : () -> ()
    } else {
    }
    %barrier3A = arith.constant 0 : index
    tpu.barrier barrier_id(%barrier3A)
    %mul3A = arith.constant 10000 : i32
    %mul3A_2 = arith.muli %arg1, %mul3A : i32
    %mul3A_3 = arith.constant 160000 : i32
    %mul3A_4 = arith.muli %arg0, %mul3A_3 : i32
    %add3A = arith.addi %mul3A_4, %mul3A_2 : i32
    %add3A_5 = arith.constant 0 : i32
    %add3A_6 = arith.addi %mul3A_2, %add3A_5 : i32
    "tpu.region"() ({
      %run_scoped3A = tpu.sem_alloc : memref<!tpu.dma_semaphore, #tpu.memory_space<semaphore_mem>>
      %dma_start3A_192 = tpu.memref_slice %arg3[%add3A_6] : memref<160000xi32, #tpu.memory_space<hbm>> -> memref<2000xi32, #tpu.memory_space<hbm>>
      %dma_start3A_193 = tpu.memref_slice %arg3[%add3A_6] : memref<160000xi32, #tpu.memory_space<hbm>> -> memref<2000xi32, #tpu.memory_space<hbm>>
      tpu.enqueue_dma source(%dma_start3A_193 : memref<2000xi32, #tpu.memory_space<hbm>>) target(%arg7 : memref<2000xi32, #tpu.memory_space<vmem>>) target_semaphore(%run_scoped3A : memref<!tpu.dma_semaphore, #tpu.memory_space<semaphore_mem>>)
      %dma_wait3A_194 = tpu.memref_slice %arg3[%add3A_6] : memref<160000xi32, #tpu.memory_space<hbm>> -> memref<2000xi32, #tpu.memory_space<hbm>>
      %dma_wait3A_195 = tpu.memref_slice %arg3[%add3A_6] : memref<160000xi32, #tpu.memory_space<hbm>> -> memref<2000xi32, #tpu.memory_space<hbm>>
      tpu.wait_dma2 semaphore(%run_scoped3A : memref<!tpu.dma_semaphore, #tpu.memory_space<semaphore_mem>>) src(%dma_wait3A_195 : memref<2000xi32, #tpu.memory_space<hbm>>) dst(%arg7 : memref<2000xi32, #tpu.memory_space<vmem>>)
      tpu.yield
    }) : () -> ()
    %add3A_7 = arith.constant 0 : i32
    %add3A_8 = arith.addi %mul3A_2, %add3A_7 : i32
    "tpu.region"() ({
      %run_scoped3A = tpu.sem_alloc : memref<!tpu.dma_semaphore, #tpu.memory_space<semaphore_mem>>
      %dma_start3A_192 = tpu.memref_slice %arg4[%add3A_8] : memref<160000xi32, #tpu.memory_space<hbm>> -> memref<2000xi32, #tpu.memory_space<hbm>>
      %dma_start3A_193 = tpu.memref_slice %arg4[%add3A_8] : memref<160000xi32, #tpu.memory_space<hbm>> -> memref<2000xi32, #tpu.memory_space<hbm>>
      tpu.enqueue_dma source(%dma_start3A_193 : memref<2000xi32, #tpu.memory_space<hbm>>) target(%arg8 : memref<2000xi32, #tpu.memory_space<vmem>>) target_semaphore(%run_scoped3A : memref<!tpu.dma_semaphore, #tpu.memory_space<semaphore_mem>>)
      %dma_wait3A_194 = tpu.memref_slice %arg4[%add3A_8] : memref<160000xi32, #tpu.memory_space<hbm>> -> memref<2000xi32, #tpu.memory_space<hbm>>
      %dma_wait3A_195 = tpu.memref_slice %arg4[%add3A_8] : memref<160000xi32, #tpu.memory_space<hbm>> -> memref<2000xi32, #tpu.memory_space<hbm>>
      tpu.wait_dma2 semaphore(%run_scoped3A : memref<!tpu.dma_semaphore, #tpu.memory_space<semaphore_mem>>) src(%dma_wait3A_195 : memref<2000xi32, #tpu.memory_space<hbm>>) dst(%arg8 : memref<2000xi32, #tpu.memory_space<vmem>>)
      tpu.yield
    }) : () -> ()
    %dma_start3A = arith.constant 0 : i32
    %dma_start3A_9 = tpu.memref_slice %arg7[%dma_start3A] : memref<2000xi32, #tpu.memory_space<vmem>> -> memref<40xi32, #tpu.memory_space<vmem>>
    %dma_start3A_10 = arith.constant 0 : i32
    %dma_start3A_11 = arith.constant 0 : i32
    %dma_start3A_12 = tpu.memref_slice %arg6[%dma_start3A_10, %dma_start3A_11] : memref<10000x128xf32, #tpu.memory_space<vmem_shared>> -> memref<10000x128xf32, #tpu.memory_space<vmem_shared>>
    tpu.enqueue_indirect_dma source(%dma_start3A_12 : memref<10000x128xf32, #tpu.memory_space<vmem_shared>>) target(%arg11 : memref<40x128xf32, #tpu.memory_space<vmem>>) offsets(%dma_start3A_9 : memref<40xi32, #tpu.memory_space<vmem>>) semaphore(%arg17 : memref<!tpu.dma_semaphore, #tpu.memory_space<semaphore_mem>>)
    %dma_start3A_13 = arith.constant 0 : i32
    %dma_start3A_14 = tpu.memref_slice %arg8[%dma_start3A_13] : memref<2000xi32, #tpu.memory_space<vmem>> -> memref<40xi32, #tpu.memory_space<vmem>>
    %dma_start3A_15 = arith.constant 0 : i32
    %dma_start3A_16 = arith.constant 0 : i32
    %dma_start3A_17 = tpu.memref_slice %arg6[%dma_start3A_15, %dma_start3A_16] : memref<10000x128xf32, #tpu.memory_space<vmem_shared>> -> memref<10000x128xf32, #tpu.memory_space<vmem_shared>>
    tpu.enqueue_indirect_dma source(%dma_start3A_17 : memref<10000x128xf32, #tpu.memory_space<vmem_shared>>) target(%arg13 : memref<40x128xf32, #tpu.memory_space<vmem>>) offsets(%dma_start3A_14 : memref<40xi32, #tpu.memory_space<vmem>>) semaphore(%arg17 : memref<!tpu.dma_semaphore, #tpu.memory_space<semaphore_mem>>)
    %dma_start3A_18 = arith.constant 40 : i32
    %dma_start3A_19 = tpu.memref_slice %arg7[%dma_start3A_18] : memref<2000xi32, #tpu.memory_space<vmem>> -> memref<40xi32, #tpu.memory_space<vmem>>
    %dma_start3A_20 = arith.constant 0 : i32
    %dma_start3A_21 = arith.constant 0 : i32
    %dma_start3A_22 = tpu.memref_slice %arg6[%dma_start3A_20, %dma_start3A_21] : memref<10000x128xf32, #tpu.memory_space<vmem_shared>> -> memref<10000x128xf32, #tpu.memory_space<vmem_shared>>
    tpu.enqueue_indirect_dma source(%dma_start3A_22 : memref<10000x128xf32, #tpu.memory_space<vmem_shared>>) target(%arg12 : memref<40x128xf32, #tpu.memory_space<vmem>>) offsets(%dma_start3A_19 : memref<40xi32, #tpu.memory_space<vmem>>) semaphore(%arg18 : memref<!tpu.dma_semaphore, #tpu.memory_space<semaphore_mem>>)
    %dma_start3A_23 = arith.constant 40 : i32
    %dma_start3A_24 = tpu.memref_slice %arg8[%dma_start3A_23] : memref<2000xi32, #tpu.memory_space<vmem>> -> memref<40xi32, #tpu.memory_space<vmem>>
    %dma_start3A_25 = arith.constant 0 : i32
    %dma_start3A_26 = arith.constant 0 : i32
    %dma_start3A_27 = tpu.memref_slice %arg6[%dma_start3A_25, %dma_start3A_26] : memref<10000x128xf32, #tpu.memory_space<vmem_shared>> -> memref<10000x128xf32, #tpu.memory_space<vmem_shared>>
    tpu.enqueue_indirect_dma source(%dma_start3A_27 : memref<10000x128xf32, #tpu.memory_space<vmem_shared>>) target(%arg14 : memref<40x128xf32, #tpu.memory_space<vmem>>) offsets(%dma_start3A_24 : memref<40xi32, #tpu.memory_space<vmem>>) semaphore(%arg18 : memref<!tpu.dma_semaphore, #tpu.memory_space<semaphore_mem>>)
    %add3A_28 = arith.constant 2000 : i32
    %add3A_29 = arith.addi %mul3A_2, %add3A_28 : i32
    %dma_start3A_30 = tpu.memref_slice %arg3[%add3A_29] : memref<160000xi32, #tpu.memory_space<hbm>> -> memref<2000xi32, #tpu.memory_space<hbm>>
    %dma_start3A_31 = tpu.memref_slice %arg3[%add3A_29] : memref<160000xi32, #tpu.memory_space<hbm>> -> memref<2000xi32, #tpu.memory_space<hbm>>
    tpu.enqueue_dma source(%dma_start3A_31 : memref<2000xi32, #tpu.memory_space<hbm>>) target(%arg9 : memref<2000xi32, #tpu.memory_space<vmem>>) target_semaphore(%arg21 : memref<!tpu.dma_semaphore, #tpu.memory_space<semaphore_mem>>)
    %add3A_32 = arith.constant 2000 : i32
    %add3A_33 = arith.addi %mul3A_2, %add3A_32 : i32
    %dma_start3A_34 = tpu.memref_slice %arg4[%add3A_33] : memref<160000xi32, #tpu.memory_space<hbm>> -> memref<2000xi32, #tpu.memory_space<hbm>>
    %dma_start3A_35 = tpu.memref_slice %arg4[%add3A_33] : memref<160000xi32, #tpu.memory_space<hbm>> -> memref<2000xi32, #tpu.memory_space<hbm>>
    tpu.enqueue_dma source(%dma_start3A_35 : memref<2000xi32, #tpu.memory_space<hbm>>) target(%arg10 : memref<2000xi32, #tpu.memory_space<vmem>>) target_semaphore(%arg21 : memref<!tpu.dma_semaphore, #tpu.memory_space<semaphore_mem>>)
    %scan3A = arith.constant 0 : i32
    %scan3A_36 = arith.constant 0 : i32
    %scan3A_37 = arith.constant 25 : i32
    %scan3A_38 = arith.addi %scan3A_36, %scan3A_37 : i32
    %scan3A_39 = arith.constant 1 : i32
    scf.for %scan3A_192 = %scan3A_36 to %scan3A_38 step %scan3A_39  : i32 {
      %mul3A_193 = arith.constant 2 : i32
      %mul3A_194 = arith.muli %scan3A_192, %mul3A_193 : i32
      %add3A_195 = arith.constant 0 : i32
      %add3A_196 = arith.addi %mul3A_194, %add3A_195 : i32
      %add3A_197 = arith.constant 0 : i32
      %add3A_198 = arith.addi %add3A_197, %add3A_196 : i32
      %dma_wait3A_199 = arith.constant 0 : i32
      %dma_wait3A_200 = tpu.memref_slice %arg7[%dma_wait3A_199] : memref<2000xi32, #tpu.memory_space<vmem>> -> memref<40xi32, #tpu.memory_space<vmem>>
      %dma_wait3A_201 = arith.constant 0 : i32
      %dma_wait3A_202 = arith.constant 0 : i32
      %dma_wait3A_203 = tpu.memref_slice %arg6[%dma_wait3A_201, %dma_wait3A_202] : memref<10000x128xf32, #tpu.memory_space<vmem_shared>> -> memref<10000x128xf32, #tpu.memory_space<vmem_shared>>
      tpu.wait_indirect_dma semaphore(%arg17 : memref<!tpu.dma_semaphore, #tpu.memory_space<semaphore_mem>>) src(%dma_wait3A_203 : memref<10000x128xf32, #tpu.memory_space<vmem_shared>>) dst(%arg11 : memref<40x128xf32, #tpu.memory_space<vmem>>)
      %dma_wait3A_204 = arith.constant 0 : i32
      %dma_wait3A_205 = tpu.memref_slice %arg8[%dma_wait3A_204] : memref<2000xi32, #tpu.memory_space<vmem>> -> memref<40xi32, #tpu.memory_space<vmem>>
      %dma_wait3A_206 = arith.constant 0 : i32
      %dma_wait3A_207 = arith.constant 0 : i32
      %dma_wait3A_208 = tpu.memref_slice %arg6[%dma_wait3A_206, %dma_wait3A_207] : memref<10000x128xf32, #tpu.memory_space<vmem_shared>> -> memref<10000x128xf32, #tpu.memory_space<vmem_shared>>
      tpu.wait_indirect_dma semaphore(%arg17 : memref<!tpu.dma_semaphore, #tpu.memory_space<semaphore_mem>>) src(%dma_wait3A_208 : memref<10000x128xf32, #tpu.memory_space<vmem_shared>>) dst(%arg13 : memref<40x128xf32, #tpu.memory_space<vmem>>)
      %gt3A = arith.constant 0 : i32
      %gt3A_209 = arith.cmpi sgt, %scan3A_192, %gt3A : i32
      %convert_element_type3A_210 = arith.extui %gt3A_209 : i1 to i32
      %cond3A_211 = arith.constant 0 : i32
      %cond3A_212 = arith.cmpi ne, %convert_element_type3A_210, %cond3A_211 : i32
      scf.if %cond3A_212 {
        %dma_wait3A_263 = arith.constant 0 : i32
        %dma_wait3A_264 = tpu.memref_slice %arg5[%add3A, %dma_wait3A_263] : memref<320000x128xf32, #tpu.memory_space<hbm>> -> memref<40x128xf32, #tpu.memory_space<hbm>>
        %dma_wait3A_265 = arith.constant 0 : i32
        %dma_wait3A_266 = tpu.memref_slice %arg5[%add3A, %dma_wait3A_265] : memref<320000x128xf32, #tpu.memory_space<hbm>> -> memref<40x128xf32, #tpu.memory_space<hbm>>
        tpu.wait_dma2 semaphore(%arg19 : memref<!tpu.dma_semaphore, #tpu.memory_space<semaphore_mem>>) src(%arg15 : memref<40x128xf32, #tpu.memory_space<vmem>>) dst(%dma_wait3A_266 : memref<40x128xf32, #tpu.memory_space<hbm>>)
      } else {
      }
      %parallel_loop3A = arith.constant 0 : i32
      %parallel_loop3A_213 = arith.constant 40 : i32
      %parallel_loop3A_214 = arith.constant 1 : i32
      scf.for %parallel_loop3A_263 = %parallel_loop3A to %parallel_loop3A_213 step %parallel_loop3A_214  : i32 {
        %parallel_loop3A_264 = arith.index_cast %parallel_loop3A_263 : i32 to index
        %parallel_loop3A_265 = arith.constant 0 : index
        %parallel_loop3A_266 = tpu.vector_load %arg11[%parallel_loop3A_264, %parallel_loop3A_265] {strides = array<i32>} : memref<40x128xf32, #tpu.memory_space<vmem>>, vector<1x16xf32>,
        %parallel_loop3A_267 = vector.shape_cast %parallel_loop3A_266 : vector<1x16xf32> to vector<16xf32>
        %parallel_loop3A_268 = arith.index_cast %parallel_loop3A_263 : i32 to index
        %parallel_loop3A_269 = arith.constant 0 : index
        %parallel_loop3A_270 = tpu.vector_load %arg13[%parallel_loop3A_268, %parallel_loop3A_269] {strides = array<i32>} : memref<40x128xf32, #tpu.memory_space<vmem>>, vector<1x16xf32>,
        %parallel_loop3A_271 = vector.shape_cast %parallel_loop3A_270 : vector<1x16xf32> to vector<16xf32>
        %parallel_loop3A_272 = arith.subf %parallel_loop3A_267, %parallel_loop3A_271 : vector<16xf32>
        %parallel_loop3A_273 = arith.index_cast %parallel_loop3A_263 : i32 to index
        %parallel_loop3A_274 = arith.constant 0 : index
        %parallel_loop3A_275 = tpu.vector_load %arg15[%parallel_loop3A_273, %parallel_loop3A_274] {strides = array<i32>} : memref<40x128xf32, #tpu.memory_space<vmem>>, vector<1x16xf32>,
        %parallel_loop3A_276 = vector.shape_cast %parallel_loop3A_275 : vector<1x16xf32> to vector<16xf32>
        %parallel_loop3A_277 = vector.shape_cast %parallel_loop3A_272 : vector<16xf32> to vector<1x16xf32>
        tpu.vector_store %arg15[%parallel_loop3A_273, %parallel_loop3A_274], %parallel_loop3A_277 {strides = array<i32>} : memref<40x128xf32, #tpu.memory_space<vmem>>, vector<1x16xf32>,
        %parallel_loop3A_278 = arith.index_cast %parallel_loop3A_263 : i32 to index
        %parallel_loop3A_279 = arith.constant 16 : index
        %parallel_loop3A_280 = tpu.vector_load %arg11[%parallel_loop3A_278, %parallel_loop3A_279] {strides = array<i32>} : memref<40x128xf32, #tpu.memory_space<vmem>>, vector<1x16xf32>,
        %parallel_loop3A_281 = vector.shape_cast %parallel_loop3A_280 : vector<1x16xf32> to vector<16xf32>
        %parallel_loop3A_282 = arith.index_cast %parallel_loop3A_263 : i32 to index
        %parallel_loop3A_283 = arith.constant 16 : index
        %parallel_loop3A_284 = tpu.vector_load %arg13[%parallel_loop3A_282, %parallel_loop3A_283] {strides = array<i32>} : memref<40x128xf32, #tpu.memory_space<vmem>>, vector<1x16xf32>,
        %parallel_loop3A_285 = vector.shape_cast %parallel_loop3A_284 : vector<1x16xf32> to vector<16xf32>
        %parallel_loop3A_286 = arith.subf %parallel_loop3A_281, %parallel_loop3A_285 : vector<16xf32>
        %parallel_loop3A_287 = arith.index_cast %parallel_loop3A_263 : i32 to index
        %parallel_loop3A_288 = arith.constant 16 : index
        %parallel_loop3A_289 = tpu.vector_load %arg15[%parallel_loop3A_287, %parallel_loop3A_288] {strides = array<i32>} : memref<40x128xf32, #tpu.memory_space<vmem>>, vector<1x16xf32>,
        %parallel_loop3A_290 = vector.shape_cast %parallel_loop3A_289 : vector<1x16xf32> to vector<16xf32>
        %parallel_loop3A_291 = vector.shape_cast %parallel_loop3A_286 : vector<16xf32> to vector<1x16xf32>
        tpu.vector_store %arg15[%parallel_loop3A_287, %parallel_loop3A_288], %parallel_loop3A_291 {strides = array<i32>} : memref<40x128xf32, #tpu.memory_space<vmem>>, vector<1x16xf32>,
        %parallel_loop3A_292 = arith.index_cast %parallel_loop3A_263 : i32 to index
        %parallel_loop3A_293 = arith.constant 32 : index
        %parallel_loop3A_294 = tpu.vector_load %arg11[%parallel_loop3A_292, %parallel_loop3A_293] {strides = array<i32>} : memref<40x128xf32, #tpu.memory_space<vmem>>, vector<1x16xf32>,
        %parallel_loop3A_295 = vector.shape_cast %parallel_loop3A_294 : vector<1x16xf32> to vector<16xf32>
        %parallel_loop3A_296 = arith.index_cast %parallel_loop3A_263 : i32 to index
        %parallel_loop3A_297 = arith.constant 32 : index
        %parallel_loop3A_298 = tpu.vector_load %arg13[%parallel_loop3A_296, %parallel_loop3A_297] {strides = array<i32>} : memref<40x128xf32, #tpu.memory_space<vmem>>, vector<1x16xf32>,
        %parallel_loop3A_299 = vector.shape_cast %parallel_loop3A_298 : vector<1x16xf32> to vector<16xf32>
        %parallel_loop3A_300 = arith.subf %parallel_loop3A_295, %parallel_loop3A_299 : vector<16xf32>
        %parallel_loop3A_301 = arith.index_cast %parallel_loop3A_263 : i32 to index
        %parallel_loop3A_302 = arith.constant 32 : index
        %parallel_loop3A_303 = tpu.vector_load %arg15[%parallel_loop3A_301, %parallel_loop3A_302] {strides = array<i32>} : memref<40x128xf32, #tpu.memory_space<vmem>>, vector<1x16xf32>,
        %parallel_loop3A_304 = vector.shape_cast %parallel_loop3A_303 : vector<1x16xf32> to vector<16xf32>
        %parallel_loop3A_305 = vector.shape_cast %parallel_loop3A_300 : vector<16xf32> to vector<1x16xf32>
        tpu.vector_store %arg15[%parallel_loop3A_301, %parallel_loop3A_302], %parallel_loop3A_305 {strides = array<i32>} : memref<40x128xf32, #tpu.memory_space<vmem>>, vector<1x16xf32>,
        %parallel_loop3A_306 = arith.index_cast %parallel_loop3A_263 : i32 to index
        %parallel_loop3A_307 = arith.constant 48 : index
        %parallel_loop3A_308 = tpu.vector_load %arg11[%parallel_loop3A_306, %parallel_loop3A_307] {strides = array<i32>} : memref<40x128xf32, #tpu.memory_space<vmem>>, vector<1x16xf32>,
        %parallel_loop3A_309 = vector.shape_cast %parallel_loop3A_308 : vector<1x16xf32> to vector<16xf32>
        %parallel_loop3A_310 = arith.index_cast %parallel_loop3A_263 : i32 to index
        %parallel_loop3A_311 = arith.constant 48 : index
        %parallel_loop3A_312 = tpu.vector_load %arg13[%parallel_loop3A_310, %parallel_loop3A_311] {strides = array<i32>} : memref<40x128xf32, #tpu.memory_space<vmem>>, vector<1x16xf32>,
        %parallel_loop3A_313 = vector.shape_cast %parallel_loop3A_312 : vector<1x16xf32> to vector<16xf32>
        %parallel_loop3A_314 = arith.subf %parallel_loop3A_309, %parallel_loop3A_313 : vector<16xf32>
        %parallel_loop3A_315 = arith.index_cast %parallel_loop3A_263 : i32 to index
        %parallel_loop3A_316 = arith.constant 48 : index
        %parallel_loop3A_317 = tpu.vector_load %arg15[%parallel_loop3A_315, %parallel_loop3A_316] {strides = array<i32>} : memref<40x128xf32, #tpu.memory_space<vmem>>, vector<1x16xf32>,
        %parallel_loop3A_318 = vector.shape_cast %parallel_loop3A_317 : vector<1x16xf32> to vector<16xf32>
        %parallel_loop3A_319 = vector.shape_cast %parallel_loop3A_314 : vector<16xf32> to vector<1x16xf32>
        tpu.vector_store %arg15[%parallel_loop3A_315, %parallel_loop3A_316], %parallel_loop3A_319 {strides = array<i32>} : memref<40x128xf32, #tpu.memory_space<vmem>>, vector<1x16xf32>,
        %parallel_loop3A_320 = arith.index_cast %parallel_loop3A_263 : i32 to index
        %parallel_loop3A_321 = arith.constant 64 : index
        %parallel_loop3A_322 = tpu.vector_load %arg11[%parallel_loop3A_320, %parallel_loop3A_321] {strides = array<i32>} : memref<40x128xf32, #tpu.memory_space<vmem>>, vector<1x16xf32>,
        %parallel_loop3A_323 = vector.shape_cast %parallel_loop3A_322 : vector<1x16xf32> to vector<16xf32>
        %parallel_loop3A_324 = arith.index_cast %parallel_loop3A_263 : i32 to index
        %parallel_loop3A_325 = arith.constant 64 : index
        %parallel_loop3A_326 = tpu.vector_load %arg13[%parallel_loop3A_324, %parallel_loop3A_325] {strides = array<i32>} : memref<40x128xf32, #tpu.memory_space<vmem>>, vector<1x16xf32>,
        %parallel_loop3A_327 = vector.shape_cast %parallel_loop3A_326 : vector<1x16xf32> to vector<16xf32>
        %parallel_loop3A_328 = arith.subf %parallel_loop3A_323, %parallel_loop3A_327 : vector<16xf32>
        %parallel_loop3A_329 = arith.index_cast %parallel_loop3A_263 : i32 to index
        %parallel_loop3A_330 = arith.constant 64 : index
        %parallel_loop3A_331 = tpu.vector_load %arg15[%parallel_loop3A_329, %parallel_loop3A_330] {strides = array<i32>} : memref<40x128xf32, #tpu.memory_space<vmem>>, vector<1x16xf32>,
        %parallel_loop3A_332 = vector.shape_cast %parallel_loop3A_331 : vector<1x16xf32> to vector<16xf32>
        %parallel_loop3A_333 = vector.shape_cast %parallel_loop3A_328 : vector<16xf32> to vector<1x16xf32>
        tpu.vector_store %arg15[%parallel_loop3A_329, %parallel_loop3A_330], %parallel_loop3A_333 {strides = array<i32>} : memref<40x128xf32, #tpu.memory_space<vmem>>, vector<1x16xf32>,
        %parallel_loop3A_334 = arith.index_cast %parallel_loop3A_263 : i32 to index
        %parallel_loop3A_335 = arith.constant 80 : index
        %parallel_loop3A_336 = tpu.vector_load %arg11[%parallel_loop3A_334, %parallel_loop3A_335] {strides = array<i32>} : memref<40x128xf32, #tpu.memory_space<vmem>>, vector<1x16xf32>,
        %parallel_loop3A_337 = vector.shape_cast %parallel_loop3A_336 : vector<1x16xf32> to vector<16xf32>
        %parallel_loop3A_338 = arith.index_cast %parallel_loop3A_263 : i32 to index
        %parallel_loop3A_339 = arith.constant 80 : index
        %parallel_loop3A_340 = tpu.vector_load %arg13[%parallel_loop3A_338, %parallel_loop3A_339] {strides = array<i32>} : memref<40x128xf32, #tpu.memory_space<vmem>>, vector<1x16xf32>,
        %parallel_loop3A_341 = vector.shape_cast %parallel_loop3A_340 : vector<1x16xf32> to vector<16xf32>
        %parallel_loop3A_342 = arith.subf %parallel_loop3A_337, %parallel_loop3A_341 : vector<16xf32>
        %parallel_loop3A_343 = arith.index_cast %parallel_loop3A_263 : i32 to index
        %parallel_loop3A_344 = arith.constant 80 : index
        %parallel_loop3A_345 = tpu.vector_load %arg15[%parallel_loop3A_343, %parallel_loop3A_344] {strides = array<i32>} : memref<40x128xf32, #tpu.memory_space<vmem>>, vector<1x16xf32>,
        %parallel_loop3A_346 = vector.shape_cast %parallel_loop3A_345 : vector<1x16xf32> to vector<16xf32>
        %parallel_loop3A_347 = vector.shape_cast %parallel_loop3A_342 : vector<16xf32> to vector<1x16xf32>
        tpu.vector_store %arg15[%parallel_loop3A_343, %parallel_loop3A_344], %parallel_loop3A_347 {strides = array<i32>} : memref<40x128xf32, #tpu.memory_space<vmem>>, vector<1x16xf32>,
        %parallel_loop3A_348 = arith.index_cast %parallel_loop3A_263 : i32 to index
        %parallel_loop3A_349 = arith.constant 96 : index
        %parallel_loop3A_350 = tpu.vector_load %arg11[%parallel_loop3A_348, %parallel_loop3A_349] {strides = array<i32>} : memref<40x128xf32, #tpu.memory_space<vmem>>, vector<1x16xf32>,
        %parallel_loop3A_351 = vector.shape_cast %parallel_loop3A_350 : vector<1x16xf32> to vector<16xf32>
        %parallel_loop3A_352 = arith.index_cast %parallel_loop3A_263 : i32 to index
        %parallel_loop3A_353 = arith.constant 96 : index
        %parallel_loop3A_354 = tpu.vector_load %arg13[%parallel_loop3A_352, %parallel_loop3A_353] {strides = array<i32>} : memref<40x128xf32, #tpu.memory_space<vmem>>, vector<1x16xf32>,
        %parallel_loop3A_355 = vector.shape_cast %parallel_loop3A_354 : vector<1x16xf32> to vector<16xf32>
        %parallel_loop3A_356 = arith.subf %parallel_loop3A_351, %parallel_loop3A_355 : vector<16xf32>
        %parallel_loop3A_357 = arith.index_cast %parallel_loop3A_263 : i32 to index
        %parallel_loop3A_358 = arith.constant 96 : index
        %parallel_loop3A_359 = tpu.vector_load %arg15[%parallel_loop3A_357, %parallel_loop3A_358] {strides = array<i32>} : memref<40x128xf32, #tpu.memory_space<vmem>>, vector<1x16xf32>,
        %parallel_loop3A_360 = vector.shape_cast %parallel_loop3A_359 : vector<1x16xf32> to vector<16xf32>
        %parallel_loop3A_361 = vector.shape_cast %parallel_loop3A_356 : vector<16xf32> to vector<1x16xf32>
        tpu.vector_store %arg15[%parallel_loop3A_357, %parallel_loop3A_358], %parallel_loop3A_361 {strides = array<i32>} : memref<40x128xf32, #tpu.memory_space<vmem>>, vector<1x16xf32>,
        %parallel_loop3A_362 = arith.index_cast %parallel_loop3A_263 : i32 to index
        %parallel_loop3A_363 = arith.constant 112 : index
        %parallel_loop3A_364 = tpu.vector_load %arg11[%parallel_loop3A_362, %parallel_loop3A_363] {strides = array<i32>} : memref<40x128xf32, #tpu.memory_space<vmem>>, vector<1x16xf32>,
        %parallel_loop3A_365 = vector.shape_cast %parallel_loop3A_364 : vector<1x16xf32> to vector<16xf32>
        %parallel_loop3A_366 = arith.index_cast %parallel_loop3A_263 : i32 to index
        %parallel_loop3A_367 = arith.constant 112 : index
        %parallel_loop3A_368 = tpu.vector_load %arg13[%parallel_loop3A_366, %parallel_loop3A_367] {strides = array<i32>} : memref<40x128xf32, #tpu.memory_space<vmem>>, vector<1x16xf32>,
        %parallel_loop3A_369 = vector.shape_cast %parallel_loop3A_368 : vector<1x16xf32> to vector<16xf32>
        %parallel_loop3A_370 = arith.subf %parallel_loop3A_365, %parallel_loop3A_369 : vector<16xf32>
        %parallel_loop3A_371 = arith.index_cast %parallel_loop3A_263 : i32 to index
        %parallel_loop3A_372 = arith.constant 112 : index
        %parallel_loop3A_373 = tpu.vector_load %arg15[%parallel_loop3A_371, %parallel_loop3A_372] {strides = array<i32>} : memref<40x128xf32, #tpu.memory_space<vmem>>, vector<1x16xf32>,
        %parallel_loop3A_374 = vector.shape_cast %parallel_loop3A_373 : vector<1x16xf32> to vector<16xf32>
        %parallel_loop3A_375 = vector.shape_cast %parallel_loop3A_370 : vector<16xf32> to vector<1x16xf32>
        tpu.vector_store %arg15[%parallel_loop3A_371, %parallel_loop3A_372], %parallel_loop3A_375 {strides = array<i32>} : memref<40x128xf32, #tpu.memory_space<vmem>>, vector<1x16xf32>,
      } {sc.loop_unroll_factor = 8 : i64, sc.parallel_access}
      %lt3A_215 = arith.constant 48 : i32
      %lt3A_216 = arith.cmpi slt, %add3A_196, %lt3A_215 : i32
      %convert_element_type3A_217 = arith.extui %lt3A_216 : i1 to i32
      %cond3A_218 = arith.constant 0 : i32
      %cond3A_219 = arith.cmpi ne, %convert_element_type3A_217, %cond3A_218 : i32
      scf.if %cond3A_219 {
        %add3A_263 = arith.constant 2 : i32
        %add3A_264 = arith.addi %add3A_196, %add3A_263 : i32
        %mul3A_265 = arith.constant 40 : i32
        %mul3A_266 = arith.muli %add3A_264, %mul3A_265 : i32
        %dma_start3A_267 = tpu.memref_slice %arg7[%mul3A_266] : memref<2000xi32, #tpu.memory_space<vmem>> -> memref<40xi32, #tpu.memory_space<vmem>>
        %dma_start3A_268 = arith.constant 0 : i32
        %dma_start3A_269 = arith.constant 0 : i32
        %dma_start3A_270 = tpu.memref_slice %arg6[%dma_start3A_268, %dma_start3A_269] : memref<10000x128xf32, #tpu.memory_space<vmem_shared>> -> memref<10000x128xf32, #tpu.memory_space<vmem_shared>>
        tpu.enqueue_indirect_dma source(%dma_start3A_270 : memref<10000x128xf32, #tpu.memory_space<vmem_shared>>) target(%arg11 : memref<40x128xf32, #tpu.memory_space<vmem>>) offsets(%dma_start3A_267 : memref<40xi32, #tpu.memory_space<vmem>>) semaphore(%arg17 : memref<!tpu.dma_semaphore, #tpu.memory_space<semaphore_mem>>)
        %mul3A_271 = arith.constant 40 : i32
        %mul3A_272 = arith.muli %add3A_264, %mul3A_271 : i32
        %dma_start3A_273 = tpu.memref_slice %arg8[%mul3A_272] : memref<2000xi32, #tpu.memory_space<vmem>> -> memref<40xi32, #tpu.memory_space<vmem>>
        %dma_start3A_274 = arith.constant 0 : i32
        %dma_start3A_275 = arith.constant 0 : i32
        %dma_start3A_276 = tpu.memref_slice %arg6[%dma_start3A_274, %dma_start3A_275] : memref<10000x128xf32, #tpu.memory_space<vmem_shared>> -> memref<10000x128xf32, #tpu.memory_space<vmem_shared>>
        tpu.enqueue_indirect_dma source(%dma_start3A_276 : memref<10000x128xf32, #tpu.memory_space<vmem_shared>>) target(%arg13 : memref<40x128xf32, #tpu.memory_space<vmem>>) offsets(%dma_start3A_273 : memref<40xi32, #tpu.memory_space<vmem>>) semaphore(%arg17 : memref<!tpu.dma_semaphore, #tpu.memory_space<semaphore_mem>>)
      } else {
      }
      %mul3A_220 = arith.constant 40 : i32
      %mul3A_221 = arith.muli %add3A_198, %mul3A_220 : i32
      %add3A_222 = arith.addi %add3A, %mul3A_221 : i32
      %dma_start3A_223 = arith.constant 0 : i32
      %dma_start3A_224 = tpu.memref_slice %arg5[%add3A_222, %dma_start3A_223] : memref<320000x128xf32, #tpu.memory_space<hbm>> -> memref<40x128xf32, #tpu.memory_space<hbm>>
      %dma_start3A_225 = arith.constant 0 : i32
      %dma_start3A_226 = tpu.memref_slice %arg5[%add3A_222, %dma_start3A_225] : memref<320000x128xf32, #tpu.memory_space<hbm>> -> memref<40x128xf32, #tpu.memory_space<hbm>>
      tpu.enqueue_dma source(%arg15 : memref<40x128xf32, #tpu.memory_space<vmem>>) target(%dma_start3A_226 : memref<40x128xf32, #tpu.memory_space<hbm>>) target_semaphore(%arg19 : memref<!tpu.dma_semaphore, #tpu.memory_space<semaphore_mem>>)
      %mul3A_227 = arith.constant 2 : i32
      %mul3A_228 = arith.muli %scan3A_192, %mul3A_227 : i32
      %add3A_229 = arith.constant 1 : i32
      %add3A_230 = arith.addi %mul3A_228, %add3A_229 : i32
      %add3A_231 = arith.constant 0 : i32
      %add3A_232 = arith.addi %add3A_231, %add3A_230 : i32
      %dma_wait3A_233 = arith.constant 0 : i32
      %dma_wait3A_234 = tpu.memref_slice %arg7[%dma_wait3A_233] : memref<2000xi32, #tpu.memory_space<vmem>> -> memref<40xi32, #tpu.memory_space<vmem>>
      %dma_wait3A_235 = arith.constant 0 : i32
      %dma_wait3A_236 = arith.constant 0 : i32
      %dma_wait3A_237 = tpu.memref_slice %arg6[%dma_wait3A_235, %dma_wait3A_236] : memref<10000x128xf32, #tpu.memory_space<vmem_shared>> -> memref<10000x128xf32, #tpu.memory_space<vmem_shared>>
      tpu.wait_indirect_dma semaphore(%arg18 : memref<!tpu.dma_semaphore, #tpu.memory_space<semaphore_mem>>) src(%dma_wait3A_237 : memref<10000x128xf32, #tpu.memory_space<vmem_shared>>) dst(%arg12 : memref<40x128xf32, #tpu.memory_space<vmem>>)
      %dma_wait3A_238 = arith.constant 0 : i32
      %dma_wait3A_239 = tpu.memref_slice %arg8[%dma_wait3A_238] : memref<2000xi32, #tpu.memory_space<vmem>> -> memref<40xi32, #tpu.memory_space<vmem>>
      %dma_wait3A_240 = arith.constant 0 : i32
      %dma_wait3A_241 = arith.constant 0 : i32
      %dma_wait3A_242 = tpu.memref_slice %arg6[%dma_wait3A_240, %dma_wait3A_241] : memref<10000x128xf32, #tpu.memory_space<vmem_shared>> -> memref<10000x128xf32, #tpu.memory_space<vmem_shared>>
      tpu.wait_indirect_dma semaphore(%arg18 : memref<!tpu.dma_semaphore, #tpu.memory_space<semaphore_mem>>) src(%dma_wait3A_242 : memref<10000x128xf32, #tpu.memory_space<vmem_shared>>) dst(%arg14 : memref<40x128xf32, #tpu.memory_space<vmem>>)
      %gt3A_243 = arith.constant 0 : i32
      %gt3A_244 = arith.cmpi sgt, %scan3A_192, %gt3A_243 : i32
      %convert_element_type3A_245 = arith.extui %gt3A_244 : i1 to i32
      %cond3A_246 = arith.constant 0 : i32
      %cond3A_247 = arith.cmpi ne, %convert_element_type3A_245, %cond3A_246 : i32
      scf.if %cond3A_247 {
        %dma_wait3A_263 = arith.constant 0 : i32
        %dma_wait3A_264 = tpu.memref_slice %arg5[%add3A, %dma_wait3A_263] : memref<320000x128xf32, #tpu.memory_space<hbm>> -> memref<40x128xf32, #tpu.memory_space<hbm>>
        %dma_wait3A_265 = arith.constant 0 : i32
        %dma_wait3A_266 = tpu.memref_slice %arg5[%add3A, %dma_wait3A_265] : memref<320000x128xf32, #tpu.memory_space<hbm>> -> memref<40x128xf32, #tpu.memory_space<hbm>>
        tpu.wait_dma2 semaphore(%arg20 : memref<!tpu.dma_semaphore, #tpu.memory_space<semaphore_mem>>) src(%arg16 : memref<40x128xf32, #tpu.memory_space<vmem>>) dst(%dma_wait3A_266 : memref<40x128xf32, #tpu.memory_space<hbm>>)
      } else {
      }
      %parallel_loop3A_248 = arith.constant 0 : i32
      %parallel_loop3A_249 = arith.constant 40 : i32
      %parallel_loop3A_250 = arith.constant 1 : i32
      scf.for %parallel_loop3A_263 = %parallel_loop3A_248 to %parallel_loop3A_249 step %parallel_loop3A_250  : i32 {
        %parallel_loop3A_264 = arith.index_cast %parallel_loop3A_263 : i32 to index
        %parallel_loop3A_265 = arith.constant 0 : index
        %parallel_loop3A_266 = tpu.vector_load %arg12[%parallel_loop3A_264, %parallel_loop3A_265] {strides = array<i32>} : memref<40x128xf32, #tpu.memory_space<vmem>>, vector<1x16xf32>,
        %parallel_loop3A_267 = vector.shape_cast %parallel_loop3A_266 : vector<1x16xf32> to vector<16xf32>
        %parallel_loop3A_268 = arith.index_cast %parallel_loop3A_263 : i32 to index
        %parallel_loop3A_269 = arith.constant 0 : index
        %parallel_loop3A_270 = tpu.vector_load %arg14[%parallel_loop3A_268, %parallel_loop3A_269] {strides = array<i32>} : memref<40x128xf32, #tpu.memory_space<vmem>>, vector<1x16xf32>,
        %parallel_loop3A_271 = vector.shape_cast %parallel_loop3A_270 : vector<1x16xf32> to vector<16xf32>
        %parallel_loop3A_272 = arith.subf %parallel_loop3A_267, %parallel_loop3A_271 : vector<16xf32>
        %parallel_loop3A_273 = arith.index_cast %parallel_loop3A_263 : i32 to index
        %parallel_loop3A_274 = arith.constant 0 : index
        %parallel_loop3A_275 = tpu.vector_load %arg16[%parallel_loop3A_273, %parallel_loop3A_274] {strides = array<i32>} : memref<40x128xf32, #tpu.memory_space<vmem>>, vector<1x16xf32>,
        %parallel_loop3A_276 = vector.shape_cast %parallel_loop3A_275 : vector<1x16xf32> to vector<16xf32>
        %parallel_loop3A_277 = vector.shape_cast %parallel_loop3A_272 : vector<16xf32> to vector<1x16xf32>
        tpu.vector_store %arg16[%parallel_loop3A_273, %parallel_loop3A_274], %parallel_loop3A_277 {strides = array<i32>} : memref<40x128xf32, #tpu.memory_space<vmem>>, vector<1x16xf32>,
        %parallel_loop3A_278 = arith.index_cast %parallel_loop3A_263 : i32 to index
        %parallel_loop3A_279 = arith.constant 16 : index
        %parallel_loop3A_280 = tpu.vector_load %arg12[%parallel_loop3A_278, %parallel_loop3A_279] {strides = array<i32>} : memref<40x128xf32, #tpu.memory_space<vmem>>, vector<1x16xf32>,
        %parallel_loop3A_281 = vector.shape_cast %parallel_loop3A_280 : vector<1x16xf32> to vector<16xf32>
        %parallel_loop3A_282 = arith.index_cast %parallel_loop3A_263 : i32 to index
        %parallel_loop3A_283 = arith.constant 16 : index
        %parallel_loop3A_284 = tpu.vector_load %arg14[%parallel_loop3A_282, %parallel_loop3A_283] {strides = array<i32>} : memref<40x128xf32, #tpu.memory_space<vmem>>, vector<1x16xf32>,
        %parallel_loop3A_285 = vector.shape_cast %parallel_loop3A_284 : vector<1x16xf32> to vector<16xf32>
        %parallel_loop3A_286 = arith.subf %parallel_loop3A_281, %parallel_loop3A_285 : vector<16xf32>
        %parallel_loop3A_287 = arith.index_cast %parallel_loop3A_263 : i32 to index
        %parallel_loop3A_288 = arith.constant 16 : index
        %parallel_loop3A_289 = tpu.vector_load %arg16[%parallel_loop3A_287, %parallel_loop3A_288] {strides = array<i32>} : memref<40x128xf32, #tpu.memory_space<vmem>>, vector<1x16xf32>,
        %parallel_loop3A_290 = vector.shape_cast %parallel_loop3A_289 : vector<1x16xf32> to vector<16xf32>
        %parallel_loop3A_291 = vector.shape_cast %parallel_loop3A_286 : vector<16xf32> to vector<1x16xf32>
        tpu.vector_store %arg16[%parallel_loop3A_287, %parallel_loop3A_288], %parallel_loop3A_291 {strides = array<i32>} : memref<40x128xf32, #tpu.memory_space<vmem>>, vector<1x16xf32>,
        %parallel_loop3A_292 = arith.index_cast %parallel_loop3A_263 : i32 to index
        %parallel_loop3A_293 = arith.constant 32 : index
        %parallel_loop3A_294 = tpu.vector_load %arg12[%parallel_loop3A_292, %parallel_loop3A_293] {strides = array<i32>} : memref<40x128xf32, #tpu.memory_space<vmem>>, vector<1x16xf32>,
        %parallel_loop3A_295 = vector.shape_cast %parallel_loop3A_294 : vector<1x16xf32> to vector<16xf32>
        %parallel_loop3A_296 = arith.index_cast %parallel_loop3A_263 : i32 to index
        %parallel_loop3A_297 = arith.constant 32 : index
        %parallel_loop3A_298 = tpu.vector_load %arg14[%parallel_loop3A_296, %parallel_loop3A_297] {strides = array<i32>} : memref<40x128xf32, #tpu.memory_space<vmem>>, vector<1x16xf32>,
        %parallel_loop3A_299 = vector.shape_cast %parallel_loop3A_298 : vector<1x16xf32> to vector<16xf32>
        %parallel_loop3A_300 = arith.subf %parallel_loop3A_295, %parallel_loop3A_299 : vector<16xf32>
        %parallel_loop3A_301 = arith.index_cast %parallel_loop3A_263 : i32 to index
        %parallel_loop3A_302 = arith.constant 32 : index
        %parallel_loop3A_303 = tpu.vector_load %arg16[%parallel_loop3A_301, %parallel_loop3A_302] {strides = array<i32>} : memref<40x128xf32, #tpu.memory_space<vmem>>, vector<1x16xf32>,
        %parallel_loop3A_304 = vector.shape_cast %parallel_loop3A_303 : vector<1x16xf32> to vector<16xf32>
        %parallel_loop3A_305 = vector.shape_cast %parallel_loop3A_300 : vector<16xf32> to vector<1x16xf32>
        tpu.vector_store %arg16[%parallel_loop3A_301, %parallel_loop3A_302], %parallel_loop3A_305 {strides = array<i32>} : memref<40x128xf32, #tpu.memory_space<vmem>>, vector<1x16xf32>,
        %parallel_loop3A_306 = arith.index_cast %parallel_loop3A_263 : i32 to index
        %parallel_loop3A_307 = arith.constant 48 : index
        %parallel_loop3A_308 = tpu.vector_load %arg12[%parallel_loop3A_306, %parallel_loop3A_307] {strides = array<i32>} : memref<40x128xf32, #tpu.memory_space<vmem>>, vector<1x16xf32>,
        %parallel_loop3A_309 = vector.shape_cast %parallel_loop3A_308 : vector<1x16xf32> to vector<16xf32>
        %parallel_loop3A_310 = arith.index_cast %parallel_loop3A_263 : i32 to index
        %parallel_loop3A_311 = arith.constant 48 : index
        %parallel_loop3A_312 = tpu.vector_load %arg14[%parallel_loop3A_310, %parallel_loop3A_311] {strides = array<i32>} : memref<40x128xf32, #tpu.memory_space<vmem>>, vector<1x16xf32>,
        %parallel_loop3A_313 = vector.shape_cast %parallel_loop3A_312 : vector<1x16xf32> to vector<16xf32>
        %parallel_loop3A_314 = arith.subf %parallel_loop3A_309, %parallel_loop3A_313 : vector<16xf32>
        %parallel_loop3A_315 = arith.index_cast %parallel_loop3A_263 : i32 to index
        %parallel_loop3A_316 = arith.constant 48 : index
        %parallel_loop3A_317 = tpu.vector_load %arg16[%parallel_loop3A_315, %parallel_loop3A_316] {strides = array<i32>} : memref<40x128xf32, #tpu.memory_space<vmem>>, vector<1x16xf32>,
        %parallel_loop3A_318 = vector.shape_cast %parallel_loop3A_317 : vector<1x16xf32> to vector<16xf32>
        %parallel_loop3A_319 = vector.shape_cast %parallel_loop3A_314 : vector<16xf32> to vector<1x16xf32>
        tpu.vector_store %arg16[%parallel_loop3A_315, %parallel_loop3A_316], %parallel_loop3A_319 {strides = array<i32>} : memref<40x128xf32, #tpu.memory_space<vmem>>, vector<1x16xf32>,
        %parallel_loop3A_320 = arith.index_cast %parallel_loop3A_263 : i32 to index
        %parallel_loop3A_321 = arith.constant 64 : index
        %parallel_loop3A_322 = tpu.vector_load %arg12[%parallel_loop3A_320, %parallel_loop3A_321] {strides = array<i32>} : memref<40x128xf32, #tpu.memory_space<vmem>>, vector<1x16xf32>,
        %parallel_loop3A_323 = vector.shape_cast %parallel_loop3A_322 : vector<1x16xf32> to vector<16xf32>
        %parallel_loop3A_324 = arith.index_cast %parallel_loop3A_263 : i32 to index
        %parallel_loop3A_325 = arith.constant 64 : index
        %parallel_loop3A_326 = tpu.vector_load %arg14[%parallel_loop3A_324, %parallel_loop3A_325] {strides = array<i32>} : memref<40x128xf32, #tpu.memory_space<vmem>>, vector<1x16xf32>,
        %parallel_loop3A_327 = vector.shape_cast %parallel_loop3A_326 : vector<1x16xf32> to vector<16xf32>
        %parallel_loop3A_328 = arith.subf %parallel_loop3A_323, %parallel_loop3A_327 : vector<16xf32>
        %parallel_loop3A_329 = arith.index_cast %parallel_loop3A_263 : i32 to index
        %parallel_loop3A_330 = arith.constant 64 : index
        %parallel_loop3A_331 = tpu.vector_load %arg16[%parallel_loop3A_329, %parallel_loop3A_330] {strides = array<i32>} : memref<40x128xf32, #tpu.memory_space<vmem>>, vector<1x16xf32>,
        %parallel_loop3A_332 = vector.shape_cast %parallel_loop3A_331 : vector<1x16xf32> to vector<16xf32>
        %parallel_loop3A_333 = vector.shape_cast %parallel_loop3A_328 : vector<16xf32> to vector<1x16xf32>
        tpu.vector_store %arg16[%parallel_loop3A_329, %parallel_loop3A_330], %parallel_loop3A_333 {strides = array<i32>} : memref<40x128xf32, #tpu.memory_space<vmem>>, vector<1x16xf32>,
        %parallel_loop3A_334 = arith.index_cast %parallel_loop3A_263 : i32 to index
        %parallel_loop3A_335 = arith.constant 80 : index
        %parallel_loop3A_336 = tpu.vector_load %arg12[%parallel_loop3A_334, %parallel_loop3A_335] {strides = array<i32>} : memref<40x128xf32, #tpu.memory_space<vmem>>, vector<1x16xf32>,
        %parallel_loop3A_337 = vector.shape_cast %parallel_loop3A_336 : vector<1x16xf32> to vector<16xf32>
        %parallel_loop3A_338 = arith.index_cast %parallel_loop3A_263 : i32 to index
        %parallel_loop3A_339 = arith.constant 80 : index
        %parallel_loop3A_340 = tpu.vector_load %arg14[%parallel_loop3A_338, %parallel_loop3A_339] {strides = array<i32>} : memref<40x128xf32, #tpu.memory_space<vmem>>, vector<1x16xf32>,
        %parallel_loop3A_341 = vector.shape_cast %parallel_loop3A_340 : vector<1x16xf32> to vector<16xf32>
        %parallel_loop3A_342 = arith.subf %parallel_loop3A_337, %parallel_loop3A_341 : vector<16xf32>
        %parallel_loop3A_343 = arith.index_cast %parallel_loop3A_263 : i32 to index
        %parallel_loop3A_344 = arith.constant 80 : index
        %parallel_loop3A_345 = tpu.vector_load %arg16[%parallel_loop3A_343, %parallel_loop3A_344] {strides = array<i32>} : memref<40x128xf32, #tpu.memory_space<vmem>>, vector<1x16xf32>,
        %parallel_loop3A_346 = vector.shape_cast %parallel_loop3A_345 : vector<1x16xf32> to vector<16xf32>
        %parallel_loop3A_347 = vector.shape_cast %parallel_loop3A_342 : vector<16xf32> to vector<1x16xf32>
        tpu.vector_store %arg16[%parallel_loop3A_343, %parallel_loop3A_344], %parallel_loop3A_347 {strides = array<i32>} : memref<40x128xf32, #tpu.memory_space<vmem>>, vector<1x16xf32>,
        %parallel_loop3A_348 = arith.index_cast %parallel_loop3A_263 : i32 to index
        %parallel_loop3A_349 = arith.constant 96 : index
        %parallel_loop3A_350 = tpu.vector_load %arg12[%parallel_loop3A_348, %parallel_loop3A_349] {strides = array<i32>} : memref<40x128xf32, #tpu.memory_space<vmem>>, vector<1x16xf32>,
        %parallel_loop3A_351 = vector.shape_cast %parallel_loop3A_350 : vector<1x16xf32> to vector<16xf32>
        %parallel_loop3A_352 = arith.index_cast %parallel_loop3A_263 : i32 to index
        %parallel_loop3A_353 = arith.constant 96 : index
        %parallel_loop3A_354 = tpu.vector_load %arg14[%parallel_loop3A_352, %parallel_loop3A_353] {strides = array<i32>} : memref<40x128xf32, #tpu.memory_space<vmem>>, vector<1x16xf32>,
        %parallel_loop3A_355 = vector.shape_cast %parallel_loop3A_354 : vector<1x16xf32> to vector<16xf32>
        %parallel_loop3A_356 = arith.subf %parallel_loop3A_351, %parallel_loop3A_355 : vector<16xf32>
        %parallel_loop3A_357 = arith.index_cast %parallel_loop3A_263 : i32 to index
        %parallel_loop3A_358 = arith.constant 96 : index
        %parallel_loop3A_359 = tpu.vector_load %arg16[%parallel_loop3A_357, %parallel_loop3A_358] {strides = array<i32>} : memref<40x128xf32, #tpu.memory_space<vmem>>, vector<1x16xf32>,
        %parallel_loop3A_360 = vector.shape_cast %parallel_loop3A_359 : vector<1x16xf32> to vector<16xf32>
        %parallel_loop3A_361 = vector.shape_cast %parallel_loop3A_356 : vector<16xf32> to vector<1x16xf32>
        tpu.vector_store %arg16[%parallel_loop3A_357, %parallel_loop3A_358], %parallel_loop3A_361 {strides = array<i32>} : memref<40x128xf32, #tpu.memory_space<vmem>>, vector<1x16xf32>,
        %parallel_loop3A_362 = arith.index_cast %parallel_loop3A_263 : i32 to index
        %parallel_loop3A_363 = arith.constant 112 : index
        %parallel_loop3A_364 = tpu.vector_load %arg12[%parallel_loop3A_362, %parallel_loop3A_363] {strides = array<i32>} : memref<40x128xf32, #tpu.memory_space<vmem>>, vector<1x16xf32>,
        %parallel_loop3A_365 = vector.shape_cast %parallel_loop3A_364 : vector<1x16xf32> to vector<16xf32>
        %parallel_loop3A_366 = arith.index_cast %parallel_loop3A_263 : i32 to index
        %parallel_loop3A_367 = arith.constant 112 : index
        %parallel_loop3A_368 = tpu.vector_load %arg14[%parallel_loop3A_366, %parallel_loop3A_367] {strides = array<i32>} : memref<40x128xf32, #tpu.memory_space<vmem>>, vector<1x16xf32>,
        %parallel_loop3A_369 = vector.shape_cast %parallel_loop3A_368 : vector<1x16xf32> to vector<16xf32>
        %parallel_loop3A_370 = arith.subf %parallel_loop3A_365, %parallel_loop3A_369 : vector<16xf32>
        %parallel_loop3A_371 = arith.index_cast %parallel_loop3A_263 : i32 to index
        %parallel_loop3A_372 = arith.constant 112 : index
        %parallel_loop3A_373 = tpu.vector_load %arg16[%parallel_loop3A_371, %parallel_loop3A_372] {strides = array<i32>} : memref<40x128xf32, #tpu.memory_space<vmem>>, vector<1x16xf32>,
        %parallel_loop3A_374 = vector.shape_cast %parallel_loop3A_373 : vector<1x16xf32> to vector<16xf32>
        %parallel_loop3A_375 = vector.shape_cast %parallel_loop3A_370 : vector<16xf32> to vector<1x16xf32>
        tpu.vector_store %arg16[%parallel_loop3A_371, %parallel_loop3A_372], %parallel_loop3A_375 {strides = array<i32>} : memref<40x128xf32, #tpu.memory_space<vmem>>, vector<1x16xf32>,
      } {sc.loop_unroll_factor = 8 : i64, sc.parallel_access}
      %lt3A_251 = arith.constant 48 : i32
      %lt3A_252 = arith.cmpi slt, %add3A_230, %lt3A_251 : i32
      %convert_element_type3A_253 = arith.extui %lt3A_252 : i1 to i32
      %cond3A_254 = arith.constant 0 : i32
      %cond3A_255 = arith.cmpi ne, %convert_element_type3A_253, %cond3A_254 : i32
      scf.if %cond3A_255 {
        %add3A_263 = arith.constant 2 : i32
        %add3A_264 = arith.addi %add3A_230, %add3A_263 : i32
        %mul3A_265 = arith.constant 40 : i32
        %mul3A_266 = arith.muli %add3A_264, %mul3A_265 : i32
        %dma_start3A_267 = tpu.memref_slice %arg7[%mul3A_266] : memref<2000xi32, #tpu.memory_space<vmem>> -> memref<40xi32, #tpu.memory_space<vmem>>
        %dma_start3A_268 = arith.constant 0 : i32
        %dma_start3A_269 = arith.constant 0 : i32
        %dma_start3A_270 = tpu.memref_slice %arg6[%dma_start3A_268, %dma_start3A_269] : memref<10000x128xf32, #tpu.memory_space<vmem_shared>> -> memref<10000x128xf32, #tpu.memory_space<vmem_shared>>
        tpu.enqueue_indirect_dma source(%dma_start3A_270 : memref<10000x128xf32, #tpu.memory_space<vmem_shared>>) target(%arg12 : memref<40x128xf32, #tpu.memory_space<vmem>>) offsets(%dma_start3A_267 : memref<40xi32, #tpu.memory_space<vmem>>) semaphore(%arg18 : memref<!tpu.dma_semaphore, #tpu.memory_space<semaphore_mem>>)
        %mul3A_271 = arith.constant 40 : i32
        %mul3A_272 = arith.muli %add3A_264, %mul3A_271 : i32
        %dma_start3A_273 = tpu.memref_slice %arg8[%mul3A_272] : memref<2000xi32, #tpu.memory_space<vmem>> -> memref<40xi32, #tpu.memory_space<vmem>>
        %dma_start3A_274 = arith.constant 0 : i32
        %dma_start3A_275 = arith.constant 0 : i32
        %dma_start3A_276 = tpu.memref_slice %arg6[%dma_start3A_274, %dma_start3A_275] : memref<10000x128xf32, #tpu.memory_space<vmem_shared>> -> memref<10000x128xf32, #tpu.memory_space<vmem_shared>>
        tpu.enqueue_indirect_dma source(%dma_start3A_276 : memref<10000x128xf32, #tpu.memory_space<vmem_shared>>) target(%arg14 : memref<40x128xf32, #tpu.memory_space<vmem>>) offsets(%dma_start3A_273 : memref<40xi32, #tpu.memory_space<vmem>>) semaphore(%arg18 : memref<!tpu.dma_semaphore, #tpu.memory_space<semaphore_mem>>)
      } else {
      }
      %mul3A_256 = arith.constant 40 : i32
      %mul3A_257 = arith.muli %add3A_232, %mul3A_256 : i32
      %add3A_258 = arith.addi %add3A, %mul3A_257 : i32
      %dma_start3A_259 = arith.constant 0 : i32
      %dma_start3A_260 = tpu.memref_slice %arg5[%add3A_258, %dma_start3A_259] : memref<320000x128xf32, #tpu.memory_space<hbm>> -> memref<40x128xf32, #tpu.memory_space<hbm>>
      %dma_start3A_261 = arith.constant 0 : i32
      %dma_start3A_262 = tpu.memref_slice %arg5[%add3A_258, %dma_start3A_261] : memref<320000x128xf32, #tpu.memory_space<hbm>> -> memref<40x128xf32, #tpu.memory_space<hbm>>
      tpu.enqueue_dma source(%arg16 : memref<40x128xf32, #tpu.memory_space<vmem>>) target(%dma_start3A_262 : memref<40x128xf32, #tpu.memory_space<hbm>>) target_semaphore(%arg20 : memref<!tpu.dma_semaphore, #tpu.memory_space<semaphore_mem>>)
    }
    %scan3A_40 = arith.constant 25 : i32
    %dma_wait3A = tpu.memref_slice %arg3[%mul3A_2] : memref<160000xi32, #tpu.memory_space<hbm>> -> memref<2000xi32, #tpu.memory_space<hbm>>
    %dma_wait3A_41 = tpu.memref_slice %arg3[%mul3A_2] : memref<160000xi32, #tpu.memory_space<hbm>> -> memref<2000xi32, #tpu.memory_space<hbm>>
    tpu.wait_dma2 semaphore(%arg21 : memref<!tpu.dma_semaphore, #tpu.memory_space<semaphore_mem>>) src(%dma_wait3A_41 : memref<2000xi32, #tpu.memory_space<hbm>>) dst(%arg9 : memref<2000xi32, #tpu.memory_space<vmem>>)
    %dma_wait3A_42 = tpu.memref_slice %arg4[%mul3A_2] : memref<160000xi32, #tpu.memory_space<hbm>> -> memref<2000xi32, #tpu.memory_space<hbm>>
    %dma_wait3A_43 = tpu.memref_slice %arg4[%mul3A_2] : memref<160000xi32, #tpu.memory_space<hbm>> -> memref<2000xi32, #tpu.memory_space<hbm>>
    tpu.wait_dma2 semaphore(%arg21 : memref<!tpu.dma_semaphore, #tpu.memory_space<semaphore_mem>>) src(%dma_wait3A_43 : memref<2000xi32, #tpu.memory_space<hbm>>) dst(%arg10 : memref<2000xi32, #tpu.memory_space<vmem>>)
    %dma_start3A_44 = arith.constant 0 : i32
    %dma_start3A_45 = tpu.memref_slice %arg9[%dma_start3A_44] : memref<2000xi32, #tpu.memory_space<vmem>> -> memref<40xi32, #tpu.memory_space<vmem>>
    %dma_start3A_46 = arith.constant 0 : i32
    %dma_start3A_47 = arith.constant 0 : i32
    %dma_start3A_48 = tpu.memref_slice %arg6[%dma_start3A_46, %dma_start3A_47] : memref<10000x128xf32, #tpu.memory_space<vmem_shared>> -> memref<10000x128xf32, #tpu.memory_space<vmem_shared>>
    tpu.enqueue_indirect_dma source(%dma_start3A_48 : memref<10000x128xf32, #tpu.memory_space<vmem_shared>>) target(%arg11 : memref<40x128xf32, #tpu.memory_space<vmem>>) offsets(%dma_start3A_45 : memref<40xi32, #tpu.memory_space<vmem>>) semaphore(%arg17 : memref<!tpu.dma_semaphore, #tpu.memory_space<semaphore_mem>>)
    %dma_start3A_49 = arith.constant 0 : i32
    %dma_start3A_50 = tpu.memref_slice %arg10[%dma_start3A_49] : memref<2000xi32, #tpu.memory_space<vmem>> -> memref<40xi32, #tpu.memory_space<vmem>>
    %dma_start3A_51 = arith.constant 0 : i32
    %dma_start3A_52 = arith.constant 0 : i32
    %dma_start3A_53 = tpu.memref_slice %arg6[%dma_start3A_51, %dma_start3A_52] : memref<10000x128xf32, #tpu.memory_space<vmem_shared>> -> memref<10000x128xf32, #tpu.memory_space<vmem_shared>>
    tpu.enqueue_indirect_dma source(%dma_start3A_53 : memref<10000x128xf32, #tpu.memory_space<vmem_shared>>) target(%arg13 : memref<40x128xf32, #tpu.memory_space<vmem>>) offsets(%dma_start3A_50 : memref<40xi32, #tpu.memory_space<vmem>>) semaphore(%arg17 : memref<!tpu.dma_semaphore, #tpu.memory_space<semaphore_mem>>)
    %dma_start3A_54 = arith.constant 40 : i32
    %dma_start3A_55 = tpu.memref_slice %arg9[%dma_start3A_54] : memref<2000xi32, #tpu.memory_space<vmem>> -> memref<40xi32, #tpu.memory_space<vmem>>
    %dma_start3A_56 = arith.constant 0 : i32
    %dma_start3A_57 = arith.constant 0 : i32
    %dma_start3A_58 = tpu.memref_slice %arg6[%dma_start3A_56, %dma_start3A_57] : memref<10000x128xf32, #tpu.memory_space<vmem_shared>> -> memref<10000x128xf32, #tpu.memory_space<vmem_shared>>
    tpu.enqueue_indirect_dma source(%dma_start3A_58 : memref<10000x128xf32, #tpu.memory_space<vmem_shared>>) target(%arg12 : memref<40x128xf32, #tpu.memory_space<vmem>>) offsets(%dma_start3A_55 : memref<40xi32, #tpu.memory_space<vmem>>) semaphore(%arg18 : memref<!tpu.dma_semaphore, #tpu.memory_space<semaphore_mem>>)
    %dma_start3A_59 = arith.constant 40 : i32
    %dma_start3A_60 = tpu.memref_slice %arg10[%dma_start3A_59] : memref<2000xi32, #tpu.memory_space<vmem>> -> memref<40xi32, #tpu.memory_space<vmem>>
    %dma_start3A_61 = arith.constant 0 : i32
    %dma_start3A_62 = arith.constant 0 : i32
    %dma_start3A_63 = tpu.memref_slice %arg6[%dma_start3A_61, %dma_start3A_62] : memref<10000x128xf32, #tpu.memory_space<vmem_shared>> -> memref<10000x128xf32, #tpu.memory_space<vmem_shared>>
    tpu.enqueue_indirect_dma source(%dma_start3A_63 : memref<10000x128xf32, #tpu.memory_space<vmem_shared>>) target(%arg14 : memref<40x128xf32, #tpu.memory_space<vmem>>) offsets(%dma_start3A_60 : memref<40xi32, #tpu.memory_space<vmem>>) semaphore(%arg18 : memref<!tpu.dma_semaphore, #tpu.memory_space<semaphore_mem>>)
    %add3A_64 = arith.constant 4000 : i32
    %add3A_65 = arith.addi %mul3A_2, %add3A_64 : i32
    %dma_start3A_66 = tpu.memref_slice %arg3[%add3A_65] : memref<160000xi32, #tpu.memory_space<hbm>> -> memref<2000xi32, #tpu.memory_space<hbm>>
    %dma_start3A_67 = tpu.memref_slice %arg3[%add3A_65] : memref<160000xi32, #tpu.memory_space<hbm>> -> memref<2000xi32, #tpu.memory_space<hbm>>
    tpu.enqueue_dma source(%dma_start3A_67 : memref<2000xi32, #tpu.memory_space<hbm>>) target(%arg7 : memref<2000xi32, #tpu.memory_space<vmem>>) target_semaphore(%arg21 : memref<!tpu.dma_semaphore, #tpu.memory_space<semaphore_mem>>)
    %add3A_68 = arith.constant 4000 : i32
    %add3A_69 = arith.addi %mul3A_2, %add3A_68 : i32
    %dma_start3A_70 = tpu.memref_slice %arg4[%add3A_69] : memref<160000xi32, #tpu.memory_space<hbm>> -> memref<2000xi32, #tpu.memory_space<hbm>>
    %dma_start3A_71 = tpu.memref_slice %arg4[%add3A_69] : memref<160000xi32, #tpu.memory_space<hbm>> -> memref<2000xi32, #tpu.memory_space<hbm>>
    tpu.enqueue_dma source(%dma_start3A_71 : memref<2000xi32, #tpu.memory_space<hbm>>) target(%arg8 : memref<2000xi32, #tpu.memory_space<vmem>>) target_semaphore(%arg21 : memref<!tpu.dma_semaphore, #tpu.memory_space<semaphore_mem>>)
    %scan3A_72 = arith.constant 0 : i32
    %scan3A_73 = arith.constant 0 : i32
    %scan3A_74 = arith.constant 25 : i32
    %scan3A_75 = arith.addi %scan3A_73, %scan3A_74 : i32
    %scan3A_76 = arith.constant 1 : i32
    scf.for %scan3A_192 = %scan3A_73 to %scan3A_75 step %scan3A_76  : i32 {
      %mul3A_193 = arith.constant 2 : i32
      %mul3A_194 = arith.muli %scan3A_192, %mul3A_193 : i32
      %add3A_195 = arith.constant 0 : i32
      %add3A_196 = arith.addi %mul3A_194, %add3A_195 : i32
      %add3A_197 = arith.constant 50 : i32
      %add3A_198 = arith.addi %add3A_197, %add3A_196 : i32
      %dma_wait3A_199 = arith.constant 0 : i32
      %dma_wait3A_200 = tpu.memref_slice %arg9[%dma_wait3A_199] : memref<2000xi32, #tpu.memory_space<vmem>> -> memref<40xi32, #tpu.memory_space<vmem>>
      %dma_wait3A_201 = arith.constant 0 : i32
      %dma_wait3A_202 = arith.constant 0 : i32
      %dma_wait3A_203 = tpu.memref_slice %arg6[%dma_wait3A_201, %dma_wait3A_202] : memref<10000x128xf32, #tpu.memory_space<vmem_shared>> -> memref<10000x128xf32, #tpu.memory_space<vmem_shared>>
      tpu.wait_indirect_dma semaphore(%arg17 : memref<!tpu.dma_semaphore, #tpu.memory_space<semaphore_mem>>) src(%dma_wait3A_203 : memref<10000x128xf32, #tpu.memory_space<vmem_shared>>) dst(%arg11 : memref<40x128xf32, #tpu.memory_space<vmem>>)
      %dma_wait3A_204 = arith.constant 0 : i32
      %dma_wait3A_205 = tpu.memref_slice %arg10[%dma_wait3A_204] : memref<2000xi32, #tpu.memory_space<vmem>> -> memref<40xi32, #tpu.memory_space<vmem>>
      %dma_wait3A_206 = arith.constant 0 : i32
      %dma_wait3A_207 = arith.constant 0 : i32
      %dma_wait3A_208 = tpu.memref_slice %arg6[%dma_wait3A_206, %dma_wait3A_207] : memref<10000x128xf32, #tpu.memory_space<vmem_shared>> -> memref<10000x128xf32, #tpu.memory_space<vmem_shared>>
      tpu.wait_indirect_dma semaphore(%arg17 : memref<!tpu.dma_semaphore, #tpu.memory_space<semaphore_mem>>) src(%dma_wait3A_208 : memref<10000x128xf32, #tpu.memory_space<vmem_shared>>) dst(%arg13 : memref<40x128xf32, #tpu.memory_space<vmem>>)
      %dma_wait3A_209 = arith.constant 0 : i32
      %dma_wait3A_210 = tpu.memref_slice %arg5[%add3A, %dma_wait3A_209] : memref<320000x128xf32, #tpu.memory_space<hbm>> -> memref<40x128xf32, #tpu.memory_space<hbm>>
      %dma_wait3A_211 = arith.constant 0 : i32
      %dma_wait3A_212 = tpu.memref_slice %arg5[%add3A, %dma_wait3A_211] : memref<320000x128xf32, #tpu.memory_space<hbm>> -> memref<40x128xf32, #tpu.memory_space<hbm>>
      tpu.wait_dma2 semaphore(%arg19 : memref<!tpu.dma_semaphore, #tpu.memory_space<semaphore_mem>>) src(%arg15 : memref<40x128xf32, #tpu.memory_space<vmem>>) dst(%dma_wait3A_212 : memref<40x128xf32, #tpu.memory_space<hbm>>)
      %parallel_loop3A = arith.constant 0 : i32
      %parallel_loop3A_213 = arith.constant 40 : i32
      %parallel_loop3A_214 = arith.constant 1 : i32
      scf.for %parallel_loop3A_262 = %parallel_loop3A to %parallel_loop3A_213 step %parallel_loop3A_214  : i32 {
        %parallel_loop3A_263 = arith.index_cast %parallel_loop3A_262 : i32 to index
        %parallel_loop3A_264 = arith.constant 0 : index
        %parallel_loop3A_265 = tpu.vector_load %arg11[%parallel_loop3A_263, %parallel_loop3A_264] {strides = array<i32>} : memref<40x128xf32, #tpu.memory_space<vmem>>, vector<1x16xf32>,
        %parallel_loop3A_266 = vector.shape_cast %parallel_loop3A_265 : vector<1x16xf32> to vector<16xf32>
        %parallel_loop3A_267 = arith.index_cast %parallel_loop3A_262 : i32 to index
        %parallel_loop3A_268 = arith.constant 0 : index
        %parallel_loop3A_269 = tpu.vector_load %arg13[%parallel_loop3A_267, %parallel_loop3A_268] {strides = array<i32>} : memref<40x128xf32, #tpu.memory_space<vmem>>, vector<1x16xf32>,
        %parallel_loop3A_270 = vector.shape_cast %parallel_loop3A_269 : vector<1x16xf32> to vector<16xf32>
        %parallel_loop3A_271 = arith.subf %parallel_loop3A_266, %parallel_loop3A_270 : vector<16xf32>
        %parallel_loop3A_272 = arith.index_cast %parallel_loop3A_262 : i32 to index
        %parallel_loop3A_273 = arith.constant 0 : index
        %parallel_loop3A_274 = tpu.vector_load %arg15[%parallel_loop3A_272, %parallel_loop3A_273] {strides = array<i32>} : memref<40x128xf32, #tpu.memory_space<vmem>>, vector<1x16xf32>,
        %parallel_loop3A_275 = vector.shape_cast %parallel_loop3A_274 : vector<1x16xf32> to vector<16xf32>
        %parallel_loop3A_276 = vector.shape_cast %parallel_loop3A_271 : vector<16xf32> to vector<1x16xf32>
        tpu.vector_store %arg15[%parallel_loop3A_272, %parallel_loop3A_273], %parallel_loop3A_276 {strides = array<i32>} : memref<40x128xf32, #tpu.memory_space<vmem>>, vector<1x16xf32>,
        %parallel_loop3A_277 = arith.index_cast %parallel_loop3A_262 : i32 to index
        %parallel_loop3A_278 = arith.constant 16 : index
        %parallel_loop3A_279 = tpu.vector_load %arg11[%parallel_loop3A_277, %parallel_loop3A_278] {strides = array<i32>} : memref<40x128xf32, #tpu.memory_space<vmem>>, vector<1x16xf32>,
        %parallel_loop3A_280 = vector.shape_cast %parallel_loop3A_279 : vector<1x16xf32> to vector<16xf32>
        %parallel_loop3A_281 = arith.index_cast %parallel_loop3A_262 : i32 to index
        %parallel_loop3A_282 = arith.constant 16 : index
        %parallel_loop3A_283 = tpu.vector_load %arg13[%parallel_loop3A_281, %parallel_loop3A_282] {strides = array<i32>} : memref<40x128xf32, #tpu.memory_space<vmem>>, vector<1x16xf32>,
        %parallel_loop3A_284 = vector.shape_cast %parallel_loop3A_283 : vector<1x16xf32> to vector<16xf32>
        %parallel_loop3A_285 = arith.subf %parallel_loop3A_280, %parallel_loop3A_284 : vector<16xf32>
        %parallel_loop3A_286 = arith.index_cast %parallel_loop3A_262 : i32 to index
        %parallel_loop3A_287 = arith.constant 16 : index
        %parallel_loop3A_288 = tpu.vector_load %arg15[%parallel_loop3A_286, %parallel_loop3A_287] {strides = array<i32>} : memref<40x128xf32, #tpu.memory_space<vmem>>, vector<1x16xf32>,
        %parallel_loop3A_289 = vector.shape_cast %parallel_loop3A_288 : vector<1x16xf32> to vector<16xf32>
        %parallel_loop3A_290 = vector.shape_cast %parallel_loop3A_285 : vector<16xf32> to vector<1x16xf32>
        tpu.vector_store %arg15[%parallel_loop3A_286, %parallel_loop3A_287], %parallel_loop3A_290 {strides = array<i32>} : memref<40x128xf32, #tpu.memory_space<vmem>>, vector<1x16xf32>,
        %parallel_loop3A_291 = arith.index_cast %parallel_loop3A_262 : i32 to index
        %parallel_loop3A_292 = arith.constant 32 : index
        %parallel_loop3A_293 = tpu.vector_load %arg11[%parallel_loop3A_291, %parallel_loop3A_292] {strides = array<i32>} : memref<40x128xf32, #tpu.memory_space<vmem>>, vector<1x16xf32>,
        %parallel_loop3A_294 = vector.shape_cast %parallel_loop3A_293 : vector<1x16xf32> to vector<16xf32>
        %parallel_loop3A_295 = arith.index_cast %parallel_loop3A_262 : i32 to index
        %parallel_loop3A_296 = arith.constant 32 : index
        %parallel_loop3A_297 = tpu.vector_load %arg13[%parallel_loop3A_295, %parallel_loop3A_296] {strides = array<i32>} : memref<40x128xf32, #tpu.memory_space<vmem>>, vector<1x16xf32>,
        %parallel_loop3A_298 = vector.shape_cast %parallel_loop3A_297 : vector<1x16xf32> to vector<16xf32>
        %parallel_loop3A_299 = arith.subf %parallel_loop3A_294, %parallel_loop3A_298 : vector<16xf32>
        %parallel_loop3A_300 = arith.index_cast %parallel_loop3A_262 : i32 to index
        %parallel_loop3A_301 = arith.constant 32 : index
        %parallel_loop3A_302 = tpu.vector_load %arg15[%parallel_loop3A_300, %parallel_loop3A_301] {strides = array<i32>} : memref<40x128xf32, #tpu.memory_space<vmem>>, vector<1x16xf32>,
        %parallel_loop3A_303 = vector.shape_cast %parallel_loop3A_302 : vector<1x16xf32> to vector<16xf32>
        %parallel_loop3A_304 = vector.shape_cast %parallel_loop3A_299 : vector<16xf32> to vector<1x16xf32>
        tpu.vector_store %arg15[%parallel_loop3A_300, %parallel_loop3A_301], %parallel_loop3A_304 {strides = array<i32>} : memref<40x128xf32, #tpu.memory_space<vmem>>, vector<1x16xf32>,
        %parallel_loop3A_305 = arith.index_cast %parallel_loop3A_262 : i32 to index
        %parallel_loop3A_306 = arith.constant 48 : index
        %parallel_loop3A_307 = tpu.vector_load %arg11[%parallel_loop3A_305, %parallel_loop3A_306] {strides = array<i32>} : memref<40x128xf32, #tpu.memory_space<vmem>>, vector<1x16xf32>,
        %parallel_loop3A_308 = vector.shape_cast %parallel_loop3A_307 : vector<1x16xf32> to vector<16xf32>
        %parallel_loop3A_309 = arith.index_cast %parallel_loop3A_262 : i32 to index
        %parallel_loop3A_310 = arith.constant 48 : index
        %parallel_loop3A_311 = tpu.vector_load %arg13[%parallel_loop3A_309, %parallel_loop3A_310] {strides = array<i32>} : memref<40x128xf32, #tpu.memory_space<vmem>>, vector<1x16xf32>,
        %parallel_loop3A_312 = vector.shape_cast %parallel_loop3A_311 : vector<1x16xf32> to vector<16xf32>
        %parallel_loop3A_313 = arith.subf %parallel_loop3A_308, %parallel_loop3A_312 : vector<16xf32>
        %parallel_loop3A_314 = arith.index_cast %parallel_loop3A_262 : i32 to index
        %parallel_loop3A_315 = arith.constant 48 : index
        %parallel_loop3A_316 = tpu.vector_load %arg15[%parallel_loop3A_314, %parallel_loop3A_315] {strides = array<i32>} : memref<40x128xf32, #tpu.memory_space<vmem>>, vector<1x16xf32>,
        %parallel_loop3A_317 = vector.shape_cast %parallel_loop3A_316 : vector<1x16xf32> to vector<16xf32>
        %parallel_loop3A_318 = vector.shape_cast %parallel_loop3A_313 : vector<16xf32> to vector<1x16xf32>
        tpu.vector_store %arg15[%parallel_loop3A_314, %parallel_loop3A_315], %parallel_loop3A_318 {strides = array<i32>} : memref<40x128xf32, #tpu.memory_space<vmem>>, vector<1x16xf32>,
        %parallel_loop3A_319 = arith.index_cast %parallel_loop3A_262 : i32 to index
        %parallel_loop3A_320 = arith.constant 64 : index
        %parallel_loop3A_321 = tpu.vector_load %arg11[%parallel_loop3A_319, %parallel_loop3A_320] {strides = array<i32>} : memref<40x128xf32, #tpu.memory_space<vmem>>, vector<1x16xf32>,
        %parallel_loop3A_322 = vector.shape_cast %parallel_loop3A_321 : vector<1x16xf32> to vector<16xf32>
        %parallel_loop3A_323 = arith.index_cast %parallel_loop3A_262 : i32 to index
        %parallel_loop3A_324 = arith.constant 64 : index
        %parallel_loop3A_325 = tpu.vector_load %arg13[%parallel_loop3A_323, %parallel_loop3A_324] {strides = array<i32>} : memref<40x128xf32, #tpu.memory_space<vmem>>, vector<1x16xf32>,
        %parallel_loop3A_326 = vector.shape_cast %parallel_loop3A_325 : vector<1x16xf32> to vector<16xf32>
        %parallel_loop3A_327 = arith.subf %parallel_loop3A_322, %parallel_loop3A_326 : vector<16xf32>
        %parallel_loop3A_328 = arith.index_cast %parallel_loop3A_262 : i32 to index
        %parallel_loop3A_329 = arith.constant 64 : index
        %parallel_loop3A_330 = tpu.vector_load %arg15[%parallel_loop3A_328, %parallel_loop3A_329] {strides = array<i32>} : memref<40x128xf32, #tpu.memory_space<vmem>>, vector<1x16xf32>,
        %parallel_loop3A_331 = vector.shape_cast %parallel_loop3A_330 : vector<1x16xf32> to vector<16xf32>
        %parallel_loop3A_332 = vector.shape_cast %parallel_loop3A_327 : vector<16xf32> to vector<1x16xf32>
        tpu.vector_store %arg15[%parallel_loop3A_328, %parallel_loop3A_329], %parallel_loop3A_332 {strides = array<i32>} : memref<40x128xf32, #tpu.memory_space<vmem>>, vector<1x16xf32>,
        %parallel_loop3A_333 = arith.index_cast %parallel_loop3A_262 : i32 to index
        %parallel_loop3A_334 = arith.constant 80 : index
        %parallel_loop3A_335 = tpu.vector_load %arg11[%parallel_loop3A_333, %parallel_loop3A_334] {strides = array<i32>} : memref<40x128xf32, #tpu.memory_space<vmem>>, vector<1x16xf32>,
        %parallel_loop3A_336 = vector.shape_cast %parallel_loop3A_335 : vector<1x16xf32> to vector<16xf32>
        %parallel_loop3A_337 = arith.index_cast %parallel_loop3A_262 : i32 to index
        %parallel_loop3A_338 = arith.constant 80 : index
        %parallel_loop3A_339 = tpu.vector_load %arg13[%parallel_loop3A_337, %parallel_loop3A_338] {strides = array<i32>} : memref<40x128xf32, #tpu.memory_space<vmem>>, vector<1x16xf32>,
        %parallel_loop3A_340 = vector.shape_cast %parallel_loop3A_339 : vector<1x16xf32> to vector<16xf32>
        %parallel_loop3A_341 = arith.subf %parallel_loop3A_336, %parallel_loop3A_340 : vector<16xf32>
        %parallel_loop3A_342 = arith.index_cast %parallel_loop3A_262 : i32 to index
        %parallel_loop3A_343 = arith.constant 80 : index
        %parallel_loop3A_344 = tpu.vector_load %arg15[%parallel_loop3A_342, %parallel_loop3A_343] {strides = array<i32>} : memref<40x128xf32, #tpu.memory_space<vmem>>, vector<1x16xf32>,
        %parallel_loop3A_345 = vector.shape_cast %parallel_loop3A_344 : vector<1x16xf32> to vector<16xf32>
        %parallel_loop3A_346 = vector.shape_cast %parallel_loop3A_341 : vector<16xf32> to vector<1x16xf32>
        tpu.vector_store %arg15[%parallel_loop3A_342, %parallel_loop3A_343], %parallel_loop3A_346 {strides = array<i32>} : memref<40x128xf32, #tpu.memory_space<vmem>>, vector<1x16xf32>,
        %parallel_loop3A_347 = arith.index_cast %parallel_loop3A_262 : i32 to index
        %parallel_loop3A_348 = arith.constant 96 : index
        %parallel_loop3A_349 = tpu.vector_load %arg11[%parallel_loop3A_347, %parallel_loop3A_348] {strides = array<i32>} : memref<40x128xf32, #tpu.memory_space<vmem>>, vector<1x16xf32>,
        %parallel_loop3A_350 = vector.shape_cast %parallel_loop3A_349 : vector<1x16xf32> to vector<16xf32>
        %parallel_loop3A_351 = arith.index_cast %parallel_loop3A_262 : i32 to index
        %parallel_loop3A_352 = arith.constant 96 : index
        %parallel_loop3A_353 = tpu.vector_load %arg13[%parallel_loop3A_351, %parallel_loop3A_352] {strides = array<i32>} : memref<40x128xf32, #tpu.memory_space<vmem>>, vector<1x16xf32>,
        %parallel_loop3A_354 = vector.shape_cast %parallel_loop3A_353 : vector<1x16xf32> to vector<16xf32>
        %parallel_loop3A_355 = arith.subf %parallel_loop3A_350, %parallel_loop3A_354 : vector<16xf32>
        %parallel_loop3A_356 = arith.index_cast %parallel_loop3A_262 : i32 to index
        %parallel_loop3A_357 = arith.constant 96 : index
        %parallel_loop3A_358 = tpu.vector_load %arg15[%parallel_loop3A_356, %parallel_loop3A_357] {strides = array<i32>} : memref<40x128xf32, #tpu.memory_space<vmem>>, vector<1x16xf32>,
        %parallel_loop3A_359 = vector.shape_cast %parallel_loop3A_358 : vector<1x16xf32> to vector<16xf32>
        %parallel_loop3A_360 = vector.shape_cast %parallel_loop3A_355 : vector<16xf32> to vector<1x16xf32>
        tpu.vector_store %arg15[%parallel_loop3A_356, %parallel_loop3A_357], %parallel_loop3A_360 {strides = array<i32>} : memref<40x128xf32, #tpu.memory_space<vmem>>, vector<1x16xf32>,
        %parallel_loop3A_361 = arith.index_cast %parallel_loop3A_262 : i32 to index
        %parallel_loop3A_362 = arith.constant 112 : index
        %parallel_loop3A_363 = tpu.vector_load %arg11[%parallel_loop3A_361, %parallel_loop3A_362] {strides = array<i32>} : memref<40x128xf32, #tpu.memory_space<vmem>>, vector<1x16xf32>,
        %parallel_loop3A_364 = vector.shape_cast %parallel_loop3A_363 : vector<1x16xf32> to vector<16xf32>
        %parallel_loop3A_365 = arith.index_cast %parallel_loop3A_262 : i32 to index
        %parallel_loop3A_366 = arith.constant 112 : index
        %parallel_loop3A_367 = tpu.vector_load %arg13[%parallel_loop3A_365, %parallel_loop3A_366] {strides = array<i32>} : memref<40x128xf32, #tpu.memory_space<vmem>>, vector<1x16xf32>,
        %parallel_loop3A_368 = vector.shape_cast %parallel_loop3A_367 : vector<1x16xf32> to vector<16xf32>
        %parallel_loop3A_369 = arith.subf %parallel_loop3A_364, %parallel_loop3A_368 : vector<16xf32>
        %parallel_loop3A_370 = arith.index_cast %parallel_loop3A_262 : i32 to index
        %parallel_loop3A_371 = arith.constant 112 : index
        %parallel_loop3A_372 = tpu.vector_load %arg15[%parallel_loop3A_370, %parallel_loop3A_371] {strides = array<i32>} : memref<40x128xf32, #tpu.memory_space<vmem>>, vector<1x16xf32>,
        %parallel_loop3A_373 = vector.shape_cast %parallel_loop3A_372 : vector<1x16xf32> to vector<16xf32>
        %parallel_loop3A_374 = vector.shape_cast %parallel_loop3A_369 : vector<16xf32> to vector<1x16xf32>
        tpu.vector_store %arg15[%parallel_loop3A_370, %parallel_loop3A_371], %parallel_loop3A_374 {strides = array<i32>} : memref<40x128xf32, #tpu.memory_space<vmem>>, vector<1x16xf32>,
      } {sc.loop_unroll_factor = 8 : i64, sc.parallel_access}
      %lt3A_215 = arith.constant 48 : i32
      %lt3A_216 = arith.cmpi slt, %add3A_196, %lt3A_215 : i32
      %convert_element_type3A_217 = arith.extui %lt3A_216 : i1 to i32
      %cond3A_218 = arith.constant 0 : i32
      %cond3A_219 = arith.cmpi ne, %convert_element_type3A_217, %cond3A_218 : i32
      scf.if %cond3A_219 {
        %add3A_262 = arith.constant 2 : i32
        %add3A_263 = arith.addi %add3A_196, %add3A_262 : i32
        %mul3A_264 = arith.constant 40 : i32
        %mul3A_265 = arith.muli %add3A_263, %mul3A_264 : i32
        %dma_start3A_266 = tpu.memref_slice %arg9[%mul3A_265] : memref<2000xi32, #tpu.memory_space<vmem>> -> memref<40xi32, #tpu.memory_space<vmem>>
        %dma_start3A_267 = arith.constant 0 : i32
        %dma_start3A_268 = arith.constant 0 : i32
        %dma_start3A_269 = tpu.memref_slice %arg6[%dma_start3A_267, %dma_start3A_268] : memref<10000x128xf32, #tpu.memory_space<vmem_shared>> -> memref<10000x128xf32, #tpu.memory_space<vmem_shared>>
        tpu.enqueue_indirect_dma source(%dma_start3A_269 : memref<10000x128xf32, #tpu.memory_space<vmem_shared>>) target(%arg11 : memref<40x128xf32, #tpu.memory_space<vmem>>) offsets(%dma_start3A_266 : memref<40xi32, #tpu.memory_space<vmem>>) semaphore(%arg17 : memref<!tpu.dma_semaphore, #tpu.memory_space<semaphore_mem>>)
        %mul3A_270 = arith.constant 40 : i32
        %mul3A_271 = arith.muli %add3A_263, %mul3A_270 : i32
        %dma_start3A_272 = tpu.memref_slice %arg10[%mul3A_271] : memref<2000xi32, #tpu.memory_space<vmem>> -> memref<40xi32, #tpu.memory_space<vmem>>
        %dma_start3A_273 = arith.constant 0 : i32
        %dma_start3A_274 = arith.constant 0 : i32
        %dma_start3A_275 = tpu.memref_slice %arg6[%dma_start3A_273, %dma_start3A_274] : memref<10000x128xf32, #tpu.memory_space<vmem_shared>> -> memref<10000x128xf32, #tpu.memory_space<vmem_shared>>
        tpu.enqueue_indirect_dma source(%dma_start3A_275 : memref<10000x128xf32, #tpu.memory_space<vmem_shared>>) target(%arg13 : memref<40x128xf32, #tpu.memory_space<vmem>>) offsets(%dma_start3A_272 : memref<40xi32, #tpu.memory_space<vmem>>) semaphore(%arg17 : memref<!tpu.dma_semaphore, #tpu.memory_space<semaphore_mem>>)
      } else {
      }
      %mul3A_220 = arith.constant 40 : i32
      %mul3A_221 = arith.muli %add3A_198, %mul3A_220 : i32
      %add3A_222 = arith.addi %add3A, %mul3A_221 : i32
      %dma_start3A_223 = arith.constant 0 : i32
      %dma_start3A_224 = tpu.memref_slice %arg5[%add3A_222, %dma_start3A_223] : memref<320000x128xf32, #tpu.memory_space<hbm>> -> memref<40x128xf32, #tpu.memory_space<hbm>>
      %dma_start3A_225 = arith.constant 0 : i32
      %dma_start3A_226 = tpu.memref_slice %arg5[%add3A_222, %dma_start3A_225] : memref<320000x128xf32, #tpu.memory_space<hbm>> -> memref<40x128xf32, #tpu.memory_space<hbm>>
      tpu.enqueue_dma source(%arg15 : memref<40x128xf32, #tpu.memory_space<vmem>>) target(%dma_start3A_226 : memref<40x128xf32, #tpu.memory_space<hbm>>) target_semaphore(%arg19 : memref<!tpu.dma_semaphore, #tpu.memory_space<semaphore_mem>>)
      %mul3A_227 = arith.constant 2 : i32
      %mul3A_228 = arith.muli %scan3A_192, %mul3A_227 : i32
      %add3A_229 = arith.constant 1 : i32
      %add3A_230 = arith.addi %mul3A_228, %add3A_229 : i32
      %add3A_231 = arith.constant 50 : i32
      %add3A_232 = arith.addi %add3A_231, %add3A_230 : i32
      %dma_wait3A_233 = arith.constant 0 : i32
      %dma_wait3A_234 = tpu.memref_slice %arg9[%dma_wait3A_233] : memref<2000xi32, #tpu.memory_space<vmem>> -> memref<40xi32, #tpu.memory_space<vmem>>
      %dma_wait3A_235 = arith.constant 0 : i32
      %dma_wait3A_236 = arith.constant 0 : i32
      %dma_wait3A_237 = tpu.memref_slice %arg6[%dma_wait3A_235, %dma_wait3A_236] : memref<10000x128xf32, #tpu.memory_space<vmem_shared>> -> memref<10000x128xf32, #tpu.memory_space<vmem_shared>>
      tpu.wait_indirect_dma semaphore(%arg18 : memref<!tpu.dma_semaphore, #tpu.memory_space<semaphore_mem>>) src(%dma_wait3A_237 : memref<10000x128xf32, #tpu.memory_space<vmem_shared>>) dst(%arg12 : memref<40x128xf32, #tpu.memory_space<vmem>>)
      %dma_wait3A_238 = arith.constant 0 : i32
      %dma_wait3A_239 = tpu.memref_slice %arg10[%dma_wait3A_238] : memref<2000xi32, #tpu.memory_space<vmem>> -> memref<40xi32, #tpu.memory_space<vmem>>
      %dma_wait3A_240 = arith.constant 0 : i32
      %dma_wait3A_241 = arith.constant 0 : i32
      %dma_wait3A_242 = tpu.memref_slice %arg6[%dma_wait3A_240, %dma_wait3A_241] : memref<10000x128xf32, #tpu.memory_space<vmem_shared>> -> memref<10000x128xf32, #tpu.memory_space<vmem_shared>>
      tpu.wait_indirect_dma semaphore(%arg18 : memref<!tpu.dma_semaphore, #tpu.memory_space<semaphore_mem>>) src(%dma_wait3A_242 : memref<10000x128xf32, #tpu.memory_space<vmem_shared>>) dst(%arg14 : memref<40x128xf32, #tpu.memory_space<vmem>>)
      %dma_wait3A_243 = arith.constant 0 : i32
      %dma_wait3A_244 = tpu.memref_slice %arg5[%add3A, %dma_wait3A_243] : memref<320000x128xf32, #tpu.memory_space<hbm>> -> memref<40x128xf32, #tpu.memory_space<hbm>>
      %dma_wait3A_245 = arith.constant 0 : i32
      %dma_wait3A_246 = tpu.memref_slice %arg5[%add3A, %dma_wait3A_245] : memref<320000x128xf32, #tpu.memory_space<hbm>> -> memref<40x128xf32, #tpu.memory_space<hbm>>
      tpu.wait_dma2 semaphore(%arg20 : memref<!tpu.dma_semaphore, #tpu.memory_space<semaphore_mem>>) src(%arg16 : memref<40x128xf32, #tpu.memory_space<vmem>>) dst(%dma_wait3A_246 : memref<40x128xf32, #tpu.memory_space<hbm>>)
      %parallel_loop3A_247 = arith.constant 0 : i32
      %parallel_loop3A_248 = arith.constant 40 : i32
      %parallel_loop3A_249 = arith.constant 1 : i32
      scf.for %parallel_loop3A_262 = %parallel_loop3A_247 to %parallel_loop3A_248 step %parallel_loop3A_249  : i32 {
        %parallel_loop3A_263 = arith.index_cast %parallel_loop3A_262 : i32 to index
        %parallel_loop3A_264 = arith.constant 0 : index
        %parallel_loop3A_265 = tpu.vector_load %arg12[%parallel_loop3A_263, %parallel_loop3A_264] {strides = array<i32>} : memref<40x128xf32, #tpu.memory_space<vmem>>, vector<1x16xf32>,
        %parallel_loop3A_266 = vector.shape_cast %parallel_loop3A_265 : vector<1x16xf32> to vector<16xf32>
        %parallel_loop3A_267 = arith.index_cast %parallel_loop3A_262 : i32 to index
        %parallel_loop3A_268 = arith.constant 0 : index
        %parallel_loop3A_269 = tpu.vector_load %arg14[%parallel_loop3A_267, %parallel_loop3A_268] {strides = array<i32>} : memref<40x128xf32, #tpu.memory_space<vmem>>, vector<1x16xf32>,
        %parallel_loop3A_270 = vector.shape_cast %parallel_loop3A_269 : vector<1x16xf32> to vector<16xf32>
        %parallel_loop3A_271 = arith.subf %parallel_loop3A_266, %parallel_loop3A_270 : vector<16xf32>
        %parallel_loop3A_272 = arith.index_cast %parallel_loop3A_262 : i32 to index
        %parallel_loop3A_273 = arith.constant 0 : index
        %parallel_loop3A_274 = tpu.vector_load %arg16[%parallel_loop3A_272, %parallel_loop3A_273] {strides = array<i32>} : memref<40x128xf32, #tpu.memory_space<vmem>>, vector<1x16xf32>,
        %parallel_loop3A_275 = vector.shape_cast %parallel_loop3A_274 : vector<1x16xf32> to vector<16xf32>
        %parallel_loop3A_276 = vector.shape_cast %parallel_loop3A_271 : vector<16xf32> to vector<1x16xf32>
        tpu.vector_store %arg16[%parallel_loop3A_272, %parallel_loop3A_273], %parallel_loop3A_276 {strides = array<i32>} : memref<40x128xf32, #tpu.memory_space<vmem>>, vector<1x16xf32>,
        %parallel_loop3A_277 = arith.index_cast %parallel_loop3A_262 : i32 to index
        %parallel_loop3A_278 = arith.constant 16 : index
        %parallel_loop3A_279 = tpu.vector_load %arg12[%parallel_loop3A_277, %parallel_loop3A_278] {strides = array<i32>} : memref<40x128xf32, #tpu.memory_space<vmem>>, vector<1x16xf32>,
        %parallel_loop3A_280 = vector.shape_cast %parallel_loop3A_279 : vector<1x16xf32> to vector<16xf32>
        %parallel_loop3A_281 = arith.index_cast %parallel_loop3A_262 : i32 to index
        %parallel_loop3A_282 = arith.constant 16 : index
        %parallel_loop3A_283 = tpu.vector_load %arg14[%parallel_loop3A_281, %parallel_loop3A_282] {strides = array<i32>} : memref<40x128xf32, #tpu.memory_space<vmem>>, vector<1x16xf32>,
        %parallel_loop3A_284 = vector.shape_cast %parallel_loop3A_283 : vector<1x16xf32> to vector<16xf32>
        %parallel_loop3A_285 = arith.subf %parallel_loop3A_280, %parallel_loop3A_284 : vector<16xf32>
        %parallel_loop3A_286 = arith.index_cast %parallel_loop3A_262 : i32 to index
        %parallel_loop3A_287 = arith.constant 16 : index
        %parallel_loop3A_288 = tpu.vector_load %arg16[%parallel_loop3A_286, %parallel_loop3A_287] {strides = array<i32>} : memref<40x128xf32, #tpu.memory_space<vmem>>, vector<1x16xf32>,
        %parallel_loop3A_289 = vector.shape_cast %parallel_loop3A_288 : vector<1x16xf32> to vector<16xf32>
        %parallel_loop3A_290 = vector.shape_cast %parallel_loop3A_285 : vector<16xf32> to vector<1x16xf32>
        tpu.vector_store %arg16[%parallel_loop3A_286, %parallel_loop3A_287], %parallel_loop3A_290 {strides = array<i32>} : memref<40x128xf32, #tpu.memory_space<vmem>>, vector<1x16xf32>,
        %parallel_loop3A_291 = arith.index_cast %parallel_loop3A_262 : i32 to index
        %parallel_loop3A_292 = arith.constant 32 : index
        %parallel_loop3A_293 = tpu.vector_load %arg12[%parallel_loop3A_291, %parallel_loop3A_292] {strides = array<i32>} : memref<40x128xf32, #tpu.memory_space<vmem>>, vector<1x16xf32>,
        %parallel_loop3A_294 = vector.shape_cast %parallel_loop3A_293 : vector<1x16xf32> to vector<16xf32>
        %parallel_loop3A_295 = arith.index_cast %parallel_loop3A_262 : i32 to index
        %parallel_loop3A_296 = arith.constant 32 : index
        %parallel_loop3A_297 = tpu.vector_load %arg14[%parallel_loop3A_295, %parallel_loop3A_296] {strides = array<i32>} : memref<40x128xf32, #tpu.memory_space<vmem>>, vector<1x16xf32>,
        %parallel_loop3A_298 = vector.shape_cast %parallel_loop3A_297 : vector<1x16xf32> to vector<16xf32>
        %parallel_loop3A_299 = arith.subf %parallel_loop3A_294, %parallel_loop3A_298 : vector<16xf32>
        %parallel_loop3A_300 = arith.index_cast %parallel_loop3A_262 : i32 to index
        %parallel_loop3A_301 = arith.constant 32 : index
        %parallel_loop3A_302 = tpu.vector_load %arg16[%parallel_loop3A_300, %parallel_loop3A_301] {strides = array<i32>} : memref<40x128xf32, #tpu.memory_space<vmem>>, vector<1x16xf32>,
        %parallel_loop3A_303 = vector.shape_cast %parallel_loop3A_302 : vector<1x16xf32> to vector<16xf32>
        %parallel_loop3A_304 = vector.shape_cast %parallel_loop3A_299 : vector<16xf32> to vector<1x16xf32>
        tpu.vector_store %arg16[%parallel_loop3A_300, %parallel_loop3A_301], %parallel_loop3A_304 {strides = array<i32>} : memref<40x128xf32, #tpu.memory_space<vmem>>, vector<1x16xf32>,
        %parallel_loop3A_305 = arith.index_cast %parallel_loop3A_262 : i32 to index
        %parallel_loop3A_306 = arith.constant 48 : index
        %parallel_loop3A_307 = tpu.vector_load %arg12[%parallel_loop3A_305, %parallel_loop3A_306] {strides = array<i32>} : memref<40x128xf32, #tpu.memory_space<vmem>>, vector<1x16xf32>,
        %parallel_loop3A_308 = vector.shape_cast %parallel_loop3A_307 : vector<1x16xf32> to vector<16xf32>
        %parallel_loop3A_309 = arith.index_cast %parallel_loop3A_262 : i32 to index
        %parallel_loop3A_310 = arith.constant 48 : index
        %parallel_loop3A_311 = tpu.vector_load %arg14[%parallel_loop3A_309, %parallel_loop3A_310] {strides = array<i32>} : memref<40x128xf32, #tpu.memory_space<vmem>>, vector<1x16xf32>,
        %parallel_loop3A_312 = vector.shape_cast %parallel_loop3A_311 : vector<1x16xf32> to vector<16xf32>
        %parallel_loop3A_313 = arith.subf %parallel_loop3A_308, %parallel_loop3A_312 : vector<16xf32>
        %parallel_loop3A_314 = arith.index_cast %parallel_loop3A_262 : i32 to index
        %parallel_loop3A_315 = arith.constant 48 : index
        %parallel_loop3A_316 = tpu.vector_load %arg16[%parallel_loop3A_314, %parallel_loop3A_315] {strides = array<i32>} : memref<40x128xf32, #tpu.memory_space<vmem>>, vector<1x16xf32>,
        %parallel_loop3A_317 = vector.shape_cast %parallel_loop3A_316 : vector<1x16xf32> to vector<16xf32>
        %parallel_loop3A_318 = vector.shape_cast %parallel_loop3A_313 : vector<16xf32> to vector<1x16xf32>
        tpu.vector_store %arg16[%parallel_loop3A_314, %parallel_loop3A_315], %parallel_loop3A_318 {strides = array<i32>} : memref<40x128xf32, #tpu.memory_space<vmem>>, vector<1x16xf32>,
        %parallel_loop3A_319 = arith.index_cast %parallel_loop3A_262 : i32 to index
        %parallel_loop3A_320 = arith.constant 64 : index
        %parallel_loop3A_321 = tpu.vector_load %arg12[%parallel_loop3A_319, %parallel_loop3A_320] {strides = array<i32>} : memref<40x128xf32, #tpu.memory_space<vmem>>, vector<1x16xf32>,
        %parallel_loop3A_322 = vector.shape_cast %parallel_loop3A_321 : vector<1x16xf32> to vector<16xf32>
        %parallel_loop3A_323 = arith.index_cast %parallel_loop3A_262 : i32 to index
        %parallel_loop3A_324 = arith.constant 64 : index
        %parallel_loop3A_325 = tpu.vector_load %arg14[%parallel_loop3A_323, %parallel_loop3A_324] {strides = array<i32>} : memref<40x128xf32, #tpu.memory_space<vmem>>, vector<1x16xf32>,
        %parallel_loop3A_326 = vector.shape_cast %parallel_loop3A_325 : vector<1x16xf32> to vector<16xf32>
        %parallel_loop3A_327 = arith.subf %parallel_loop3A_322, %parallel_loop3A_326 : vector<16xf32>
        %parallel_loop3A_328 = arith.index_cast %parallel_loop3A_262 : i32 to index
        %parallel_loop3A_329 = arith.constant 64 : index
        %parallel_loop3A_330 = tpu.vector_load %arg16[%parallel_loop3A_328, %parallel_loop3A_329] {strides = array<i32>} : memref<40x128xf32, #tpu.memory_space<vmem>>, vector<1x16xf32>,
        %parallel_loop3A_331 = vector.shape_cast %parallel_loop3A_330 : vector<1x16xf32> to vector<16xf32>
        %parallel_loop3A_332 = vector.shape_cast %parallel_loop3A_327 : vector<16xf32> to vector<1x16xf32>
        tpu.vector_store %arg16[%parallel_loop3A_328, %parallel_loop3A_329], %parallel_loop3A_332 {strides = array<i32>} : memref<40x128xf32, #tpu.memory_space<vmem>>, vector<1x16xf32>,
        %parallel_loop3A_333 = arith.index_cast %parallel_loop3A_262 : i32 to index
        %parallel_loop3A_334 = arith.constant 80 : index
        %parallel_loop3A_335 = tpu.vector_load %arg12[%parallel_loop3A_333, %parallel_loop3A_334] {strides = array<i32>} : memref<40x128xf32, #tpu.memory_space<vmem>>, vector<1x16xf32>,
        %parallel_loop3A_336 = vector.shape_cast %parallel_loop3A_335 : vector<1x16xf32> to vector<16xf32>
        %parallel_loop3A_337 = arith.index_cast %parallel_loop3A_262 : i32 to index
        %parallel_loop3A_338 = arith.constant 80 : index
        %parallel_loop3A_339 = tpu.vector_load %arg14[%parallel_loop3A_337, %parallel_loop3A_338] {strides = array<i32>} : memref<40x128xf32, #tpu.memory_space<vmem>>, vector<1x16xf32>,
        %parallel_loop3A_340 = vector.shape_cast %parallel_loop3A_339 : vector<1x16xf32> to vector<16xf32>
        %parallel_loop3A_341 = arith.subf %parallel_loop3A_336, %parallel_loop3A_340 : vector<16xf32>
        %parallel_loop3A_342 = arith.index_cast %parallel_loop3A_262 : i32 to index
        %parallel_loop3A_343 = arith.constant 80 : index
        %parallel_loop3A_344 = tpu.vector_load %arg16[%parallel_loop3A_342, %parallel_loop3A_343] {strides = array<i32>} : memref<40x128xf32, #tpu.memory_space<vmem>>, vector<1x16xf32>,
        %parallel_loop3A_345 = vector.shape_cast %parallel_loop3A_344 : vector<1x16xf32> to vector<16xf32>
        %parallel_loop3A_346 = vector.shape_cast %parallel_loop3A_341 : vector<16xf32> to vector<1x16xf32>
        tpu.vector_store %arg16[%parallel_loop3A_342, %parallel_loop3A_343], %parallel_loop3A_346 {strides = array<i32>} : memref<40x128xf32, #tpu.memory_space<vmem>>, vector<1x16xf32>,
        %parallel_loop3A_347 = arith.index_cast %parallel_loop3A_262 : i32 to index
        %parallel_loop3A_348 = arith.constant 96 : index
        %parallel_loop3A_349 = tpu.vector_load %arg12[%parallel_loop3A_347, %parallel_loop3A_348] {strides = array<i32>} : memref<40x128xf32, #tpu.memory_space<vmem>>, vector<1x16xf32>,
        %parallel_loop3A_350 = vector.shape_cast %parallel_loop3A_349 : vector<1x16xf32> to vector<16xf32>
        %parallel_loop3A_351 = arith.index_cast %parallel_loop3A_262 : i32 to index
        %parallel_loop3A_352 = arith.constant 96 : index
        %parallel_loop3A_353 = tpu.vector_load %arg14[%parallel_loop3A_351, %parallel_loop3A_352] {strides = array<i32>} : memref<40x128xf32, #tpu.memory_space<vmem>>, vector<1x16xf32>,
        %parallel_loop3A_354 = vector.shape_cast %parallel_loop3A_353 : vector<1x16xf32> to vector<16xf32>
        %parallel_loop3A_355 = arith.subf %parallel_loop3A_350, %parallel_loop3A_354 : vector<16xf32>
        %parallel_loop3A_356 = arith.index_cast %parallel_loop3A_262 : i32 to index
        %parallel_loop3A_357 = arith.constant 96 : index
        %parallel_loop3A_358 = tpu.vector_load %arg16[%parallel_loop3A_356, %parallel_loop3A_357] {strides = array<i32>} : memref<40x128xf32, #tpu.memory_space<vmem>>, vector<1x16xf32>,
        %parallel_loop3A_359 = vector.shape_cast %parallel_loop3A_358 : vector<1x16xf32> to vector<16xf32>
        %parallel_loop3A_360 = vector.shape_cast %parallel_loop3A_355 : vector<16xf32> to vector<1x16xf32>
        tpu.vector_store %arg16[%parallel_loop3A_356, %parallel_loop3A_357], %parallel_loop3A_360 {strides = array<i32>} : memref<40x128xf32, #tpu.memory_space<vmem>>, vector<1x16xf32>,
        %parallel_loop3A_361 = arith.index_cast %parallel_loop3A_262 : i32 to index
        %parallel_loop3A_362 = arith.constant 112 : index
        %parallel_loop3A_363 = tpu.vector_load %arg12[%parallel_loop3A_361, %parallel_loop3A_362] {strides = array<i32>} : memref<40x128xf32, #tpu.memory_space<vmem>>, vector<1x16xf32>,
        %parallel_loop3A_364 = vector.shape_cast %parallel_loop3A_363 : vector<1x16xf32> to vector<16xf32>
        %parallel_loop3A_365 = arith.index_cast %parallel_loop3A_262 : i32 to index
        %parallel_loop3A_366 = arith.constant 112 : index
        %parallel_loop3A_367 = tpu.vector_load %arg14[%parallel_loop3A_365, %parallel_loop3A_366] {strides = array<i32>} : memref<40x128xf32, #tpu.memory_space<vmem>>, vector<1x16xf32>,
        %parallel_loop3A_368 = vector.shape_cast %parallel_loop3A_367 : vector<1x16xf32> to vector<16xf32>
        %parallel_loop3A_369 = arith.subf %parallel_loop3A_364, %parallel_loop3A_368 : vector<16xf32>
        %parallel_loop3A_370 = arith.index_cast %parallel_loop3A_262 : i32 to index
        %parallel_loop3A_371 = arith.constant 112 : index
        %parallel_loop3A_372 = tpu.vector_load %arg16[%parallel_loop3A_370, %parallel_loop3A_371] {strides = array<i32>} : memref<40x128xf32, #tpu.memory_space<vmem>>, vector<1x16xf32>,
        %parallel_loop3A_373 = vector.shape_cast %parallel_loop3A_372 : vector<1x16xf32> to vector<16xf32>
        %parallel_loop3A_374 = vector.shape_cast %parallel_loop3A_369 : vector<16xf32> to vector<1x16xf32>
        tpu.vector_store %arg16[%parallel_loop3A_370, %parallel_loop3A_371], %parallel_loop3A_374 {strides = array<i32>} : memref<40x128xf32, #tpu.memory_space<vmem>>, vector<1x16xf32>,
      } {sc.loop_unroll_factor = 8 : i64, sc.parallel_access}
      %lt3A_250 = arith.constant 48 : i32
      %lt3A_251 = arith.cmpi slt, %add3A_230, %lt3A_250 : i32
      %convert_element_type3A_252 = arith.extui %lt3A_251 : i1 to i32
      %cond3A_253 = arith.constant 0 : i32
      %cond3A_254 = arith.cmpi ne, %convert_element_type3A_252, %cond3A_253 : i32
      scf.if %cond3A_254 {
        %add3A_262 = arith.constant 2 : i32
        %add3A_263 = arith.addi %add3A_230, %add3A_262 : i32
        %mul3A_264 = arith.constant 40 : i32
        %mul3A_265 = arith.muli %add3A_263, %mul3A_264 : i32
        %dma_start3A_266 = tpu.memref_slice %arg9[%mul3A_265] : memref<2000xi32, #tpu.memory_space<vmem>> -> memref<40xi32, #tpu.memory_space<vmem>>
        %dma_start3A_267 = arith.constant 0 : i32
        %dma_start3A_268 = arith.constant 0 : i32
        %dma_start3A_269 = tpu.memref_slice %arg6[%dma_start3A_267, %dma_start3A_268] : memref<10000x128xf32, #tpu.memory_space<vmem_shared>> -> memref<10000x128xf32, #tpu.memory_space<vmem_shared>>
        tpu.enqueue_indirect_dma source(%dma_start3A_269 : memref<10000x128xf32, #tpu.memory_space<vmem_shared>>) target(%arg12 : memref<40x128xf32, #tpu.memory_space<vmem>>) offsets(%dma_start3A_266 : memref<40xi32, #tpu.memory_space<vmem>>) semaphore(%arg18 : memref<!tpu.dma_semaphore, #tpu.memory_space<semaphore_mem>>)
        %mul3A_270 = arith.constant 40 : i32
        %mul3A_271 = arith.muli %add3A_263, %mul3A_270 : i32
        %dma_start3A_272 = tpu.memref_slice %arg10[%mul3A_271] : memref<2000xi32, #tpu.memory_space<vmem>> -> memref<40xi32, #tpu.memory_space<vmem>>
        %dma_start3A_273 = arith.constant 0 : i32
        %dma_start3A_274 = arith.constant 0 : i32
        %dma_start3A_275 = tpu.memref_slice %arg6[%dma_start3A_273, %dma_start3A_274] : memref<10000x128xf32, #tpu.memory_space<vmem_shared>> -> memref<10000x128xf32, #tpu.memory_space<vmem_shared>>
        tpu.enqueue_indirect_dma source(%dma_start3A_275 : memref<10000x128xf32, #tpu.memory_space<vmem_shared>>) target(%arg14 : memref<40x128xf32, #tpu.memory_space<vmem>>) offsets(%dma_start3A_272 : memref<40xi32, #tpu.memory_space<vmem>>) semaphore(%arg18 : memref<!tpu.dma_semaphore, #tpu.memory_space<semaphore_mem>>)
      } else {
      }
      %mul3A_255 = arith.constant 40 : i32
      %mul3A_256 = arith.muli %add3A_232, %mul3A_255 : i32
      %add3A_257 = arith.addi %add3A, %mul3A_256 : i32
      %dma_start3A_258 = arith.constant 0 : i32
      %dma_start3A_259 = tpu.memref_slice %arg5[%add3A_257, %dma_start3A_258] : memref<320000x128xf32, #tpu.memory_space<hbm>> -> memref<40x128xf32, #tpu.memory_space<hbm>>
      %dma_start3A_260 = arith.constant 0 : i32
      %dma_start3A_261 = tpu.memref_slice %arg5[%add3A_257, %dma_start3A_260] : memref<320000x128xf32, #tpu.memory_space<hbm>> -> memref<40x128xf32, #tpu.memory_space<hbm>>
      tpu.enqueue_dma source(%arg16 : memref<40x128xf32, #tpu.memory_space<vmem>>) target(%dma_start3A_261 : memref<40x128xf32, #tpu.memory_space<hbm>>) target_semaphore(%arg20 : memref<!tpu.dma_semaphore, #tpu.memory_space<semaphore_mem>>)
    }
    %scan3A_77 = arith.constant 25 : i32
    %dma_wait3A_78 = tpu.memref_slice %arg3[%mul3A_2] : memref<160000xi32, #tpu.memory_space<hbm>> -> memref<2000xi32, #tpu.memory_space<hbm>>
    %dma_wait3A_79 = tpu.memref_slice %arg3[%mul3A_2] : memref<160000xi32, #tpu.memory_space<hbm>> -> memref<2000xi32, #tpu.memory_space<hbm>>
    tpu.wait_dma2 semaphore(%arg21 : memref<!tpu.dma_semaphore, #tpu.memory_space<semaphore_mem>>) src(%dma_wait3A_79 : memref<2000xi32, #tpu.memory_space<hbm>>) dst(%arg7 : memref<2000xi32, #tpu.memory_space<vmem>>)
    %dma_wait3A_80 = tpu.memref_slice %arg4[%mul3A_2] : memref<160000xi32, #tpu.memory_space<hbm>> -> memref<2000xi32, #tpu.memory_space<hbm>>
    %dma_wait3A_81 = tpu.memref_slice %arg4[%mul3A_2] : memref<160000xi32, #tpu.memory_space<hbm>> -> memref<2000xi32, #tpu.memory_space<hbm>>
    tpu.wait_dma2 semaphore(%arg21 : memref<!tpu.dma_semaphore, #tpu.memory_space<semaphore_mem>>) src(%dma_wait3A_81 : memref<2000xi32, #tpu.memory_space<hbm>>) dst(%arg8 : memref<2000xi32, #tpu.memory_space<vmem>>)
    %dma_start3A_82 = arith.constant 0 : i32
    %dma_start3A_83 = tpu.memref_slice %arg7[%dma_start3A_82] : memref<2000xi32, #tpu.memory_space<vmem>> -> memref<40xi32, #tpu.memory_space<vmem>>
    %dma_start3A_84 = arith.constant 0 : i32
    %dma_start3A_85 = arith.constant 0 : i32
    %dma_start3A_86 = tpu.memref_slice %arg6[%dma_start3A_84, %dma_start3A_85] : memref<10000x128xf32, #tpu.memory_space<vmem_shared>> -> memref<10000x128xf32, #tpu.memory_space<vmem_shared>>
    tpu.enqueue_indirect_dma source(%dma_start3A_86 : memref<10000x128xf32, #tpu.memory_space<vmem_shared>>) target(%arg11 : memref<40x128xf32, #tpu.memory_space<vmem>>) offsets(%dma_start3A_83 : memref<40xi32, #tpu.memory_space<vmem>>) semaphore(%arg17 : memref<!tpu.dma_semaphore, #tpu.memory_space<semaphore_mem>>)
    %dma_start3A_87 = arith.constant 0 : i32
    %dma_start3A_88 = tpu.memref_slice %arg8[%dma_start3A_87] : memref<2000xi32, #tpu.memory_space<vmem>> -> memref<40xi32, #tpu.memory_space<vmem>>
    %dma_start3A_89 = arith.constant 0 : i32
    %dma_start3A_90 = arith.constant 0 : i32
    %dma_start3A_91 = tpu.memref_slice %arg6[%dma_start3A_89, %dma_start3A_90] : memref<10000x128xf32, #tpu.memory_space<vmem_shared>> -> memref<10000x128xf32, #tpu.memory_space<vmem_shared>>
    tpu.enqueue_indirect_dma source(%dma_start3A_91 : memref<10000x128xf32, #tpu.memory_space<vmem_shared>>) target(%arg13 : memref<40x128xf32, #tpu.memory_space<vmem>>) offsets(%dma_start3A_88 : memref<40xi32, #tpu.memory_space<vmem>>) semaphore(%arg17 : memref<!tpu.dma_semaphore, #tpu.memory_space<semaphore_mem>>)
    %dma_start3A_92 = arith.constant 40 : i32
    %dma_start3A_93 = tpu.memref_slice %arg7[%dma_start3A_92] : memref<2000xi32, #tpu.memory_space<vmem>> -> memref<40xi32, #tpu.memory_space<vmem>>
    %dma_start3A_94 = arith.constant 0 : i32
    %dma_start3A_95 = arith.constant 0 : i32
    %dma_start3A_96 = tpu.memref_slice %arg6[%dma_start3A_94, %dma_start3A_95] : memref<10000x128xf32, #tpu.memory_space<vmem_shared>> -> memref<10000x128xf32, #tpu.memory_space<vmem_shared>>
    tpu.enqueue_indirect_dma source(%dma_start3A_96 : memref<10000x128xf32, #tpu.memory_space<vmem_shared>>) target(%arg12 : memref<40x128xf32, #tpu.memory_space<vmem>>) offsets(%dma_start3A_93 : memref<40xi32, #tpu.memory_space<vmem>>) semaphore(%arg18 : memref<!tpu.dma_semaphore, #tpu.memory_space<semaphore_mem>>)
    %dma_start3A_97 = arith.constant 40 : i32
    %dma_start3A_98 = tpu.memref_slice %arg8[%dma_start3A_97] : memref<2000xi32, #tpu.memory_space<vmem>> -> memref<40xi32, #tpu.memory_space<vmem>>
    %dma_start3A_99 = arith.constant 0 : i32
    %dma_start3A_100 = arith.constant 0 : i32
    %dma_start3A_101 = tpu.memref_slice %arg6[%dma_start3A_99, %dma_start3A_100] : memref<10000x128xf32, #tpu.memory_space<vmem_shared>> -> memref<10000x128xf32, #tpu.memory_space<vmem_shared>>
    tpu.enqueue_indirect_dma source(%dma_start3A_101 : memref<10000x128xf32, #tpu.memory_space<vmem_shared>>) target(%arg14 : memref<40x128xf32, #tpu.memory_space<vmem>>) offsets(%dma_start3A_98 : memref<40xi32, #tpu.memory_space<vmem>>) semaphore(%arg18 : memref<!tpu.dma_semaphore, #tpu.memory_space<semaphore_mem>>)
    %add3A_102 = arith.constant 6000 : i32
    %add3A_103 = arith.addi %mul3A_2, %add3A_102 : i32
    %dma_start3A_104 = tpu.memref_slice %arg3[%add3A_103] : memref<160000xi32, #tpu.memory_space<hbm>> -> memref<2000xi32, #tpu.memory_space<hbm>>
    %dma_start3A_105 = tpu.memref_slice %arg3[%add3A_103] : memref<160000xi32, #tpu.memory_space<hbm>> -> memref<2000xi32, #tpu.memory_space<hbm>>
    tpu.enqueue_dma source(%dma_start3A_105 : memref<2000xi32, #tpu.memory_space<hbm>>) target(%arg9 : memref<2000xi32, #tpu.memory_space<vmem>>) target_semaphore(%arg21 : memref<!tpu.dma_semaphore, #tpu.memory_space<semaphore_mem>>)
    %add3A_106 = arith.constant 6000 : i32
    %add3A_107 = arith.addi %mul3A_2, %add3A_106 : i32
    %dma_start3A_108 = tpu.memref_slice %arg4[%add3A_107] : memref<160000xi32, #tpu.memory_space<hbm>> -> memref<2000xi32, #tpu.memory_space<hbm>>
    %dma_start3A_109 = tpu.memref_slice %arg4[%add3A_107] : memref<160000xi32, #tpu.memory_space<hbm>> -> memref<2000xi32, #tpu.memory_space<hbm>>
    tpu.enqueue_dma source(%dma_start3A_109 : memref<2000xi32, #tpu.memory_space<hbm>>) target(%arg10 : memref<2000xi32, #tpu.memory_space<vmem>>) target_semaphore(%arg21 : memref<!tpu.dma_semaphore, #tpu.memory_space<semaphore_mem>>)
    %scan3A_110 = arith.constant 0 : i32
    %scan3A_111 = arith.constant 0 : i32
    %scan3A_112 = arith.constant 25 : i32
    %scan3A_113 = arith.addi %scan3A_111, %scan3A_112 : i32
    %scan3A_114 = arith.constant 1 : i32
    scf.for %scan3A_192 = %scan3A_111 to %scan3A_113 step %scan3A_114  : i32 {
      %mul3A_193 = arith.constant 2 : i32
      %mul3A_194 = arith.muli %scan3A_192, %mul3A_193 : i32
      %add3A_195 = arith.constant 0 : i32
      %add3A_196 = arith.addi %mul3A_194, %add3A_195 : i32
      %add3A_197 = arith.constant 100 : i32
      %add3A_198 = arith.addi %add3A_197, %add3A_196 : i32
      %dma_wait3A_199 = arith.constant 0 : i32
      %dma_wait3A_200 = tpu.memref_slice %arg7[%dma_wait3A_199] : memref<2000xi32, #tpu.memory_space<vmem>> -> memref<40xi32, #tpu.memory_space<vmem>>
      %dma_wait3A_201 = arith.constant 0 : i32
      %dma_wait3A_202 = arith.constant 0 : i32
      %dma_wait3A_203 = tpu.memref_slice %arg6[%dma_wait3A_201, %dma_wait3A_202] : memref<10000x128xf32, #tpu.memory_space<vmem_shared>> -> memref<10000x128xf32, #tpu.memory_space<vmem_shared>>
      tpu.wait_indirect_dma semaphore(%arg17 : memref<!tpu.dma_semaphore, #tpu.memory_space<semaphore_mem>>) src(%dma_wait3A_203 : memref<10000x128xf32, #tpu.memory_space<vmem_shared>>) dst(%arg11 : memref<40x128xf32, #tpu.memory_space<vmem>>)
      %dma_wait3A_204 = arith.constant 0 : i32
      %dma_wait3A_205 = tpu.memref_slice %arg8[%dma_wait3A_204] : memref<2000xi32, #tpu.memory_space<vmem>> -> memref<40xi32, #tpu.memory_space<vmem>>
      %dma_wait3A_206 = arith.constant 0 : i32
      %dma_wait3A_207 = arith.constant 0 : i32
      %dma_wait3A_208 = tpu.memref_slice %arg6[%dma_wait3A_206, %dma_wait3A_207] : memref<10000x128xf32, #tpu.memory_space<vmem_shared>> -> memref<10000x128xf32, #tpu.memory_space<vmem_shared>>
      tpu.wait_indirect_dma semaphore(%arg17 : memref<!tpu.dma_semaphore, #tpu.memory_space<semaphore_mem>>) src(%dma_wait3A_208 : memref<10000x128xf32, #tpu.memory_space<vmem_shared>>) dst(%arg13 : memref<40x128xf32, #tpu.memory_space<vmem>>)
      %dma_wait3A_209 = arith.constant 0 : i32
      %dma_wait3A_210 = tpu.memref_slice %arg5[%add3A, %dma_wait3A_209] : memref<320000x128xf32, #tpu.memory_space<hbm>> -> memref<40x128xf32, #tpu.memory_space<hbm>>
      %dma_wait3A_211 = arith.constant 0 : i32
      %dma_wait3A_212 = tpu.memref_slice %arg5[%add3A, %dma_wait3A_211] : memref<320000x128xf32, #tpu.memory_space<hbm>> -> memref<40x128xf32, #tpu.memory_space<hbm>>
      tpu.wait_dma2 semaphore(%arg19 : memref<!tpu.dma_semaphore, #tpu.memory_space<semaphore_mem>>) src(%arg15 : memref<40x128xf32, #tpu.memory_space<vmem>>) dst(%dma_wait3A_212 : memref<40x128xf32, #tpu.memory_space<hbm>>)
      %parallel_loop3A = arith.constant 0 : i32
      %parallel_loop3A_213 = arith.constant 40 : i32
      %parallel_loop3A_214 = arith.constant 1 : i32
      scf.for %parallel_loop3A_262 = %parallel_loop3A to %parallel_loop3A_213 step %parallel_loop3A_214  : i32 {
        %parallel_loop3A_263 = arith.index_cast %parallel_loop3A_262 : i32 to index
        %parallel_loop3A_264 = arith.constant 0 : index
        %parallel_loop3A_265 = tpu.vector_load %arg11[%parallel_loop3A_263, %parallel_loop3A_264] {strides = array<i32>} : memref<40x128xf32, #tpu.memory_space<vmem>>, vector<1x16xf32>,
        %parallel_loop3A_266 = vector.shape_cast %parallel_loop3A_265 : vector<1x16xf32> to vector<16xf32>
        %parallel_loop3A_267 = arith.index_cast %parallel_loop3A_262 : i32 to index
        %parallel_loop3A_268 = arith.constant 0 : index
        %parallel_loop3A_269 = tpu.vector_load %arg13[%parallel_loop3A_267, %parallel_loop3A_268] {strides = array<i32>} : memref<40x128xf32, #tpu.memory_space<vmem>>, vector<1x16xf32>,
        %parallel_loop3A_270 = vector.shape_cast %parallel_loop3A_269 : vector<1x16xf32> to vector<16xf32>
        %parallel_loop3A_271 = arith.subf %parallel_loop3A_266, %parallel_loop3A_270 : vector<16xf32>
        %parallel_loop3A_272 = arith.index_cast %parallel_loop3A_262 : i32 to index
        %parallel_loop3A_273 = arith.constant 0 : index
        %parallel_loop3A_274 = tpu.vector_load %arg15[%parallel_loop3A_272, %parallel_loop3A_273] {strides = array<i32>} : memref<40x128xf32, #tpu.memory_space<vmem>>, vector<1x16xf32>,
        %parallel_loop3A_275 = vector.shape_cast %parallel_loop3A_274 : vector<1x16xf32> to vector<16xf32>
        %parallel_loop3A_276 = vector.shape_cast %parallel_loop3A_271 : vector<16xf32> to vector<1x16xf32>
        tpu.vector_store %arg15[%parallel_loop3A_272, %parallel_loop3A_273], %parallel_loop3A_276 {strides = array<i32>} : memref<40x128xf32, #tpu.memory_space<vmem>>, vector<1x16xf32>,
        %parallel_loop3A_277 = arith.index_cast %parallel_loop3A_262 : i32 to index
        %parallel_loop3A_278 = arith.constant 16 : index
        %parallel_loop3A_279 = tpu.vector_load %arg11[%parallel_loop3A_277, %parallel_loop3A_278] {strides = array<i32>} : memref<40x128xf32, #tpu.memory_space<vmem>>, vector<1x16xf32>,
        %parallel_loop3A_280 = vector.shape_cast %parallel_loop3A_279 : vector<1x16xf32> to vector<16xf32>
        %parallel_loop3A_281 = arith.index_cast %parallel_loop3A_262 : i32 to index
        %parallel_loop3A_282 = arith.constant 16 : index
        %parallel_loop3A_283 = tpu.vector_load %arg13[%parallel_loop3A_281, %parallel_loop3A_282] {strides = array<i32>} : memref<40x128xf32, #tpu.memory_space<vmem>>, vector<1x16xf32>,
        %parallel_loop3A_284 = vector.shape_cast %parallel_loop3A_283 : vector<1x16xf32> to vector<16xf32>
        %parallel_loop3A_285 = arith.subf %parallel_loop3A_280, %parallel_loop3A_284 : vector<16xf32>
        %parallel_loop3A_286 = arith.index_cast %parallel_loop3A_262 : i32 to index
        %parallel_loop3A_287 = arith.constant 16 : index
        %parallel_loop3A_288 = tpu.vector_load %arg15[%parallel_loop3A_286, %parallel_loop3A_287] {strides = array<i32>} : memref<40x128xf32, #tpu.memory_space<vmem>>, vector<1x16xf32>,
        %parallel_loop3A_289 = vector.shape_cast %parallel_loop3A_288 : vector<1x16xf32> to vector<16xf32>
        %parallel_loop3A_290 = vector.shape_cast %parallel_loop3A_285 : vector<16xf32> to vector<1x16xf32>
        tpu.vector_store %arg15[%parallel_loop3A_286, %parallel_loop3A_287], %parallel_loop3A_290 {strides = array<i32>} : memref<40x128xf32, #tpu.memory_space<vmem>>, vector<1x16xf32>,
        %parallel_loop3A_291 = arith.index_cast %parallel_loop3A_262 : i32 to index
        %parallel_loop3A_292 = arith.constant 32 : index
        %parallel_loop3A_293 = tpu.vector_load %arg11[%parallel_loop3A_291, %parallel_loop3A_292] {strides = array<i32>} : memref<40x128xf32, #tpu.memory_space<vmem>>, vector<1x16xf32>,
        %parallel_loop3A_294 = vector.shape_cast %parallel_loop3A_293 : vector<1x16xf32> to vector<16xf32>
        %parallel_loop3A_295 = arith.index_cast %parallel_loop3A_262 : i32 to index
        %parallel_loop3A_296 = arith.constant 32 : index
        %parallel_loop3A_297 = tpu.vector_load %arg13[%parallel_loop3A_295, %parallel_loop3A_296] {strides = array<i32>} : memref<40x128xf32, #tpu.memory_space<vmem>>, vector<1x16xf32>,
        %parallel_loop3A_298 = vector.shape_cast %parallel_loop3A_297 : vector<1x16xf32> to vector<16xf32>
        %parallel_loop3A_299 = arith.subf %parallel_loop3A_294, %parallel_loop3A_298 : vector<16xf32>
        %parallel_loop3A_300 = arith.index_cast %parallel_loop3A_262 : i32 to index
        %parallel_loop3A_301 = arith.constant 32 : index
        %parallel_loop3A_302 = tpu.vector_load %arg15[%parallel_loop3A_300, %parallel_loop3A_301] {strides = array<i32>} : memref<40x128xf32, #tpu.memory_space<vmem>>, vector<1x16xf32>,
        %parallel_loop3A_303 = vector.shape_cast %parallel_loop3A_302 : vector<1x16xf32> to vector<16xf32>
        %parallel_loop3A_304 = vector.shape_cast %parallel_loop3A_299 : vector<16xf32> to vector<1x16xf32>
        tpu.vector_store %arg15[%parallel_loop3A_300, %parallel_loop3A_301], %parallel_loop3A_304 {strides = array<i32>} : memref<40x128xf32, #tpu.memory_space<vmem>>, vector<1x16xf32>,
        %parallel_loop3A_305 = arith.index_cast %parallel_loop3A_262 : i32 to index
        %parallel_loop3A_306 = arith.constant 48 : index
        %parallel_loop3A_307 = tpu.vector_load %arg11[%parallel_loop3A_305, %parallel_loop3A_306] {strides = array<i32>} : memref<40x128xf32, #tpu.memory_space<vmem>>, vector<1x16xf32>,
        %parallel_loop3A_308 = vector.shape_cast %parallel_loop3A_307 : vector<1x16xf32> to vector<16xf32>
        %parallel_loop3A_309 = arith.index_cast %parallel_loop3A_262 : i32 to index
        %parallel_loop3A_310 = arith.constant 48 : index
        %parallel_loop3A_311 = tpu.vector_load %arg13[%parallel_loop3A_309, %parallel_loop3A_310] {strides = array<i32>} : memref<40x128xf32, #tpu.memory_space<vmem>>, vector<1x16xf32>,
        %parallel_loop3A_312 = vector.shape_cast %parallel_loop3A_311 : vector<1x16xf32> to vector<16xf32>
        %parallel_loop3A_313 = arith.subf %parallel_loop3A_308, %parallel_loop3A_312 : vector<16xf32>
        %parallel_loop3A_314 = arith.index_cast %parallel_loop3A_262 : i32 to index
        %parallel_loop3A_315 = arith.constant 48 : index
        %parallel_loop3A_316 = tpu.vector_load %arg15[%parallel_loop3A_314, %parallel_loop3A_315] {strides = array<i32>} : memref<40x128xf32, #tpu.memory_space<vmem>>, vector<1x16xf32>,
        %parallel_loop3A_317 = vector.shape_cast %parallel_loop3A_316 : vector<1x16xf32> to vector<16xf32>
        %parallel_loop3A_318 = vector.shape_cast %parallel_loop3A_313 : vector<16xf32> to vector<1x16xf32>
        tpu.vector_store %arg15[%parallel_loop3A_314, %parallel_loop3A_315], %parallel_loop3A_318 {strides = array<i32>} : memref<40x128xf32, #tpu.memory_space<vmem>>, vector<1x16xf32>,
        %parallel_loop3A_319 = arith.index_cast %parallel_loop3A_262 : i32 to index
        %parallel_loop3A_320 = arith.constant 64 : index
        %parallel_loop3A_321 = tpu.vector_load %arg11[%parallel_loop3A_319, %parallel_loop3A_320] {strides = array<i32>} : memref<40x128xf32, #tpu.memory_space<vmem>>, vector<1x16xf32>,
        %parallel_loop3A_322 = vector.shape_cast %parallel_loop3A_321 : vector<1x16xf32> to vector<16xf32>
        %parallel_loop3A_323 = arith.index_cast %parallel_loop3A_262 : i32 to index
        %parallel_loop3A_324 = arith.constant 64 : index
        %parallel_loop3A_325 = tpu.vector_load %arg13[%parallel_loop3A_323, %parallel_loop3A_324] {strides = array<i32>} : memref<40x128xf32, #tpu.memory_space<vmem>>, vector<1x16xf32>,
        %parallel_loop3A_326 = vector.shape_cast %parallel_loop3A_325 : vector<1x16xf32> to vector<16xf32>
        %parallel_loop3A_327 = arith.subf %parallel_loop3A_322, %parallel_loop3A_326 : vector<16xf32>
        %parallel_loop3A_328 = arith.index_cast %parallel_loop3A_262 : i32 to index
        %parallel_loop3A_329 = arith.constant 64 : index
        %parallel_loop3A_330 = tpu.vector_load %arg15[%parallel_loop3A_328, %parallel_loop3A_329] {strides = array<i32>} : memref<40x128xf32, #tpu.memory_space<vmem>>, vector<1x16xf32>,
        %parallel_loop3A_331 = vector.shape_cast %parallel_loop3A_330 : vector<1x16xf32> to vector<16xf32>
        %parallel_loop3A_332 = vector.shape_cast %parallel_loop3A_327 : vector<16xf32> to vector<1x16xf32>
        tpu.vector_store %arg15[%parallel_loop3A_328, %parallel_loop3A_329], %parallel_loop3A_332 {strides = array<i32>} : memref<40x128xf32, #tpu.memory_space<vmem>>, vector<1x16xf32>,
        %parallel_loop3A_333 = arith.index_cast %parallel_loop3A_262 : i32 to index
        %parallel_loop3A_334 = arith.constant 80 : index
        %parallel_loop3A_335 = tpu.vector_load %arg11[%parallel_loop3A_333, %parallel_loop3A_334] {strides = array<i32>} : memref<40x128xf32, #tpu.memory_space<vmem>>, vector<1x16xf32>,
        %parallel_loop3A_336 = vector.shape_cast %parallel_loop3A_335 : vector<1x16xf32> to vector<16xf32>
        %parallel_loop3A_337 = arith.index_cast %parallel_loop3A_262 : i32 to index
        %parallel_loop3A_338 = arith.constant 80 : index
        %parallel_loop3A_339 = tpu.vector_load %arg13[%parallel_loop3A_337, %parallel_loop3A_338] {strides = array<i32>} : memref<40x128xf32, #tpu.memory_space<vmem>>, vector<1x16xf32>,
        %parallel_loop3A_340 = vector.shape_cast %parallel_loop3A_339 : vector<1x16xf32> to vector<16xf32>
        %parallel_loop3A_341 = arith.subf %parallel_loop3A_336, %parallel_loop3A_340 : vector<16xf32>
        %parallel_loop3A_342 = arith.index_cast %parallel_loop3A_262 : i32 to index
        %parallel_loop3A_343 = arith.constant 80 : index
        %parallel_loop3A_344 = tpu.vector_load %arg15[%parallel_loop3A_342, %parallel_loop3A_343] {strides = array<i32>} : memref<40x128xf32, #tpu.memory_space<vmem>>, vector<1x16xf32>,
        %parallel_loop3A_345 = vector.shape_cast %parallel_loop3A_344 : vector<1x16xf32> to vector<16xf32>
        %parallel_loop3A_346 = vector.shape_cast %parallel_loop3A_341 : vector<16xf32> to vector<1x16xf32>
        tpu.vector_store %arg15[%parallel_loop3A_342, %parallel_loop3A_343], %parallel_loop3A_346 {strides = array<i32>} : memref<40x128xf32, #tpu.memory_space<vmem>>, vector<1x16xf32>,
        %parallel_loop3A_347 = arith.index_cast %parallel_loop3A_262 : i32 to index
        %parallel_loop3A_348 = arith.constant 96 : index
        %parallel_loop3A_349 = tpu.vector_load %arg11[%parallel_loop3A_347, %parallel_loop3A_348] {strides = array<i32>} : memref<40x128xf32, #tpu.memory_space<vmem>>, vector<1x16xf32>,
        %parallel_loop3A_350 = vector.shape_cast %parallel_loop3A_349 : vector<1x16xf32> to vector<16xf32>
        %parallel_loop3A_351 = arith.index_cast %parallel_loop3A_262 : i32 to index
        %parallel_loop3A_352 = arith.constant 96 : index
        %parallel_loop3A_353 = tpu.vector_load %arg13[%parallel_loop3A_351, %parallel_loop3A_352] {strides = array<i32>} : memref<40x128xf32, #tpu.memory_space<vmem>>, vector<1x16xf32>,
        %parallel_loop3A_354 = vector.shape_cast %parallel_loop3A_353 : vector<1x16xf32> to vector<16xf32>
        %parallel_loop3A_355 = arith.subf %parallel_loop3A_350, %parallel_loop3A_354 : vector<16xf32>
        %parallel_loop3A_356 = arith.index_cast %parallel_loop3A_262 : i32 to index
        %parallel_loop3A_357 = arith.constant 96 : index
        %parallel_loop3A_358 = tpu.vector_load %arg15[%parallel_loop3A_356, %parallel_loop3A_357] {strides = array<i32>} : memref<40x128xf32, #tpu.memory_space<vmem>>, vector<1x16xf32>,
        %parallel_loop3A_359 = vector.shape_cast %parallel_loop3A_358 : vector<1x16xf32> to vector<16xf32>
        %parallel_loop3A_360 = vector.shape_cast %parallel_loop3A_355 : vector<16xf32> to vector<1x16xf32>
        tpu.vector_store %arg15[%parallel_loop3A_356, %parallel_loop3A_357], %parallel_loop3A_360 {strides = array<i32>} : memref<40x128xf32, #tpu.memory_space<vmem>>, vector<1x16xf32>,
        %parallel_loop3A_361 = arith.index_cast %parallel_loop3A_262 : i32 to index
        %parallel_loop3A_362 = arith.constant 112 : index
        %parallel_loop3A_363 = tpu.vector_load %arg11[%parallel_loop3A_361, %parallel_loop3A_362] {strides = array<i32>} : memref<40x128xf32, #tpu.memory_space<vmem>>, vector<1x16xf32>,
        %parallel_loop3A_364 = vector.shape_cast %parallel_loop3A_363 : vector<1x16xf32> to vector<16xf32>
        %parallel_loop3A_365 = arith.index_cast %parallel_loop3A_262 : i32 to index
        %parallel_loop3A_366 = arith.constant 112 : index
        %parallel_loop3A_367 = tpu.vector_load %arg13[%parallel_loop3A_365, %parallel_loop3A_366] {strides = array<i32>} : memref<40x128xf32, #tpu.memory_space<vmem>>, vector<1x16xf32>,
        %parallel_loop3A_368 = vector.shape_cast %parallel_loop3A_367 : vector<1x16xf32> to vector<16xf32>
        %parallel_loop3A_369 = arith.subf %parallel_loop3A_364, %parallel_loop3A_368 : vector<16xf32>
        %parallel_loop3A_370 = arith.index_cast %parallel_loop3A_262 : i32 to index
        %parallel_loop3A_371 = arith.constant 112 : index
        %parallel_loop3A_372 = tpu.vector_load %arg15[%parallel_loop3A_370, %parallel_loop3A_371] {strides = array<i32>} : memref<40x128xf32, #tpu.memory_space<vmem>>, vector<1x16xf32>,
        %parallel_loop3A_373 = vector.shape_cast %parallel_loop3A_372 : vector<1x16xf32> to vector<16xf32>
        %parallel_loop3A_374 = vector.shape_cast %parallel_loop3A_369 : vector<16xf32> to vector<1x16xf32>
        tpu.vector_store %arg15[%parallel_loop3A_370, %parallel_loop3A_371], %parallel_loop3A_374 {strides = array<i32>} : memref<40x128xf32, #tpu.memory_space<vmem>>, vector<1x16xf32>,
      } {sc.loop_unroll_factor = 8 : i64, sc.parallel_access}
      %lt3A_215 = arith.constant 48 : i32
      %lt3A_216 = arith.cmpi slt, %add3A_196, %lt3A_215 : i32
      %convert_element_type3A_217 = arith.extui %lt3A_216 : i1 to i32
      %cond3A_218 = arith.constant 0 : i32
      %cond3A_219 = arith.cmpi ne, %convert_element_type3A_217, %cond3A_218 : i32
      scf.if %cond3A_219 {
        %add3A_262 = arith.constant 2 : i32
        %add3A_263 = arith.addi %add3A_196, %add3A_262 : i32
        %mul3A_264 = arith.constant 40 : i32
        %mul3A_265 = arith.muli %add3A_263, %mul3A_264 : i32
        %dma_start3A_266 = tpu.memref_slice %arg7[%mul3A_265] : memref<2000xi32, #tpu.memory_space<vmem>> -> memref<40xi32, #tpu.memory_space<vmem>>
        %dma_start3A_267 = arith.constant 0 : i32
        %dma_start3A_268 = arith.constant 0 : i32
        %dma_start3A_269 = tpu.memref_slice %arg6[%dma_start3A_267, %dma_start3A_268] : memref<10000x128xf32, #tpu.memory_space<vmem_shared>> -> memref<10000x128xf32, #tpu.memory_space<vmem_shared>>
        tpu.enqueue_indirect_dma source(%dma_start3A_269 : memref<10000x128xf32, #tpu.memory_space<vmem_shared>>) target(%arg11 : memref<40x128xf32, #tpu.memory_space<vmem>>) offsets(%dma_start3A_266 : memref<40xi32, #tpu.memory_space<vmem>>) semaphore(%arg17 : memref<!tpu.dma_semaphore, #tpu.memory_space<semaphore_mem>>)
        %mul3A_270 = arith.constant 40 : i32
        %mul3A_271 = arith.muli %add3A_263, %mul3A_270 : i32
        %dma_start3A_272 = tpu.memref_slice %arg8[%mul3A_271] : memref<2000xi32, #tpu.memory_space<vmem>> -> memref<40xi32, #tpu.memory_space<vmem>>
        %dma_start3A_273 = arith.constant 0 : i32
        %dma_start3A_274 = arith.constant 0 : i32
        %dma_start3A_275 = tpu.memref_slice %arg6[%dma_start3A_273, %dma_start3A_274] : memref<10000x128xf32, #tpu.memory_space<vmem_shared>> -> memref<10000x128xf32, #tpu.memory_space<vmem_shared>>
        tpu.enqueue_indirect_dma source(%dma_start3A_275 : memref<10000x128xf32, #tpu.memory_space<vmem_shared>>) target(%arg13 : memref<40x128xf32, #tpu.memory_space<vmem>>) offsets(%dma_start3A_272 : memref<40xi32, #tpu.memory_space<vmem>>) semaphore(%arg17 : memref<!tpu.dma_semaphore, #tpu.memory_space<semaphore_mem>>)
      } else {
      }
      %mul3A_220 = arith.constant 40 : i32
      %mul3A_221 = arith.muli %add3A_198, %mul3A_220 : i32
      %add3A_222 = arith.addi %add3A, %mul3A_221 : i32
      %dma_start3A_223 = arith.constant 0 : i32
      %dma_start3A_224 = tpu.memref_slice %arg5[%add3A_222, %dma_start3A_223] : memref<320000x128xf32, #tpu.memory_space<hbm>> -> memref<40x128xf32, #tpu.memory_space<hbm>>
      %dma_start3A_225 = arith.constant 0 : i32
      %dma_start3A_226 = tpu.memref_slice %arg5[%add3A_222, %dma_start3A_225] : memref<320000x128xf32, #tpu.memory_space<hbm>> -> memref<40x128xf32, #tpu.memory_space<hbm>>
      tpu.enqueue_dma source(%arg15 : memref<40x128xf32, #tpu.memory_space<vmem>>) target(%dma_start3A_226 : memref<40x128xf32, #tpu.memory_space<hbm>>) target_semaphore(%arg19 : memref<!tpu.dma_semaphore, #tpu.memory_space<semaphore_mem>>)
      %mul3A_227 = arith.constant 2 : i32
      %mul3A_228 = arith.muli %scan3A_192, %mul3A_227 : i32
      %add3A_229 = arith.constant 1 : i32
      %add3A_230 = arith.addi %mul3A_228, %add3A_229 : i32
      %add3A_231 = arith.constant 100 : i32
      %add3A_232 = arith.addi %add3A_231, %add3A_230 : i32
      %dma_wait3A_233 = arith.constant 0 : i32
      %dma_wait3A_234 = tpu.memref_slice %arg7[%dma_wait3A_233] : memref<2000xi32, #tpu.memory_space<vmem>> -> memref<40xi32, #tpu.memory_space<vmem>>
      %dma_wait3A_235 = arith.constant 0 : i32
      %dma_wait3A_236 = arith.constant 0 : i32
      %dma_wait3A_237 = tpu.memref_slice %arg6[%dma_wait3A_235, %dma_wait3A_236] : memref<10000x128xf32, #tpu.memory_space<vmem_shared>> -> memref<10000x128xf32, #tpu.memory_space<vmem_shared>>
      tpu.wait_indirect_dma semaphore(%arg18 : memref<!tpu.dma_semaphore, #tpu.memory_space<semaphore_mem>>) src(%dma_wait3A_237 : memref<10000x128xf32, #tpu.memory_space<vmem_shared>>) dst(%arg12 : memref<40x128xf32, #tpu.memory_space<vmem>>)
      %dma_wait3A_238 = arith.constant 0 : i32
      %dma_wait3A_239 = tpu.memref_slice %arg8[%dma_wait3A_238] : memref<2000xi32, #tpu.memory_space<vmem>> -> memref<40xi32, #tpu.memory_space<vmem>>
      %dma_wait3A_240 = arith.constant 0 : i32
      %dma_wait3A_241 = arith.constant 0 : i32
      %dma_wait3A_242 = tpu.memref_slice %arg6[%dma_wait3A_240, %dma_wait3A_241] : memref<10000x128xf32, #tpu.memory_space<vmem_shared>> -> memref<10000x128xf32, #tpu.memory_space<vmem_shared>>
      tpu.wait_indirect_dma semaphore(%arg18 : memref<!tpu.dma_semaphore, #tpu.memory_space<semaphore_mem>>) src(%dma_wait3A_242 : memref<10000x128xf32, #tpu.memory_space<vmem_shared>>) dst(%arg14 : memref<40x128xf32, #tpu.memory_space<vmem>>)
      %dma_wait3A_243 = arith.constant 0 : i32
      %dma_wait3A_244 = tpu.memref_slice %arg5[%add3A, %dma_wait3A_243] : memref<320000x128xf32, #tpu.memory_space<hbm>> -> memref<40x128xf32, #tpu.memory_space<hbm>>
      %dma_wait3A_245 = arith.constant 0 : i32
      %dma_wait3A_246 = tpu.memref_slice %arg5[%add3A, %dma_wait3A_245] : memref<320000x128xf32, #tpu.memory_space<hbm>> -> memref<40x128xf32, #tpu.memory_space<hbm>>
      tpu.wait_dma2 semaphore(%arg20 : memref<!tpu.dma_semaphore, #tpu.memory_space<semaphore_mem>>) src(%arg16 : memref<40x128xf32, #tpu.memory_space<vmem>>) dst(%dma_wait3A_246 : memref<40x128xf32, #tpu.memory_space<hbm>>)
      %parallel_loop3A_247 = arith.constant 0 : i32
      %parallel_loop3A_248 = arith.constant 40 : i32
      %parallel_loop3A_249 = arith.constant 1 : i32
      scf.for %parallel_loop3A_262 = %parallel_loop3A_247 to %parallel_loop3A_248 step %parallel_loop3A_249  : i32 {
        %parallel_loop3A_263 = arith.index_cast %parallel_loop3A_262 : i32 to index
        %parallel_loop3A_264 = arith.constant 0 : index
        %parallel_loop3A_265 = tpu.vector_load %arg12[%parallel_loop3A_263, %parallel_loop3A_264] {strides = array<i32>} : memref<40x128xf32, #tpu.memory_space<vmem>>, vector<1x16xf32>,
        %parallel_loop3A_266 = vector.shape_cast %parallel_loop3A_265 : vector<1x16xf32> to vector<16xf32>
        %parallel_loop3A_267 = arith.index_cast %parallel_loop3A_262 : i32 to index
        %parallel_loop3A_268 = arith.constant 0 : index
        %parallel_loop3A_269 = tpu.vector_load %arg14[%parallel_loop3A_267, %parallel_loop3A_268] {strides = array<i32>} : memref<40x128xf32, #tpu.memory_space<vmem>>, vector<1x16xf32>,
        %parallel_loop3A_270 = vector.shape_cast %parallel_loop3A_269 : vector<1x16xf32> to vector<16xf32>
        %parallel_loop3A_271 = arith.subf %parallel_loop3A_266, %parallel_loop3A_270 : vector<16xf32>
        %parallel_loop3A_272 = arith.index_cast %parallel_loop3A_262 : i32 to index
        %parallel_loop3A_273 = arith.constant 0 : index
        %parallel_loop3A_274 = tpu.vector_load %arg16[%parallel_loop3A_272, %parallel_loop3A_273] {strides = array<i32>} : memref<40x128xf32, #tpu.memory_space<vmem>>, vector<1x16xf32>,
        %parallel_loop3A_275 = vector.shape_cast %parallel_loop3A_274 : vector<1x16xf32> to vector<16xf32>
        %parallel_loop3A_276 = vector.shape_cast %parallel_loop3A_271 : vector<16xf32> to vector<1x16xf32>
        tpu.vector_store %arg16[%parallel_loop3A_272, %parallel_loop3A_273], %parallel_loop3A_276 {strides = array<i32>} : memref<40x128xf32, #tpu.memory_space<vmem>>, vector<1x16xf32>,
        %parallel_loop3A_277 = arith.index_cast %parallel_loop3A_262 : i32 to index
        %parallel_loop3A_278 = arith.constant 16 : index
        %parallel_loop3A_279 = tpu.vector_load %arg12[%parallel_loop3A_277, %parallel_loop3A_278] {strides = array<i32>} : memref<40x128xf32, #tpu.memory_space<vmem>>, vector<1x16xf32>,
        %parallel_loop3A_280 = vector.shape_cast %parallel_loop3A_279 : vector<1x16xf32> to vector<16xf32>
        %parallel_loop3A_281 = arith.index_cast %parallel_loop3A_262 : i32 to index
        %parallel_loop3A_282 = arith.constant 16 : index
        %parallel_loop3A_283 = tpu.vector_load %arg14[%parallel_loop3A_281, %parallel_loop3A_282] {strides = array<i32>} : memref<40x128xf32, #tpu.memory_space<vmem>>, vector<1x16xf32>,
        %parallel_loop3A_284 = vector.shape_cast %parallel_loop3A_283 : vector<1x16xf32> to vector<16xf32>
        %parallel_loop3A_285 = arith.subf %parallel_loop3A_280, %parallel_loop3A_284 : vector<16xf32>
        %parallel_loop3A_286 = arith.index_cast %parallel_loop3A_262 : i32 to index
        %parallel_loop3A_287 = arith.constant 16 : index
        %parallel_loop3A_288 = tpu.vector_load %arg16[%parallel_loop3A_286, %parallel_loop3A_287] {strides = array<i32>} : memref<40x128xf32, #tpu.memory_space<vmem>>, vector<1x16xf32>,
        %parallel_loop3A_289 = vector.shape_cast %parallel_loop3A_288 : vector<1x16xf32> to vector<16xf32>
        %parallel_loop3A_290 = vector.shape_cast %parallel_loop3A_285 : vector<16xf32> to vector<1x16xf32>
        tpu.vector_store %arg16[%parallel_loop3A_286, %parallel_loop3A_287], %parallel_loop3A_290 {strides = array<i32>} : memref<40x128xf32, #tpu.memory_space<vmem>>, vector<1x16xf32>,
        %parallel_loop3A_291 = arith.index_cast %parallel_loop3A_262 : i32 to index
        %parallel_loop3A_292 = arith.constant 32 : index
        %parallel_loop3A_293 = tpu.vector_load %arg12[%parallel_loop3A_291, %parallel_loop3A_292] {strides = array<i32>} : memref<40x128xf32, #tpu.memory_space<vmem>>, vector<1x16xf32>,
        %parallel_loop3A_294 = vector.shape_cast %parallel_loop3A_293 : vector<1x16xf32> to vector<16xf32>
        %parallel_loop3A_295 = arith.index_cast %parallel_loop3A_262 : i32 to index
        %parallel_loop3A_296 = arith.constant 32 : index
        %parallel_loop3A_297 = tpu.vector_load %arg14[%parallel_loop3A_295, %parallel_loop3A_296] {strides = array<i32>} : memref<40x128xf32, #tpu.memory_space<vmem>>, vector<1x16xf32>,
        %parallel_loop3A_298 = vector.shape_cast %parallel_loop3A_297 : vector<1x16xf32> to vector<16xf32>
        %parallel_loop3A_299 = arith.subf %parallel_loop3A_294, %parallel_loop3A_298 : vector<16xf32>
        %parallel_loop3A_300 = arith.index_cast %parallel_loop3A_262 : i32 to index
        %parallel_loop3A_301 = arith.constant 32 : index
        %parallel_loop3A_302 = tpu.vector_load %arg16[%parallel_loop3A_300, %parallel_loop3A_301] {strides = array<i32>} : memref<40x128xf32, #tpu.memory_space<vmem>>, vector<1x16xf32>,
        %parallel_loop3A_303 = vector.shape_cast %parallel_loop3A_302 : vector<1x16xf32> to vector<16xf32>
        %parallel_loop3A_304 = vector.shape_cast %parallel_loop3A_299 : vector<16xf32> to vector<1x16xf32>
        tpu.vector_store %arg16[%parallel_loop3A_300, %parallel_loop3A_301], %parallel_loop3A_304 {strides = array<i32>} : memref<40x128xf32, #tpu.memory_space<vmem>>, vector<1x16xf32>,
        %parallel_loop3A_305 = arith.index_cast %parallel_loop3A_262 : i32 to index
        %parallel_loop3A_306 = arith.constant 48 : index
        %parallel_loop3A_307 = tpu.vector_load %arg12[%parallel_loop3A_305, %parallel_loop3A_306] {strides = array<i32>} : memref<40x128xf32, #tpu.memory_space<vmem>>, vector<1x16xf32>,
        %parallel_loop3A_308 = vector.shape_cast %parallel_loop3A_307 : vector<1x16xf32> to vector<16xf32>
        %parallel_loop3A_309 = arith.index_cast %parallel_loop3A_262 : i32 to index
        %parallel_loop3A_310 = arith.constant 48 : index
        %parallel_loop3A_311 = tpu.vector_load %arg14[%parallel_loop3A_309, %parallel_loop3A_310] {strides = array<i32>} : memref<40x128xf32, #tpu.memory_space<vmem>>, vector<1x16xf32>,
        %parallel_loop3A_312 = vector.shape_cast %parallel_loop3A_311 : vector<1x16xf32> to vector<16xf32>
        %parallel_loop3A_313 = arith.subf %parallel_loop3A_308, %parallel_loop3A_312 : vector<16xf32>
        %parallel_loop3A_314 = arith.index_cast %parallel_loop3A_262 : i32 to index
        %parallel_loop3A_315 = arith.constant 48 : index
        %parallel_loop3A_316 = tpu.vector_load %arg16[%parallel_loop3A_314, %parallel_loop3A_315] {strides = array<i32>} : memref<40x128xf32, #tpu.memory_space<vmem>>, vector<1x16xf32>,
        %parallel_loop3A_317 = vector.shape_cast %parallel_loop3A_316 : vector<1x16xf32> to vector<16xf32>
        %parallel_loop3A_318 = vector.shape_cast %parallel_loop3A_313 : vector<16xf32> to vector<1x16xf32>
        tpu.vector_store %arg16[%parallel_loop3A_314, %parallel_loop3A_315], %parallel_loop3A_318 {strides = array<i32>} : memref<40x128xf32, #tpu.memory_space<vmem>>, vector<1x16xf32>,
        %parallel_loop3A_319 = arith.index_cast %parallel_loop3A_262 : i32 to index
        %parallel_loop3A_320 = arith.constant 64 : index
        %parallel_loop3A_321 = tpu.vector_load %arg12[%parallel_loop3A_319, %parallel_loop3A_320] {strides = array<i32>} : memref<40x128xf32, #tpu.memory_space<vmem>>, vector<1x16xf32>,
        %parallel_loop3A_322 = vector.shape_cast %parallel_loop3A_321 : vector<1x16xf32> to vector<16xf32>
        %parallel_loop3A_323 = arith.index_cast %parallel_loop3A_262 : i32 to index
        %parallel_loop3A_324 = arith.constant 64 : index
        %parallel_loop3A_325 = tpu.vector_load %arg14[%parallel_loop3A_323, %parallel_loop3A_324] {strides = array<i32>} : memref<40x128xf32, #tpu.memory_space<vmem>>, vector<1x16xf32>,
        %parallel_loop3A_326 = vector.shape_cast %parallel_loop3A_325 : vector<1x16xf32> to vector<16xf32>
        %parallel_loop3A_327 = arith.subf %parallel_loop3A_322, %parallel_loop3A_326 : vector<16xf32>
        %parallel_loop3A_328 = arith.index_cast %parallel_loop3A_262 : i32 to index
        %parallel_loop3A_329 = arith.constant 64 : index
        %parallel_loop3A_330 = tpu.vector_load %arg16[%parallel_loop3A_328, %parallel_loop3A_329] {strides = array<i32>} : memref<40x128xf32, #tpu.memory_space<vmem>>, vector<1x16xf32>,
        %parallel_loop3A_331 = vector.shape_cast %parallel_loop3A_330 : vector<1x16xf32> to vector<16xf32>
        %parallel_loop3A_332 = vector.shape_cast %parallel_loop3A_327 : vector<16xf32> to vector<1x16xf32>
        tpu.vector_store %arg16[%parallel_loop3A_328, %parallel_loop3A_329], %parallel_loop3A_332 {strides = array<i32>} : memref<40x128xf32, #tpu.memory_space<vmem>>, vector<1x16xf32>,
        %parallel_loop3A_333 = arith.index_cast %parallel_loop3A_262 : i32 to index
        %parallel_loop3A_334 = arith.constant 80 : index
        %parallel_loop3A_335 = tpu.vector_load %arg12[%parallel_loop3A_333, %parallel_loop3A_334] {strides = array<i32>} : memref<40x128xf32, #tpu.memory_space<vmem>>, vector<1x16xf32>,
        %parallel_loop3A_336 = vector.shape_cast %parallel_loop3A_335 : vector<1x16xf32> to vector<16xf32>
        %parallel_loop3A_337 = arith.index_cast %parallel_loop3A_262 : i32 to index
        %parallel_loop3A_338 = arith.constant 80 : index
        %parallel_loop3A_339 = tpu.vector_load %arg14[%parallel_loop3A_337, %parallel_loop3A_338] {strides = array<i32>} : memref<40x128xf32, #tpu.memory_space<vmem>>, vector<1x16xf32>,
        %parallel_loop3A_340 = vector.shape_cast %parallel_loop3A_339 : vector<1x16xf32> to vector<16xf32>
        %parallel_loop3A_341 = arith.subf %parallel_loop3A_336, %parallel_loop3A_340 : vector<16xf32>
        %parallel_loop3A_342 = arith.index_cast %parallel_loop3A_262 : i32 to index
        %parallel_loop3A_343 = arith.constant 80 : index
        %parallel_loop3A_344 = tpu.vector_load %arg16[%parallel_loop3A_342, %parallel_loop3A_343] {strides = array<i32>} : memref<40x128xf32, #tpu.memory_space<vmem>>, vector<1x16xf32>,
        %parallel_loop3A_345 = vector.shape_cast %parallel_loop3A_344 : vector<1x16xf32> to vector<16xf32>
        %parallel_loop3A_346 = vector.shape_cast %parallel_loop3A_341 : vector<16xf32> to vector<1x16xf32>
        tpu.vector_store %arg16[%parallel_loop3A_342, %parallel_loop3A_343], %parallel_loop3A_346 {strides = array<i32>} : memref<40x128xf32, #tpu.memory_space<vmem>>, vector<1x16xf32>,
        %parallel_loop3A_347 = arith.index_cast %parallel_loop3A_262 : i32 to index
        %parallel_loop3A_348 = arith.constant 96 : index
        %parallel_loop3A_349 = tpu.vector_load %arg12[%parallel_loop3A_347, %parallel_loop3A_348] {strides = array<i32>} : memref<40x128xf32, #tpu.memory_space<vmem>>, vector<1x16xf32>,
        %parallel_loop3A_350 = vector.shape_cast %parallel_loop3A_349 : vector<1x16xf32> to vector<16xf32>
        %parallel_loop3A_351 = arith.index_cast %parallel_loop3A_262 : i32 to index
        %parallel_loop3A_352 = arith.constant 96 : index
        %parallel_loop3A_353 = tpu.vector_load %arg14[%parallel_loop3A_351, %parallel_loop3A_352] {strides = array<i32>} : memref<40x128xf32, #tpu.memory_space<vmem>>, vector<1x16xf32>,
        %parallel_loop3A_354 = vector.shape_cast %parallel_loop3A_353 : vector<1x16xf32> to vector<16xf32>
        %parallel_loop3A_355 = arith.subf %parallel_loop3A_350, %parallel_loop3A_354 : vector<16xf32>
        %parallel_loop3A_356 = arith.index_cast %parallel_loop3A_262 : i32 to index
        %parallel_loop3A_357 = arith.constant 96 : index
        %parallel_loop3A_358 = tpu.vector_load %arg16[%parallel_loop3A_356, %parallel_loop3A_357] {strides = array<i32>} : memref<40x128xf32, #tpu.memory_space<vmem>>, vector<1x16xf32>,
        %parallel_loop3A_359 = vector.shape_cast %parallel_loop3A_358 : vector<1x16xf32> to vector<16xf32>
        %parallel_loop3A_360 = vector.shape_cast %parallel_loop3A_355 : vector<16xf32> to vector<1x16xf32>
        tpu.vector_store %arg16[%parallel_loop3A_356, %parallel_loop3A_357], %parallel_loop3A_360 {strides = array<i32>} : memref<40x128xf32, #tpu.memory_space<vmem>>, vector<1x16xf32>,
        %parallel_loop3A_361 = arith.index_cast %parallel_loop3A_262 : i32 to index
        %parallel_loop3A_362 = arith.constant 112 : index
        %parallel_loop3A_363 = tpu.vector_load %arg12[%parallel_loop3A_361, %parallel_loop3A_362] {strides = array<i32>} : memref<40x128xf32, #tpu.memory_space<vmem>>, vector<1x16xf32>,
        %parallel_loop3A_364 = vector.shape_cast %parallel_loop3A_363 : vector<1x16xf32> to vector<16xf32>
        %parallel_loop3A_365 = arith.index_cast %parallel_loop3A_262 : i32 to index
        %parallel_loop3A_366 = arith.constant 112 : index
        %parallel_loop3A_367 = tpu.vector_load %arg14[%parallel_loop3A_365, %parallel_loop3A_366] {strides = array<i32>} : memref<40x128xf32, #tpu.memory_space<vmem>>, vector<1x16xf32>,
        %parallel_loop3A_368 = vector.shape_cast %parallel_loop3A_367 : vector<1x16xf32> to vector<16xf32>
        %parallel_loop3A_369 = arith.subf %parallel_loop3A_364, %parallel_loop3A_368 : vector<16xf32>
        %parallel_loop3A_370 = arith.index_cast %parallel_loop3A_262 : i32 to index
        %parallel_loop3A_371 = arith.constant 112 : index
        %parallel_loop3A_372 = tpu.vector_load %arg16[%parallel_loop3A_370, %parallel_loop3A_371] {strides = array<i32>} : memref<40x128xf32, #tpu.memory_space<vmem>>, vector<1x16xf32>,
        %parallel_loop3A_373 = vector.shape_cast %parallel_loop3A_372 : vector<1x16xf32> to vector<16xf32>
        %parallel_loop3A_374 = vector.shape_cast %parallel_loop3A_369 : vector<16xf32> to vector<1x16xf32>
        tpu.vector_store %arg16[%parallel_loop3A_370, %parallel_loop3A_371], %parallel_loop3A_374 {strides = array<i32>} : memref<40x128xf32, #tpu.memory_space<vmem>>, vector<1x16xf32>,
      } {sc.loop_unroll_factor = 8 : i64, sc.parallel_access}
      %lt3A_250 = arith.constant 48 : i32
      %lt3A_251 = arith.cmpi slt, %add3A_230, %lt3A_250 : i32
      %convert_element_type3A_252 = arith.extui %lt3A_251 : i1 to i32
      %cond3A_253 = arith.constant 0 : i32
      %cond3A_254 = arith.cmpi ne, %convert_element_type3A_252, %cond3A_253 : i32
      scf.if %cond3A_254 {
        %add3A_262 = arith.constant 2 : i32
        %add3A_263 = arith.addi %add3A_230, %add3A_262 : i32
        %mul3A_264 = arith.constant 40 : i32
        %mul3A_265 = arith.muli %add3A_263, %mul3A_264 : i32
        %dma_start3A_266 = tpu.memref_slice %arg7[%mul3A_265] : memref<2000xi32, #tpu.memory_space<vmem>> -> memref<40xi32, #tpu.memory_space<vmem>>
        %dma_start3A_267 = arith.constant 0 : i32
        %dma_start3A_268 = arith.constant 0 : i32
        %dma_start3A_269 = tpu.memref_slice %arg6[%dma_start3A_267, %dma_start3A_268] : memref<10000x128xf32, #tpu.memory_space<vmem_shared>> -> memref<10000x128xf32, #tpu.memory_space<vmem_shared>>
        tpu.enqueue_indirect_dma source(%dma_start3A_269 : memref<10000x128xf32, #tpu.memory_space<vmem_shared>>) target(%arg12 : memref<40x128xf32, #tpu.memory_space<vmem>>) offsets(%dma_start3A_266 : memref<40xi32, #tpu.memory_space<vmem>>) semaphore(%arg18 : memref<!tpu.dma_semaphore, #tpu.memory_space<semaphore_mem>>)
        %mul3A_270 = arith.constant 40 : i32
        %mul3A_271 = arith.muli %add3A_263, %mul3A_270 : i32
        %dma_start3A_272 = tpu.memref_slice %arg8[%mul3A_271] : memref<2000xi32, #tpu.memory_space<vmem>> -> memref<40xi32, #tpu.memory_space<vmem>>
        %dma_start3A_273 = arith.constant 0 : i32
        %dma_start3A_274 = arith.constant 0 : i32
        %dma_start3A_275 = tpu.memref_slice %arg6[%dma_start3A_273, %dma_start3A_274] : memref<10000x128xf32, #tpu.memory_space<vmem_shared>> -> memref<10000x128xf32, #tpu.memory_space<vmem_shared>>
        tpu.enqueue_indirect_dma source(%dma_start3A_275 : memref<10000x128xf32, #tpu.memory_space<vmem_shared>>) target(%arg14 : memref<40x128xf32, #tpu.memory_space<vmem>>) offsets(%dma_start3A_272 : memref<40xi32, #tpu.memory_space<vmem>>) semaphore(%arg18 : memref<!tpu.dma_semaphore, #tpu.memory_space<semaphore_mem>>)
      } else {
      }
      %mul3A_255 = arith.constant 40 : i32
      %mul3A_256 = arith.muli %add3A_232, %mul3A_255 : i32
      %add3A_257 = arith.addi %add3A, %mul3A_256 : i32
      %dma_start3A_258 = arith.constant 0 : i32
      %dma_start3A_259 = tpu.memref_slice %arg5[%add3A_257, %dma_start3A_258] : memref<320000x128xf32, #tpu.memory_space<hbm>> -> memref<40x128xf32, #tpu.memory_space<hbm>>
      %dma_start3A_260 = arith.constant 0 : i32
      %dma_start3A_261 = tpu.memref_slice %arg5[%add3A_257, %dma_start3A_260] : memref<320000x128xf32, #tpu.memory_space<hbm>> -> memref<40x128xf32, #tpu.memory_space<hbm>>
      tpu.enqueue_dma source(%arg16 : memref<40x128xf32, #tpu.memory_space<vmem>>) target(%dma_start3A_261 : memref<40x128xf32, #tpu.memory_space<hbm>>) target_semaphore(%arg20 : memref<!tpu.dma_semaphore, #tpu.memory_space<semaphore_mem>>)
    }
    %scan3A_115 = arith.constant 25 : i32
    %dma_wait3A_116 = tpu.memref_slice %arg3[%mul3A_2] : memref<160000xi32, #tpu.memory_space<hbm>> -> memref<2000xi32, #tpu.memory_space<hbm>>
    %dma_wait3A_117 = tpu.memref_slice %arg3[%mul3A_2] : memref<160000xi32, #tpu.memory_space<hbm>> -> memref<2000xi32, #tpu.memory_space<hbm>>
    tpu.wait_dma2 semaphore(%arg21 : memref<!tpu.dma_semaphore, #tpu.memory_space<semaphore_mem>>) src(%dma_wait3A_117 : memref<2000xi32, #tpu.memory_space<hbm>>) dst(%arg9 : memref<2000xi32, #tpu.memory_space<vmem>>)
    %dma_wait3A_118 = tpu.memref_slice %arg4[%mul3A_2] : memref<160000xi32, #tpu.memory_space<hbm>> -> memref<2000xi32, #tpu.memory_space<hbm>>
    %dma_wait3A_119 = tpu.memref_slice %arg4[%mul3A_2] : memref<160000xi32, #tpu.memory_space<hbm>> -> memref<2000xi32, #tpu.memory_space<hbm>>
    tpu.wait_dma2 semaphore(%arg21 : memref<!tpu.dma_semaphore, #tpu.memory_space<semaphore_mem>>) src(%dma_wait3A_119 : memref<2000xi32, #tpu.memory_space<hbm>>) dst(%arg10 : memref<2000xi32, #tpu.memory_space<vmem>>)
    %dma_start3A_120 = arith.constant 0 : i32
    %dma_start3A_121 = tpu.memref_slice %arg9[%dma_start3A_120] : memref<2000xi32, #tpu.memory_space<vmem>> -> memref<40xi32, #tpu.memory_space<vmem>>
    %dma_start3A_122 = arith.constant 0 : i32
    %dma_start3A_123 = arith.constant 0 : i32
    %dma_start3A_124 = tpu.memref_slice %arg6[%dma_start3A_122, %dma_start3A_123] : memref<10000x128xf32, #tpu.memory_space<vmem_shared>> -> memref<10000x128xf32, #tpu.memory_space<vmem_shared>>
    tpu.enqueue_indirect_dma source(%dma_start3A_124 : memref<10000x128xf32, #tpu.memory_space<vmem_shared>>) target(%arg11 : memref<40x128xf32, #tpu.memory_space<vmem>>) offsets(%dma_start3A_121 : memref<40xi32, #tpu.memory_space<vmem>>) semaphore(%arg17 : memref<!tpu.dma_semaphore, #tpu.memory_space<semaphore_mem>>)
    %dma_start3A_125 = arith.constant 0 : i32
    %dma_start3A_126 = tpu.memref_slice %arg10[%dma_start3A_125] : memref<2000xi32, #tpu.memory_space<vmem>> -> memref<40xi32, #tpu.memory_space<vmem>>
    %dma_start3A_127 = arith.constant 0 : i32
    %dma_start3A_128 = arith.constant 0 : i32
    %dma_start3A_129 = tpu.memref_slice %arg6[%dma_start3A_127, %dma_start3A_128] : memref<10000x128xf32, #tpu.memory_space<vmem_shared>> -> memref<10000x128xf32, #tpu.memory_space<vmem_shared>>
    tpu.enqueue_indirect_dma source(%dma_start3A_129 : memref<10000x128xf32, #tpu.memory_space<vmem_shared>>) target(%arg13 : memref<40x128xf32, #tpu.memory_space<vmem>>) offsets(%dma_start3A_126 : memref<40xi32, #tpu.memory_space<vmem>>) semaphore(%arg17 : memref<!tpu.dma_semaphore, #tpu.memory_space<semaphore_mem>>)
    %dma_start3A_130 = arith.constant 40 : i32
    %dma_start3A_131 = tpu.memref_slice %arg9[%dma_start3A_130] : memref<2000xi32, #tpu.memory_space<vmem>> -> memref<40xi32, #tpu.memory_space<vmem>>
    %dma_start3A_132 = arith.constant 0 : i32
    %dma_start3A_133 = arith.constant 0 : i32
    %dma_start3A_134 = tpu.memref_slice %arg6[%dma_start3A_132, %dma_start3A_133] : memref<10000x128xf32, #tpu.memory_space<vmem_shared>> -> memref<10000x128xf32, #tpu.memory_space<vmem_shared>>
    tpu.enqueue_indirect_dma source(%dma_start3A_134 : memref<10000x128xf32, #tpu.memory_space<vmem_shared>>) target(%arg12 : memref<40x128xf32, #tpu.memory_space<vmem>>) offsets(%dma_start3A_131 : memref<40xi32, #tpu.memory_space<vmem>>) semaphore(%arg18 : memref<!tpu.dma_semaphore, #tpu.memory_space<semaphore_mem>>)
    %dma_start3A_135 = arith.constant 40 : i32
    %dma_start3A_136 = tpu.memref_slice %arg10[%dma_start3A_135] : memref<2000xi32, #tpu.memory_space<vmem>> -> memref<40xi32, #tpu.memory_space<vmem>>
    %dma_start3A_137 = arith.constant 0 : i32
    %dma_start3A_138 = arith.constant 0 : i32
    %dma_start3A_139 = tpu.memref_slice %arg6[%dma_start3A_137, %dma_start3A_138] : memref<10000x128xf32, #tpu.memory_space<vmem_shared>> -> memref<10000x128xf32, #tpu.memory_space<vmem_shared>>
    tpu.enqueue_indirect_dma source(%dma_start3A_139 : memref<10000x128xf32, #tpu.memory_space<vmem_shared>>) target(%arg14 : memref<40x128xf32, #tpu.memory_space<vmem>>) offsets(%dma_start3A_136 : memref<40xi32, #tpu.memory_space<vmem>>) semaphore(%arg18 : memref<!tpu.dma_semaphore, #tpu.memory_space<semaphore_mem>>)
    %add3A_140 = arith.constant 8000 : i32
    %add3A_141 = arith.addi %mul3A_2, %add3A_140 : i32
    %dma_start3A_142 = tpu.memref_slice %arg3[%add3A_141] : memref<160000xi32, #tpu.memory_space<hbm>> -> memref<2000xi32, #tpu.memory_space<hbm>>
    %dma_start3A_143 = tpu.memref_slice %arg3[%add3A_141] : memref<160000xi32, #tpu.memory_space<hbm>> -> memref<2000xi32, #tpu.memory_space<hbm>>
    tpu.enqueue_dma source(%dma_start3A_143 : memref<2000xi32, #tpu.memory_space<hbm>>) target(%arg7 : memref<2000xi32, #tpu.memory_space<vmem>>) target_semaphore(%arg21 : memref<!tpu.dma_semaphore, #tpu.memory_space<semaphore_mem>>)
    %add3A_144 = arith.constant 8000 : i32
    %add3A_145 = arith.addi %mul3A_2, %add3A_144 : i32
    %dma_start3A_146 = tpu.memref_slice %arg4[%add3A_145] : memref<160000xi32, #tpu.memory_space<hbm>> -> memref<2000xi32, #tpu.memory_space<hbm>>
    %dma_start3A_147 = tpu.memref_slice %arg4[%add3A_145] : memref<160000xi32, #tpu.memory_space<hbm>> -> memref<2000xi32, #tpu.memory_space<hbm>>
    tpu.enqueue_dma source(%dma_start3A_147 : memref<2000xi32, #tpu.memory_space<hbm>>) target(%arg8 : memref<2000xi32, #tpu.memory_space<vmem>>) target_semaphore(%arg21 : memref<!tpu.dma_semaphore, #tpu.memory_space<semaphore_mem>>)
    %scan3A_148 = arith.constant 0 : i32
    %scan3A_149 = arith.constant 0 : i32
    %scan3A_150 = arith.constant 25 : i32
    %scan3A_151 = arith.addi %scan3A_149, %scan3A_150 : i32
    %scan3A_152 = arith.constant 1 : i32
    scf.for %scan3A_192 = %scan3A_149 to %scan3A_151 step %scan3A_152  : i32 {
      %mul3A_193 = arith.constant 2 : i32
      %mul3A_194 = arith.muli %scan3A_192, %mul3A_193 : i32
      %add3A_195 = arith.constant 0 : i32
      %add3A_196 = arith.addi %mul3A_194, %add3A_195 : i32
      %add3A_197 = arith.constant 150 : i32
      %add3A_198 = arith.addi %add3A_197, %add3A_196 : i32
      %dma_wait3A_199 = arith.constant 0 : i32
      %dma_wait3A_200 = tpu.memref_slice %arg9[%dma_wait3A_199] : memref<2000xi32, #tpu.memory_space<vmem>> -> memref<40xi32, #tpu.memory_space<vmem>>
      %dma_wait3A_201 = arith.constant 0 : i32
      %dma_wait3A_202 = arith.constant 0 : i32
      %dma_wait3A_203 = tpu.memref_slice %arg6[%dma_wait3A_201, %dma_wait3A_202] : memref<10000x128xf32, #tpu.memory_space<vmem_shared>> -> memref<10000x128xf32, #tpu.memory_space<vmem_shared>>
      tpu.wait_indirect_dma semaphore(%arg17 : memref<!tpu.dma_semaphore, #tpu.memory_space<semaphore_mem>>) src(%dma_wait3A_203 : memref<10000x128xf32, #tpu.memory_space<vmem_shared>>) dst(%arg11 : memref<40x128xf32, #tpu.memory_space<vmem>>)
      %dma_wait3A_204 = arith.constant 0 : i32
      %dma_wait3A_205 = tpu.memref_slice %arg10[%dma_wait3A_204] : memref<2000xi32, #tpu.memory_space<vmem>> -> memref<40xi32, #tpu.memory_space<vmem>>
      %dma_wait3A_206 = arith.constant 0 : i32
      %dma_wait3A_207 = arith.constant 0 : i32
      %dma_wait3A_208 = tpu.memref_slice %arg6[%dma_wait3A_206, %dma_wait3A_207] : memref<10000x128xf32, #tpu.memory_space<vmem_shared>> -> memref<10000x128xf32, #tpu.memory_space<vmem_shared>>
      tpu.wait_indirect_dma semaphore(%arg17 : memref<!tpu.dma_semaphore, #tpu.memory_space<semaphore_mem>>) src(%dma_wait3A_208 : memref<10000x128xf32, #tpu.memory_space<vmem_shared>>) dst(%arg13 : memref<40x128xf32, #tpu.memory_space<vmem>>)
      %dma_wait3A_209 = arith.constant 0 : i32
      %dma_wait3A_210 = tpu.memref_slice %arg5[%add3A, %dma_wait3A_209] : memref<320000x128xf32, #tpu.memory_space<hbm>> -> memref<40x128xf32, #tpu.memory_space<hbm>>
      %dma_wait3A_211 = arith.constant 0 : i32
      %dma_wait3A_212 = tpu.memref_slice %arg5[%add3A, %dma_wait3A_211] : memref<320000x128xf32, #tpu.memory_space<hbm>> -> memref<40x128xf32, #tpu.memory_space<hbm>>
      tpu.wait_dma2 semaphore(%arg19 : memref<!tpu.dma_semaphore, #tpu.memory_space<semaphore_mem>>) src(%arg15 : memref<40x128xf32, #tpu.memory_space<vmem>>) dst(%dma_wait3A_212 : memref<40x128xf32, #tpu.memory_space<hbm>>)
      %parallel_loop3A = arith.constant 0 : i32
      %parallel_loop3A_213 = arith.constant 40 : i32
      %parallel_loop3A_214 = arith.constant 1 : i32
      scf.for %parallel_loop3A_262 = %parallel_loop3A to %parallel_loop3A_213 step %parallel_loop3A_214  : i32 {
        %parallel_loop3A_263 = arith.index_cast %parallel_loop3A_262 : i32 to index
        %parallel_loop3A_264 = arith.constant 0 : index
        %parallel_loop3A_265 = tpu.vector_load %arg11[%parallel_loop3A_263, %parallel_loop3A_264] {strides = array<i32>} : memref<40x128xf32, #tpu.memory_space<vmem>>, vector<1x16xf32>,
        %parallel_loop3A_266 = vector.shape_cast %parallel_loop3A_265 : vector<1x16xf32> to vector<16xf32>
        %parallel_loop3A_267 = arith.index_cast %parallel_loop3A_262 : i32 to index
        %parallel_loop3A_268 = arith.constant 0 : index
        %parallel_loop3A_269 = tpu.vector_load %arg13[%parallel_loop3A_267, %parallel_loop3A_268] {strides = array<i32>} : memref<40x128xf32, #tpu.memory_space<vmem>>, vector<1x16xf32>,
        %parallel_loop3A_270 = vector.shape_cast %parallel_loop3A_269 : vector<1x16xf32> to vector<16xf32>
        %parallel_loop3A_271 = arith.subf %parallel_loop3A_266, %parallel_loop3A_270 : vector<16xf32>
        %parallel_loop3A_272 = arith.index_cast %parallel_loop3A_262 : i32 to index
        %parallel_loop3A_273 = arith.constant 0 : index
        %parallel_loop3A_274 = tpu.vector_load %arg15[%parallel_loop3A_272, %parallel_loop3A_273] {strides = array<i32>} : memref<40x128xf32, #tpu.memory_space<vmem>>, vector<1x16xf32>,
        %parallel_loop3A_275 = vector.shape_cast %parallel_loop3A_274 : vector<1x16xf32> to vector<16xf32>
        %parallel_loop3A_276 = vector.shape_cast %parallel_loop3A_271 : vector<16xf32> to vector<1x16xf32>
        tpu.vector_store %arg15[%parallel_loop3A_272, %parallel_loop3A_273], %parallel_loop3A_276 {strides = array<i32>} : memref<40x128xf32, #tpu.memory_space<vmem>>, vector<1x16xf32>,
        %parallel_loop3A_277 = arith.index_cast %parallel_loop3A_262 : i32 to index
        %parallel_loop3A_278 = arith.constant 16 : index
        %parallel_loop3A_279 = tpu.vector_load %arg11[%parallel_loop3A_277, %parallel_loop3A_278] {strides = array<i32>} : memref<40x128xf32, #tpu.memory_space<vmem>>, vector<1x16xf32>,
        %parallel_loop3A_280 = vector.shape_cast %parallel_loop3A_279 : vector<1x16xf32> to vector<16xf32>
        %parallel_loop3A_281 = arith.index_cast %parallel_loop3A_262 : i32 to index
        %parallel_loop3A_282 = arith.constant 16 : index
        %parallel_loop3A_283 = tpu.vector_load %arg13[%parallel_loop3A_281, %parallel_loop3A_282] {strides = array<i32>} : memref<40x128xf32, #tpu.memory_space<vmem>>, vector<1x16xf32>,
        %parallel_loop3A_284 = vector.shape_cast %parallel_loop3A_283 : vector<1x16xf32> to vector<16xf32>
        %parallel_loop3A_285 = arith.subf %parallel_loop3A_280, %parallel_loop3A_284 : vector<16xf32>
        %parallel_loop3A_286 = arith.index_cast %parallel_loop3A_262 : i32 to index
        %parallel_loop3A_287 = arith.constant 16 : index
        %parallel_loop3A_288 = tpu.vector_load %arg15[%parallel_loop3A_286, %parallel_loop3A_287] {strides = array<i32>} : memref<40x128xf32, #tpu.memory_space<vmem>>, vector<1x16xf32>,
        %parallel_loop3A_289 = vector.shape_cast %parallel_loop3A_288 : vector<1x16xf32> to vector<16xf32>
        %parallel_loop3A_290 = vector.shape_cast %parallel_loop3A_285 : vector<16xf32> to vector<1x16xf32>
        tpu.vector_store %arg15[%parallel_loop3A_286, %parallel_loop3A_287], %parallel_loop3A_290 {strides = array<i32>} : memref<40x128xf32, #tpu.memory_space<vmem>>, vector<1x16xf32>,
        %parallel_loop3A_291 = arith.index_cast %parallel_loop3A_262 : i32 to index
        %parallel_loop3A_292 = arith.constant 32 : index
        %parallel_loop3A_293 = tpu.vector_load %arg11[%parallel_loop3A_291, %parallel_loop3A_292] {strides = array<i32>} : memref<40x128xf32, #tpu.memory_space<vmem>>, vector<1x16xf32>,
        %parallel_loop3A_294 = vector.shape_cast %parallel_loop3A_293 : vector<1x16xf32> to vector<16xf32>
        %parallel_loop3A_295 = arith.index_cast %parallel_loop3A_262 : i32 to index
        %parallel_loop3A_296 = arith.constant 32 : index
        %parallel_loop3A_297 = tpu.vector_load %arg13[%parallel_loop3A_295, %parallel_loop3A_296] {strides = array<i32>} : memref<40x128xf32, #tpu.memory_space<vmem>>, vector<1x16xf32>,
        %parallel_loop3A_298 = vector.shape_cast %parallel_loop3A_297 : vector<1x16xf32> to vector<16xf32>
        %parallel_loop3A_299 = arith.subf %parallel_loop3A_294, %parallel_loop3A_298 : vector<16xf32>
        %parallel_loop3A_300 = arith.index_cast %parallel_loop3A_262 : i32 to index
        %parallel_loop3A_301 = arith.constant 32 : index
        %parallel_loop3A_302 = tpu.vector_load %arg15[%parallel_loop3A_300, %parallel_loop3A_301] {strides = array<i32>} : memref<40x128xf32, #tpu.memory_space<vmem>>, vector<1x16xf32>,
        %parallel_loop3A_303 = vector.shape_cast %parallel_loop3A_302 : vector<1x16xf32> to vector<16xf32>
        %parallel_loop3A_304 = vector.shape_cast %parallel_loop3A_299 : vector<16xf32> to vector<1x16xf32>
        tpu.vector_store %arg15[%parallel_loop3A_300, %parallel_loop3A_301], %parallel_loop3A_304 {strides = array<i32>} : memref<40x128xf32, #tpu.memory_space<vmem>>, vector<1x16xf32>,
        %parallel_loop3A_305 = arith.index_cast %parallel_loop3A_262 : i32 to index
        %parallel_loop3A_306 = arith.constant 48 : index
        %parallel_loop3A_307 = tpu.vector_load %arg11[%parallel_loop3A_305, %parallel_loop3A_306] {strides = array<i32>} : memref<40x128xf32, #tpu.memory_space<vmem>>, vector<1x16xf32>,
        %parallel_loop3A_308 = vector.shape_cast %parallel_loop3A_307 : vector<1x16xf32> to vector<16xf32>
        %parallel_loop3A_309 = arith.index_cast %parallel_loop3A_262 : i32 to index
        %parallel_loop3A_310 = arith.constant 48 : index
        %parallel_loop3A_311 = tpu.vector_load %arg13[%parallel_loop3A_309, %parallel_loop3A_310] {strides = array<i32>} : memref<40x128xf32, #tpu.memory_space<vmem>>, vector<1x16xf32>,
        %parallel_loop3A_312 = vector.shape_cast %parallel_loop3A_311 : vector<1x16xf32> to vector<16xf32>
        %parallel_loop3A_313 = arith.subf %parallel_loop3A_308, %parallel_loop3A_312 : vector<16xf32>
        %parallel_loop3A_314 = arith.index_cast %parallel_loop3A_262 : i32 to index
        %parallel_loop3A_315 = arith.constant 48 : index
        %parallel_loop3A_316 = tpu.vector_load %arg15[%parallel_loop3A_314, %parallel_loop3A_315] {strides = array<i32>} : memref<40x128xf32, #tpu.memory_space<vmem>>, vector<1x16xf32>,
        %parallel_loop3A_317 = vector.shape_cast %parallel_loop3A_316 : vector<1x16xf32> to vector<16xf32>
        %parallel_loop3A_318 = vector.shape_cast %parallel_loop3A_313 : vector<16xf32> to vector<1x16xf32>
        tpu.vector_store %arg15[%parallel_loop3A_314, %parallel_loop3A_315], %parallel_loop3A_318 {strides = array<i32>} : memref<40x128xf32, #tpu.memory_space<vmem>>, vector<1x16xf32>,
        %parallel_loop3A_319 = arith.index_cast %parallel_loop3A_262 : i32 to index
        %parallel_loop3A_320 = arith.constant 64 : index
        %parallel_loop3A_321 = tpu.vector_load %arg11[%parallel_loop3A_319, %parallel_loop3A_320] {strides = array<i32>} : memref<40x128xf32, #tpu.memory_space<vmem>>, vector<1x16xf32>,
        %parallel_loop3A_322 = vector.shape_cast %parallel_loop3A_321 : vector<1x16xf32> to vector<16xf32>
        %parallel_loop3A_323 = arith.index_cast %parallel_loop3A_262 : i32 to index
        %parallel_loop3A_324 = arith.constant 64 : index
        %parallel_loop3A_325 = tpu.vector_load %arg13[%parallel_loop3A_323, %parallel_loop3A_324] {strides = array<i32>} : memref<40x128xf32, #tpu.memory_space<vmem>>, vector<1x16xf32>,
        %parallel_loop3A_326 = vector.shape_cast %parallel_loop3A_325 : vector<1x16xf32> to vector<16xf32>
        %parallel_loop3A_327 = arith.subf %parallel_loop3A_322, %parallel_loop3A_326 : vector<16xf32>
        %parallel_loop3A_328 = arith.index_cast %parallel_loop3A_262 : i32 to index
        %parallel_loop3A_329 = arith.constant 64 : index
        %parallel_loop3A_330 = tpu.vector_load %arg15[%parallel_loop3A_328, %parallel_loop3A_329] {strides = array<i32>} : memref<40x128xf32, #tpu.memory_space<vmem>>, vector<1x16xf32>,
        %parallel_loop3A_331 = vector.shape_cast %parallel_loop3A_330 : vector<1x16xf32> to vector<16xf32>
        %parallel_loop3A_332 = vector.shape_cast %parallel_loop3A_327 : vector<16xf32> to vector<1x16xf32>
        tpu.vector_store %arg15[%parallel_loop3A_328, %parallel_loop3A_329], %parallel_loop3A_332 {strides = array<i32>} : memref<40x128xf32, #tpu.memory_space<vmem>>, vector<1x16xf32>,
        %parallel_loop3A_333 = arith.index_cast %parallel_loop3A_262 : i32 to index
        %parallel_loop3A_334 = arith.constant 80 : index
        %parallel_loop3A_335 = tpu.vector_load %arg11[%parallel_loop3A_333, %parallel_loop3A_334] {strides = array<i32>} : memref<40x128xf32, #tpu.memory_space<vmem>>, vector<1x16xf32>,
        %parallel_loop3A_336 = vector.shape_cast %parallel_loop3A_335 : vector<1x16xf32> to vector<16xf32>
        %parallel_loop3A_337 = arith.index_cast %parallel_loop3A_262 : i32 to index
        %parallel_loop3A_338 = arith.constant 80 : index
        %parallel_loop3A_339 = tpu.vector_load %arg13[%parallel_loop3A_337, %parallel_loop3A_338] {strides = array<i32>} : memref<40x128xf32, #tpu.memory_space<vmem>>, vector<1x16xf32>,
        %parallel_loop3A_340 = vector.shape_cast %parallel_loop3A_339 : vector<1x16xf32> to vector<16xf32>
        %parallel_loop3A_341 = arith.subf %parallel_loop3A_336, %parallel_loop3A_340 : vector<16xf32>
        %parallel_loop3A_342 = arith.index_cast %parallel_loop3A_262 : i32 to index
        %parallel_loop3A_343 = arith.constant 80 : index
        %parallel_loop3A_344 = tpu.vector_load %arg15[%parallel_loop3A_342, %parallel_loop3A_343] {strides = array<i32>} : memref<40x128xf32, #tpu.memory_space<vmem>>, vector<1x16xf32>,
        %parallel_loop3A_345 = vector.shape_cast %parallel_loop3A_344 : vector<1x16xf32> to vector<16xf32>
        %parallel_loop3A_346 = vector.shape_cast %parallel_loop3A_341 : vector<16xf32> to vector<1x16xf32>
        tpu.vector_store %arg15[%parallel_loop3A_342, %parallel_loop3A_343], %parallel_loop3A_346 {strides = array<i32>} : memref<40x128xf32, #tpu.memory_space<vmem>>, vector<1x16xf32>,
        %parallel_loop3A_347 = arith.index_cast %parallel_loop3A_262 : i32 to index
        %parallel_loop3A_348 = arith.constant 96 : index
        %parallel_loop3A_349 = tpu.vector_load %arg11[%parallel_loop3A_347, %parallel_loop3A_348] {strides = array<i32>} : memref<40x128xf32, #tpu.memory_space<vmem>>, vector<1x16xf32>,
        %parallel_loop3A_350 = vector.shape_cast %parallel_loop3A_349 : vector<1x16xf32> to vector<16xf32>
        %parallel_loop3A_351 = arith.index_cast %parallel_loop3A_262 : i32 to index
        %parallel_loop3A_352 = arith.constant 96 : index
        %parallel_loop3A_353 = tpu.vector_load %arg13[%parallel_loop3A_351, %parallel_loop3A_352] {strides = array<i32>} : memref<40x128xf32, #tpu.memory_space<vmem>>, vector<1x16xf32>,
        %parallel_loop3A_354 = vector.shape_cast %parallel_loop3A_353 : vector<1x16xf32> to vector<16xf32>
        %parallel_loop3A_355 = arith.subf %parallel_loop3A_350, %parallel_loop3A_354 : vector<16xf32>
        %parallel_loop3A_356 = arith.index_cast %parallel_loop3A_262 : i32 to index
        %parallel_loop3A_357 = arith.constant 96 : index
        %parallel_loop3A_358 = tpu.vector_load %arg15[%parallel_loop3A_356, %parallel_loop3A_357] {strides = array<i32>} : memref<40x128xf32, #tpu.memory_space<vmem>>, vector<1x16xf32>,
        %parallel_loop3A_359 = vector.shape_cast %parallel_loop3A_358 : vector<1x16xf32> to vector<16xf32>
        %parallel_loop3A_360 = vector.shape_cast %parallel_loop3A_355 : vector<16xf32> to vector<1x16xf32>
        tpu.vector_store %arg15[%parallel_loop3A_356, %parallel_loop3A_357], %parallel_loop3A_360 {strides = array<i32>} : memref<40x128xf32, #tpu.memory_space<vmem>>, vector<1x16xf32>,
        %parallel_loop3A_361 = arith.index_cast %parallel_loop3A_262 : i32 to index
        %parallel_loop3A_362 = arith.constant 112 : index
        %parallel_loop3A_363 = tpu.vector_load %arg11[%parallel_loop3A_361, %parallel_loop3A_362] {strides = array<i32>} : memref<40x128xf32, #tpu.memory_space<vmem>>, vector<1x16xf32>,
        %parallel_loop3A_364 = vector.shape_cast %parallel_loop3A_363 : vector<1x16xf32> to vector<16xf32>
        %parallel_loop3A_365 = arith.index_cast %parallel_loop3A_262 : i32 to index
        %parallel_loop3A_366 = arith.constant 112 : index
        %parallel_loop3A_367 = tpu.vector_load %arg13[%parallel_loop3A_365, %parallel_loop3A_366] {strides = array<i32>} : memref<40x128xf32, #tpu.memory_space<vmem>>, vector<1x16xf32>,
        %parallel_loop3A_368 = vector.shape_cast %parallel_loop3A_367 : vector<1x16xf32> to vector<16xf32>
        %parallel_loop3A_369 = arith.subf %parallel_loop3A_364, %parallel_loop3A_368 : vector<16xf32>
        %parallel_loop3A_370 = arith.index_cast %parallel_loop3A_262 : i32 to index
        %parallel_loop3A_371 = arith.constant 112 : index
        %parallel_loop3A_372 = tpu.vector_load %arg15[%parallel_loop3A_370, %parallel_loop3A_371] {strides = array<i32>} : memref<40x128xf32, #tpu.memory_space<vmem>>, vector<1x16xf32>,
        %parallel_loop3A_373 = vector.shape_cast %parallel_loop3A_372 : vector<1x16xf32> to vector<16xf32>
        %parallel_loop3A_374 = vector.shape_cast %parallel_loop3A_369 : vector<16xf32> to vector<1x16xf32>
        tpu.vector_store %arg15[%parallel_loop3A_370, %parallel_loop3A_371], %parallel_loop3A_374 {strides = array<i32>} : memref<40x128xf32, #tpu.memory_space<vmem>>, vector<1x16xf32>,
      } {sc.loop_unroll_factor = 8 : i64, sc.parallel_access}
      %lt3A_215 = arith.constant 48 : i32
      %lt3A_216 = arith.cmpi slt, %add3A_196, %lt3A_215 : i32
      %convert_element_type3A_217 = arith.extui %lt3A_216 : i1 to i32
      %cond3A_218 = arith.constant 0 : i32
      %cond3A_219 = arith.cmpi ne, %convert_element_type3A_217, %cond3A_218 : i32
      scf.if %cond3A_219 {
        %add3A_262 = arith.constant 2 : i32
        %add3A_263 = arith.addi %add3A_196, %add3A_262 : i32
        %mul3A_264 = arith.constant 40 : i32
        %mul3A_265 = arith.muli %add3A_263, %mul3A_264 : i32
        %dma_start3A_266 = tpu.memref_slice %arg9[%mul3A_265] : memref<2000xi32, #tpu.memory_space<vmem>> -> memref<40xi32, #tpu.memory_space<vmem>>
        %dma_start3A_267 = arith.constant 0 : i32
        %dma_start3A_268 = arith.constant 0 : i32
        %dma_start3A_269 = tpu.memref_slice %arg6[%dma_start3A_267, %dma_start3A_268] : memref<10000x128xf32, #tpu.memory_space<vmem_shared>> -> memref<10000x128xf32, #tpu.memory_space<vmem_shared>>
        tpu.enqueue_indirect_dma source(%dma_start3A_269 : memref<10000x128xf32, #tpu.memory_space<vmem_shared>>) target(%arg11 : memref<40x128xf32, #tpu.memory_space<vmem>>) offsets(%dma_start3A_266 : memref<40xi32, #tpu.memory_space<vmem>>) semaphore(%arg17 : memref<!tpu.dma_semaphore, #tpu.memory_space<semaphore_mem>>)
        %mul3A_270 = arith.constant 40 : i32
        %mul3A_271 = arith.muli %add3A_263, %mul3A_270 : i32
        %dma_start3A_272 = tpu.memref_slice %arg10[%mul3A_271] : memref<2000xi32, #tpu.memory_space<vmem>> -> memref<40xi32, #tpu.memory_space<vmem>>
        %dma_start3A_273 = arith.constant 0 : i32
        %dma_start3A_274 = arith.constant 0 : i32
        %dma_start3A_275 = tpu.memref_slice %arg6[%dma_start3A_273, %dma_start3A_274] : memref<10000x128xf32, #tpu.memory_space<vmem_shared>> -> memref<10000x128xf32, #tpu.memory_space<vmem_shared>>
        tpu.enqueue_indirect_dma source(%dma_start3A_275 : memref<10000x128xf32, #tpu.memory_space<vmem_shared>>) target(%arg13 : memref<40x128xf32, #tpu.memory_space<vmem>>) offsets(%dma_start3A_272 : memref<40xi32, #tpu.memory_space<vmem>>) semaphore(%arg17 : memref<!tpu.dma_semaphore, #tpu.memory_space<semaphore_mem>>)
      } else {
      }
      %mul3A_220 = arith.constant 40 : i32
      %mul3A_221 = arith.muli %add3A_198, %mul3A_220 : i32
      %add3A_222 = arith.addi %add3A, %mul3A_221 : i32
      %dma_start3A_223 = arith.constant 0 : i32
      %dma_start3A_224 = tpu.memref_slice %arg5[%add3A_222, %dma_start3A_223] : memref<320000x128xf32, #tpu.memory_space<hbm>> -> memref<40x128xf32, #tpu.memory_space<hbm>>
      %dma_start3A_225 = arith.constant 0 : i32
      %dma_start3A_226 = tpu.memref_slice %arg5[%add3A_222, %dma_start3A_225] : memref<320000x128xf32, #tpu.memory_space<hbm>> -> memref<40x128xf32, #tpu.memory_space<hbm>>
      tpu.enqueue_dma source(%arg15 : memref<40x128xf32, #tpu.memory_space<vmem>>) target(%dma_start3A_226 : memref<40x128xf32, #tpu.memory_space<hbm>>) target_semaphore(%arg19 : memref<!tpu.dma_semaphore, #tpu.memory_space<semaphore_mem>>)
      %mul3A_227 = arith.constant 2 : i32
      %mul3A_228 = arith.muli %scan3A_192, %mul3A_227 : i32
      %add3A_229 = arith.constant 1 : i32
      %add3A_230 = arith.addi %mul3A_228, %add3A_229 : i32
      %add3A_231 = arith.constant 150 : i32
      %add3A_232 = arith.addi %add3A_231, %add3A_230 : i32
      %dma_wait3A_233 = arith.constant 0 : i32
      %dma_wait3A_234 = tpu.memref_slice %arg9[%dma_wait3A_233] : memref<2000xi32, #tpu.memory_space<vmem>> -> memref<40xi32, #tpu.memory_space<vmem>>
      %dma_wait3A_235 = arith.constant 0 : i32
      %dma_wait3A_236 = arith.constant 0 : i32
      %dma_wait3A_237 = tpu.memref_slice %arg6[%dma_wait3A_235, %dma_wait3A_236] : memref<10000x128xf32, #tpu.memory_space<vmem_shared>> -> memref<10000x128xf32, #tpu.memory_space<vmem_shared>>
      tpu.wait_indirect_dma semaphore(%arg18 : memref<!tpu.dma_semaphore, #tpu.memory_space<semaphore_mem>>) src(%dma_wait3A_237 : memref<10000x128xf32, #tpu.memory_space<vmem_shared>>) dst(%arg12 : memref<40x128xf32, #tpu.memory_space<vmem>>)
      %dma_wait3A_238 = arith.constant 0 : i32
      %dma_wait3A_239 = tpu.memref_slice %arg10[%dma_wait3A_238] : memref<2000xi32, #tpu.memory_space<vmem>> -> memref<40xi32, #tpu.memory_space<vmem>>
      %dma_wait3A_240 = arith.constant 0 : i32
      %dma_wait3A_241 = arith.constant 0 : i32
      %dma_wait3A_242 = tpu.memref_slice %arg6[%dma_wait3A_240, %dma_wait3A_241] : memref<10000x128xf32, #tpu.memory_space<vmem_shared>> -> memref<10000x128xf32, #tpu.memory_space<vmem_shared>>
      tpu.wait_indirect_dma semaphore(%arg18 : memref<!tpu.dma_semaphore, #tpu.memory_space<semaphore_mem>>) src(%dma_wait3A_242 : memref<10000x128xf32, #tpu.memory_space<vmem_shared>>) dst(%arg14 : memref<40x128xf32, #tpu.memory_space<vmem>>)
      %dma_wait3A_243 = arith.constant 0 : i32
      %dma_wait3A_244 = tpu.memref_slice %arg5[%add3A, %dma_wait3A_243] : memref<320000x128xf32, #tpu.memory_space<hbm>> -> memref<40x128xf32, #tpu.memory_space<hbm>>
      %dma_wait3A_245 = arith.constant 0 : i32
      %dma_wait3A_246 = tpu.memref_slice %arg5[%add3A, %dma_wait3A_245] : memref<320000x128xf32, #tpu.memory_space<hbm>> -> memref<40x128xf32, #tpu.memory_space<hbm>>
      tpu.wait_dma2 semaphore(%arg20 : memref<!tpu.dma_semaphore, #tpu.memory_space<semaphore_mem>>) src(%arg16 : memref<40x128xf32, #tpu.memory_space<vmem>>) dst(%dma_wait3A_246 : memref<40x128xf32, #tpu.memory_space<hbm>>)
      %parallel_loop3A_247 = arith.constant 0 : i32
      %parallel_loop3A_248 = arith.constant 40 : i32
      %parallel_loop3A_249 = arith.constant 1 : i32
      scf.for %parallel_loop3A_262 = %parallel_loop3A_247 to %parallel_loop3A_248 step %parallel_loop3A_249  : i32 {
        %parallel_loop3A_263 = arith.index_cast %parallel_loop3A_262 : i32 to index
        %parallel_loop3A_264 = arith.constant 0 : index
        %parallel_loop3A_265 = tpu.vector_load %arg12[%parallel_loop3A_263, %parallel_loop3A_264] {strides = array<i32>} : memref<40x128xf32, #tpu.memory_space<vmem>>, vector<1x16xf32>,
        %parallel_loop3A_266 = vector.shape_cast %parallel_loop3A_265 : vector<1x16xf32> to vector<16xf32>
        %parallel_loop3A_267 = arith.index_cast %parallel_loop3A_262 : i32 to index
        %parallel_loop3A_268 = arith.constant 0 : index
        %parallel_loop3A_269 = tpu.vector_load %arg14[%parallel_loop3A_267, %parallel_loop3A_268] {strides = array<i32>} : memref<40x128xf32, #tpu.memory_space<vmem>>, vector<1x16xf32>,
        %parallel_loop3A_270 = vector.shape_cast %parallel_loop3A_269 : vector<1x16xf32> to vector<16xf32>
        %parallel_loop3A_271 = arith.subf %parallel_loop3A_266, %parallel_loop3A_270 : vector<16xf32>
        %parallel_loop3A_272 = arith.index_cast %parallel_loop3A_262 : i32 to index
        %parallel_loop3A_273 = arith.constant 0 : index
        %parallel_loop3A_274 = tpu.vector_load %arg16[%parallel_loop3A_272, %parallel_loop3A_273] {strides = array<i32>} : memref<40x128xf32, #tpu.memory_space<vmem>>, vector<1x16xf32>,
        %parallel_loop3A_275 = vector.shape_cast %parallel_loop3A_274 : vector<1x16xf32> to vector<16xf32>
        %parallel_loop3A_276 = vector.shape_cast %parallel_loop3A_271 : vector<16xf32> to vector<1x16xf32>
        tpu.vector_store %arg16[%parallel_loop3A_272, %parallel_loop3A_273], %parallel_loop3A_276 {strides = array<i32>} : memref<40x128xf32, #tpu.memory_space<vmem>>, vector<1x16xf32>,
        %parallel_loop3A_277 = arith.index_cast %parallel_loop3A_262 : i32 to index
        %parallel_loop3A_278 = arith.constant 16 : index
        %parallel_loop3A_279 = tpu.vector_load %arg12[%parallel_loop3A_277, %parallel_loop3A_278] {strides = array<i32>} : memref<40x128xf32, #tpu.memory_space<vmem>>, vector<1x16xf32>,
        %parallel_loop3A_280 = vector.shape_cast %parallel_loop3A_279 : vector<1x16xf32> to vector<16xf32>
        %parallel_loop3A_281 = arith.index_cast %parallel_loop3A_262 : i32 to index
        %parallel_loop3A_282 = arith.constant 16 : index
        %parallel_loop3A_283 = tpu.vector_load %arg14[%parallel_loop3A_281, %parallel_loop3A_282] {strides = array<i32>} : memref<40x128xf32, #tpu.memory_space<vmem>>, vector<1x16xf32>,
        %parallel_loop3A_284 = vector.shape_cast %parallel_loop3A_283 : vector<1x16xf32> to vector<16xf32>
        %parallel_loop3A_285 = arith.subf %parallel_loop3A_280, %parallel_loop3A_284 : vector<16xf32>
        %parallel_loop3A_286 = arith.index_cast %parallel_loop3A_262 : i32 to index
        %parallel_loop3A_287 = arith.constant 16 : index
        %parallel_loop3A_288 = tpu.vector_load %arg16[%parallel_loop3A_286, %parallel_loop3A_287] {strides = array<i32>} : memref<40x128xf32, #tpu.memory_space<vmem>>, vector<1x16xf32>,
        %parallel_loop3A_289 = vector.shape_cast %parallel_loop3A_288 : vector<1x16xf32> to vector<16xf32>
        %parallel_loop3A_290 = vector.shape_cast %parallel_loop3A_285 : vector<16xf32> to vector<1x16xf32>
        tpu.vector_store %arg16[%parallel_loop3A_286, %parallel_loop3A_287], %parallel_loop3A_290 {strides = array<i32>} : memref<40x128xf32, #tpu.memory_space<vmem>>, vector<1x16xf32>,
        %parallel_loop3A_291 = arith.index_cast %parallel_loop3A_262 : i32 to index
        %parallel_loop3A_292 = arith.constant 32 : index
        %parallel_loop3A_293 = tpu.vector_load %arg12[%parallel_loop3A_291, %parallel_loop3A_292] {strides = array<i32>} : memref<40x128xf32, #tpu.memory_space<vmem>>, vector<1x16xf32>,
        %parallel_loop3A_294 = vector.shape_cast %parallel_loop3A_293 : vector<1x16xf32> to vector<16xf32>
        %parallel_loop3A_295 = arith.index_cast %parallel_loop3A_262 : i32 to index
        %parallel_loop3A_296 = arith.constant 32 : index
        %parallel_loop3A_297 = tpu.vector_load %arg14[%parallel_loop3A_295, %parallel_loop3A_296] {strides = array<i32>} : memref<40x128xf32, #tpu.memory_space<vmem>>, vector<1x16xf32>,
        %parallel_loop3A_298 = vector.shape_cast %parallel_loop3A_297 : vector<1x16xf32> to vector<16xf32>
        %parallel_loop3A_299 = arith.subf %parallel_loop3A_294, %parallel_loop3A_298 : vector<16xf32>
        %parallel_loop3A_300 = arith.index_cast %parallel_loop3A_262 : i32 to index
        %parallel_loop3A_301 = arith.constant 32 : index
        %parallel_loop3A_302 = tpu.vector_load %arg16[%parallel_loop3A_300, %parallel_loop3A_301] {strides = array<i32>} : memref<40x128xf32, #tpu.memory_space<vmem>>, vector<1x16xf32>,
        %parallel_loop3A_303 = vector.shape_cast %parallel_loop3A_302 : vector<1x16xf32> to vector<16xf32>
        %parallel_loop3A_304 = vector.shape_cast %parallel_loop3A_299 : vector<16xf32> to vector<1x16xf32>
        tpu.vector_store %arg16[%parallel_loop3A_300, %parallel_loop3A_301], %parallel_loop3A_304 {strides = array<i32>} : memref<40x128xf32, #tpu.memory_space<vmem>>, vector<1x16xf32>,
        %parallel_loop3A_305 = arith.index_cast %parallel_loop3A_262 : i32 to index
        %parallel_loop3A_306 = arith.constant 48 : index
        %parallel_loop3A_307 = tpu.vector_load %arg12[%parallel_loop3A_305, %parallel_loop3A_306] {strides = array<i32>} : memref<40x128xf32, #tpu.memory_space<vmem>>, vector<1x16xf32>,
        %parallel_loop3A_308 = vector.shape_cast %parallel_loop3A_307 : vector<1x16xf32> to vector<16xf32>
        %parallel_loop3A_309 = arith.index_cast %parallel_loop3A_262 : i32 to index
        %parallel_loop3A_310 = arith.constant 48 : index
        %parallel_loop3A_311 = tpu.vector_load %arg14[%parallel_loop3A_309, %parallel_loop3A_310] {strides = array<i32>} : memref<40x128xf32, #tpu.memory_space<vmem>>, vector<1x16xf32>,
        %parallel_loop3A_312 = vector.shape_cast %parallel_loop3A_311 : vector<1x16xf32> to vector<16xf32>
        %parallel_loop3A_313 = arith.subf %parallel_loop3A_308, %parallel_loop3A_312 : vector<16xf32>
        %parallel_loop3A_314 = arith.index_cast %parallel_loop3A_262 : i32 to index
        %parallel_loop3A_315 = arith.constant 48 : index
        %parallel_loop3A_316 = tpu.vector_load %arg16[%parallel_loop3A_314, %parallel_loop3A_315] {strides = array<i32>} : memref<40x128xf32, #tpu.memory_space<vmem>>, vector<1x16xf32>,
        %parallel_loop3A_317 = vector.shape_cast %parallel_loop3A_316 : vector<1x16xf32> to vector<16xf32>
        %parallel_loop3A_318 = vector.shape_cast %parallel_loop3A_313 : vector<16xf32> to vector<1x16xf32>
        tpu.vector_store %arg16[%parallel_loop3A_314, %parallel_loop3A_315], %parallel_loop3A_318 {strides = array<i32>} : memref<40x128xf32, #tpu.memory_space<vmem>>, vector<1x16xf32>,
        %parallel_loop3A_319 = arith.index_cast %parallel_loop3A_262 : i32 to index
        %parallel_loop3A_320 = arith.constant 64 : index
        %parallel_loop3A_321 = tpu.vector_load %arg12[%parallel_loop3A_319, %parallel_loop3A_320] {strides = array<i32>} : memref<40x128xf32, #tpu.memory_space<vmem>>, vector<1x16xf32>,
        %parallel_loop3A_322 = vector.shape_cast %parallel_loop3A_321 : vector<1x16xf32> to vector<16xf32>
        %parallel_loop3A_323 = arith.index_cast %parallel_loop3A_262 : i32 to index
        %parallel_loop3A_324 = arith.constant 64 : index
        %parallel_loop3A_325 = tpu.vector_load %arg14[%parallel_loop3A_323, %parallel_loop3A_324] {strides = array<i32>} : memref<40x128xf32, #tpu.memory_space<vmem>>, vector<1x16xf32>,
        %parallel_loop3A_326 = vector.shape_cast %parallel_loop3A_325 : vector<1x16xf32> to vector<16xf32>
        %parallel_loop3A_327 = arith.subf %parallel_loop3A_322, %parallel_loop3A_326 : vector<16xf32>
        %parallel_loop3A_328 = arith.index_cast %parallel_loop3A_262 : i32 to index
        %parallel_loop3A_329 = arith.constant 64 : index
        %parallel_loop3A_330 = tpu.vector_load %arg16[%parallel_loop3A_328, %parallel_loop3A_329] {strides = array<i32>} : memref<40x128xf32, #tpu.memory_space<vmem>>, vector<1x16xf32>,
        %parallel_loop3A_331 = vector.shape_cast %parallel_loop3A_330 : vector<1x16xf32> to vector<16xf32>
        %parallel_loop3A_332 = vector.shape_cast %parallel_loop3A_327 : vector<16xf32> to vector<1x16xf32>
        tpu.vector_store %arg16[%parallel_loop3A_328, %parallel_loop3A_329], %parallel_loop3A_332 {strides = array<i32>} : memref<40x128xf32, #tpu.memory_space<vmem>>, vector<1x16xf32>,
        %parallel_loop3A_333 = arith.index_cast %parallel_loop3A_262 : i32 to index
        %parallel_loop3A_334 = arith.constant 80 : index
        %parallel_loop3A_335 = tpu.vector_load %arg12[%parallel_loop3A_333, %parallel_loop3A_334] {strides = array<i32>} : memref<40x128xf32, #tpu.memory_space<vmem>>, vector<1x16xf32>,
        %parallel_loop3A_336 = vector.shape_cast %parallel_loop3A_335 : vector<1x16xf32> to vector<16xf32>
        %parallel_loop3A_337 = arith.index_cast %parallel_loop3A_262 : i32 to index
        %parallel_loop3A_338 = arith.constant 80 : index
        %parallel_loop3A_339 = tpu.vector_load %arg14[%parallel_loop3A_337, %parallel_loop3A_338] {strides = array<i32>} : memref<40x128xf32, #tpu.memory_space<vmem>>, vector<1x16xf32>,
        %parallel_loop3A_340 = vector.shape_cast %parallel_loop3A_339 : vector<1x16xf32> to vector<16xf32>
        %parallel_loop3A_341 = arith.subf %parallel_loop3A_336, %parallel_loop3A_340 : vector<16xf32>
        %parallel_loop3A_342 = arith.index_cast %parallel_loop3A_262 : i32 to index
        %parallel_loop3A_343 = arith.constant 80 : index
        %parallel_loop3A_344 = tpu.vector_load %arg16[%parallel_loop3A_342, %parallel_loop3A_343] {strides = array<i32>} : memref<40x128xf32, #tpu.memory_space<vmem>>, vector<1x16xf32>,
        %parallel_loop3A_345 = vector.shape_cast %parallel_loop3A_344 : vector<1x16xf32> to vector<16xf32>
        %parallel_loop3A_346 = vector.shape_cast %parallel_loop3A_341 : vector<16xf32> to vector<1x16xf32>
        tpu.vector_store %arg16[%parallel_loop3A_342, %parallel_loop3A_343], %parallel_loop3A_346 {strides = array<i32>} : memref<40x128xf32, #tpu.memory_space<vmem>>, vector<1x16xf32>,
        %parallel_loop3A_347 = arith.index_cast %parallel_loop3A_262 : i32 to index
        %parallel_loop3A_348 = arith.constant 96 : index
        %parallel_loop3A_349 = tpu.vector_load %arg12[%parallel_loop3A_347, %parallel_loop3A_348] {strides = array<i32>} : memref<40x128xf32, #tpu.memory_space<vmem>>, vector<1x16xf32>,
        %parallel_loop3A_350 = vector.shape_cast %parallel_loop3A_349 : vector<1x16xf32> to vector<16xf32>
        %parallel_loop3A_351 = arith.index_cast %parallel_loop3A_262 : i32 to index
        %parallel_loop3A_352 = arith.constant 96 : index
        %parallel_loop3A_353 = tpu.vector_load %arg14[%parallel_loop3A_351, %parallel_loop3A_352] {strides = array<i32>} : memref<40x128xf32, #tpu.memory_space<vmem>>, vector<1x16xf32>,
        %parallel_loop3A_354 = vector.shape_cast %parallel_loop3A_353 : vector<1x16xf32> to vector<16xf32>
        %parallel_loop3A_355 = arith.subf %parallel_loop3A_350, %parallel_loop3A_354 : vector<16xf32>
        %parallel_loop3A_356 = arith.index_cast %parallel_loop3A_262 : i32 to index
        %parallel_loop3A_357 = arith.constant 96 : index
        %parallel_loop3A_358 = tpu.vector_load %arg16[%parallel_loop3A_356, %parallel_loop3A_357] {strides = array<i32>} : memref<40x128xf32, #tpu.memory_space<vmem>>, vector<1x16xf32>,
        %parallel_loop3A_359 = vector.shape_cast %parallel_loop3A_358 : vector<1x16xf32> to vector<16xf32>
        %parallel_loop3A_360 = vector.shape_cast %parallel_loop3A_355 : vector<16xf32> to vector<1x16xf32>
        tpu.vector_store %arg16[%parallel_loop3A_356, %parallel_loop3A_357], %parallel_loop3A_360 {strides = array<i32>} : memref<40x128xf32, #tpu.memory_space<vmem>>, vector<1x16xf32>,
        %parallel_loop3A_361 = arith.index_cast %parallel_loop3A_262 : i32 to index
        %parallel_loop3A_362 = arith.constant 112 : index
        %parallel_loop3A_363 = tpu.vector_load %arg12[%parallel_loop3A_361, %parallel_loop3A_362] {strides = array<i32>} : memref<40x128xf32, #tpu.memory_space<vmem>>, vector<1x16xf32>,
        %parallel_loop3A_364 = vector.shape_cast %parallel_loop3A_363 : vector<1x16xf32> to vector<16xf32>
        %parallel_loop3A_365 = arith.index_cast %parallel_loop3A_262 : i32 to index
        %parallel_loop3A_366 = arith.constant 112 : index
        %parallel_loop3A_367 = tpu.vector_load %arg14[%parallel_loop3A_365, %parallel_loop3A_366] {strides = array<i32>} : memref<40x128xf32, #tpu.memory_space<vmem>>, vector<1x16xf32>,
        %parallel_loop3A_368 = vector.shape_cast %parallel_loop3A_367 : vector<1x16xf32> to vector<16xf32>
        %parallel_loop3A_369 = arith.subf %parallel_loop3A_364, %parallel_loop3A_368 : vector<16xf32>
        %parallel_loop3A_370 = arith.index_cast %parallel_loop3A_262 : i32 to index
        %parallel_loop3A_371 = arith.constant 112 : index
        %parallel_loop3A_372 = tpu.vector_load %arg16[%parallel_loop3A_370, %parallel_loop3A_371] {strides = array<i32>} : memref<40x128xf32, #tpu.memory_space<vmem>>, vector<1x16xf32>,
        %parallel_loop3A_373 = vector.shape_cast %parallel_loop3A_372 : vector<1x16xf32> to vector<16xf32>
        %parallel_loop3A_374 = vector.shape_cast %parallel_loop3A_369 : vector<16xf32> to vector<1x16xf32>
        tpu.vector_store %arg16[%parallel_loop3A_370, %parallel_loop3A_371], %parallel_loop3A_374 {strides = array<i32>} : memref<40x128xf32, #tpu.memory_space<vmem>>, vector<1x16xf32>,
      } {sc.loop_unroll_factor = 8 : i64, sc.parallel_access}
      %lt3A_250 = arith.constant 48 : i32
      %lt3A_251 = arith.cmpi slt, %add3A_230, %lt3A_250 : i32
      %convert_element_type3A_252 = arith.extui %lt3A_251 : i1 to i32
      %cond3A_253 = arith.constant 0 : i32
      %cond3A_254 = arith.cmpi ne, %convert_element_type3A_252, %cond3A_253 : i32
      scf.if %cond3A_254 {
        %add3A_262 = arith.constant 2 : i32
        %add3A_263 = arith.addi %add3A_230, %add3A_262 : i32
        %mul3A_264 = arith.constant 40 : i32
        %mul3A_265 = arith.muli %add3A_263, %mul3A_264 : i32
        %dma_start3A_266 = tpu.memref_slice %arg9[%mul3A_265] : memref<2000xi32, #tpu.memory_space<vmem>> -> memref<40xi32, #tpu.memory_space<vmem>>
        %dma_start3A_267 = arith.constant 0 : i32
        %dma_start3A_268 = arith.constant 0 : i32
        %dma_start3A_269 = tpu.memref_slice %arg6[%dma_start3A_267, %dma_start3A_268] : memref<10000x128xf32, #tpu.memory_space<vmem_shared>> -> memref<10000x128xf32, #tpu.memory_space<vmem_shared>>
        tpu.enqueue_indirect_dma source(%dma_start3A_269 : memref<10000x128xf32, #tpu.memory_space<vmem_shared>>) target(%arg12 : memref<40x128xf32, #tpu.memory_space<vmem>>) offsets(%dma_start3A_266 : memref<40xi32, #tpu.memory_space<vmem>>) semaphore(%arg18 : memref<!tpu.dma_semaphore, #tpu.memory_space<semaphore_mem>>)
        %mul3A_270 = arith.constant 40 : i32
        %mul3A_271 = arith.muli %add3A_263, %mul3A_270 : i32
        %dma_start3A_272 = tpu.memref_slice %arg10[%mul3A_271] : memref<2000xi32, #tpu.memory_space<vmem>> -> memref<40xi32, #tpu.memory_space<vmem>>
        %dma_start3A_273 = arith.constant 0 : i32
        %dma_start3A_274 = arith.constant 0 : i32
        %dma_start3A_275 = tpu.memref_slice %arg6[%dma_start3A_273, %dma_start3A_274] : memref<10000x128xf32, #tpu.memory_space<vmem_shared>> -> memref<10000x128xf32, #tpu.memory_space<vmem_shared>>
        tpu.enqueue_indirect_dma source(%dma_start3A_275 : memref<10000x128xf32, #tpu.memory_space<vmem_shared>>) target(%arg14 : memref<40x128xf32, #tpu.memory_space<vmem>>) offsets(%dma_start3A_272 : memref<40xi32, #tpu.memory_space<vmem>>) semaphore(%arg18 : memref<!tpu.dma_semaphore, #tpu.memory_space<semaphore_mem>>)
      } else {
      }
      %mul3A_255 = arith.constant 40 : i32
      %mul3A_256 = arith.muli %add3A_232, %mul3A_255 : i32
      %add3A_257 = arith.addi %add3A, %mul3A_256 : i32
      %dma_start3A_258 = arith.constant 0 : i32
      %dma_start3A_259 = tpu.memref_slice %arg5[%add3A_257, %dma_start3A_258] : memref<320000x128xf32, #tpu.memory_space<hbm>> -> memref<40x128xf32, #tpu.memory_space<hbm>>
      %dma_start3A_260 = arith.constant 0 : i32
      %dma_start3A_261 = tpu.memref_slice %arg5[%add3A_257, %dma_start3A_260] : memref<320000x128xf32, #tpu.memory_space<hbm>> -> memref<40x128xf32, #tpu.memory_space<hbm>>
      tpu.enqueue_dma source(%arg16 : memref<40x128xf32, #tpu.memory_space<vmem>>) target(%dma_start3A_261 : memref<40x128xf32, #tpu.memory_space<hbm>>) target_semaphore(%arg20 : memref<!tpu.dma_semaphore, #tpu.memory_space<semaphore_mem>>)
    }
    %scan3A_153 = arith.constant 25 : i32
    %dma_wait3A_154 = tpu.memref_slice %arg3[%mul3A_2] : memref<160000xi32, #tpu.memory_space<hbm>> -> memref<2000xi32, #tpu.memory_space<hbm>>
    %dma_wait3A_155 = tpu.memref_slice %arg3[%mul3A_2] : memref<160000xi32, #tpu.memory_space<hbm>> -> memref<2000xi32, #tpu.memory_space<hbm>>
    tpu.wait_dma2 semaphore(%arg21 : memref<!tpu.dma_semaphore, #tpu.memory_space<semaphore_mem>>) src(%dma_wait3A_155 : memref<2000xi32, #tpu.memory_space<hbm>>) dst(%arg7 : memref<2000xi32, #tpu.memory_space<vmem>>)
    %dma_wait3A_156 = tpu.memref_slice %arg4[%mul3A_2] : memref<160000xi32, #tpu.memory_space<hbm>> -> memref<2000xi32, #tpu.memory_space<hbm>>
    %dma_wait3A_157 = tpu.memref_slice %arg4[%mul3A_2] : memref<160000xi32, #tpu.memory_space<hbm>> -> memref<2000xi32, #tpu.memory_space<hbm>>
    tpu.wait_dma2 semaphore(%arg21 : memref<!tpu.dma_semaphore, #tpu.memory_space<semaphore_mem>>) src(%dma_wait3A_157 : memref<2000xi32, #tpu.memory_space<hbm>>) dst(%arg8 : memref<2000xi32, #tpu.memory_space<vmem>>)
    %dma_start3A_158 = arith.constant 0 : i32
    %dma_start3A_159 = tpu.memref_slice %arg7[%dma_start3A_158] : memref<2000xi32, #tpu.memory_space<vmem>> -> memref<40xi32, #tpu.memory_space<vmem>>
    %dma_start3A_160 = arith.constant 0 : i32
    %dma_start3A_161 = arith.constant 0 : i32
    %dma_start3A_162 = tpu.memref_slice %arg6[%dma_start3A_160, %dma_start3A_161] : memref<10000x128xf32, #tpu.memory_space<vmem_shared>> -> memref<10000x128xf32, #tpu.memory_space<vmem_shared>>
    tpu.enqueue_indirect_dma source(%dma_start3A_162 : memref<10000x128xf32, #tpu.memory_space<vmem_shared>>) target(%arg11 : memref<40x128xf32, #tpu.memory_space<vmem>>) offsets(%dma_start3A_159 : memref<40xi32, #tpu.memory_space<vmem>>) semaphore(%arg17 : memref<!tpu.dma_semaphore, #tpu.memory_space<semaphore_mem>>)
    %dma_start3A_163 = arith.constant 0 : i32
    %dma_start3A_164 = tpu.memref_slice %arg8[%dma_start3A_163] : memref<2000xi32, #tpu.memory_space<vmem>> -> memref<40xi32, #tpu.memory_space<vmem>>
    %dma_start3A_165 = arith.constant 0 : i32
    %dma_start3A_166 = arith.constant 0 : i32
    %dma_start3A_167 = tpu.memref_slice %arg6[%dma_start3A_165, %dma_start3A_166] : memref<10000x128xf32, #tpu.memory_space<vmem_shared>> -> memref<10000x128xf32, #tpu.memory_space<vmem_shared>>
    tpu.enqueue_indirect_dma source(%dma_start3A_167 : memref<10000x128xf32, #tpu.memory_space<vmem_shared>>) target(%arg13 : memref<40x128xf32, #tpu.memory_space<vmem>>) offsets(%dma_start3A_164 : memref<40xi32, #tpu.memory_space<vmem>>) semaphore(%arg17 : memref<!tpu.dma_semaphore, #tpu.memory_space<semaphore_mem>>)
    %dma_start3A_168 = arith.constant 40 : i32
    %dma_start3A_169 = tpu.memref_slice %arg7[%dma_start3A_168] : memref<2000xi32, #tpu.memory_space<vmem>> -> memref<40xi32, #tpu.memory_space<vmem>>
    %dma_start3A_170 = arith.constant 0 : i32
    %dma_start3A_171 = arith.constant 0 : i32
    %dma_start3A_172 = tpu.memref_slice %arg6[%dma_start3A_170, %dma_start3A_171] : memref<10000x128xf32, #tpu.memory_space<vmem_shared>> -> memref<10000x128xf32, #tpu.memory_space<vmem_shared>>
    tpu.enqueue_indirect_dma source(%dma_start3A_172 : memref<10000x128xf32, #tpu.memory_space<vmem_shared>>) target(%arg12 : memref<40x128xf32, #tpu.memory_space<vmem>>) offsets(%dma_start3A_169 : memref<40xi32, #tpu.memory_space<vmem>>) semaphore(%arg18 : memref<!tpu.dma_semaphore, #tpu.memory_space<semaphore_mem>>)
    %dma_start3A_173 = arith.constant 40 : i32
    %dma_start3A_174 = tpu.memref_slice %arg8[%dma_start3A_173] : memref<2000xi32, #tpu.memory_space<vmem>> -> memref<40xi32, #tpu.memory_space<vmem>>
    %dma_start3A_175 = arith.constant 0 : i32
    %dma_start3A_176 = arith.constant 0 : i32
    %dma_start3A_177 = tpu.memref_slice %arg6[%dma_start3A_175, %dma_start3A_176] : memref<10000x128xf32, #tpu.memory_space<vmem_shared>> -> memref<10000x128xf32, #tpu.memory_space<vmem_shared>>
    tpu.enqueue_indirect_dma source(%dma_start3A_177 : memref<10000x128xf32, #tpu.memory_space<vmem_shared>>) target(%arg14 : memref<40x128xf32, #tpu.memory_space<vmem>>) offsets(%dma_start3A_174 : memref<40xi32, #tpu.memory_space<vmem>>) semaphore(%arg18 : memref<!tpu.dma_semaphore, #tpu.memory_space<semaphore_mem>>)
    %scan3A_178 = arith.constant 0 : i32
    %scan3A_179 = arith.constant 0 : i32
    %scan3A_180 = arith.constant 25 : i32
    %scan3A_181 = arith.addi %scan3A_179, %scan3A_180 : i32
    %scan3A_182 = arith.constant 1 : i32
    scf.for %scan3A_192 = %scan3A_179 to %scan3A_181 step %scan3A_182  : i32 {
      %mul3A_193 = arith.constant 2 : i32
      %mul3A_194 = arith.muli %scan3A_192, %mul3A_193 : i32
      %add3A_195 = arith.constant 0 : i32
      %add3A_196 = arith.addi %mul3A_194, %add3A_195 : i32
      %add3A_197 = arith.constant 200 : i32
      %add3A_198 = arith.addi %add3A_197, %add3A_196 : i32
      %dma_wait3A_199 = arith.constant 0 : i32
      %dma_wait3A_200 = tpu.memref_slice %arg7[%dma_wait3A_199] : memref<2000xi32, #tpu.memory_space<vmem>> -> memref<40xi32, #tpu.memory_space<vmem>>
      %dma_wait3A_201 = arith.constant 0 : i32
      %dma_wait3A_202 = arith.constant 0 : i32
      %dma_wait3A_203 = tpu.memref_slice %arg6[%dma_wait3A_201, %dma_wait3A_202] : memref<10000x128xf32, #tpu.memory_space<vmem_shared>> -> memref<10000x128xf32, #tpu.memory_space<vmem_shared>>
      tpu.wait_indirect_dma semaphore(%arg17 : memref<!tpu.dma_semaphore, #tpu.memory_space<semaphore_mem>>) src(%dma_wait3A_203 : memref<10000x128xf32, #tpu.memory_space<vmem_shared>>) dst(%arg11 : memref<40x128xf32, #tpu.memory_space<vmem>>)
      %dma_wait3A_204 = arith.constant 0 : i32
      %dma_wait3A_205 = tpu.memref_slice %arg8[%dma_wait3A_204] : memref<2000xi32, #tpu.memory_space<vmem>> -> memref<40xi32, #tpu.memory_space<vmem>>
      %dma_wait3A_206 = arith.constant 0 : i32
      %dma_wait3A_207 = arith.constant 0 : i32
      %dma_wait3A_208 = tpu.memref_slice %arg6[%dma_wait3A_206, %dma_wait3A_207] : memref<10000x128xf32, #tpu.memory_space<vmem_shared>> -> memref<10000x128xf32, #tpu.memory_space<vmem_shared>>
      tpu.wait_indirect_dma semaphore(%arg17 : memref<!tpu.dma_semaphore, #tpu.memory_space<semaphore_mem>>) src(%dma_wait3A_208 : memref<10000x128xf32, #tpu.memory_space<vmem_shared>>) dst(%arg13 : memref<40x128xf32, #tpu.memory_space<vmem>>)
      %dma_wait3A_209 = arith.constant 0 : i32
      %dma_wait3A_210 = tpu.memref_slice %arg5[%add3A, %dma_wait3A_209] : memref<320000x128xf32, #tpu.memory_space<hbm>> -> memref<40x128xf32, #tpu.memory_space<hbm>>
      %dma_wait3A_211 = arith.constant 0 : i32
      %dma_wait3A_212 = tpu.memref_slice %arg5[%add3A, %dma_wait3A_211] : memref<320000x128xf32, #tpu.memory_space<hbm>> -> memref<40x128xf32, #tpu.memory_space<hbm>>
      tpu.wait_dma2 semaphore(%arg19 : memref<!tpu.dma_semaphore, #tpu.memory_space<semaphore_mem>>) src(%arg15 : memref<40x128xf32, #tpu.memory_space<vmem>>) dst(%dma_wait3A_212 : memref<40x128xf32, #tpu.memory_space<hbm>>)
      %parallel_loop3A = arith.constant 0 : i32
      %parallel_loop3A_213 = arith.constant 40 : i32
      %parallel_loop3A_214 = arith.constant 1 : i32
      scf.for %parallel_loop3A_262 = %parallel_loop3A to %parallel_loop3A_213 step %parallel_loop3A_214  : i32 {
        %parallel_loop3A_263 = arith.index_cast %parallel_loop3A_262 : i32 to index
        %parallel_loop3A_264 = arith.constant 0 : index
        %parallel_loop3A_265 = tpu.vector_load %arg11[%parallel_loop3A_263, %parallel_loop3A_264] {strides = array<i32>} : memref<40x128xf32, #tpu.memory_space<vmem>>, vector<1x16xf32>,
        %parallel_loop3A_266 = vector.shape_cast %parallel_loop3A_265 : vector<1x16xf32> to vector<16xf32>
        %parallel_loop3A_267 = arith.index_cast %parallel_loop3A_262 : i32 to index
        %parallel_loop3A_268 = arith.constant 0 : index
        %parallel_loop3A_269 = tpu.vector_load %arg13[%parallel_loop3A_267, %parallel_loop3A_268] {strides = array<i32>} : memref<40x128xf32, #tpu.memory_space<vmem>>, vector<1x16xf32>,
        %parallel_loop3A_270 = vector.shape_cast %parallel_loop3A_269 : vector<1x16xf32> to vector<16xf32>
        %parallel_loop3A_271 = arith.subf %parallel_loop3A_266, %parallel_loop3A_270 : vector<16xf32>
        %parallel_loop3A_272 = arith.index_cast %parallel_loop3A_262 : i32 to index
        %parallel_loop3A_273 = arith.constant 0 : index
        %parallel_loop3A_274 = tpu.vector_load %arg15[%parallel_loop3A_272, %parallel_loop3A_273] {strides = array<i32>} : memref<40x128xf32, #tpu.memory_space<vmem>>, vector<1x16xf32>,
        %parallel_loop3A_275 = vector.shape_cast %parallel_loop3A_274 : vector<1x16xf32> to vector<16xf32>
        %parallel_loop3A_276 = vector.shape_cast %parallel_loop3A_271 : vector<16xf32> to vector<1x16xf32>
        tpu.vector_store %arg15[%parallel_loop3A_272, %parallel_loop3A_273], %parallel_loop3A_276 {strides = array<i32>} : memref<40x128xf32, #tpu.memory_space<vmem>>, vector<1x16xf32>,
        %parallel_loop3A_277 = arith.index_cast %parallel_loop3A_262 : i32 to index
        %parallel_loop3A_278 = arith.constant 16 : index
        %parallel_loop3A_279 = tpu.vector_load %arg11[%parallel_loop3A_277, %parallel_loop3A_278] {strides = array<i32>} : memref<40x128xf32, #tpu.memory_space<vmem>>, vector<1x16xf32>,
        %parallel_loop3A_280 = vector.shape_cast %parallel_loop3A_279 : vector<1x16xf32> to vector<16xf32>
        %parallel_loop3A_281 = arith.index_cast %parallel_loop3A_262 : i32 to index
        %parallel_loop3A_282 = arith.constant 16 : index
        %parallel_loop3A_283 = tpu.vector_load %arg13[%parallel_loop3A_281, %parallel_loop3A_282] {strides = array<i32>} : memref<40x128xf32, #tpu.memory_space<vmem>>, vector<1x16xf32>,
        %parallel_loop3A_284 = vector.shape_cast %parallel_loop3A_283 : vector<1x16xf32> to vector<16xf32>
        %parallel_loop3A_285 = arith.subf %parallel_loop3A_280, %parallel_loop3A_284 : vector<16xf32>
        %parallel_loop3A_286 = arith.index_cast %parallel_loop3A_262 : i32 to index
        %parallel_loop3A_287 = arith.constant 16 : index
        %parallel_loop3A_288 = tpu.vector_load %arg15[%parallel_loop3A_286, %parallel_loop3A_287] {strides = array<i32>} : memref<40x128xf32, #tpu.memory_space<vmem>>, vector<1x16xf32>,
        %parallel_loop3A_289 = vector.shape_cast %parallel_loop3A_288 : vector<1x16xf32> to vector<16xf32>
        %parallel_loop3A_290 = vector.shape_cast %parallel_loop3A_285 : vector<16xf32> to vector<1x16xf32>
        tpu.vector_store %arg15[%parallel_loop3A_286, %parallel_loop3A_287], %parallel_loop3A_290 {strides = array<i32>} : memref<40x128xf32, #tpu.memory_space<vmem>>, vector<1x16xf32>,
        %parallel_loop3A_291 = arith.index_cast %parallel_loop3A_262 : i32 to index
        %parallel_loop3A_292 = arith.constant 32 : index
        %parallel_loop3A_293 = tpu.vector_load %arg11[%parallel_loop3A_291, %parallel_loop3A_292] {strides = array<i32>} : memref<40x128xf32, #tpu.memory_space<vmem>>, vector<1x16xf32>,
        %parallel_loop3A_294 = vector.shape_cast %parallel_loop3A_293 : vector<1x16xf32> to vector<16xf32>
        %parallel_loop3A_295 = arith.index_cast %parallel_loop3A_262 : i32 to index
        %parallel_loop3A_296 = arith.constant 32 : index
        %parallel_loop3A_297 = tpu.vector_load %arg13[%parallel_loop3A_295, %parallel_loop3A_296] {strides = array<i32>} : memref<40x128xf32, #tpu.memory_space<vmem>>, vector<1x16xf32>,
        %parallel_loop3A_298 = vector.shape_cast %parallel_loop3A_297 : vector<1x16xf32> to vector<16xf32>
        %parallel_loop3A_299 = arith.subf %parallel_loop3A_294, %parallel_loop3A_298 : vector<16xf32>
        %parallel_loop3A_300 = arith.index_cast %parallel_loop3A_262 : i32 to index
        %parallel_loop3A_301 = arith.constant 32 : index
        %parallel_loop3A_302 = tpu.vector_load %arg15[%parallel_loop3A_300, %parallel_loop3A_301] {strides = array<i32>} : memref<40x128xf32, #tpu.memory_space<vmem>>, vector<1x16xf32>,
        %parallel_loop3A_303 = vector.shape_cast %parallel_loop3A_302 : vector<1x16xf32> to vector<16xf32>
        %parallel_loop3A_304 = vector.shape_cast %parallel_loop3A_299 : vector<16xf32> to vector<1x16xf32>
        tpu.vector_store %arg15[%parallel_loop3A_300, %parallel_loop3A_301], %parallel_loop3A_304 {strides = array<i32>} : memref<40x128xf32, #tpu.memory_space<vmem>>, vector<1x16xf32>,
        %parallel_loop3A_305 = arith.index_cast %parallel_loop3A_262 : i32 to index
        %parallel_loop3A_306 = arith.constant 48 : index
        %parallel_loop3A_307 = tpu.vector_load %arg11[%parallel_loop3A_305, %parallel_loop3A_306] {strides = array<i32>} : memref<40x128xf32, #tpu.memory_space<vmem>>, vector<1x16xf32>,
        %parallel_loop3A_308 = vector.shape_cast %parallel_loop3A_307 : vector<1x16xf32> to vector<16xf32>
        %parallel_loop3A_309 = arith.index_cast %parallel_loop3A_262 : i32 to index
        %parallel_loop3A_310 = arith.constant 48 : index
        %parallel_loop3A_311 = tpu.vector_load %arg13[%parallel_loop3A_309, %parallel_loop3A_310] {strides = array<i32>} : memref<40x128xf32, #tpu.memory_space<vmem>>, vector<1x16xf32>,
        %parallel_loop3A_312 = vector.shape_cast %parallel_loop3A_311 : vector<1x16xf32> to vector<16xf32>
        %parallel_loop3A_313 = arith.subf %parallel_loop3A_308, %parallel_loop3A_312 : vector<16xf32>
        %parallel_loop3A_314 = arith.index_cast %parallel_loop3A_262 : i32 to index
        %parallel_loop3A_315 = arith.constant 48 : index
        %parallel_loop3A_316 = tpu.vector_load %arg15[%parallel_loop3A_314, %parallel_loop3A_315] {strides = array<i32>} : memref<40x128xf32, #tpu.memory_space<vmem>>, vector<1x16xf32>,
        %parallel_loop3A_317 = vector.shape_cast %parallel_loop3A_316 : vector<1x16xf32> to vector<16xf32>
        %parallel_loop3A_318 = vector.shape_cast %parallel_loop3A_313 : vector<16xf32> to vector<1x16xf32>
        tpu.vector_store %arg15[%parallel_loop3A_314, %parallel_loop3A_315], %parallel_loop3A_318 {strides = array<i32>} : memref<40x128xf32, #tpu.memory_space<vmem>>, vector<1x16xf32>,
        %parallel_loop3A_319 = arith.index_cast %parallel_loop3A_262 : i32 to index
        %parallel_loop3A_320 = arith.constant 64 : index
        %parallel_loop3A_321 = tpu.vector_load %arg11[%parallel_loop3A_319, %parallel_loop3A_320] {strides = array<i32>} : memref<40x128xf32, #tpu.memory_space<vmem>>, vector<1x16xf32>,
        %parallel_loop3A_322 = vector.shape_cast %parallel_loop3A_321 : vector<1x16xf32> to vector<16xf32>
        %parallel_loop3A_323 = arith.index_cast %parallel_loop3A_262 : i32 to index
        %parallel_loop3A_324 = arith.constant 64 : index
        %parallel_loop3A_325 = tpu.vector_load %arg13[%parallel_loop3A_323, %parallel_loop3A_324] {strides = array<i32>} : memref<40x128xf32, #tpu.memory_space<vmem>>, vector<1x16xf32>,
        %parallel_loop3A_326 = vector.shape_cast %parallel_loop3A_325 : vector<1x16xf32> to vector<16xf32>
        %parallel_loop3A_327 = arith.subf %parallel_loop3A_322, %parallel_loop3A_326 : vector<16xf32>
        %parallel_loop3A_328 = arith.index_cast %parallel_loop3A_262 : i32 to index
        %parallel_loop3A_329 = arith.constant 64 : index
        %parallel_loop3A_330 = tpu.vector_load %arg15[%parallel_loop3A_328, %parallel_loop3A_329] {strides = array<i32>} : memref<40x128xf32, #tpu.memory_space<vmem>>, vector<1x16xf32>,
        %parallel_loop3A_331 = vector.shape_cast %parallel_loop3A_330 : vector<1x16xf32> to vector<16xf32>
        %parallel_loop3A_332 = vector.shape_cast %parallel_loop3A_327 : vector<16xf32> to vector<1x16xf32>
        tpu.vector_store %arg15[%parallel_loop3A_328, %parallel_loop3A_329], %parallel_loop3A_332 {strides = array<i32>} : memref<40x128xf32, #tpu.memory_space<vmem>>, vector<1x16xf32>,
        %parallel_loop3A_333 = arith.index_cast %parallel_loop3A_262 : i32 to index
        %parallel_loop3A_334 = arith.constant 80 : index
        %parallel_loop3A_335 = tpu.vector_load %arg11[%parallel_loop3A_333, %parallel_loop3A_334] {strides = array<i32>} : memref<40x128xf32, #tpu.memory_space<vmem>>, vector<1x16xf32>,
        %parallel_loop3A_336 = vector.shape_cast %parallel_loop3A_335 : vector<1x16xf32> to vector<16xf32>
        %parallel_loop3A_337 = arith.index_cast %parallel_loop3A_262 : i32 to index
        %parallel_loop3A_338 = arith.constant 80 : index
        %parallel_loop3A_339 = tpu.vector_load %arg13[%parallel_loop3A_337, %parallel_loop3A_338] {strides = array<i32>} : memref<40x128xf32, #tpu.memory_space<vmem>>, vector<1x16xf32>,
        %parallel_loop3A_340 = vector.shape_cast %parallel_loop3A_339 : vector<1x16xf32> to vector<16xf32>
        %parallel_loop3A_341 = arith.subf %parallel_loop3A_336, %parallel_loop3A_340 : vector<16xf32>
        %parallel_loop3A_342 = arith.index_cast %parallel_loop3A_262 : i32 to index
        %parallel_loop3A_343 = arith.constant 80 : index
        %parallel_loop3A_344 = tpu.vector_load %arg15[%parallel_loop3A_342, %parallel_loop3A_343] {strides = array<i32>} : memref<40x128xf32, #tpu.memory_space<vmem>>, vector<1x16xf32>,
        %parallel_loop3A_345 = vector.shape_cast %parallel_loop3A_344 : vector<1x16xf32> to vector<16xf32>
        %parallel_loop3A_346 = vector.shape_cast %parallel_loop3A_341 : vector<16xf32> to vector<1x16xf32>
        tpu.vector_store %arg15[%parallel_loop3A_342, %parallel_loop3A_343], %parallel_loop3A_346 {strides = array<i32>} : memref<40x128xf32, #tpu.memory_space<vmem>>, vector<1x16xf32>,
        %parallel_loop3A_347 = arith.index_cast %parallel_loop3A_262 : i32 to index
        %parallel_loop3A_348 = arith.constant 96 : index
        %parallel_loop3A_349 = tpu.vector_load %arg11[%parallel_loop3A_347, %parallel_loop3A_348] {strides = array<i32>} : memref<40x128xf32, #tpu.memory_space<vmem>>, vector<1x16xf32>,
        %parallel_loop3A_350 = vector.shape_cast %parallel_loop3A_349 : vector<1x16xf32> to vector<16xf32>
        %parallel_loop3A_351 = arith.index_cast %parallel_loop3A_262 : i32 to index
        %parallel_loop3A_352 = arith.constant 96 : index
        %parallel_loop3A_353 = tpu.vector_load %arg13[%parallel_loop3A_351, %parallel_loop3A_352] {strides = array<i32>} : memref<40x128xf32, #tpu.memory_space<vmem>>, vector<1x16xf32>,
        %parallel_loop3A_354 = vector.shape_cast %parallel_loop3A_353 : vector<1x16xf32> to vector<16xf32>
        %parallel_loop3A_355 = arith.subf %parallel_loop3A_350, %parallel_loop3A_354 : vector<16xf32>
        %parallel_loop3A_356 = arith.index_cast %parallel_loop3A_262 : i32 to index
        %parallel_loop3A_357 = arith.constant 96 : index
        %parallel_loop3A_358 = tpu.vector_load %arg15[%parallel_loop3A_356, %parallel_loop3A_357] {strides = array<i32>} : memref<40x128xf32, #tpu.memory_space<vmem>>, vector<1x16xf32>,
        %parallel_loop3A_359 = vector.shape_cast %parallel_loop3A_358 : vector<1x16xf32> to vector<16xf32>
        %parallel_loop3A_360 = vector.shape_cast %parallel_loop3A_355 : vector<16xf32> to vector<1x16xf32>
        tpu.vector_store %arg15[%parallel_loop3A_356, %parallel_loop3A_357], %parallel_loop3A_360 {strides = array<i32>} : memref<40x128xf32, #tpu.memory_space<vmem>>, vector<1x16xf32>,
        %parallel_loop3A_361 = arith.index_cast %parallel_loop3A_262 : i32 to index
        %parallel_loop3A_362 = arith.constant 112 : index
        %parallel_loop3A_363 = tpu.vector_load %arg11[%parallel_loop3A_361, %parallel_loop3A_362] {strides = array<i32>} : memref<40x128xf32, #tpu.memory_space<vmem>>, vector<1x16xf32>,
        %parallel_loop3A_364 = vector.shape_cast %parallel_loop3A_363 : vector<1x16xf32> to vector<16xf32>
        %parallel_loop3A_365 = arith.index_cast %parallel_loop3A_262 : i32 to index
        %parallel_loop3A_366 = arith.constant 112 : index
        %parallel_loop3A_367 = tpu.vector_load %arg13[%parallel_loop3A_365, %parallel_loop3A_366] {strides = array<i32>} : memref<40x128xf32, #tpu.memory_space<vmem>>, vector<1x16xf32>,
        %parallel_loop3A_368 = vector.shape_cast %parallel_loop3A_367 : vector<1x16xf32> to vector<16xf32>
        %parallel_loop3A_369 = arith.subf %parallel_loop3A_364, %parallel_loop3A_368 : vector<16xf32>
        %parallel_loop3A_370 = arith.index_cast %parallel_loop3A_262 : i32 to index
        %parallel_loop3A_371 = arith.constant 112 : index
        %parallel_loop3A_372 = tpu.vector_load %arg15[%parallel_loop3A_370, %parallel_loop3A_371] {strides = array<i32>} : memref<40x128xf32, #tpu.memory_space<vmem>>, vector<1x16xf32>,
        %parallel_loop3A_373 = vector.shape_cast %parallel_loop3A_372 : vector<1x16xf32> to vector<16xf32>
        %parallel_loop3A_374 = vector.shape_cast %parallel_loop3A_369 : vector<16xf32> to vector<1x16xf32>
        tpu.vector_store %arg15[%parallel_loop3A_370, %parallel_loop3A_371], %parallel_loop3A_374 {strides = array<i32>} : memref<40x128xf32, #tpu.memory_space<vmem>>, vector<1x16xf32>,
      } {sc.loop_unroll_factor = 8 : i64, sc.parallel_access}
      %lt3A_215 = arith.constant 48 : i32
      %lt3A_216 = arith.cmpi slt, %add3A_196, %lt3A_215 : i32
      %convert_element_type3A_217 = arith.extui %lt3A_216 : i1 to i32
      %cond3A_218 = arith.constant 0 : i32
      %cond3A_219 = arith.cmpi ne, %convert_element_type3A_217, %cond3A_218 : i32
      scf.if %cond3A_219 {
        %add3A_262 = arith.constant 2 : i32
        %add3A_263 = arith.addi %add3A_196, %add3A_262 : i32
        %mul3A_264 = arith.constant 40 : i32
        %mul3A_265 = arith.muli %add3A_263, %mul3A_264 : i32
        %dma_start3A_266 = tpu.memref_slice %arg7[%mul3A_265] : memref<2000xi32, #tpu.memory_space<vmem>> -> memref<40xi32, #tpu.memory_space<vmem>>
        %dma_start3A_267 = arith.constant 0 : i32
        %dma_start3A_268 = arith.constant 0 : i32
        %dma_start3A_269 = tpu.memref_slice %arg6[%dma_start3A_267, %dma_start3A_268] : memref<10000x128xf32, #tpu.memory_space<vmem_shared>> -> memref<10000x128xf32, #tpu.memory_space<vmem_shared>>
        tpu.enqueue_indirect_dma source(%dma_start3A_269 : memref<10000x128xf32, #tpu.memory_space<vmem_shared>>) target(%arg11 : memref<40x128xf32, #tpu.memory_space<vmem>>) offsets(%dma_start3A_266 : memref<40xi32, #tpu.memory_space<vmem>>) semaphore(%arg17 : memref<!tpu.dma_semaphore, #tpu.memory_space<semaphore_mem>>)
        %mul3A_270 = arith.constant 40 : i32
        %mul3A_271 = arith.muli %add3A_263, %mul3A_270 : i32
        %dma_start3A_272 = tpu.memref_slice %arg8[%mul3A_271] : memref<2000xi32, #tpu.memory_space<vmem>> -> memref<40xi32, #tpu.memory_space<vmem>>
        %dma_start3A_273 = arith.constant 0 : i32
        %dma_start3A_274 = arith.constant 0 : i32
        %dma_start3A_275 = tpu.memref_slice %arg6[%dma_start3A_273, %dma_start3A_274] : memref<10000x128xf32, #tpu.memory_space<vmem_shared>> -> memref<10000x128xf32, #tpu.memory_space<vmem_shared>>
        tpu.enqueue_indirect_dma source(%dma_start3A_275 : memref<10000x128xf32, #tpu.memory_space<vmem_shared>>) target(%arg13 : memref<40x128xf32, #tpu.memory_space<vmem>>) offsets(%dma_start3A_272 : memref<40xi32, #tpu.memory_space<vmem>>) semaphore(%arg17 : memref<!tpu.dma_semaphore, #tpu.memory_space<semaphore_mem>>)
      } else {
      }
      %mul3A_220 = arith.constant 40 : i32
      %mul3A_221 = arith.muli %add3A_198, %mul3A_220 : i32
      %add3A_222 = arith.addi %add3A, %mul3A_221 : i32
      %dma_start3A_223 = arith.constant 0 : i32
      %dma_start3A_224 = tpu.memref_slice %arg5[%add3A_222, %dma_start3A_223] : memref<320000x128xf32, #tpu.memory_space<hbm>> -> memref<40x128xf32, #tpu.memory_space<hbm>>
      %dma_start3A_225 = arith.constant 0 : i32
      %dma_start3A_226 = tpu.memref_slice %arg5[%add3A_222, %dma_start3A_225] : memref<320000x128xf32, #tpu.memory_space<hbm>> -> memref<40x128xf32, #tpu.memory_space<hbm>>
      tpu.enqueue_dma source(%arg15 : memref<40x128xf32, #tpu.memory_space<vmem>>) target(%dma_start3A_226 : memref<40x128xf32, #tpu.memory_space<hbm>>) target_semaphore(%arg19 : memref<!tpu.dma_semaphore, #tpu.memory_space<semaphore_mem>>)
      %mul3A_227 = arith.constant 2 : i32
      %mul3A_228 = arith.muli %scan3A_192, %mul3A_227 : i32
      %add3A_229 = arith.constant 1 : i32
      %add3A_230 = arith.addi %mul3A_228, %add3A_229 : i32
      %add3A_231 = arith.constant 200 : i32
      %add3A_232 = arith.addi %add3A_231, %add3A_230 : i32
      %dma_wait3A_233 = arith.constant 0 : i32
      %dma_wait3A_234 = tpu.memref_slice %arg7[%dma_wait3A_233] : memref<2000xi32, #tpu.memory_space<vmem>> -> memref<40xi32, #tpu.memory_space<vmem>>
      %dma_wait3A_235 = arith.constant 0 : i32
      %dma_wait3A_236 = arith.constant 0 : i32
      %dma_wait3A_237 = tpu.memref_slice %arg6[%dma_wait3A_235, %dma_wait3A_236] : memref<10000x128xf32, #tpu.memory_space<vmem_shared>> -> memref<10000x128xf32, #tpu.memory_space<vmem_shared>>
      tpu.wait_indirect_dma semaphore(%arg18 : memref<!tpu.dma_semaphore, #tpu.memory_space<semaphore_mem>>) src(%dma_wait3A_237 : memref<10000x128xf32, #tpu.memory_space<vmem_shared>>) dst(%arg12 : memref<40x128xf32, #tpu.memory_space<vmem>>)
      %dma_wait3A_238 = arith.constant 0 : i32
      %dma_wait3A_239 = tpu.memref_slice %arg8[%dma_wait3A_238] : memref<2000xi32, #tpu.memory_space<vmem>> -> memref<40xi32, #tpu.memory_space<vmem>>
      %dma_wait3A_240 = arith.constant 0 : i32
      %dma_wait3A_241 = arith.constant 0 : i32
      %dma_wait3A_242 = tpu.memref_slice %arg6[%dma_wait3A_240, %dma_wait3A_241] : memref<10000x128xf32, #tpu.memory_space<vmem_shared>> -> memref<10000x128xf32, #tpu.memory_space<vmem_shared>>
      tpu.wait_indirect_dma semaphore(%arg18 : memref<!tpu.dma_semaphore, #tpu.memory_space<semaphore_mem>>) src(%dma_wait3A_242 : memref<10000x128xf32, #tpu.memory_space<vmem_shared>>) dst(%arg14 : memref<40x128xf32, #tpu.memory_space<vmem>>)
      %dma_wait3A_243 = arith.constant 0 : i32
      %dma_wait3A_244 = tpu.memref_slice %arg5[%add3A, %dma_wait3A_243] : memref<320000x128xf32, #tpu.memory_space<hbm>> -> memref<40x128xf32, #tpu.memory_space<hbm>>
      %dma_wait3A_245 = arith.constant 0 : i32
      %dma_wait3A_246 = tpu.memref_slice %arg5[%add3A, %dma_wait3A_245] : memref<320000x128xf32, #tpu.memory_space<hbm>> -> memref<40x128xf32, #tpu.memory_space<hbm>>
      tpu.wait_dma2 semaphore(%arg20 : memref<!tpu.dma_semaphore, #tpu.memory_space<semaphore_mem>>) src(%arg16 : memref<40x128xf32, #tpu.memory_space<vmem>>) dst(%dma_wait3A_246 : memref<40x128xf32, #tpu.memory_space<hbm>>)
      %parallel_loop3A_247 = arith.constant 0 : i32
      %parallel_loop3A_248 = arith.constant 40 : i32
      %parallel_loop3A_249 = arith.constant 1 : i32
      scf.for %parallel_loop3A_262 = %parallel_loop3A_247 to %parallel_loop3A_248 step %parallel_loop3A_249  : i32 {
        %parallel_loop3A_263 = arith.index_cast %parallel_loop3A_262 : i32 to index
        %parallel_loop3A_264 = arith.constant 0 : index
        %parallel_loop3A_265 = tpu.vector_load %arg12[%parallel_loop3A_263, %parallel_loop3A_264] {strides = array<i32>} : memref<40x128xf32, #tpu.memory_space<vmem>>, vector<1x16xf32>,
        %parallel_loop3A_266 = vector.shape_cast %parallel_loop3A_265 : vector<1x16xf32> to vector<16xf32>
        %parallel_loop3A_267 = arith.index_cast %parallel_loop3A_262 : i32 to index
        %parallel_loop3A_268 = arith.constant 0 : index
        %parallel_loop3A_269 = tpu.vector_load %arg14[%parallel_loop3A_267, %parallel_loop3A_268] {strides = array<i32>} : memref<40x128xf32, #tpu.memory_space<vmem>>, vector<1x16xf32>,
        %parallel_loop3A_270 = vector.shape_cast %parallel_loop3A_269 : vector<1x16xf32> to vector<16xf32>
        %parallel_loop3A_271 = arith.subf %parallel_loop3A_266, %parallel_loop3A_270 : vector<16xf32>
        %parallel_loop3A_272 = arith.index_cast %parallel_loop3A_262 : i32 to index
        %parallel_loop3A_273 = arith.constant 0 : index
        %parallel_loop3A_274 = tpu.vector_load %arg16[%parallel_loop3A_272, %parallel_loop3A_273] {strides = array<i32>} : memref<40x128xf32, #tpu.memory_space<vmem>>, vector<1x16xf32>,
        %parallel_loop3A_275 = vector.shape_cast %parallel_loop3A_274 : vector<1x16xf32> to vector<16xf32>
        %parallel_loop3A_276 = vector.shape_cast %parallel_loop3A_271 : vector<16xf32> to vector<1x16xf32>
        tpu.vector_store %arg16[%parallel_loop3A_272, %parallel_loop3A_273], %parallel_loop3A_276 {strides = array<i32>} : memref<40x128xf32, #tpu.memory_space<vmem>>, vector<1x16xf32>,
        %parallel_loop3A_277 = arith.index_cast %parallel_loop3A_262 : i32 to index
        %parallel_loop3A_278 = arith.constant 16 : index
        %parallel_loop3A_279 = tpu.vector_load %arg12[%parallel_loop3A_277, %parallel_loop3A_278] {strides = array<i32>} : memref<40x128xf32, #tpu.memory_space<vmem>>, vector<1x16xf32>,
        %parallel_loop3A_280 = vector.shape_cast %parallel_loop3A_279 : vector<1x16xf32> to vector<16xf32>
        %parallel_loop3A_281 = arith.index_cast %parallel_loop3A_262 : i32 to index
        %parallel_loop3A_282 = arith.constant 16 : index
        %parallel_loop3A_283 = tpu.vector_load %arg14[%parallel_loop3A_281, %parallel_loop3A_282] {strides = array<i32>} : memref<40x128xf32, #tpu.memory_space<vmem>>, vector<1x16xf32>,
        %parallel_loop3A_284 = vector.shape_cast %parallel_loop3A_283 : vector<1x16xf32> to vector<16xf32>
        %parallel_loop3A_285 = arith.subf %parallel_loop3A_280, %parallel_loop3A_284 : vector<16xf32>
        %parallel_loop3A_286 = arith.index_cast %parallel_loop3A_262 : i32 to index
        %parallel_loop3A_287 = arith.constant 16 : index
        %parallel_loop3A_288 = tpu.vector_load %arg16[%parallel_loop3A_286, %parallel_loop3A_287] {strides = array<i32>} : memref<40x128xf32, #tpu.memory_space<vmem>>, vector<1x16xf32>,
        %parallel_loop3A_289 = vector.shape_cast %parallel_loop3A_288 : vector<1x16xf32> to vector<16xf32>
        %parallel_loop3A_290 = vector.shape_cast %parallel_loop3A_285 : vector<16xf32> to vector<1x16xf32>
        tpu.vector_store %arg16[%parallel_loop3A_286, %parallel_loop3A_287], %parallel_loop3A_290 {strides = array<i32>} : memref<40x128xf32, #tpu.memory_space<vmem>>, vector<1x16xf32>,
        %parallel_loop3A_291 = arith.index_cast %parallel_loop3A_262 : i32 to index
        %parallel_loop3A_292 = arith.constant 32 : index
        %parallel_loop3A_293 = tpu.vector_load %arg12[%parallel_loop3A_291, %parallel_loop3A_292] {strides = array<i32>} : memref<40x128xf32, #tpu.memory_space<vmem>>, vector<1x16xf32>,
        %parallel_loop3A_294 = vector.shape_cast %parallel_loop3A_293 : vector<1x16xf32> to vector<16xf32>
        %parallel_loop3A_295 = arith.index_cast %parallel_loop3A_262 : i32 to index
        %parallel_loop3A_296 = arith.constant 32 : index
        %parallel_loop3A_297 = tpu.vector_load %arg14[%parallel_loop3A_295, %parallel_loop3A_296] {strides = array<i32>} : memref<40x128xf32, #tpu.memory_space<vmem>>, vector<1x16xf32>,
        %parallel_loop3A_298 = vector.shape_cast %parallel_loop3A_297 : vector<1x16xf32> to vector<16xf32>
        %parallel_loop3A_299 = arith.subf %parallel_loop3A_294, %parallel_loop3A_298 : vector<16xf32>
        %parallel_loop3A_300 = arith.index_cast %parallel_loop3A_262 : i32 to index
        %parallel_loop3A_301 = arith.constant 32 : index
        %parallel_loop3A_302 = tpu.vector_load %arg16[%parallel_loop3A_300, %parallel_loop3A_301] {strides = array<i32>} : memref<40x128xf32, #tpu.memory_space<vmem>>, vector<1x16xf32>,
        %parallel_loop3A_303 = vector.shape_cast %parallel_loop3A_302 : vector<1x16xf32> to vector<16xf32>
        %parallel_loop3A_304 = vector.shape_cast %parallel_loop3A_299 : vector<16xf32> to vector<1x16xf32>
        tpu.vector_store %arg16[%parallel_loop3A_300, %parallel_loop3A_301], %parallel_loop3A_304 {strides = array<i32>} : memref<40x128xf32, #tpu.memory_space<vmem>>, vector<1x16xf32>,
        %parallel_loop3A_305 = arith.index_cast %parallel_loop3A_262 : i32 to index
        %parallel_loop3A_306 = arith.constant 48 : index
        %parallel_loop3A_307 = tpu.vector_load %arg12[%parallel_loop3A_305, %parallel_loop3A_306] {strides = array<i32>} : memref<40x128xf32, #tpu.memory_space<vmem>>, vector<1x16xf32>,
        %parallel_loop3A_308 = vector.shape_cast %parallel_loop3A_307 : vector<1x16xf32> to vector<16xf32>
        %parallel_loop3A_309 = arith.index_cast %parallel_loop3A_262 : i32 to index
        %parallel_loop3A_310 = arith.constant 48 : index
        %parallel_loop3A_311 = tpu.vector_load %arg14[%parallel_loop3A_309, %parallel_loop3A_310] {strides = array<i32>} : memref<40x128xf32, #tpu.memory_space<vmem>>, vector<1x16xf32>,
        %parallel_loop3A_312 = vector.shape_cast %parallel_loop3A_311 : vector<1x16xf32> to vector<16xf32>
        %parallel_loop3A_313 = arith.subf %parallel_loop3A_308, %parallel_loop3A_312 : vector<16xf32>
        %parallel_loop3A_314 = arith.index_cast %parallel_loop3A_262 : i32 to index
        %parallel_loop3A_315 = arith.constant 48 : index
        %parallel_loop3A_316 = tpu.vector_load %arg16[%parallel_loop3A_314, %parallel_loop3A_315] {strides = array<i32>} : memref<40x128xf32, #tpu.memory_space<vmem>>, vector<1x16xf32>,
        %parallel_loop3A_317 = vector.shape_cast %parallel_loop3A_316 : vector<1x16xf32> to vector<16xf32>
        %parallel_loop3A_318 = vector.shape_cast %parallel_loop3A_313 : vector<16xf32> to vector<1x16xf32>
        tpu.vector_store %arg16[%parallel_loop3A_314, %parallel_loop3A_315], %parallel_loop3A_318 {strides = array<i32>} : memref<40x128xf32, #tpu.memory_space<vmem>>, vector<1x16xf32>,
        %parallel_loop3A_319 = arith.index_cast %parallel_loop3A_262 : i32 to index
        %parallel_loop3A_320 = arith.constant 64 : index
        %parallel_loop3A_321 = tpu.vector_load %arg12[%parallel_loop3A_319, %parallel_loop3A_320] {strides = array<i32>} : memref<40x128xf32, #tpu.memory_space<vmem>>, vector<1x16xf32>,
        %parallel_loop3A_322 = vector.shape_cast %parallel_loop3A_321 : vector<1x16xf32> to vector<16xf32>
        %parallel_loop3A_323 = arith.index_cast %parallel_loop3A_262 : i32 to index
        %parallel_loop3A_324 = arith.constant 64 : index
        %parallel_loop3A_325 = tpu.vector_load %arg14[%parallel_loop3A_323, %parallel_loop3A_324] {strides = array<i32>} : memref<40x128xf32, #tpu.memory_space<vmem>>, vector<1x16xf32>,
        %parallel_loop3A_326 = vector.shape_cast %parallel_loop3A_325 : vector<1x16xf32> to vector<16xf32>
        %parallel_loop3A_327 = arith.subf %parallel_loop3A_322, %parallel_loop3A_326 : vector<16xf32>
        %parallel_loop3A_328 = arith.index_cast %parallel_loop3A_262 : i32 to index
        %parallel_loop3A_329 = arith.constant 64 : index
        %parallel_loop3A_330 = tpu.vector_load %arg16[%parallel_loop3A_328, %parallel_loop3A_329] {strides = array<i32>} : memref<40x128xf32, #tpu.memory_space<vmem>>, vector<1x16xf32>,
        %parallel_loop3A_331 = vector.shape_cast %parallel_loop3A_330 : vector<1x16xf32> to vector<16xf32>
        %parallel_loop3A_332 = vector.shape_cast %parallel_loop3A_327 : vector<16xf32> to vector<1x16xf32>
        tpu.vector_store %arg16[%parallel_loop3A_328, %parallel_loop3A_329], %parallel_loop3A_332 {strides = array<i32>} : memref<40x128xf32, #tpu.memory_space<vmem>>, vector<1x16xf32>,
        %parallel_loop3A_333 = arith.index_cast %parallel_loop3A_262 : i32 to index
        %parallel_loop3A_334 = arith.constant 80 : index
        %parallel_loop3A_335 = tpu.vector_load %arg12[%parallel_loop3A_333, %parallel_loop3A_334] {strides = array<i32>} : memref<40x128xf32, #tpu.memory_space<vmem>>, vector<1x16xf32>,
        %parallel_loop3A_336 = vector.shape_cast %parallel_loop3A_335 : vector<1x16xf32> to vector<16xf32>
        %parallel_loop3A_337 = arith.index_cast %parallel_loop3A_262 : i32 to index
        %parallel_loop3A_338 = arith.constant 80 : index
        %parallel_loop3A_339 = tpu.vector_load %arg14[%parallel_loop3A_337, %parallel_loop3A_338] {strides = array<i32>} : memref<40x128xf32, #tpu.memory_space<vmem>>, vector<1x16xf32>,
        %parallel_loop3A_340 = vector.shape_cast %parallel_loop3A_339 : vector<1x16xf32> to vector<16xf32>
        %parallel_loop3A_341 = arith.subf %parallel_loop3A_336, %parallel_loop3A_340 : vector<16xf32>
        %parallel_loop3A_342 = arith.index_cast %parallel_loop3A_262 : i32 to index
        %parallel_loop3A_343 = arith.constant 80 : index
        %parallel_loop3A_344 = tpu.vector_load %arg16[%parallel_loop3A_342, %parallel_loop3A_343] {strides = array<i32>} : memref<40x128xf32, #tpu.memory_space<vmem>>, vector<1x16xf32>,
        %parallel_loop3A_345 = vector.shape_cast %parallel_loop3A_344 : vector<1x16xf32> to vector<16xf32>
        %parallel_loop3A_346 = vector.shape_cast %parallel_loop3A_341 : vector<16xf32> to vector<1x16xf32>
        tpu.vector_store %arg16[%parallel_loop3A_342, %parallel_loop3A_343], %parallel_loop3A_346 {strides = array<i32>} : memref<40x128xf32, #tpu.memory_space<vmem>>, vector<1x16xf32>,
        %parallel_loop3A_347 = arith.index_cast %parallel_loop3A_262 : i32 to index
        %parallel_loop3A_348 = arith.constant 96 : index
        %parallel_loop3A_349 = tpu.vector_load %arg12[%parallel_loop3A_347, %parallel_loop3A_348] {strides = array<i32>} : memref<40x128xf32, #tpu.memory_space<vmem>>, vector<1x16xf32>,
        %parallel_loop3A_350 = vector.shape_cast %parallel_loop3A_349 : vector<1x16xf32> to vector<16xf32>
        %parallel_loop3A_351 = arith.index_cast %parallel_loop3A_262 : i32 to index
        %parallel_loop3A_352 = arith.constant 96 : index
        %parallel_loop3A_353 = tpu.vector_load %arg14[%parallel_loop3A_351, %parallel_loop3A_352] {strides = array<i32>} : memref<40x128xf32, #tpu.memory_space<vmem>>, vector<1x16xf32>,
        %parallel_loop3A_354 = vector.shape_cast %parallel_loop3A_353 : vector<1x16xf32> to vector<16xf32>
        %parallel_loop3A_355 = arith.subf %parallel_loop3A_350, %parallel_loop3A_354 : vector<16xf32>
        %parallel_loop3A_356 = arith.index_cast %parallel_loop3A_262 : i32 to index
        %parallel_loop3A_357 = arith.constant 96 : index
        %parallel_loop3A_358 = tpu.vector_load %arg16[%parallel_loop3A_356, %parallel_loop3A_357] {strides = array<i32>} : memref<40x128xf32, #tpu.memory_space<vmem>>, vector<1x16xf32>,
        %parallel_loop3A_359 = vector.shape_cast %parallel_loop3A_358 : vector<1x16xf32> to vector<16xf32>
        %parallel_loop3A_360 = vector.shape_cast %parallel_loop3A_355 : vector<16xf32> to vector<1x16xf32>
        tpu.vector_store %arg16[%parallel_loop3A_356, %parallel_loop3A_357], %parallel_loop3A_360 {strides = array<i32>} : memref<40x128xf32, #tpu.memory_space<vmem>>, vector<1x16xf32>,
        %parallel_loop3A_361 = arith.index_cast %parallel_loop3A_262 : i32 to index
        %parallel_loop3A_362 = arith.constant 112 : index
        %parallel_loop3A_363 = tpu.vector_load %arg12[%parallel_loop3A_361, %parallel_loop3A_362] {strides = array<i32>} : memref<40x128xf32, #tpu.memory_space<vmem>>, vector<1x16xf32>,
        %parallel_loop3A_364 = vector.shape_cast %parallel_loop3A_363 : vector<1x16xf32> to vector<16xf32>
        %parallel_loop3A_365 = arith.index_cast %parallel_loop3A_262 : i32 to index
        %parallel_loop3A_366 = arith.constant 112 : index
        %parallel_loop3A_367 = tpu.vector_load %arg14[%parallel_loop3A_365, %parallel_loop3A_366] {strides = array<i32>} : memref<40x128xf32, #tpu.memory_space<vmem>>, vector<1x16xf32>,
        %parallel_loop3A_368 = vector.shape_cast %parallel_loop3A_367 : vector<1x16xf32> to vector<16xf32>
        %parallel_loop3A_369 = arith.subf %parallel_loop3A_364, %parallel_loop3A_368 : vector<16xf32>
        %parallel_loop3A_370 = arith.index_cast %parallel_loop3A_262 : i32 to index
        %parallel_loop3A_371 = arith.constant 112 : index
        %parallel_loop3A_372 = tpu.vector_load %arg16[%parallel_loop3A_370, %parallel_loop3A_371] {strides = array<i32>} : memref<40x128xf32, #tpu.memory_space<vmem>>, vector<1x16xf32>,
        %parallel_loop3A_373 = vector.shape_cast %parallel_loop3A_372 : vector<1x16xf32> to vector<16xf32>
        %parallel_loop3A_374 = vector.shape_cast %parallel_loop3A_369 : vector<16xf32> to vector<1x16xf32>
        tpu.vector_store %arg16[%parallel_loop3A_370, %parallel_loop3A_371], %parallel_loop3A_374 {strides = array<i32>} : memref<40x128xf32, #tpu.memory_space<vmem>>, vector<1x16xf32>,
      } {sc.loop_unroll_factor = 8 : i64, sc.parallel_access}
      %lt3A_250 = arith.constant 48 : i32
      %lt3A_251 = arith.cmpi slt, %add3A_230, %lt3A_250 : i32
      %convert_element_type3A_252 = arith.extui %lt3A_251 : i1 to i32
      %cond3A_253 = arith.constant 0 : i32
      %cond3A_254 = arith.cmpi ne, %convert_element_type3A_252, %cond3A_253 : i32
      scf.if %cond3A_254 {
        %add3A_262 = arith.constant 2 : i32
        %add3A_263 = arith.addi %add3A_230, %add3A_262 : i32
        %mul3A_264 = arith.constant 40 : i32
        %mul3A_265 = arith.muli %add3A_263, %mul3A_264 : i32
        %dma_start3A_266 = tpu.memref_slice %arg7[%mul3A_265] : memref<2000xi32, #tpu.memory_space<vmem>> -> memref<40xi32, #tpu.memory_space<vmem>>
        %dma_start3A_267 = arith.constant 0 : i32
        %dma_start3A_268 = arith.constant 0 : i32
        %dma_start3A_269 = tpu.memref_slice %arg6[%dma_start3A_267, %dma_start3A_268] : memref<10000x128xf32, #tpu.memory_space<vmem_shared>> -> memref<10000x128xf32, #tpu.memory_space<vmem_shared>>
        tpu.enqueue_indirect_dma source(%dma_start3A_269 : memref<10000x128xf32, #tpu.memory_space<vmem_shared>>) target(%arg12 : memref<40x128xf32, #tpu.memory_space<vmem>>) offsets(%dma_start3A_266 : memref<40xi32, #tpu.memory_space<vmem>>) semaphore(%arg18 : memref<!tpu.dma_semaphore, #tpu.memory_space<semaphore_mem>>)
        %mul3A_270 = arith.constant 40 : i32
        %mul3A_271 = arith.muli %add3A_263, %mul3A_270 : i32
        %dma_start3A_272 = tpu.memref_slice %arg8[%mul3A_271] : memref<2000xi32, #tpu.memory_space<vmem>> -> memref<40xi32, #tpu.memory_space<vmem>>
        %dma_start3A_273 = arith.constant 0 : i32
        %dma_start3A_274 = arith.constant 0 : i32
        %dma_start3A_275 = tpu.memref_slice %arg6[%dma_start3A_273, %dma_start3A_274] : memref<10000x128xf32, #tpu.memory_space<vmem_shared>> -> memref<10000x128xf32, #tpu.memory_space<vmem_shared>>
        tpu.enqueue_indirect_dma source(%dma_start3A_275 : memref<10000x128xf32, #tpu.memory_space<vmem_shared>>) target(%arg14 : memref<40x128xf32, #tpu.memory_space<vmem>>) offsets(%dma_start3A_272 : memref<40xi32, #tpu.memory_space<vmem>>) semaphore(%arg18 : memref<!tpu.dma_semaphore, #tpu.memory_space<semaphore_mem>>)
      } else {
      }
      %mul3A_255 = arith.constant 40 : i32
      %mul3A_256 = arith.muli %add3A_232, %mul3A_255 : i32
      %add3A_257 = arith.addi %add3A, %mul3A_256 : i32
      %dma_start3A_258 = arith.constant 0 : i32
      %dma_start3A_259 = tpu.memref_slice %arg5[%add3A_257, %dma_start3A_258] : memref<320000x128xf32, #tpu.memory_space<hbm>> -> memref<40x128xf32, #tpu.memory_space<hbm>>
      %dma_start3A_260 = arith.constant 0 : i32
      %dma_start3A_261 = tpu.memref_slice %arg5[%add3A_257, %dma_start3A_260] : memref<320000x128xf32, #tpu.memory_space<hbm>> -> memref<40x128xf32, #tpu.memory_space<hbm>>
      tpu.enqueue_dma source(%arg16 : memref<40x128xf32, #tpu.memory_space<vmem>>) target(%dma_start3A_261 : memref<40x128xf32, #tpu.memory_space<hbm>>) target_semaphore(%arg20 : memref<!tpu.dma_semaphore, #tpu.memory_space<semaphore_mem>>)
    }
    %scan3A_183 = arith.constant 25 : i32
    %dma_wait3A_184 = arith.constant 0 : i32
    %dma_wait3A_185 = tpu.memref_slice %arg5[%add3A, %dma_wait3A_184] : memref<320000x128xf32, #tpu.memory_space<hbm>> -> memref<40x128xf32, #tpu.memory_space<hbm>>
    %dma_wait3A_186 = arith.constant 0 : i32
    %dma_wait3A_187 = tpu.memref_slice %arg5[%add3A, %dma_wait3A_186] : memref<320000x128xf32, #tpu.memory_space<hbm>> -> memref<40x128xf32, #tpu.memory_space<hbm>>
    tpu.wait_dma2 semaphore(%arg19 : memref<!tpu.dma_semaphore, #tpu.memory_space<semaphore_mem>>) src(%arg15 : memref<40x128xf32, #tpu.memory_space<vmem>>) dst(%dma_wait3A_187 : memref<40x128xf32, #tpu.memory_space<hbm>>)
    %dma_wait3A_188 = arith.constant 0 : i32
    %dma_wait3A_189 = tpu.memref_slice %arg5[%add3A, %dma_wait3A_188] : memref<320000x128xf32, #tpu.memory_space<hbm>> -> memref<40x128xf32, #tpu.memory_space<hbm>>
    %dma_wait3A_190 = arith.constant 0 : i32
    %dma_wait3A_191 = tpu.memref_slice %arg5[%add3A, %dma_wait3A_190] : memref<320000x128xf32, #tpu.memory_space<hbm>> -> memref<40x128xf32, #tpu.memory_space<hbm>>
    tpu.wait_dma2 semaphore(%arg20 : memref<!tpu.dma_semaphore, #tpu.memory_space<semaphore_mem>>) src(%arg16 : memref<40x128xf32, #tpu.memory_space<vmem>>) dst(%dma_wait3A_191 : memref<40x128xf32, #tpu.memory_space<hbm>>)
    return
  }
}

</mosaic_0001>

<sc_bundles>
// kernel: kernel.3.cloned.1.call-start
scs
__scs_entry_jumppad:
0x0: {  	(pc) =	sbr.rel $0x88, $3  }
0x1: {  	(tag) =	ssettag $0x0;
	lr =	simm.s32 $0x1  }
0x2: {  	[smem:$0x3F9F] =	sst lr;
	_ =	strace $0xD0000000  }
0x3: {  	_ = 	snop  }
0x4: {  	_ = 	snop  }
0x5: {  	_ = 	snop  }
0x6: {  	_ = 	snop  }
0x7: {  	_ = 	snop  }
__scs_overlays_trampoline_lowered:
0x8: {  	[smem:$0x3FAE] =	sst s0  }
0x9: {  	[smem:$0x3FAF] =	sst s1  }
0xa: {  	[smem:$0x3FB0] =	sst s2  }
0xb: {  	[smem:$0x3FB1] =	sst s3  }
0xc: {  	[smem:$0x3FB2] =	sst s4  }
0xd: {  	[smem:$0x3FB3] =	sst s5  }
0xe: {  	[smem:$0x3FB4] =	sst s6  }
0xf: {  	[smem:$0x3FB5] =	sst s7  }
0x10: {  	[smem:$0x3FB6] =	sst s8  }
0x11: {  	[smem:$0x3FB7] =	sst s9;
	s0 =	simm.s32 @!p0 $0x0  }
0x12: {  	s1 =	sld [smem:$0x3F9D];
	s0 =	simm.s32 @p0 $0x1  }
0x13: {  	[smem:$0x3FB8] =	sst s0;
	s0 =	simm.s32 @!p1 $0x0  }
0x14: {  	s2 =	sld [smem:$0x3F9C];
	s0 =	simm.s32 @p1 $0x1  }
0x15: {  	[smem:$0x3FB9] =	sst s0;
	s0 =	simm.s32 @!p2 $0x0  }
0x16: {  	s3 =	sld [smem:$0x3FDB];
	s0 =	simm.s32 @p2 $0x1  }
0x17: {  	s4 =	simm.s32 $0x1BF5;
	[smem:$0x3FBB] =	sst s0  }
0x18: {  	s0 =	sld [smem:$0x3F9E];
	_ =	swait.ge [sflag:s4], $0x0  }
0x19: {  	s7 =	sld [smem:$0x3F9F]  }
0x1a: {  	s8 =	sadd.s32 $0xFFFFE003, lr  }
0x1b: {  	s9 =	sadd.s32 $0xFFFFFEF7, lr;
	s5 =	simm.s32 $0xFFFFFFFF;
	p2 =	slt.u32 s8, $0xFFFFF086  }
0x1c: {  	p1 =	slt.u32 s9, $0xF7A;
	s5 =	simm.s32 @!p2 $0x0  }
0x1d: {  	s5 =	simm.s32 @p1 $0x1;
	p0 =	seq.s32 s7, s2  }
0x1e: {  	s7 =	smul.u32 @!p0 $0xF7A, s2;
	p2 =	seq.s32 @!p0 s5, $0x0  }
0x1f: {  	s9 =	smul.u32 $0xF7A, s1;
	s8 =	simm.s32 @!p0 $0x1BF5;
	p2 =	por !p2, p0  }
0x20: {  	[sflag:s8] =	ssyncset.s32 @!p0 $0xFFFFF086;
	s6 =	sadd.s32 @!p0 s3, s7;
	s7 =	simm.s32 @!p0 $0x108  }
0x21: {  	s3 =	sadd.s32 s3, s9;
	s6 =	sadd.s32 @!p0 $0x88, s6;
	s7 =	simm.s32 @p2 $0x1082  }
0x22: {  	[simem:s7], [sflag:s8] =	dma.local @!p0 [hbm:s6], $0xF7A  }
0x23: {  	s9 =	sor.u32 $0xD0000000, s2;
	s6 =	simm.s32 $0x108;
	_ =	swait.ge @!p0 [sflag:s8], $0x0  }
0x24: {  	s3 =	sadd.s32 $0x88, s3;
	s6 =	simm.s32 @!p1 $0x1082;
	[sflag:s4] =	ssyncset.s32 $0xFFFFF086  }
0x25: {  	[simem:s6], [sflag:s4] =	dma.local [hbm:s3], $0xF7A  }
0x26: {  	[smem:$0x3F9F] =	sst s1;
	(tag) =	ssettag s2;
	_ =	strace s9  }
0x27: {  	s1 =	sld [smem:$0x3FAF]  }
0x28: {  	s2 =	sld [smem:$0x3FB0]  }
0x29: {  	s4 =	sld [smem:$0x3FB2]  }
0x2a: {  	p0 =	seq.s32 s5, $0x0;
	s5 =	sld [smem:$0x3FB3]  }
0x2b: {  	s6 =	sld [smem:$0x3FB4]  }
0x2c: {  	s7 =	sld [smem:$0x3FB5]  }
0x2d: {  	s3 =	simm.s32 $0x108;
	s8 =	sld [smem:$0x3FB6]  }
0x2e: {  	s3 =	simm.s32 @!p0 $0x1082;
	s9 =	sld [smem:$0x3FB7]  }
0x2f: {  	lr =	sadd.s32 s0, s3;
	s0 =	sld [smem:$0x3FAE]  }
0x30: {  	s3 =	sld [smem:$0x3FB1]  }
0x31: {  	[smem:$0x3FBA] =	sst s10  }
0x32: {  	s10 =	sld [smem:$0x3FB8];
	_ =	sdelay $0x3  }
0x33: {  	p0 =	seq.s32 s10, $0x1;
	s10 =	sld [smem:$0x3FBA];
	_ =	sdelay $0x3  }
0x34: {  	[smem:$0x3FBA] =	sst s10  }
0x35: {  	s10 =	sld [smem:$0x3FB9];
	_ =	sdelay $0x3  }
0x36: {  	p1 =	seq.s32 s10, $0x1;
	s10 =	sld [smem:$0x3FBA];
	_ =	sdelay $0x3  }
0x37: {  	[smem:$0x3FBA] =	sst s10  }
0x38: {  	s10 =	sld [smem:$0x3FBB]  }
0x39: {  	_ = 	snop;
	(pc) =	sbr.ind lr, $3  }
0x3a: {  	_ = 	snop  }
0x3b: {  	_ = 	snop  }
0x3c: {  	p2 =	seq.s32 s10, $0x1;
	s10 =	sld [smem:$0x3FBA]  }
0x3d: {  	_ =	shalt  }
0x3e: {  	_ =	shalt  }
0x3f: {  	_ =	shalt  }
0x40: {  	_ =	shalt  }
0x41: {  	_ =	shalt  }
0x42: {  	_ =	shalt  }
0x43: {  	_ =	shalt  }
0x44: {  	_ =	shalt  }
0x45: {  	_ =	shalt  }
0x46: {  	_ =	shalt  }
0x47: {  	_ =	shalt  }
0x48: {  	_ =	shalt  }
0x49: {  	_ =	shalt  }
0x4a: {  	_ =	shalt  }
0x4b: {  	_ =	shalt  }
0x4c: {  	_ =	shalt  }
0x4d: {  	_ =	shalt  }
0x4e: {  	_ =	shalt  }
0x4f: {  	_ =	shalt  }
0x50: {  	_ =	shalt  }
0x51: {  	_ =	shalt  }
0x52: {  	_ =	shalt  }
0x53: {  	_ =	shalt  }
0x54: {  	_ =	shalt  }
0x55: {  	_ =	shalt  }
0x56: {  	_ =	shalt  }
0x57: {  	_ =	shalt  }
0x58: {  	_ =	shalt  }
0x59: {  	_ =	shalt  }
0x5a: {  	_ =	shalt  }
0x5b: {  	_ =	shalt  }
0x5c: {  	_ =	shalt  }
0x5d: {  	_ =	shalt  }
0x5e: {  	_ =	shalt  }
0x5f: {  	_ =	shalt  }
0x60: {  	_ =	shalt  }
0x61: {  	_ =	shalt  }
0x62: {  	_ =	shalt  }
0x63: {  	_ =	shalt  }
0x64: {  	_ =	shalt  }
0x65: {  	_ =	shalt  }
0x66: {  	_ =	shalt  }
0x67: {  	_ =	shalt  }
0x68: {  	_ =	shalt  }
0x69: {  	_ =	shalt  }
0x6a: {  	_ =	shalt  }
0x6b: {  	_ =	shalt  }
0x6c: {  	_ =	shalt  }
0x6d: {  	_ =	shalt  }
0x6e: {  	_ =	shalt  }
0x6f: {  	_ =	shalt  }
0x70: {  	_ =	shalt  }
0x71: {  	_ =	shalt  }
0x72: {  	_ =	shalt  }
0x73: {  	_ =	shalt  }
0x74: {  	_ =	shalt  }
0x75: {  	_ =	shalt  }
0x76: {  	_ =	shalt  }
0x77: {  	_ =	shalt  }
0x78: {  	_ =	shalt  }
0x79: {  	_ =	shalt  }
0x7a: {  	_ =	shalt  }
0x7b: {  	_ =	shalt  }
0x7c: {  	_ =	shalt  }
0x7d: {  	_ =	shalt  }
0x7e: {  	_ =	shalt  }
0x7f: {  	_ =	shalt  }
0x80: {  	_ =	shalt  }
0x81: {  	_ =	shalt  }
0x82: {  	_ =	shalt  }
0x83: {  	_ =	shalt  }
0x84: {  	_ =	shalt  }
0x85: {  	_ =	shalt  }
0x86: {  	_ =	shalt  }
0x87: {  	_ =	shalt  }
.Lfunc_end0:
.L_simem_size_0:
called_computation_lowered:
.L_overlay_start_0:
0x88: {  	s2 =	sld [smem:$0x3FD9]  }
0x89: {  	s3 =	sld [smem:$0x3FFE];
	_ =	sdelay $0x1  }
0x8a: {  	s1 =	srdreg.scid  }
0x8b: {  	s0 =	sand.u32 $0x1, s1  }
0x8c: {  	s14 =	sshll.u32 s0, $0xA;
	s2 =	sadd.s32 s3, s2  }
0x8d: {  	s2 =	sadd.s32 s2, s14  }
0x8e: {  	[smem:$0x3FC6] =	sst s2  }
0x8f: {  	_ = 	snop  }
0x90: {  	s2 =	sld [smem:$0x3FD0];
	_ =	sdelay $0x2  }
0x91: {  	s15 =	simm.s32 $0xA;
	s4 =	simm.s32 $0x10  }
0x92: {  	[smem:s4], [sflag:s15] =	dma.local [hbm:s2], $0x1  }
0x93: {  	_ =	swait.eq [sflag:s15], $0x1  }
0x94: {  	[sflag:s15] =	ssyncset.done $0x0  }
0x95: {  	[sflag:s15] =	ssyncadd.s32 $0xFFFFFFFF  }
0x96: {  	s16 =	sld [smem:$0x11];
	(tm) =	ssettm $0x1  }
0x97: {  	s17 =	sld [smem:$0x3FFB];
	_ =	sdelay $0x3  }
0x98: {  	_ =	strace s17  }
0x99: {  	s3 =	sld [smem:$0x3FFC];
	_ =	sdelay $0x3  }
0x9a: {  	_ =	strace s3  }
0x9b: {  	s3 =	sld [smem:$0x3FFD];
	_ =	sdelay $0x3  }
0x9c: {  	_ =	strace s3  }
0x9d: {  	_ =	strace $0x8FFFFFFF  }
0x9e: {  	s18 =	sld [smem:$0x3FDB];
	_ =	sdelay $0x1  }
0x9f: {  	s19 =	simm.s32 $_scs_section_size  }
0xa0: {  	s5 =	simm.s32 $_size__tile_overlayer_lowered;
	s6 =	simm.s32 $_tile_overlayer_lowered  }
0xa1: {  	s22 =	simm.s32 $0x1BFF;
	s21 =	sshll.u32 s6, $0x1;
	s3 =	sadd.s32 s19, s18  }
0xa2: {  	s7 =	simm.s32 $0x0;
	s20 =	sshll.u32 s5, $0x1;
	s5 =	sadd.s32 s21, s3  }
0xa3: {  	[timem:s7], [sflag:s22] =	dma.local [hbm:s5], s20  }
0xa4: {  	_ =	swait.ge [sflag:s22], s20  }
0xa5: {  	s4 =	ssub.s32 $0x0, s20;
	[sflag:s22] =	ssyncset.done $0x0  }
0xa6: {  	[sflag:s22] =	ssyncadd.s32 s4;
	_ =	sdelay $0x1  }
0xa7: {  	s23 =	simm.s32 $0x1B8B  }
0xa8: {  	_ =	swait.ge [sflag:s23], $0x1  }
0xa9: {  	[sflag:s23] =	ssyncset.done $0x0  }
0xaa: {  	s25 =	simm.s32 $0x1B8E;
	s24 =	sld [smem:$0x3FFE];
	[sflag:s23] =	ssyncadd.s32 $0xFFFFFFFF  }
0xab: {  	s26 =	simm.s32 $execute0_lowered;
	[smem:$0x3FD2] =	sst s25  }
0xac: {  	s5 =	sshll.u32 s26, $0x1;
	_ =	strace $0x80000046;
	[dreg:$0x1] =	wrdreg $0xFFFFFFFF  }
0xad: {  	s28 =	simm.s32 $_size_execute0_lowered;
	s3 =	sadd.s32 s3, s5;
	[dreg:$0x0] =	wrdreg $0x0  }
0xae: {  	s5 =	sshll.u32 s28, $0x1;
	[dreg:$0x2] =	wrdreg s3  }
0xaf: {  	[dreg:$0x3] =	wrdreg s5  }
0xb0: {  	[dreg:$0x4] =	wrdreg $0xC0  }
0xb1: {  	_ =	task [dreg:s7], $0x5FFFF  }
0xb2: {  	[dreg:$0x1] =	wrdreg $0xFFFFFFFF  }
0xb3: {  	[dreg:$0x0] =	wrdreg $0x60  }
0xb4: {  	[dreg:$0x2] =	wrdreg s24  }
0xb5: {  	[dreg:$0x3] =	wrdreg s16  }
0xb6: {  	[dreg:$0x4] =	wrdreg $0x0  }
0xb7: {  	[dreg:$0x5] =	wrdreg $0x9  }
0xb8: {  	_ =	task.clear_ibuf [dreg:s7], $0x6FFFF;
	_ =	strace $0x90000046  }
0xb9: {  	s29 =	simm.s32 $0x9;
	_ =	strace $0x80000048  }
0xba: {  	_ =	swait.ge [sflag:s29], $0x1  }
0xbb: {  	[sflag:s29] =	ssyncadd.s32 $0xFFFFFFFF  }
0xbc: {  	_ =	strace $0x90000048  }
0xbd: {  	_ =	sfence  }
0xbe: {  	s30 =	sld [smem:$0x0];
	_ =	sdelay $0x2  }
0xbf: {  	s31 =	sshll.u32 s1, $0xD;
	s1 =	sshrl.u32 s1, $0x2  }
0xc0: {  	s3 =	sand.u32 $0x4000, s31;
	s1 =	sadd.s32 s1, s30  }
0xc1: {  	s0 =	sor.u32 s3, s0;
	s1 =	sshll.u32 s1, $0x11  }
0xc2: {  	s0 =	sor.u32 s1, s0  }
0xc3: {  	s0 =	sadd.s32 $0x8F2B, s0  }
0xc4: {  	[sflag:s0] =	ssyncadd.remote.s32 $0x1  }
0xc5: {  	_ =	sfence.sel $0xFFFF  }
0xc6: {  	[dreg:$0x0] =	wrdreg $0xFFFFFFFF;
	(pc) =	sbr.abs _section_cstart, $3  }
0xc7: {  	[dreg:$0x1] =	wrdreg $0xFFFFFFFF  }
0xc8: {  	_ =	task.clear_ibuf [dreg:s7], $0x2FFFF;
	_ =	strace $0x9FFFFFFF  }
0xc9: {  	(tm) =	ssettm $0x7FFFFFFF  }
tec
execute0_lowered:
.L_overlay_start_1:
0x0: {  	(tag) =	ssettag $0x1  }
0x1: {  	s0 =	rddreg [dreg:$0x0]  }
0x2: {  	s1 =	srdreg.scid;
	s2 =	rddreg [dreg:$0x1]  }
0x3: {  	s12 =	stileid.u32;
	s3 =	rddreg [dreg:$0x2];
	s4 =	simm.s32 $0x0  }
0x4: {  	s29 =	simm.s32 $0x13880;
	s30 =	simm.s32 $0x6;
	s6 =	smul.u32 $0x3E80, s12  }
0x5: {  	s31 =	simm.s32 $0x14080;
	s1 =	sand.u32 $0x1, s1;
	s7 =	smul.u32 $0x7D000, s12  }
0x6: {  	[smem:$0x7FF] =	sst s4;
	s9 =	smul.u32 $0x2710, s12;
	s10 =	sadd.s32 $0x5000, s0  }
0x7: {  	p0 =	sgt.u32 s12, $0x9;
	s5 =	smul.u32 $0x27100, s1;
	s1 =	ssub.s32 $0x2, s1  }
0x8: {  	_ =	strace $0x80000047;
	s8 =	sshrl.u32 s1, $0x1;
	s7 =	sshrl.u32 s7, $0x2  }
0x9: {  	s16 =	sshrl.u32 s9, $0x3;
	s6 =	sadd.s32 s6, s5;
	s1 =	ssub.s32 s1, s8  }
0xa: {  	s7 =	sadd.s32 s7, s3;
	s17 =	sadd.s32 s10, s16;
	s18 =	sadd.s32 s0, s16  }
0xb: {  	s19 =	sadd.s32 $0xFA, s16;
	s21 =	sadd.s32 $0x1F4, s16;
	[dreg:$0x5] =	wrdreg s17  }
0xc: {  	s23 =	sadd.s32 $0x2EE, s16;
	[dreg:$0x6] =	wrdreg s18;
	s20 =	sadd.s32 s10, s19  }
0xd: {  	s6 =	sadd.s32 s6, s0;
	s8 =	sadd.s32 s0, s19;
	[dreg:$0x7] =	wrdreg s20  }
0xe: {  	s22 =	sadd.s32 s10, s21;
	s24 =	sadd.s32 s10, s23;
	[dreg:$0x8] =	wrdreg s8  }
0xf: {  	s26 =	smax.u32 s1, $0x1;
	s1 =	simm.s32 $0x28;
	[dreg:$0x9] =	wrdreg s22  }
0x10: {  	s17 =	simm.s32 $0x1A880;
	s6 =	sadd.s32 $0xA000, s6;
	[dreg:$0xb] =	wrdreg s24  }
0x11: {  	s8 =	sadd.s32 s0, s21;
	[dreg:$0xf] =	wrdreg s26;
	s20 =	simm.s32 $0x2  }
0x12: {  	s21 =	simm.s32 $0x1BC80;
	s24 =	simm.s32 $0x5;
	[dreg:$0x4] =	wrdreg s6  }
0x13: {  	s6 =	sadd.s32 s9, s5;
	[dreg:$0xa] =	wrdreg s8;
	s8 =	sadd.s32 s0, s23  }
0x14: {  	s5 =	sadd.s32 $0x3E8, s16;
	s16 =	simm.s32 $0x1;
	s9 =	simm.s32 $0x0  }
0x15: {  	s11 =	sadd.s32 $0x28, s6;
	s14 =	sadd.s32 $0x7D0, s6;
	s15 =	sadd.s32 $0x7F8, s6  }
0x16: {  	[dreg:$0xc] =	wrdreg s8;
	s18 =	sadd.s32 $0xFA0, s6;
	s19 =	sadd.s32 $0xFC8, s6  }
0x17: {  	s25 =	sadd.s32 s10, s5;
	s0 =	sadd.s32 s0, s5;
	s22 =	sadd.s32 $0x1770, s6  }
0x18: {  	s23 =	sadd.s32 $0x1798, s6;
	s26 =	sadd.s32 $0x1F40, s6;
	[dreg:$0xd] =	wrdreg s25  }
0x19: {  	s28 =	sadd.s32 $0x1F68, s6;
	[dreg:$0xe] =	wrdreg s0;
	s0 =	sshrl.u32 @!p0 s7, $0x3  }
0x1a: {  	s25 =	simm.s32 $0x3;
	s7 =	simm.s32 $0x4;
	[dreg:$0x10] =	wrdreg s0  }
.LBB2_1:
0x1b: {  	s0 =	stileid.u32  }
0x1c: {  	s5 =	rddreg [dreg:$0x4];
	s0 =	sshll.u32 @!p0 s0, $0x6  }
0x1d: {  	s8 =	rddreg [dreg:$0x10];
	s0 =	sor.u32 @!p0 $0x1C06, s0  }
0x1e: {  	[spmem:s8], [sflag:s0] =	dma.local @!p0 [hbm:s5], $0x3E80  }
0x1f: {  	s0 =	simm.s32 @!p0 $0x6  }
0x20: {  	_ =	swait.ge @!p0 [sflag:s0], $0x3E80  }
0x21: {  	[sflag:s0] =	ssyncset.done @!p0 $0x0  }
0x22: {  	[sflag:s0] =	ssyncadd.s32 @!p0 $0xFFFFC180  }
0x23: {  	[bflag:$0x0] =	sbarrier.arrive $0xFFFF  }
0x24: {  	s10 =	rddreg [dreg:$0x5]  }
0x25: {  	[tilespmem:s29], [sflag:$0x6] =	stream.linear.gather [hbm4b:s10+s4], $0x7D0, $0x38;
	[tilespmem:$0x1D080] =	vst v63  }
0x26: {  	_ =	swait.ge [sflag:s30], $0x7D0  }
0x27: {  	[sflag:s30] =	ssyncset.done $0x0  }
0x28: {  	s12 =	rddreg [dreg:$0x6];
	[sflag:s30] =	ssyncadd.s32 $0xFFFFF830  }
0x29: {  	[tilespmem:s31], [sflag:$0x6] =	stream.linear.gather [hbm4b:s12+s4], $0x7D0, $0x38;
	[tilespmem:$0x1D080] =	vst v63  }
0x2a: {  	_ =	swait.ge [sflag:s30], $0x7D0  }
0x2b: {  	[sflag:s30] =	ssyncset.done $0x0  }
0x2c: {  	s13 =	simm.s32 $0x15880;
	[sflag:s30] =	ssyncadd.s32 $0xFFFFF830  }
0x2d: {  	[tilespmem:s13], [sflag:$0x1] =	stream.indirect.gather [spmem:s3], $0x80, s29, s1, $0xb8;
	[tilespmem:$0x1D080] =	vst v63  }
0x2e: {  	s5 =	simm.s32 $0x18080  }
0x2f: {  	[tilespmem:s5], [sflag:$0x1] =	stream.indirect.gather [spmem:s3], $0x80, s31, s1, $0xb8;
	[tilespmem:$0x1D080] =	vst v63  }
0x30: {  	s8 =	simm.s32 $0x138A8;
	s10 =	simm.s32 $0x16C80  }
0x31: {  	[tilespmem:s10], [sflag:$0x2] =	stream.indirect.gather [spmem:s3], $0x80, s8, s1, $0xb8;
	[tilespmem:$0x1D080] =	vst v63  }
0x32: {  	s12 =	simm.s32 $0x140A8;
	s13 =	simm.s32 $0x19480  }
0x33: {  	[tilespmem:s13], [sflag:$0x2] =	stream.indirect.gather [spmem:s3], $0x80, s12, s1, $0xb8;
	[tilespmem:$0x1D080] =	vst v63  }
0x34: {  	s8 =	rddreg [dreg:$0x7];
	s10 =	simm.s32 $0x14880  }
0x35: {  	[tilespmem:s10], [sflag:$0x5] =	stream.linear.gather [hbm4b:s8+s4], $0x7D0, $0x38;
	[tilespmem:$0x1D080] =	vst v63  }
0x36: {  	s12 =	rddreg [dreg:$0x8];
	s13 =	simm.s32 $0x15080  }
0x37: {  	[tilespmem:s13], [sflag:$0x5] =	stream.linear.gather [hbm4b:s12+s4], $0x7D0, $0x38;
	[tilespmem:$0x1D080] =	vst v63  }
0x38: {  	s12 =	simm.s32 $0x0  }
.LBB2_2:
0x39: {  	_ =	swait.ge [sflag:s16], $0x1400  }
0x3a: {  	[sflag:s16] =	ssyncset.done $0x0  }
0x3b: {  	[sflag:s16] =	ssyncadd.s32 $0xFFFFEC00  }
0x3c: {  	_ =	swait.ge [sflag:s16], $0x1400  }
0x3d: {  	p2 =	seq.s32 s12, $0x0;
	[sflag:s16] =	ssyncset.done $0x0  }
0x3e: {  	s0 =	simm.s32 @!p2 $0x3;
	[sflag:s16] =	ssyncadd.s32 $0xFFFFEC00  }
0x3f: {  	_ =	swait.ge @!p2 [sflag:s0], $0x1400  }
0x40: {  	[sflag:s0] =	ssyncset.done @!p2 $0x0  }
0x41: {  	s5 =	simm.s32 $0x15A80;
	[sflag:s0] =	ssyncadd.s32 @!p2 $0xFFFFEC00  }
0x42: {  	s13 =	simm.s32 $0x18280;
	v0 =	vld [tilespmem:s5+$0x180]  }
0x43: {  	v1 =	vld [tilespmem:s13+$0x180]  }
0x44: {  	v2 =	vld [tilespmem:s13+$0xFFFFFE00]  }
0x45: {  	v3 =	vld [tilespmem:s5+$0xFFFFFE80]  }
0x46: {  	v4 =	vld [tilespmem:s13+$0xFFFFFE80]  }
0x47: {  	v5 =	vld [tilespmem:s5+$0xFFFFFF00]  }
0x48: {  	v6 =	vld [tilespmem:s13+$0xFFFFFF00]  }
0x49: {  	v7 =	vld [tilespmem:s13+$0xFFFFFF80]  }
0x4a: {  	v9 =	vld [tilespmem:s5+$0x0]  }
0x4b: {  	v10 =	vld [tilespmem:s13+$0x0]  }
0x4c: {  	v11 =	vld [tilespmem:s5+$0x80]  }
0x4d: {  	v12 =	vld [tilespmem:s13+$0x80];
	v0 =	vsub.f32 v0, v1  }
0x4e: {  	s0 =	simm.s32 $0x1AA80;
	v1 =	vld [tilespmem:s5+$0xFFFFFF80]  }
0x4f: {  	v3 =	vsub.f32 v3, v4;
	v4 =	vld [tilespmem:s5+$0xFFFFFE00];
	[tilespmem:s0+$0x180] =	vst v0  }
0x50: {  	v0 =	vld [tilespmem:s5+$0x190]  }
0x51: {  	v8 =	vld [tilespmem:s13+$0x190]  }
0x52: {  	v13 =	vld [tilespmem:s5+$0x100];
	[tilespmem:s0+$0xFFFFFE80] =	vst v3;
	v3 =	vsub.f32 v5, v6  }
0x53: {  	v6 =	vld [tilespmem:s5+$0xFFFFFE90]  }
0x54: {  	[tilespmem:s0+$0xFFFFFF00] =	vst v3;
	v3 =	vld [tilespmem:s13+$0xFFFFFE90];
	v1 =	vsub.f32 v1, v7  }
0x55: {  	v2 =	vsub.f32 v4, v2;
	v4 =	vld [tilespmem:s5+$0xFFFFFF10]  }
0x56: {  	[tilespmem:s0+$0xFFFFFF80] =	vst v1;
	v1 =	vld [tilespmem:s13+$0xFFFFFF10];
	v0 =	vsub.f32 v0, v8  }
0x57: {  	[tilespmem:s0+$0xFFFFFE00] =	vst v2;
	v2 =	vld [tilespmem:s5+$0xFFFFFF90]  }
0x58: {  	v32 =	vld [tilespmem:s13+$0xFFFFFF90];
	[tilespmem:s0+$0x190] =	vst v0  }
0x59: {  	v0 =	vld [tilespmem:s5+$0x1A0]  }
0x5a: {  	v3 =	vsub.f32 v6, v3;
	v5 =	vld [tilespmem:s13+$0x1A0]  }
0x5b: {  	v8 =	vld [tilespmem:s13+$0x100]  }
0x5c: {  	v7 =	vld [tilespmem:s13+$0xFFFFFE10];
	[tilespmem:s0+$0xFFFFFE90] =	vst v3;
	v1 =	vsub.f32 v4, v1  }
0x5d: {  	v4 =	vld [tilespmem:s5+$0xFFFFFEA0]  }
0x5e: {  	[tilespmem:s0+$0xFFFFFF10] =	vst v1;
	v1 =	vsub.f32 v2, v32;
	v2 =	vld [tilespmem:s13+$0xFFFFFEA0]  }
0x5f: {  	v0 =	vsub.f32 v0, v5;
	v5 =	vld [tilespmem:s5+$0xFFFFFE10]  }
0x60: {  	v36 =	vld [tilespmem:s5+$0xFFFFFF20];
	[tilespmem:s0+$0xFFFFFF90] =	vst v1  }
0x61: {  	v1 =	vld [tilespmem:s13+$0xFFFFFF20];
	[tilespmem:s0+$0x1A0] =	vst v0;
	v0 =	vsub.f32 v9, v10  }
0x62: {  	v37 =	vld [tilespmem:s5+$0xFFFFFFA0]  }
0x63: {  	v30 =	vld [tilespmem:s5+$0x1B0];
	[tilespmem:s0+$0x0] =	vst v0;
	v0 =	vsub.f32 v11, v12  }
0x64: {  	v31 =	vld [tilespmem:s13+$0x1B0];
	v5 =	vsub.f32 v5, v7  }
0x65: {  	v33 =	vld [tilespmem:s5+$0x10];
	[tilespmem:s0+$0x80] =	vst v0;
	v0 =	vsub.f32 v13, v8  }
0x66: {  	v34 =	vld [tilespmem:s5+$0x90];
	[tilespmem:s0+$0xFFFFFE10] =	vst v5  }
0x67: {  	[tilespmem:s0+$0x100] =	vst v0;
	v0 =	vld [tilespmem:s13+$0x90]  }
0x68: {  	v6 =	vld [tilespmem:s5+$0xFFFFFE20]  }
0x69: {  	v9 =	vsub.f32 v30, v31;
	v3 =	vld [tilespmem:s13+$0xFFFFFE20]  }
0x6a: {  	v35 =	vld [tilespmem:s5+$0x110]  }
0x6b: {  	v7 =	vld [tilespmem:s13+$0x110];
	[tilespmem:s0+$0x1B0] =	vst v9  }
0x6c: {  	v2 =	vsub.f32 v4, v2;
	v9 =	vld [tilespmem:s5+$0x1C0]  }
0x6d: {  	v1 =	vsub.f32 v36, v1;
	v5 =	vld [tilespmem:s13+$0x1C0]  }
0x6e: {  	[tilespmem:s0+$0xFFFFFEA0] =	vst v2;
	v8 =	vld [tilespmem:s13+$0x10];
	v0 =	vsub.f32 v34, v0  }
0x6f: {  	v42 =	vld [tilespmem:s5+$0xFFFFFEB0];
	[tilespmem:s0+$0xFFFFFF20] =	vst v1;
	v3 =	vsub.f32 v6, v3  }
0x70: {  	v43 =	vld [tilespmem:s5+$0xFFFFFF30];
	[tilespmem:s0+$0x90] =	vst v0  }
0x71: {  	v0 =	vsub.f32 v35, v7;
	[tilespmem:s0+$0xFFFFFE20] =	vst v3;
	v40 =	vld [tilespmem:s5+$0xA0]  }
0x72: {  	v5 =	vsub.f32 v9, v5;
	v4 =	vld [tilespmem:s5+$0xFFFFFE30]  }
0x73: {  	[tilespmem:s0+$0x110] =	vst v0;
	v0 =	vld [tilespmem:s13+$0xA0]  }
0x74: {  	[tilespmem:s0+$0x1C0] =	vst v5;
	v41 =	vld [tilespmem:s5+$0x120]  }
0x75: {  	v5 =	vsub.f32 v33, v8;
	v8 =	vld [tilespmem:s5+$0x1D0]  }
0x76: {  	v38 =	vld [tilespmem:s13+$0x1D0]  }
0x77: {  	[tilespmem:s0+$0x10] =	vst v5;
	v5 =	vld [tilespmem:s13+$0xFFFFFFA0]  }
0x78: {  	v6 =	vld [tilespmem:s13+$0x120]  }
0x79: {  	v2 =	vld [tilespmem:s13+$0xFFFFFE30]  }
0x7a: {  	v39 =	vld [tilespmem:s5+$0x20];
	v0 =	vsub.f32 v40, v0  }
0x7b: {  	v7 =	vld [tilespmem:s13+$0x20];
	v8 =	vsub.f32 v8, v38  }
0x7c: {  	[tilespmem:s0+$0xA0] =	vst v0;
	v1 =	vsub.f32 v37, v5;
	v5 =	vld [tilespmem:s13+$0xFFFFFEB0]  }
0x7d: {  	v0 =	vsub.f32 v41, v6;
	v46 =	vld [tilespmem:s5+$0xB0];
	[tilespmem:s0+$0x1D0] =	vst v8  }
0x7e: {  	v8 =	vld [tilespmem:s5+$0x1E0]  }
0x7f: {  	[tilespmem:s0+$0x120] =	vst v0;
	v3 =	vld [tilespmem:s13+$0x1E0]  }
0x80: {  	v0 =	vsub.f32 v4, v2;
	[tilespmem:s0+$0xFFFFFFA0] =	vst v1;
	v1 =	vld [tilespmem:s13+$0xFFFFFF30]  }
0x81: {  	v2 =	vld [tilespmem:s13+$0xB0]  }
0x82: {  	v4 =	vld [tilespmem:s5+$0x130];
	[tilespmem:s0+$0xFFFFFE30] =	vst v0  }
0x83: {  	v47 =	vld [tilespmem:s5+$0xFFFFFE40];
	v0 =	vsub.f32 v42, v5  }
0x84: {  	v5 =	vld [tilespmem:s13+$0x130]  }
0x85: {  	v3 =	vsub.f32 v8, v3;
	[tilespmem:s0+$0xFFFFFEB0] =	vst v0;
	v0 =	vsub.f32 v43, v1;
	v1 =	vld [tilespmem:s13+$0xFFFFFE40]  }
0x86: {  	v8 =	vld [tilespmem:s5+$0xFFFFFFB0]  }
0x87: {  	v48 =	vld [tilespmem:s5+$0xFFFFFEC0];
	[tilespmem:s0+$0x1E0] =	vst v3;
	v3 =	vsub.f32 v39, v7  }
0x88: {  	v7 =	vld [tilespmem:s5+$0x1F0]  }
0x89: {  	[tilespmem:s0+$0x20] =	vst v3;
	v3 =	vld [tilespmem:s13+$0xFFFFFFB0]  }
0x8a: {  	v45 =	vld [tilespmem:s5+$0x30];
	v1 =	vsub.f32 v47, v1  }
0x8b: {  	v6 =	vld [tilespmem:s13+$0x30]  }
0x8c: {  	v44 =	vld [tilespmem:s13+$0x1F0];
	[tilespmem:s0+$0xFFFFFE40] =	vst v1  }
0x8d: {  	v52 =	vld [tilespmem:s5+$0xFFFFFE50]  }
0x8e: {  	[tilespmem:s0+$0xFFFFFF30] =	vst v0;
	v0 =	vsub.f32 v8, v3;
	v3 =	vld [tilespmem:s13+$0xFFFFFEC0]  }
0x8f: {  	v8 =	vld [tilespmem:s5+$0xFFFFFF40]  }
0x90: {  	[tilespmem:s0+$0xFFFFFFB0] =	vst v0;
	v0 =	vsub.f32 v45, v6;
	v6 =	vld [tilespmem:s13+$0xFFFFFF40]  }
0x91: {  	v49 =	vld [tilespmem:s5+$0xFFFFFFC0]  }
0x92: {  	[tilespmem:s0+$0x30] =	vst v0;
	v0 =	vsub.f32 v46, v2;
	v2 =	vld [tilespmem:s13+$0xFFFFFFC0]  }
0x93: {  	v50 =	vld [tilespmem:s5+$0x40]  }
0x94: {  	v1 =	vsub.f32 v48, v3;
	[tilespmem:s0+$0xB0] =	vst v0;
	v0 =	vsub.f32 v4, v5;
	v4 =	vld [tilespmem:s13+$0x40]  }
0x95: {  	v5 =	vld [tilespmem:s5+$0xC0]  }
0x96: {  	[tilespmem:s0+$0xFFFFFEC0] =	vst v1;
	v1 =	vsub.f32 v8, v6;
	v6 =	vld [tilespmem:s13+$0xFFFFFE50]  }
0x97: {  	[tilespmem:s0+$0x130] =	vst v0;
	v0 =	vld [tilespmem:s13+$0xC0]  }
0x98: {  	v8 =	vld [tilespmem:s5+$0xFFFFFED0]  }
0x99: {  	v51 =	vld [tilespmem:s5+$0x140]  }
0x9a: {  	v3 =	vld [tilespmem:s13+$0x140]  }
0x9b: {  	[tilespmem:s0+$0xFFFFFF40] =	vst v1;
	v1 =	vsub.f32 v49, v2;
	v2 =	vld [tilespmem:s13+$0xFFFFFED0]  }
0x9c: {  	v53 =	vld [tilespmem:s5+$0xFFFFFF50]  }
0x9d: {  	[tilespmem:s0+$0xFFFFFFC0] =	vst v1;
	v1 =	vsub.f32 v50, v4;
	v4 =	vld [tilespmem:s13+$0xFFFFFF50]  }
0x9e: {  	v54 =	vld [tilespmem:s5+$0xFFFFFFD0];
	v6 =	vsub.f32 v52, v6  }
0x9f: {  	[tilespmem:s0+$0x40] =	vst v1;
	v0 =	vsub.f32 v5, v0;
	v1 =	vld [tilespmem:s13+$0xFFFFFFD0]  }
0xa0: {  	v5 =	vld [tilespmem:s5+$0x50];
	[tilespmem:s0+$0xFFFFFE50] =	vst v6  }
0xa1: {  	[tilespmem:s0+$0xC0] =	vst v0;
	v0 =	vsub.f32 v51, v3;
	v3 =	vld [tilespmem:s13+$0x50]  }
0xa2: {  	v2 =	vsub.f32 v8, v2;
	v8 =	vld [tilespmem:s5+$0xFFFFFE60]  }
0xa3: {  	v55 =	vld [tilespmem:s5+$0xD0]  }
0xa4: {  	[tilespmem:s0+$0xFFFFFED0] =	vst v2;
	v2 =	vsub.f32 v53, v4;
	v4 =	vld [tilespmem:s13+$0xFFFFFE60]  }
0xa5: {  	[tilespmem:s0+$0x140] =	vst v0;
	v0 =	vld [tilespmem:s13+$0xD0]  }
0xa6: {  	v57 =	vld [tilespmem:s5+$0xFFFFFEE0]  }
0xa7: {  	v56 =	vld [tilespmem:s5+$0x150]  }
0xa8: {  	v6 =	vld [tilespmem:s13+$0x150]  }
0xa9: {  	[tilespmem:s0+$0xFFFFFF50] =	vst v2;
	v1 =	vsub.f32 v54, v1;
	v2 =	vld [tilespmem:s13+$0xFFFFFEE0]  }
0xaa: {  	v58 =	vld [tilespmem:s5+$0xFFFFFF60]  }
0xab: {  	[tilespmem:s0+$0xFFFFFFD0] =	vst v1;
	v1 =	vsub.f32 v5, v3;
	v3 =	vld [tilespmem:s13+$0xFFFFFF60]  }
0xac: {  	v5 =	vld [tilespmem:s5+$0xFFFFFFE0];
	v4 =	vsub.f32 v8, v4  }
0xad: {  	[tilespmem:s0+$0x50] =	vst v1;
	v0 =	vsub.f32 v55, v0;
	v1 =	vld [tilespmem:s13+$0xFFFFFFE0]  }
0xae: {  	v59 =	vld [tilespmem:s5+$0x60];
	[tilespmem:s0+$0xFFFFFE60] =	vst v4  }
0xaf: {  	[tilespmem:s0+$0xD0] =	vst v0;
	v0 =	vsub.f32 v56, v6;
	v6 =	vld [tilespmem:s13+$0x60]  }
0xb0: {  	v2 =	vsub.f32 v57, v2;
	v61 =	vld [tilespmem:s5+$0xFFFFFE70]  }
0xb1: {  	v60 =	vld [tilespmem:s5+$0xE0]  }
0xb2: {  	[tilespmem:s0+$0xFFFFFEE0] =	vst v2;
	v2 =	vsub.f32 v58, v3;
	v3 =	vld [tilespmem:s13+$0xFFFFFE70]  }
0xb3: {  	[tilespmem:s0+$0x150] =	vst v0;
	v0 =	vld [tilespmem:s13+$0xE0]  }
0xb4: {  	v62 =	vld [tilespmem:s5+$0xFFFFFEF0]  }
0xb5: {  	v8 =	vld [tilespmem:s5+$0x160]  }
0xb6: {  	v4 =	vld [tilespmem:s13+$0x160]  }
0xb7: {  	[tilespmem:s0+$0xFFFFFF60] =	vst v2;
	v1 =	vsub.f32 v5, v1;
	v5 =	vld [tilespmem:s13+$0xFFFFFEF0]  }
0xb8: {  	v14 =	vld [tilespmem:s5+$0xFFFFFF70]  }
0xb9: {  	[tilespmem:s0+$0xFFFFFFE0] =	vst v1;
	v1 =	vsub.f32 v59, v6;
	v6 =	vld [tilespmem:s13+$0xFFFFFF70]  }
0xba: {  	v2 =	vsub.f32 v7, v44;
	v7 =	vld [tilespmem:s5+$0xFFFFFFF0]  }
0xbb: {  	v63 =	vld [tilespmem:s13+$0xFFFFFFF0];
	[tilespmem:s0+$0x60] =	vst v1;
	v1 =	vsub.f32 v60, v0  }
0xbc: {  	[tilespmem:s0+$0x1F0] =	vst v2;
	v3 =	vsub.f32 v61, v3;
	v0 =	vld [tilespmem:s5+$0x70]  }
0xbd: {  	v4 =	vsub.f32 v8, v4;
	v2 =	vld [tilespmem:s13+$0x70];
	[tilespmem:s0+$0xE0] =	vst v1  }
0xbe: {  	[tilespmem:s0+$0xFFFFFE70] =	vst v3;
	v1 =	vld [tilespmem:s5+$0xF0];
	v6 =	vsub.f32 v14, v6  }
0xbf: {  	v5 =	vsub.f32 v62, v5;
	[tilespmem:s0+$0x160] =	vst v4;
	v4 =	vld [tilespmem:s13+$0xF0]  }
0xc0: {  	v3 =	vld [tilespmem:s5+$0x170];
	[tilespmem:s0+$0xFFFFFF70] =	vst v6;
	v6 =	vsub.f32 v7, v63  }
0xc1: {  	s8 =	simm.s32 $0x15E80;
	[tilespmem:s0+$0xFFFFFEF0] =	vst v5;
	s5 =	simm.s32 $0x0;
	v5 =	vld [tilespmem:s13+$0x170]  }
.LBB2_3:
0xc2: {  	v7 =	vld [tilespmem:s8+$0x180];
	[tilespmem:s0+$0xFFFFFFF0] =	vst v6;
	v0 =	vsub.f32 v0, v2;
	s13 =	sadd.s32 $0x400, s13  }
0xc3: {  	v2 =	vld [tilespmem:s13+$0x180]  }
0xc4: {  	v6 =	vld [tilespmem:s13+$0xFFFFFE00];
	[tilespmem:s0+$0x70] =	vst v0;
	v0 =	vsub.f32 v1, v4  }
0xc5: {  	v1 =	vld [tilespmem:s8+$0xFFFFFE80]  }
0xc6: {  	v4 =	vld [tilespmem:s13+$0xFFFFFE80];
	[tilespmem:s0+$0xF0] =	vst v0;
	v0 =	vsub.f32 v3, v5  }
0xc7: {  	v3 =	vld [tilespmem:s8+$0xFFFFFF00]  }
0xc8: {  	v5 =	vld [tilespmem:s13+$0xFFFFFF00];
	v2 =	vsub.f32 v7, v2;
	[tilespmem:s0+$0x170] =	vst v0  }
0xc9: {  	s0 =	sadd.s32 $0x400, s0;
	v0 =	vld [tilespmem:s8+$0xFFFFFF80]  }
0xca: {  	s5 =	sadd.s32 $0x8, s5;
	v7 =	vld [tilespmem:s13+$0xFFFFFF80];
	[tilespmem:s0+$0x180] =	vst v2  }
0xcb: {  	p1 =	slt.u32 s5, $0x20;
	v1 =	vsub.f32 v1, v4;
	v2 =	vld [tilespmem:s8+$0x190]  }
0xcc: {  	v4 =	vld [tilespmem:s13+$0x190]  }
0xcd: {  	[tilespmem:s0+$0xFFFFFE80] =	vst v1;
	v1 =	vsub.f32 v3, v5;
	v3 =	vld [tilespmem:s8+$0x0]  }
0xce: {  	v5 =	vld [tilespmem:s13+$0x0]  }
0xcf: {  	[tilespmem:s0+$0xFFFFFF00] =	vst v1;
	v0 =	vsub.f32 v0, v7;
	v1 =	vld [tilespmem:s8+$0x80]  }
0xd0: {  	v7 =	vld [tilespmem:s13+$0x80]  }
0xd1: {  	[tilespmem:s0+$0xFFFFFF80] =	vst v0;
	v0 =	vld [tilespmem:s8+$0x100];
	v2 =	vsub.f32 v2, v4  }
0xd2: {  	v4 =	vld [tilespmem:s13+$0x100]  }
0xd3: {  	v8 =	vld [tilespmem:s8+$0xFFFFFE00];
	v3 =	vsub.f32 v3, v5;
	[tilespmem:s0+$0x190] =	vst v2  }
0xd4: {  	v2 =	vld [tilespmem:s8+$0x1A0]  }
0xd5: {  	[tilespmem:s0+$0x0] =	vst v3;
	v1 =	vsub.f32 v1, v7;
	v3 =	vld [tilespmem:s13+$0x1A0]  }
0xd6: {  	v5 =	vld [tilespmem:s8+$0xFFFFFE90]  }
0xd7: {  	v7 =	vld [tilespmem:s13+$0xFFFFFE90];
	[tilespmem:s0+$0x80] =	vst v1;
	v0 =	vsub.f32 v0, v4  }
0xd8: {  	v1 =	vsub.f32 v8, v6;
	v4 =	vld [tilespmem:s8+$0xFFFFFF10]  }
0xd9: {  	v6 =	vld [tilespmem:s13+$0xFFFFFF10];
	[tilespmem:s0+$0x100] =	vst v0  }
0xda: {  	[tilespmem:s0+$0xFFFFFE00] =	vst v1;
	v0 =	vld [tilespmem:s8+$0xFFFFFF90];
	v1 =	vsub.f32 v2, v3  }
0xdb: {  	v2 =	vld [tilespmem:s8+$0xFFFFFE10]  }
0xdc: {  	v3 =	vld [tilespmem:s13+$0xFFFFFE10];
	v5 =	vsub.f32 v5, v7;
	[tilespmem:s0+$0x1A0] =	vst v1  }
0xdd: {  	v1 =	vld [tilespmem:s8+$0x1B0]  }
0xde: {  	[tilespmem:s0+$0xFFFFFE90] =	vst v5;
	v4 =	vsub.f32 v4, v6;
	v5 =	vld [tilespmem:s13+$0x1B0]  }
0xdf: {  	v6 =	vld [tilespmem:s13+$0xFFFFFF90]  }
0xe0: {  	[tilespmem:s0+$0xFFFFFF10] =	vst v4;
	v4 =	vld [tilespmem:s8+$0x10]  }
0xe1: {  	v2 =	vsub.f32 v2, v3;
	v3 =	vld [tilespmem:s13+$0x10]  }
0xe2: {  	v7 =	vld [tilespmem:s8+$0x90]  }
0xe3: {  	[tilespmem:s0+$0xFFFFFE10] =	vst v2;
	v2 =	vld [tilespmem:s13+$0x90];
	v1 =	vsub.f32 v1, v5  }
0xe4: {  	v0 =	vsub.f32 v0, v6;
	v5 =	vld [tilespmem:s8+$0x110]  }
0xe5: {  	v6 =	vld [tilespmem:s13+$0x110];
	[tilespmem:s0+$0x1B0] =	vst v1  }
0xe6: {  	[tilespmem:s0+$0xFFFFFF90] =	vst v0;
	v0 =	vsub.f32 v4, v3;
	v1 =	vld [tilespmem:s8+$0x1C0]  }
0xe7: {  	v3 =	vld [tilespmem:s13+$0x1C0]  }
0xe8: {  	v4 =	vld [tilespmem:s8+$0xFFFFFE20];
	[tilespmem:s0+$0x10] =	vst v0;
	v0 =	vsub.f32 v7, v2  }
0xe9: {  	v2 =	vld [tilespmem:s13+$0xFFFFFE20]  }
0xea: {  	v7 =	vld [tilespmem:s8+$0xFFFFFEA0];
	[tilespmem:s0+$0x90] =	vst v0;
	v0 =	vsub.f32 v5, v6  }
0xeb: {  	v5 =	vld [tilespmem:s13+$0xFFFFFEA0]  }
0xec: {  	v6 =	vld [tilespmem:s8+$0xFFFFFF20];
	[tilespmem:s0+$0x110] =	vst v0;
	v0 =	vsub.f32 v1, v3  }
0xed: {  	v1 =	vld [tilespmem:s13+$0xFFFFFF20]  }
0xee: {  	v2 =	vsub.f32 v4, v2;
	v3 =	vld [tilespmem:s8+$0xFFFFFFA0];
	[tilespmem:s0+$0x1C0] =	vst v0  }
0xef: {  	v0 =	vld [tilespmem:s8+$0x1D0]  }
0xf0: {  	[tilespmem:s0+$0xFFFFFE20] =	vst v2;
	v2 =	vsub.f32 v7, v5;
	v4 =	vld [tilespmem:s13+$0x1D0]  }
0xf1: {  	v5 =	vld [tilespmem:s13+$0xFFFFFFA0]  }
0xf2: {  	[tilespmem:s0+$0xFFFFFEA0] =	vst v2;
	v1 =	vsub.f32 v6, v1;
	v2 =	vld [tilespmem:s8+$0x20]  }
0xf3: {  	v6 =	vld [tilespmem:s13+$0x20]  }
0xf4: {  	[tilespmem:s0+$0xFFFFFF20] =	vst v1;
	v1 =	vld [tilespmem:s8+$0xA0]  }
0xf5: {  	v7 =	vld [tilespmem:s13+$0xA0];
	v0 =	vsub.f32 v0, v4  }
0xf6: {  	v3 =	vsub.f32 v3, v5;
	v4 =	vld [tilespmem:s8+$0x120]  }
0xf7: {  	v5 =	vld [tilespmem:s13+$0x120];
	[tilespmem:s0+$0x1D0] =	vst v0  }
0xf8: {  	[tilespmem:s0+$0xFFFFFFA0] =	vst v3;
	v0 =	vsub.f32 v2, v6;
	v2 =	vld [tilespmem:s8+$0x1E0]  }
0xf9: {  	v3 =	vld [tilespmem:s13+$0x1E0]  }
0xfa: {  	v6 =	vld [tilespmem:s8+$0xFFFFFE30];
	[tilespmem:s0+$0x20] =	vst v0;
	v0 =	vsub.f32 v1, v7  }
0xfb: {  	v1 =	vld [tilespmem:s13+$0xFFFFFE30]  }
0xfc: {  	v7 =	vld [tilespmem:s8+$0xFFFFFEB0];
	[tilespmem:s0+$0xA0] =	vst v0;
	v0 =	vsub.f32 v4, v5  }
0xfd: {  	v4 =	vld [tilespmem:s13+$0xFFFFFEB0]  }
0xfe: {  	v5 =	vld [tilespmem:s8+$0xFFFFFF30];
	[tilespmem:s0+$0x120] =	vst v0;
	v0 =	vsub.f32 v2, v3  }
0xff: {  	v2 =	vld [tilespmem:s13+$0xFFFFFF30]  }
0x100: {  	v1 =	vsub.f32 v6, v1;
	v3 =	vld [tilespmem:s8+$0xFFFFFFB0];
	[tilespmem:s0+$0x1E0] =	vst v0  }
0x101: {  	v0 =	vld [tilespmem:s8+$0x1F0]  }
0x102: {  	[tilespmem:s0+$0xFFFFFE30] =	vst v1;
	v1 =	vsub.f32 v7, v4;
	v4 =	vld [tilespmem:s13+$0x1F0]  }
0x103: {  	v6 =	vld [tilespmem:s13+$0xFFFFFFB0]  }
0x104: {  	[tilespmem:s0+$0xFFFFFEB0] =	vst v1;
	v1 =	vsub.f32 v5, v2;
	v2 =	vld [tilespmem:s8+$0x30]  }
0x105: {  	v5 =	vld [tilespmem:s13+$0x30]  }
0x106: {  	[tilespmem:s0+$0xFFFFFF30] =	vst v1;
	v1 =	vld [tilespmem:s8+$0xB0]  }
0x107: {  	v7 =	vld [tilespmem:s13+$0xB0];
	v0 =	vsub.f32 v0, v4  }
0x108: {  	v3 =	vsub.f32 v3, v6;
	v4 =	vld [tilespmem:s8+$0x130]  }
0x109: {  	v6 =	vld [tilespmem:s13+$0x130];
	[tilespmem:s0+$0x1F0] =	vst v0  }
0x10a: {  	v0 =	vld [tilespmem:s8+$0xFFFFFE40];
	[tilespmem:s0+$0xFFFFFFB0] =	vst v3;
	v2 =	vsub.f32 v2, v5  }
0x10b: {  	v3 =	vld [tilespmem:s13+$0xFFFFFE40]  }
0x10c: {  	v5 =	vld [tilespmem:s8+$0xFFFFFEC0];
	[tilespmem:s0+$0x30] =	vst v2;
	v1 =	vsub.f32 v1, v7  }
0x10d: {  	v2 =	vld [tilespmem:s13+$0xFFFFFEC0]  }
0x10e: {  	v7 =	vld [tilespmem:s8+$0xFFFFFF40];
	[tilespmem:s0+$0xB0] =	vst v1;
	v1 =	vsub.f32 v4, v6  }
0x10f: {  	v4 =	vld [tilespmem:s13+$0xFFFFFF40]  }
0x110: {  	v0 =	vsub.f32 v0, v3;
	v3 =	vld [tilespmem:s8+$0xFFFFFFC0];
	[tilespmem:s0+$0x130] =	vst v1  }
0x111: {  	v1 =	vld [tilespmem:s13+$0xFFFFFFC0]  }
0x112: {  	[tilespmem:s0+$0xFFFFFE40] =	vst v0;
	v0 =	vsub.f32 v5, v2;
	v2 =	vld [tilespmem:s8+$0x40]  }
0x113: {  	v5 =	vld [tilespmem:s13+$0x40]  }
0x114: {  	[tilespmem:s0+$0xFFFFFEC0] =	vst v0;
	v0 =	vsub.f32 v7, v4;
	v4 =	vld [tilespmem:s8+$0xC0]  }
0x115: {  	v6 =	vld [tilespmem:s13+$0xC0]  }
0x116: {  	[tilespmem:s0+$0xFFFFFF40] =	vst v0;
	v0 =	vsub.f32 v3, v1;
	v1 =	vld [tilespmem:s8+$0x140]  }
0x117: {  	v3 =	vld [tilespmem:s13+$0x140]  }
0x118: {  	v7 =	vld [tilespmem:s8+$0xFFFFFE50];
	[tilespmem:s0+$0xFFFFFFC0] =	vst v0;
	v0 =	vsub.f32 v2, v5  }
0x119: {  	v2 =	vld [tilespmem:s13+$0xFFFFFE50]  }
0x11a: {  	v5 =	vld [tilespmem:s8+$0xFFFFFED0];
	[tilespmem:s0+$0x40] =	vst v0;
	v0 =	vsub.f32 v4, v6  }
0x11b: {  	v4 =	vld [tilespmem:s13+$0xFFFFFED0]  }
0x11c: {  	v6 =	vld [tilespmem:s8+$0xFFFFFF50];
	[tilespmem:s0+$0xC0] =	vst v0;
	v0 =	vsub.f32 v1, v3  }
0x11d: {  	v1 =	vld [tilespmem:s13+$0xFFFFFF50]  }
0x11e: {  	v2 =	vsub.f32 v7, v2;
	v3 =	vld [tilespmem:s8+$0xFFFFFFD0];
	[tilespmem:s0+$0x140] =	vst v0  }
0x11f: {  	v0 =	vld [tilespmem:s13+$0xFFFFFFD0]  }
0x120: {  	[tilespmem:s0+$0xFFFFFE50] =	vst v2;
	v2 =	vsub.f32 v5, v4;
	v4 =	vld [tilespmem:s8+$0x50]  }
0x121: {  	v5 =	vld [tilespmem:s13+$0x50]  }
0x122: {  	[tilespmem:s0+$0xFFFFFED0] =	vst v2;
	v1 =	vsub.f32 v6, v1;
	v2 =	vld [tilespmem:s8+$0xD0]  }
0x123: {  	v6 =	vld [tilespmem:s13+$0xD0]  }
0x124: {  	[tilespmem:s0+$0xFFFFFF50] =	vst v1;
	v0 =	vsub.f32 v3, v0;
	v1 =	vld [tilespmem:s8+$0x150]  }
0x125: {  	v3 =	vld [tilespmem:s13+$0x150]  }
0x126: {  	v7 =	vld [tilespmem:s8+$0xFFFFFE60];
	[tilespmem:s0+$0xFFFFFFD0] =	vst v0;
	v0 =	vsub.f32 v4, v5  }
0x127: {  	v4 =	vld [tilespmem:s13+$0xFFFFFE60]  }
0x128: {  	v5 =	vld [tilespmem:s8+$0xFFFFFEE0];
	[tilespmem:s0+$0x50] =	vst v0;
	v0 =	vsub.f32 v2, v6  }
0x129: {  	v2 =	vld [tilespmem:s13+$0xFFFFFEE0]  }
0x12a: {  	v6 =	vld [tilespmem:s8+$0xFFFFFF60];
	[tilespmem:s0+$0xD0] =	vst v0;
	v0 =	vsub.f32 v1, v3  }
0x12b: {  	v1 =	vld [tilespmem:s13+$0xFFFFFF60]  }
0x12c: {  	v3 =	vsub.f32 v7, v4;
	v4 =	vld [tilespmem:s8+$0xFFFFFFE0];
	[tilespmem:s0+$0x150] =	vst v0  }
0x12d: {  	v0 =	vld [tilespmem:s13+$0xFFFFFFE0]  }
0x12e: {  	[tilespmem:s0+$0xFFFFFE60] =	vst v3;
	v2 =	vsub.f32 v5, v2;
	v3 =	vld [tilespmem:s8+$0x60]  }
0x12f: {  	v5 =	vld [tilespmem:s13+$0x60]  }
0x130: {  	[tilespmem:s0+$0xFFFFFEE0] =	vst v2;
	v1 =	vsub.f32 v6, v1;
	v2 =	vld [tilespmem:s8+$0xE0]  }
0x131: {  	v6 =	vld [tilespmem:s13+$0xE0]  }
0x132: {  	[tilespmem:s0+$0xFFFFFF60] =	vst v1;
	v0 =	vsub.f32 v4, v0;
	v1 =	vld [tilespmem:s8+$0x160]  }
0x133: {  	v4 =	vld [tilespmem:s13+$0x160]  }
0x134: {  	v7 =	vld [tilespmem:s8+$0xFFFFFE70];
	[tilespmem:s0+$0xFFFFFFE0] =	vst v0;
	v0 =	vsub.f32 v3, v5  }
0x135: {  	v3 =	vld [tilespmem:s13+$0xFFFFFE70]  }
0x136: {  	v5 =	vld [tilespmem:s8+$0xFFFFFEF0];
	[tilespmem:s0+$0x60] =	vst v0;
	v0 =	vsub.f32 v2, v6  }
0x137: {  	v2 =	vld [tilespmem:s13+$0xFFFFFEF0]  }
0x138: {  	v6 =	vld [tilespmem:s8+$0xFFFFFF70];
	[tilespmem:s0+$0xE0] =	vst v0;
	v0 =	vsub.f32 v1, v4  }
0x139: {  	v1 =	vld [tilespmem:s13+$0xFFFFFF70]  }
0x13a: {  	v3 =	vsub.f32 v7, v3;
	v7 =	vld [tilespmem:s8+$0xFFFFFFF0];
	[tilespmem:s0+$0x160] =	vst v0  }
0x13b: {  	v8 =	vld [tilespmem:s13+$0xFFFFFFF0]  }
0x13c: {  	[tilespmem:s0+$0xFFFFFE70] =	vst v3;
	v3 =	vsub.f32 v5, v2;
	v0 =	vld [tilespmem:s8+$0x70]  }
.Ltmp0:
0x13d: {  	v2 =	vld [tilespmem:s13+$0x70];
	(pc) =	sbr.rel @p1 .LBB2_3-.Ltmp0, $4  }
0x13e: {  	[tilespmem:s0+$0xFFFFFEF0] =	vst v3;
	v3 =	vsub.f32 v6, v1;
	v1 =	vld [tilespmem:s8+$0xF0]  }
0x13f: {  	v4 =	vld [tilespmem:s13+$0xF0]  }
0x140: {  	[tilespmem:s0+$0xFFFFFF70] =	vst v3;
	v6 =	vsub.f32 v7, v8;
	v3 =	vld [tilespmem:s8+$0x170]  }
0x141: {  	s8 =	sadd.s32 $0x400, s8;
	v5 =	vld [tilespmem:s13+$0x170]  }
0x142: {  	_ =	sdelay $0x1  }
0x143: {  	v0 =	vsub.f32 v0, v2  }
0x144: {  	[tilespmem:s0+$0xFFFFFFF0] =	vst v6;
	p1 =	seq.s32 s12, $0x18;
	v1 =	vsub.f32 v1, v4  }
0x145: {  	s13 =	smul.u32 @!p1 $0x50, s12;
	[tilespmem:s0+$0x70] =	vst v0;
	v0 =	vsub.f32 v3, v5  }
0x146: {  	[tilespmem:s0+$0xF0] =	vst v1  }
0x147: {  	s5 =	simm.s32 @!p1 $0x28;
	s8 =	simm.s32 @!p1 $0x15880;
	[tilespmem:s0+$0x170] =	vst v0;
	s0 =	sadd.s32 @!p1 $0x138D0, s13  }
0x148: {  	[tilespmem:s8], [sflag:$0x1] =	stream.indirect.gather @!p1 [spmem:s3], $0x80, s0, s5, $0xb8;
	[tilespmem:$0x1D080] =	vst v63  }
0x149: {  	s0 =	sadd.s32 @!p1 $0x140D0, s13;
	s8 =	simm.s32 @!p1 $0x18080;
	s13 =	simm.s32 @p1 $0x780  }
0x14a: {  	[tilespmem:s8], [sflag:$0x1] =	stream.indirect.gather @!p1 [spmem:s3], $0x80, s0, s5, $0xb8;
	[tilespmem:$0x1D080] =	vst v63  }
0x14b: {  	s8 =	sadd.s32 s6, s13  }
0x14c: {  	s0 =	sshll.u32 s8, $0x4  }
0x14d: {  	s0 =	sadd.s32 s2, s0  }
0x14e: {  	[hbm4b:s0+s4] =	stream.linear.scatter [tilespmem:s17], [sflag:$0x3], $0x1400, $0x38;
	[tilespmem:$0x1D080] =	vst v63  }
0x14f: {  	_ =	swait.ge [sflag:s20], $0x1400  }
0x150: {  	[sflag:s20] =	ssyncset.done $0x0  }
0x151: {  	[sflag:s20] =	ssyncadd.s32 $0xFFFFEC00  }
0x152: {  	_ =	swait.ge [sflag:s20], $0x1400  }
0x153: {  	[sflag:s20] =	ssyncset.done $0x0  }
0x154: {  	s0 =	simm.s32 @!p2 $0x4;
	[sflag:s20] =	ssyncadd.s32 $0xFFFFEC00  }
0x155: {  	_ =	swait.ge @!p2 [sflag:s0], $0x1400  }
0x156: {  	[sflag:s0] =	ssyncset.done @!p2 $0x0  }
0x157: {  	s10 =	simm.s32 $0x16E80;
	[sflag:s0] =	ssyncadd.s32 @!p2 $0xFFFFEC00  }
0x158: {  	s0 =	simm.s32 $0x19680;
	v0 =	vld [tilespmem:s10+$0x180]  }
0x159: {  	v1 =	vld [tilespmem:s0+$0x180]  }
0x15a: {  	v2 =	vld [tilespmem:s0+$0xFFFFFE00]  }
0x15b: {  	v3 =	vld [tilespmem:s10+$0xFFFFFE80]  }
0x15c: {  	v4 =	vld [tilespmem:s0+$0xFFFFFE80]  }
0x15d: {  	v5 =	vld [tilespmem:s10+$0xFFFFFF00]  }
0x15e: {  	v6 =	vld [tilespmem:s0+$0xFFFFFF00]  }
0x15f: {  	v7 =	vld [tilespmem:s0+$0xFFFFFF80]  }
0x160: {  	v9 =	vld [tilespmem:s10+$0x0]  }
0x161: {  	v10 =	vld [tilespmem:s0+$0x0]  }
0x162: {  	v11 =	vld [tilespmem:s10+$0x80]  }
0x163: {  	v12 =	vld [tilespmem:s0+$0x80];
	v0 =	vsub.f32 v0, v1  }
0x164: {  	s5 =	simm.s32 $0x1BE80;
	v1 =	vld [tilespmem:s10+$0xFFFFFF80]  }
0x165: {  	v3 =	vsub.f32 v3, v4;
	v4 =	vld [tilespmem:s10+$0xFFFFFE00];
	[tilespmem:s5+$0x180] =	vst v0  }
0x166: {  	v0 =	vld [tilespmem:s10+$0x190]  }
0x167: {  	v8 =	vld [tilespmem:s0+$0x190]  }
0x168: {  	v13 =	vld [tilespmem:s10+$0x100];
	[tilespmem:s5+$0xFFFFFE80] =	vst v3;
	v3 =	vsub.f32 v5, v6  }
0x169: {  	v6 =	vld [tilespmem:s10+$0xFFFFFE90]  }
0x16a: {  	[tilespmem:s5+$0xFFFFFF00] =	vst v3;
	v3 =	vld [tilespmem:s0+$0xFFFFFE90];
	v1 =	vsub.f32 v1, v7  }
0x16b: {  	v2 =	vsub.f32 v4, v2;
	v4 =	vld [tilespmem:s10+$0xFFFFFF10]  }
0x16c: {  	[tilespmem:s5+$0xFFFFFF80] =	vst v1;
	v1 =	vld [tilespmem:s0+$0xFFFFFF10];
	v0 =	vsub.f32 v0, v8  }
0x16d: {  	[tilespmem:s5+$0xFFFFFE00] =	vst v2;
	v2 =	vld [tilespmem:s10+$0xFFFFFF90]  }
0x16e: {  	v32 =	vld [tilespmem:s0+$0xFFFFFF90];
	[tilespmem:s5+$0x190] =	vst v0  }
0x16f: {  	v0 =	vld [tilespmem:s10+$0x1A0]  }
0x170: {  	v3 =	vsub.f32 v6, v3;
	v5 =	vld [tilespmem:s0+$0x1A0]  }
0x171: {  	v8 =	vld [tilespmem:s0+$0x100]  }
0x172: {  	v7 =	vld [tilespmem:s0+$0xFFFFFE10];
	[tilespmem:s5+$0xFFFFFE90] =	vst v3;
	v1 =	vsub.f32 v4, v1  }
0x173: {  	v4 =	vld [tilespmem:s10+$0xFFFFFEA0]  }
0x174: {  	[tilespmem:s5+$0xFFFFFF10] =	vst v1;
	v1 =	vsub.f32 v2, v32;
	v2 =	vld [tilespmem:s0+$0xFFFFFEA0]  }
0x175: {  	v0 =	vsub.f32 v0, v5;
	v5 =	vld [tilespmem:s10+$0xFFFFFE10]  }
0x176: {  	v36 =	vld [tilespmem:s10+$0xFFFFFF20];
	[tilespmem:s5+$0xFFFFFF90] =	vst v1  }
0x177: {  	v1 =	vld [tilespmem:s0+$0xFFFFFF20];
	[tilespmem:s5+$0x1A0] =	vst v0;
	v0 =	vsub.f32 v9, v10  }
0x178: {  	v37 =	vld [tilespmem:s10+$0xFFFFFFA0]  }
0x179: {  	v30 =	vld [tilespmem:s10+$0x1B0];
	[tilespmem:s5+$0x0] =	vst v0;
	v0 =	vsub.f32 v11, v12  }
0x17a: {  	v31 =	vld [tilespmem:s0+$0x1B0];
	v5 =	vsub.f32 v5, v7  }
0x17b: {  	v33 =	vld [tilespmem:s10+$0x10];
	[tilespmem:s5+$0x80] =	vst v0;
	v0 =	vsub.f32 v13, v8  }
0x17c: {  	v34 =	vld [tilespmem:s10+$0x90];
	[tilespmem:s5+$0xFFFFFE10] =	vst v5  }
0x17d: {  	[tilespmem:s5+$0x100] =	vst v0;
	v0 =	vld [tilespmem:s0+$0x90]  }
0x17e: {  	v6 =	vld [tilespmem:s10+$0xFFFFFE20]  }
0x17f: {  	v9 =	vsub.f32 v30, v31;
	v3 =	vld [tilespmem:s0+$0xFFFFFE20]  }
0x180: {  	v35 =	vld [tilespmem:s10+$0x110]  }
0x181: {  	v7 =	vld [tilespmem:s0+$0x110];
	[tilespmem:s5+$0x1B0] =	vst v9  }
0x182: {  	v2 =	vsub.f32 v4, v2;
	v9 =	vld [tilespmem:s10+$0x1C0]  }
0x183: {  	v1 =	vsub.f32 v36, v1;
	v5 =	vld [tilespmem:s0+$0x1C0]  }
0x184: {  	[tilespmem:s5+$0xFFFFFEA0] =	vst v2;
	v8 =	vld [tilespmem:s0+$0x10];
	v0 =	vsub.f32 v34, v0  }
0x185: {  	v42 =	vld [tilespmem:s10+$0xFFFFFEB0];
	[tilespmem:s5+$0xFFFFFF20] =	vst v1;
	v3 =	vsub.f32 v6, v3  }
0x186: {  	v43 =	vld [tilespmem:s10+$0xFFFFFF30];
	[tilespmem:s5+$0x90] =	vst v0  }
0x187: {  	v0 =	vsub.f32 v35, v7;
	[tilespmem:s5+$0xFFFFFE20] =	vst v3;
	v40 =	vld [tilespmem:s10+$0xA0]  }
0x188: {  	v5 =	vsub.f32 v9, v5;
	v4 =	vld [tilespmem:s10+$0xFFFFFE30]  }
0x189: {  	[tilespmem:s5+$0x110] =	vst v0;
	v0 =	vld [tilespmem:s0+$0xA0]  }
0x18a: {  	[tilespmem:s5+$0x1C0] =	vst v5;
	v41 =	vld [tilespmem:s10+$0x120]  }
0x18b: {  	v5 =	vsub.f32 v33, v8;
	v8 =	vld [tilespmem:s10+$0x1D0]  }
0x18c: {  	v38 =	vld [tilespmem:s0+$0x1D0]  }
0x18d: {  	[tilespmem:s5+$0x10] =	vst v5;
	v5 =	vld [tilespmem:s0+$0xFFFFFFA0]  }
0x18e: {  	v6 =	vld [tilespmem:s0+$0x120]  }
0x18f: {  	v2 =	vld [tilespmem:s0+$0xFFFFFE30]  }
0x190: {  	v39 =	vld [tilespmem:s10+$0x20];
	v0 =	vsub.f32 v40, v0  }
0x191: {  	v7 =	vld [tilespmem:s0+$0x20];
	v8 =	vsub.f32 v8, v38  }
0x192: {  	[tilespmem:s5+$0xA0] =	vst v0;
	v1 =	vsub.f32 v37, v5;
	v5 =	vld [tilespmem:s0+$0xFFFFFEB0]  }
0x193: {  	v0 =	vsub.f32 v41, v6;
	v46 =	vld [tilespmem:s10+$0xB0];
	[tilespmem:s5+$0x1D0] =	vst v8  }
0x194: {  	v8 =	vld [tilespmem:s10+$0x1E0]  }
0x195: {  	[tilespmem:s5+$0x120] =	vst v0;
	v3 =	vld [tilespmem:s0+$0x1E0]  }
0x196: {  	v0 =	vsub.f32 v4, v2;
	[tilespmem:s5+$0xFFFFFFA0] =	vst v1;
	v1 =	vld [tilespmem:s0+$0xFFFFFF30]  }
0x197: {  	v2 =	vld [tilespmem:s0+$0xB0]  }
0x198: {  	v4 =	vld [tilespmem:s10+$0x130];
	[tilespmem:s5+$0xFFFFFE30] =	vst v0  }
0x199: {  	v47 =	vld [tilespmem:s10+$0xFFFFFE40];
	v0 =	vsub.f32 v42, v5  }
0x19a: {  	v5 =	vld [tilespmem:s0+$0x130]  }
0x19b: {  	v3 =	vsub.f32 v8, v3;
	[tilespmem:s5+$0xFFFFFEB0] =	vst v0;
	v0 =	vsub.f32 v43, v1;
	v1 =	vld [tilespmem:s0+$0xFFFFFE40]  }
0x19c: {  	v8 =	vld [tilespmem:s10+$0xFFFFFFB0]  }
0x19d: {  	v48 =	vld [tilespmem:s10+$0xFFFFFEC0];
	[tilespmem:s5+$0x1E0] =	vst v3;
	v3 =	vsub.f32 v39, v7  }
0x19e: {  	v7 =	vld [tilespmem:s10+$0x1F0]  }
0x19f: {  	[tilespmem:s5+$0x20] =	vst v3;
	v3 =	vld [tilespmem:s0+$0xFFFFFFB0]  }
0x1a0: {  	v45 =	vld [tilespmem:s10+$0x30];
	v1 =	vsub.f32 v47, v1  }
0x1a1: {  	v6 =	vld [tilespmem:s0+$0x30]  }
0x1a2: {  	v44 =	vld [tilespmem:s0+$0x1F0];
	[tilespmem:s5+$0xFFFFFE40] =	vst v1  }
0x1a3: {  	v52 =	vld [tilespmem:s10+$0xFFFFFE50]  }
0x1a4: {  	[tilespmem:s5+$0xFFFFFF30] =	vst v0;
	v0 =	vsub.f32 v8, v3;
	v3 =	vld [tilespmem:s0+$0xFFFFFEC0]  }
0x1a5: {  	v8 =	vld [tilespmem:s10+$0xFFFFFF40]  }
0x1a6: {  	[tilespmem:s5+$0xFFFFFFB0] =	vst v0;
	v0 =	vsub.f32 v45, v6;
	v6 =	vld [tilespmem:s0+$0xFFFFFF40]  }
0x1a7: {  	v49 =	vld [tilespmem:s10+$0xFFFFFFC0]  }
0x1a8: {  	[tilespmem:s5+$0x30] =	vst v0;
	v0 =	vsub.f32 v46, v2;
	v2 =	vld [tilespmem:s0+$0xFFFFFFC0]  }
0x1a9: {  	v50 =	vld [tilespmem:s10+$0x40]  }
0x1aa: {  	v1 =	vsub.f32 v48, v3;
	[tilespmem:s5+$0xB0] =	vst v0;
	v0 =	vsub.f32 v4, v5;
	v4 =	vld [tilespmem:s0+$0x40]  }
0x1ab: {  	v5 =	vld [tilespmem:s10+$0xC0]  }
0x1ac: {  	[tilespmem:s5+$0xFFFFFEC0] =	vst v1;
	v1 =	vsub.f32 v8, v6;
	v6 =	vld [tilespmem:s0+$0xFFFFFE50]  }
0x1ad: {  	[tilespmem:s5+$0x130] =	vst v0;
	v0 =	vld [tilespmem:s0+$0xC0]  }
0x1ae: {  	v8 =	vld [tilespmem:s10+$0xFFFFFED0]  }
0x1af: {  	v51 =	vld [tilespmem:s10+$0x140]  }
0x1b0: {  	v3 =	vld [tilespmem:s0+$0x140]  }
0x1b1: {  	[tilespmem:s5+$0xFFFFFF40] =	vst v1;
	v1 =	vsub.f32 v49, v2;
	v2 =	vld [tilespmem:s0+$0xFFFFFED0]  }
0x1b2: {  	v53 =	vld [tilespmem:s10+$0xFFFFFF50]  }
0x1b3: {  	[tilespmem:s5+$0xFFFFFFC0] =	vst v1;
	v1 =	vsub.f32 v50, v4;
	v4 =	vld [tilespmem:s0+$0xFFFFFF50]  }
0x1b4: {  	v54 =	vld [tilespmem:s10+$0xFFFFFFD0];
	v6 =	vsub.f32 v52, v6  }
0x1b5: {  	[tilespmem:s5+$0x40] =	vst v1;
	v0 =	vsub.f32 v5, v0;
	v1 =	vld [tilespmem:s0+$0xFFFFFFD0]  }
0x1b6: {  	v5 =	vld [tilespmem:s10+$0x50];
	[tilespmem:s5+$0xFFFFFE50] =	vst v6  }
0x1b7: {  	[tilespmem:s5+$0xC0] =	vst v0;
	v0 =	vsub.f32 v51, v3;
	v3 =	vld [tilespmem:s0+$0x50]  }
0x1b8: {  	v2 =	vsub.f32 v8, v2;
	v8 =	vld [tilespmem:s10+$0xFFFFFE60]  }
0x1b9: {  	v55 =	vld [tilespmem:s10+$0xD0]  }
0x1ba: {  	[tilespmem:s5+$0xFFFFFED0] =	vst v2;
	v2 =	vsub.f32 v53, v4;
	v4 =	vld [tilespmem:s0+$0xFFFFFE60]  }
0x1bb: {  	[tilespmem:s5+$0x140] =	vst v0;
	v0 =	vld [tilespmem:s0+$0xD0]  }
0x1bc: {  	v57 =	vld [tilespmem:s10+$0xFFFFFEE0]  }
0x1bd: {  	v56 =	vld [tilespmem:s10+$0x150]  }
0x1be: {  	v6 =	vld [tilespmem:s0+$0x150]  }
0x1bf: {  	[tilespmem:s5+$0xFFFFFF50] =	vst v2;
	v1 =	vsub.f32 v54, v1;
	v2 =	vld [tilespmem:s0+$0xFFFFFEE0]  }
0x1c0: {  	v58 =	vld [tilespmem:s10+$0xFFFFFF60]  }
0x1c1: {  	[tilespmem:s5+$0xFFFFFFD0] =	vst v1;
	v1 =	vsub.f32 v5, v3;
	v3 =	vld [tilespmem:s0+$0xFFFFFF60]  }
0x1c2: {  	v5 =	vld [tilespmem:s10+$0xFFFFFFE0];
	v4 =	vsub.f32 v8, v4  }
0x1c3: {  	[tilespmem:s5+$0x50] =	vst v1;
	v0 =	vsub.f32 v55, v0;
	v1 =	vld [tilespmem:s0+$0xFFFFFFE0]  }
0x1c4: {  	v59 =	vld [tilespmem:s10+$0x60];
	[tilespmem:s5+$0xFFFFFE60] =	vst v4  }
0x1c5: {  	[tilespmem:s5+$0xD0] =	vst v0;
	v0 =	vsub.f32 v56, v6;
	v6 =	vld [tilespmem:s0+$0x60]  }
0x1c6: {  	v2 =	vsub.f32 v57, v2;
	v61 =	vld [tilespmem:s10+$0xFFFFFE70]  }
0x1c7: {  	v60 =	vld [tilespmem:s10+$0xE0]  }
0x1c8: {  	[tilespmem:s5+$0xFFFFFEE0] =	vst v2;
	v2 =	vsub.f32 v58, v3;
	v3 =	vld [tilespmem:s0+$0xFFFFFE70]  }
0x1c9: {  	[tilespmem:s5+$0x150] =	vst v0;
	v0 =	vld [tilespmem:s0+$0xE0]  }
0x1ca: {  	v62 =	vld [tilespmem:s10+$0xFFFFFEF0]  }
0x1cb: {  	v8 =	vld [tilespmem:s10+$0x160]  }
0x1cc: {  	v4 =	vld [tilespmem:s0+$0x160]  }
0x1cd: {  	[tilespmem:s5+$0xFFFFFF60] =	vst v2;
	v1 =	vsub.f32 v5, v1;
	v5 =	vld [tilespmem:s0+$0xFFFFFEF0]  }
0x1ce: {  	v14 =	vld [tilespmem:s10+$0xFFFFFF70]  }
0x1cf: {  	[tilespmem:s5+$0xFFFFFFE0] =	vst v1;
	v1 =	vsub.f32 v59, v6;
	v6 =	vld [tilespmem:s0+$0xFFFFFF70]  }
0x1d0: {  	v2 =	vsub.f32 v7, v44;
	v7 =	vld [tilespmem:s10+$0xFFFFFFF0]  }
0x1d1: {  	v63 =	vld [tilespmem:s0+$0xFFFFFFF0];
	[tilespmem:s5+$0x60] =	vst v1;
	v1 =	vsub.f32 v60, v0  }
0x1d2: {  	[tilespmem:s5+$0x1F0] =	vst v2;
	v3 =	vsub.f32 v61, v3;
	v0 =	vld [tilespmem:s10+$0x70]  }
0x1d3: {  	v4 =	vsub.f32 v8, v4;
	v2 =	vld [tilespmem:s0+$0x70];
	[tilespmem:s5+$0xE0] =	vst v1  }
0x1d4: {  	[tilespmem:s5+$0xFFFFFE70] =	vst v3;
	v1 =	vld [tilespmem:s10+$0xF0];
	v6 =	vsub.f32 v14, v6  }
0x1d5: {  	v5 =	vsub.f32 v62, v5;
	[tilespmem:s5+$0x160] =	vst v4;
	v4 =	vld [tilespmem:s0+$0xF0]  }
0x1d6: {  	v3 =	vld [tilespmem:s10+$0x170];
	[tilespmem:s5+$0xFFFFFF70] =	vst v6;
	v6 =	vsub.f32 v7, v63  }
0x1d7: {  	s8 =	simm.s32 $0x0;
	[tilespmem:s5+$0xFFFFFEF0] =	vst v5;
	v5 =	vld [tilespmem:s0+$0x170];
	s10 =	simm.s32 $0x17280  }
.LBB2_5:
0x1d8: {  	v7 =	vld [tilespmem:s10+$0x180];
	[tilespmem:s5+$0xFFFFFFF0] =	vst v6;
	v0 =	vsub.f32 v0, v2;
	s0 =	sadd.s32 $0x400, s0  }
0x1d9: {  	v2 =	vld [tilespmem:s0+$0x180]  }
0x1da: {  	v6 =	vld [tilespmem:s0+$0xFFFFFE00];
	[tilespmem:s5+$0x70] =	vst v0;
	v0 =	vsub.f32 v1, v4  }
0x1db: {  	v1 =	vld [tilespmem:s10+$0xFFFFFE80]  }
0x1dc: {  	v4 =	vld [tilespmem:s0+$0xFFFFFE80];
	[tilespmem:s5+$0xF0] =	vst v0;
	v0 =	vsub.f32 v3, v5  }
0x1dd: {  	v3 =	vld [tilespmem:s10+$0xFFFFFF00]  }
0x1de: {  	v5 =	vld [tilespmem:s0+$0xFFFFFF00];
	v2 =	vsub.f32 v7, v2;
	[tilespmem:s5+$0x170] =	vst v0  }
0x1df: {  	s5 =	sadd.s32 $0x400, s5;
	v0 =	vld [tilespmem:s10+$0xFFFFFF80]  }
0x1e0: {  	s8 =	sadd.s32 $0x8, s8;
	v7 =	vld [tilespmem:s0+$0xFFFFFF80];
	[tilespmem:s5+$0x180] =	vst v2  }
0x1e1: {  	p2 =	slt.u32 s8, $0x20;
	v1 =	vsub.f32 v1, v4;
	v2 =	vld [tilespmem:s10+$0x190]  }
0x1e2: {  	v4 =	vld [tilespmem:s0+$0x190]  }
0x1e3: {  	[tilespmem:s5+$0xFFFFFE80] =	vst v1;
	v1 =	vsub.f32 v3, v5;
	v3 =	vld [tilespmem:s10+$0x0]  }
0x1e4: {  	v5 =	vld [tilespmem:s0+$0x0]  }
0x1e5: {  	[tilespmem:s5+$0xFFFFFF00] =	vst v1;
	v0 =	vsub.f32 v0, v7;
	v1 =	vld [tilespmem:s10+$0x80]  }
0x1e6: {  	v7 =	vld [tilespmem:s0+$0x80]  }
0x1e7: {  	[tilespmem:s5+$0xFFFFFF80] =	vst v0;
	v0 =	vld [tilespmem:s10+$0x100];
	v2 =	vsub.f32 v2, v4  }
0x1e8: {  	v4 =	vld [tilespmem:s0+$0x100]  }
0x1e9: {  	v8 =	vld [tilespmem:s10+$0xFFFFFE00];
	v3 =	vsub.f32 v3, v5;
	[tilespmem:s5+$0x190] =	vst v2  }
0x1ea: {  	v2 =	vld [tilespmem:s10+$0x1A0]  }
0x1eb: {  	[tilespmem:s5+$0x0] =	vst v3;
	v1 =	vsub.f32 v1, v7;
	v3 =	vld [tilespmem:s0+$0x1A0]  }
0x1ec: {  	v5 =	vld [tilespmem:s10+$0xFFFFFE90]  }
0x1ed: {  	v7 =	vld [tilespmem:s0+$0xFFFFFE90];
	[tilespmem:s5+$0x80] =	vst v1;
	v0 =	vsub.f32 v0, v4  }
0x1ee: {  	v1 =	vsub.f32 v8, v6;
	v4 =	vld [tilespmem:s10+$0xFFFFFF10]  }
0x1ef: {  	v6 =	vld [tilespmem:s0+$0xFFFFFF10];
	[tilespmem:s5+$0x100] =	vst v0  }
0x1f0: {  	[tilespmem:s5+$0xFFFFFE00] =	vst v1;
	v0 =	vld [tilespmem:s10+$0xFFFFFF90];
	v1 =	vsub.f32 v2, v3  }
0x1f1: {  	v2 =	vld [tilespmem:s10+$0xFFFFFE10]  }
0x1f2: {  	v3 =	vld [tilespmem:s0+$0xFFFFFE10];
	v5 =	vsub.f32 v5, v7;
	[tilespmem:s5+$0x1A0] =	vst v1  }
0x1f3: {  	v1 =	vld [tilespmem:s10+$0x1B0]  }
0x1f4: {  	[tilespmem:s5+$0xFFFFFE90] =	vst v5;
	v4 =	vsub.f32 v4, v6;
	v5 =	vld [tilespmem:s0+$0x1B0]  }
0x1f5: {  	v6 =	vld [tilespmem:s0+$0xFFFFFF90]  }
0x1f6: {  	[tilespmem:s5+$0xFFFFFF10] =	vst v4;
	v4 =	vld [tilespmem:s10+$0x10]  }
0x1f7: {  	v2 =	vsub.f32 v2, v3;
	v3 =	vld [tilespmem:s0+$0x10]  }
0x1f8: {  	v7 =	vld [tilespmem:s10+$0x90]  }
0x1f9: {  	[tilespmem:s5+$0xFFFFFE10] =	vst v2;
	v2 =	vld [tilespmem:s0+$0x90];
	v1 =	vsub.f32 v1, v5  }
0x1fa: {  	v0 =	vsub.f32 v0, v6;
	v5 =	vld [tilespmem:s10+$0x110]  }
0x1fb: {  	v6 =	vld [tilespmem:s0+$0x110];
	[tilespmem:s5+$0x1B0] =	vst v1  }
0x1fc: {  	[tilespmem:s5+$0xFFFFFF90] =	vst v0;
	v0 =	vsub.f32 v4, v3;
	v1 =	vld [tilespmem:s10+$0x1C0]  }
0x1fd: {  	v3 =	vld [tilespmem:s0+$0x1C0]  }
0x1fe: {  	v4 =	vld [tilespmem:s10+$0xFFFFFE20];
	[tilespmem:s5+$0x10] =	vst v0;
	v0 =	vsub.f32 v7, v2  }
0x1ff: {  	v2 =	vld [tilespmem:s0+$0xFFFFFE20]  }
0x200: {  	v7 =	vld [tilespmem:s10+$0xFFFFFEA0];
	[tilespmem:s5+$0x90] =	vst v0;
	v0 =	vsub.f32 v5, v6  }
0x201: {  	v5 =	vld [tilespmem:s0+$0xFFFFFEA0]  }
0x202: {  	v6 =	vld [tilespmem:s10+$0xFFFFFF20];
	[tilespmem:s5+$0x110] =	vst v0;
	v0 =	vsub.f32 v1, v3  }
0x203: {  	v1 =	vld [tilespmem:s0+$0xFFFFFF20]  }
0x204: {  	v2 =	vsub.f32 v4, v2;
	v3 =	vld [tilespmem:s10+$0xFFFFFFA0];
	[tilespmem:s5+$0x1C0] =	vst v0  }
0x205: {  	v0 =	vld [tilespmem:s10+$0x1D0]  }
0x206: {  	[tilespmem:s5+$0xFFFFFE20] =	vst v2;
	v2 =	vsub.f32 v7, v5;
	v4 =	vld [tilespmem:s0+$0x1D0]  }
0x207: {  	v5 =	vld [tilespmem:s0+$0xFFFFFFA0]  }
0x208: {  	[tilespmem:s5+$0xFFFFFEA0] =	vst v2;
	v1 =	vsub.f32 v6, v1;
	v2 =	vld [tilespmem:s10+$0x20]  }
0x209: {  	v6 =	vld [tilespmem:s0+$0x20]  }
0x20a: {  	[tilespmem:s5+$0xFFFFFF20] =	vst v1;
	v1 =	vld [tilespmem:s10+$0xA0]  }
0x20b: {  	v7 =	vld [tilespmem:s0+$0xA0];
	v0 =	vsub.f32 v0, v4  }
0x20c: {  	v3 =	vsub.f32 v3, v5;
	v4 =	vld [tilespmem:s10+$0x120]  }
0x20d: {  	v5 =	vld [tilespmem:s0+$0x120];
	[tilespmem:s5+$0x1D0] =	vst v0  }
0x20e: {  	[tilespmem:s5+$0xFFFFFFA0] =	vst v3;
	v0 =	vsub.f32 v2, v6;
	v2 =	vld [tilespmem:s10+$0x1E0]  }
0x20f: {  	v3 =	vld [tilespmem:s0+$0x1E0]  }
0x210: {  	v6 =	vld [tilespmem:s10+$0xFFFFFE30];
	[tilespmem:s5+$0x20] =	vst v0;
	v0 =	vsub.f32 v1, v7  }
0x211: {  	v1 =	vld [tilespmem:s0+$0xFFFFFE30]  }
0x212: {  	v7 =	vld [tilespmem:s10+$0xFFFFFEB0];
	[tilespmem:s5+$0xA0] =	vst v0;
	v0 =	vsub.f32 v4, v5  }
0x213: {  	v4 =	vld [tilespmem:s0+$0xFFFFFEB0]  }
0x214: {  	v5 =	vld [tilespmem:s10+$0xFFFFFF30];
	[tilespmem:s5+$0x120] =	vst v0;
	v0 =	vsub.f32 v2, v3  }
0x215: {  	v2 =	vld [tilespmem:s0+$0xFFFFFF30]  }
0x216: {  	v1 =	vsub.f32 v6, v1;
	v3 =	vld [tilespmem:s10+$0xFFFFFFB0];
	[tilespmem:s5+$0x1E0] =	vst v0  }
0x217: {  	v0 =	vld [tilespmem:s10+$0x1F0]  }
0x218: {  	[tilespmem:s5+$0xFFFFFE30] =	vst v1;
	v1 =	vsub.f32 v7, v4;
	v4 =	vld [tilespmem:s0+$0x1F0]  }
0x219: {  	v6 =	vld [tilespmem:s0+$0xFFFFFFB0]  }
0x21a: {  	[tilespmem:s5+$0xFFFFFEB0] =	vst v1;
	v1 =	vsub.f32 v5, v2;
	v2 =	vld [tilespmem:s10+$0x30]  }
0x21b: {  	v5 =	vld [tilespmem:s0+$0x30]  }
0x21c: {  	[tilespmem:s5+$0xFFFFFF30] =	vst v1;
	v1 =	vld [tilespmem:s10+$0xB0]  }
0x21d: {  	v7 =	vld [tilespmem:s0+$0xB0];
	v0 =	vsub.f32 v0, v4  }
0x21e: {  	v3 =	vsub.f32 v3, v6;
	v4 =	vld [tilespmem:s10+$0x130]  }
0x21f: {  	v6 =	vld [tilespmem:s0+$0x130];
	[tilespmem:s5+$0x1F0] =	vst v0  }
0x220: {  	v0 =	vld [tilespmem:s10+$0xFFFFFE40];
	[tilespmem:s5+$0xFFFFFFB0] =	vst v3;
	v2 =	vsub.f32 v2, v5  }
0x221: {  	v3 =	vld [tilespmem:s0+$0xFFFFFE40]  }
0x222: {  	v5 =	vld [tilespmem:s10+$0xFFFFFEC0];
	[tilespmem:s5+$0x30] =	vst v2;
	v1 =	vsub.f32 v1, v7  }
0x223: {  	v2 =	vld [tilespmem:s0+$0xFFFFFEC0]  }
0x224: {  	v7 =	vld [tilespmem:s10+$0xFFFFFF40];
	[tilespmem:s5+$0xB0] =	vst v1;
	v1 =	vsub.f32 v4, v6  }
0x225: {  	v4 =	vld [tilespmem:s0+$0xFFFFFF40]  }
0x226: {  	v0 =	vsub.f32 v0, v3;
	v3 =	vld [tilespmem:s10+$0xFFFFFFC0];
	[tilespmem:s5+$0x130] =	vst v1  }
0x227: {  	v1 =	vld [tilespmem:s0+$0xFFFFFFC0]  }
0x228: {  	[tilespmem:s5+$0xFFFFFE40] =	vst v0;
	v0 =	vsub.f32 v5, v2;
	v2 =	vld [tilespmem:s10+$0x40]  }
0x229: {  	v5 =	vld [tilespmem:s0+$0x40]  }
0x22a: {  	[tilespmem:s5+$0xFFFFFEC0] =	vst v0;
	v0 =	vsub.f32 v7, v4;
	v4 =	vld [tilespmem:s10+$0xC0]  }
0x22b: {  	v6 =	vld [tilespmem:s0+$0xC0]  }
0x22c: {  	[tilespmem:s5+$0xFFFFFF40] =	vst v0;
	v0 =	vsub.f32 v3, v1;
	v1 =	vld [tilespmem:s10+$0x140]  }
0x22d: {  	v3 =	vld [tilespmem:s0+$0x140]  }
0x22e: {  	v7 =	vld [tilespmem:s10+$0xFFFFFE50];
	[tilespmem:s5+$0xFFFFFFC0] =	vst v0;
	v0 =	vsub.f32 v2, v5  }
0x22f: {  	v2 =	vld [tilespmem:s0+$0xFFFFFE50]  }
0x230: {  	v5 =	vld [tilespmem:s10+$0xFFFFFED0];
	[tilespmem:s5+$0x40] =	vst v0;
	v0 =	vsub.f32 v4, v6  }
0x231: {  	v4 =	vld [tilespmem:s0+$0xFFFFFED0]  }
0x232: {  	v6 =	vld [tilespmem:s10+$0xFFFFFF50];
	[tilespmem:s5+$0xC0] =	vst v0;
	v0 =	vsub.f32 v1, v3  }
0x233: {  	v1 =	vld [tilespmem:s0+$0xFFFFFF50]  }
0x234: {  	v2 =	vsub.f32 v7, v2;
	v3 =	vld [tilespmem:s10+$0xFFFFFFD0];
	[tilespmem:s5+$0x140] =	vst v0  }
0x235: {  	v0 =	vld [tilespmem:s0+$0xFFFFFFD0]  }
0x236: {  	[tilespmem:s5+$0xFFFFFE50] =	vst v2;
	v2 =	vsub.f32 v5, v4;
	v4 =	vld [tilespmem:s10+$0x50]  }
0x237: {  	v5 =	vld [tilespmem:s0+$0x50]  }
0x238: {  	[tilespmem:s5+$0xFFFFFED0] =	vst v2;
	v1 =	vsub.f32 v6, v1;
	v2 =	vld [tilespmem:s10+$0xD0]  }
0x239: {  	v6 =	vld [tilespmem:s0+$0xD0]  }
0x23a: {  	[tilespmem:s5+$0xFFFFFF50] =	vst v1;
	v0 =	vsub.f32 v3, v0;
	v1 =	vld [tilespmem:s10+$0x150]  }
0x23b: {  	v3 =	vld [tilespmem:s0+$0x150]  }
0x23c: {  	v7 =	vld [tilespmem:s10+$0xFFFFFE60];
	[tilespmem:s5+$0xFFFFFFD0] =	vst v0;
	v0 =	vsub.f32 v4, v5  }
0x23d: {  	v4 =	vld [tilespmem:s0+$0xFFFFFE60]  }
0x23e: {  	v5 =	vld [tilespmem:s10+$0xFFFFFEE0];
	[tilespmem:s5+$0x50] =	vst v0;
	v0 =	vsub.f32 v2, v6  }
0x23f: {  	v2 =	vld [tilespmem:s0+$0xFFFFFEE0]  }
0x240: {  	v6 =	vld [tilespmem:s10+$0xFFFFFF60];
	[tilespmem:s5+$0xD0] =	vst v0;
	v0 =	vsub.f32 v1, v3  }
0x241: {  	v1 =	vld [tilespmem:s0+$0xFFFFFF60]  }
0x242: {  	v3 =	vsub.f32 v7, v4;
	v4 =	vld [tilespmem:s10+$0xFFFFFFE0];
	[tilespmem:s5+$0x150] =	vst v0  }
0x243: {  	v0 =	vld [tilespmem:s0+$0xFFFFFFE0]  }
0x244: {  	[tilespmem:s5+$0xFFFFFE60] =	vst v3;
	v2 =	vsub.f32 v5, v2;
	v3 =	vld [tilespmem:s10+$0x60]  }
0x245: {  	v5 =	vld [tilespmem:s0+$0x60]  }
0x246: {  	[tilespmem:s5+$0xFFFFFEE0] =	vst v2;
	v1 =	vsub.f32 v6, v1;
	v2 =	vld [tilespmem:s10+$0xE0]  }
0x247: {  	v6 =	vld [tilespmem:s0+$0xE0]  }
0x248: {  	[tilespmem:s5+$0xFFFFFF60] =	vst v1;
	v0 =	vsub.f32 v4, v0;
	v1 =	vld [tilespmem:s10+$0x160]  }
0x249: {  	v4 =	vld [tilespmem:s0+$0x160]  }
0x24a: {  	v7 =	vld [tilespmem:s10+$0xFFFFFE70];
	[tilespmem:s5+$0xFFFFFFE0] =	vst v0;
	v0 =	vsub.f32 v3, v5  }
0x24b: {  	v3 =	vld [tilespmem:s0+$0xFFFFFE70]  }
0x24c: {  	v5 =	vld [tilespmem:s10+$0xFFFFFEF0];
	[tilespmem:s5+$0x60] =	vst v0;
	v0 =	vsub.f32 v2, v6  }
0x24d: {  	v2 =	vld [tilespmem:s0+$0xFFFFFEF0]  }
0x24e: {  	v6 =	vld [tilespmem:s10+$0xFFFFFF70];
	[tilespmem:s5+$0xE0] =	vst v0;
	v0 =	vsub.f32 v1, v4  }
0x24f: {  	v1 =	vld [tilespmem:s0+$0xFFFFFF70]  }
0x250: {  	v3 =	vsub.f32 v7, v3;
	v7 =	vld [tilespmem:s10+$0xFFFFFFF0];
	[tilespmem:s5+$0x160] =	vst v0  }
0x251: {  	v8 =	vld [tilespmem:s0+$0xFFFFFFF0]  }
0x252: {  	[tilespmem:s5+$0xFFFFFE70] =	vst v3;
	v3 =	vsub.f32 v5, v2;
	v0 =	vld [tilespmem:s10+$0x70]  }
.Ltmp1:
0x253: {  	v2 =	vld [tilespmem:s0+$0x70];
	(pc) =	sbr.rel @p2 .LBB2_5-.Ltmp1, $4  }
0x254: {  	[tilespmem:s5+$0xFFFFFEF0] =	vst v3;
	v3 =	vsub.f32 v6, v1;
	v1 =	vld [tilespmem:s10+$0xF0]  }
0x255: {  	v4 =	vld [tilespmem:s0+$0xF0]  }
0x256: {  	[tilespmem:s5+$0xFFFFFF70] =	vst v3;
	v6 =	vsub.f32 v7, v8;
	v3 =	vld [tilespmem:s10+$0x170]  }
0x257: {  	s10 =	sadd.s32 $0x400, s10;
	v5 =	vld [tilespmem:s0+$0x170]  }
0x258: {  	_ =	sdelay $0x1  }
0x259: {  	v0 =	vsub.f32 v0, v2  }
0x25a: {  	[tilespmem:s5+$0xFFFFFFF0] =	vst v6;
	v1 =	vsub.f32 v1, v4  }
0x25b: {  	[tilespmem:s5+$0x70] =	vst v0;
	v63 =	vsub.f32 v3, v5  }
0x25c: {  	[tilespmem:s5+$0xF0] =	vst v1  }
0x25d: {  	s0 =	sadd.s32 @!p1 $0x138F8, s13;
	s8 =	simm.s32 @!p1 $0x16C80;
	[tilespmem:s5+$0x170] =	vst v63;
	s5 =	simm.s32 @!p1 $0x28  }
0x25e: {  	[tilespmem:s8], [sflag:$0x2] =	stream.indirect.gather @!p1 [spmem:s3], $0x80, s0, s5, $0xb8;
	[tilespmem:$0x1D080] =	vst v63  }
0x25f: {  	s12 =	sadd.s32 $0x1, s12;
	s0 =	sadd.s32 @!p1 $0x140F8, s13;
	s8 =	simm.s32 @!p1 $0x19480  }
0x260: {  	[tilespmem:s8], [sflag:$0x2] =	stream.indirect.gather @!p1 [spmem:s3], $0x80, s0, s5, $0xb8;
	[tilespmem:$0x1D080] =	vst v63  }
0x261: {  	p1 =	sne.s32 s12, $0x19  }
.Ltmp2:
0x262: {  	_ = 	snop;
	(pc) =	sbr.rel @p1 .LBB2_2-.Ltmp2, $4  }
0x263: {  	s13 =	sadd.s32 s13, s11  }
0x264: {  	s0 =	sshll.u32 s13, $0x4  }
0x265: {  	s0 =	sadd.s32 s2, s0  }
0x266: {  	[hbm4b:s0+s4] =	stream.linear.scatter [tilespmem:s21], [sflag:$0x4], $0x1400, $0x38;
	[tilespmem:$0x1D080] =	vst v63  }
0x267: {  	_ =	swait.ge [sflag:s24], $0x7D0  }
0x268: {  	[sflag:s24] =	ssyncset.done $0x0  }
0x269: {  	[sflag:s24] =	ssyncadd.s32 $0xFFFFF830  }
0x26a: {  	_ =	swait.ge [sflag:s24], $0x7D0  }
0x26b: {  	[sflag:s24] =	ssyncset.done $0x0  }
0x26c: {  	s0 =	simm.s32 $0x15880;
	s5 =	simm.s32 $0x14880;
	[sflag:s24] =	ssyncadd.s32 $0xFFFFF830  }
0x26d: {  	[tilespmem:s0], [sflag:$0x1] =	stream.indirect.gather [spmem:s3], $0x80, s5, s1, $0xb8;
	[tilespmem:$0x1D080] =	vst v63  }
0x26e: {  	s8 =	simm.s32 $0x18080;
	s10 =	simm.s32 $0x15080  }
0x26f: {  	[tilespmem:s8], [sflag:$0x1] =	stream.indirect.gather [spmem:s3], $0x80, s10, s1, $0xb8;
	[tilespmem:$0x1D080] =	vst v63  }
0x270: {  	s12 =	simm.s32 $0x16C80;
	s13 =	simm.s32 $0x148A8  }
0x271: {  	[tilespmem:s12], [sflag:$0x2] =	stream.indirect.gather [spmem:s3], $0x80, s13, s1, $0xb8;
	[tilespmem:$0x1D080] =	vst v63  }
0x272: {  	s5 =	simm.s32 $0x19480;
	s8 =	simm.s32 $0x150A8  }
0x273: {  	[tilespmem:s5], [sflag:$0x2] =	stream.indirect.gather [spmem:s3], $0x80, s8, s1, $0xb8;
	[tilespmem:$0x1D080] =	vst v63  }
0x274: {  	s10 =	rddreg [dreg:$0x9];
	s12 =	simm.s32 $0x0  }
0x275: {  	[tilespmem:s29], [sflag:$0x5] =	stream.linear.gather [hbm4b:s10+s12], $0x7D0, $0x38;
	[tilespmem:$0x1D080] =	vst v63  }
0x276: {  	s13 =	rddreg [dreg:$0xa]  }
0x277: {  	[tilespmem:s31], [sflag:$0x5] =	stream.linear.gather [hbm4b:s13+s12], $0x7D0, $0x38;
	[tilespmem:$0x1D080] =	vst v63  }
.LBB2_8:
0x278: {  	_ =	swait.ge [sflag:s16], $0x1400  }
0x279: {  	[sflag:s16] =	ssyncset.done $0x0  }
0x27a: {  	[sflag:s16] =	ssyncadd.s32 $0xFFFFEC00  }
0x27b: {  	_ =	swait.ge [sflag:s16], $0x1400  }
0x27c: {  	[sflag:s16] =	ssyncset.done $0x0  }
0x27d: {  	[sflag:s16] =	ssyncadd.s32 $0xFFFFEC00  }
0x27e: {  	_ =	swait.ge [sflag:s25], $0x1400  }
0x27f: {  	[sflag:s25] =	ssyncset.done $0x0  }
0x280: {  	s5 =	simm.s32 $0x15A80;
	[sflag:s25] =	ssyncadd.s32 $0xFFFFEC00  }
0x281: {  	s13 =	simm.s32 $0x18280;
	v0 =	vld [tilespmem:s5+$0x180]  }
0x282: {  	v1 =	vld [tilespmem:s13+$0x180]  }
0x283: {  	v2 =	vld [tilespmem:s13+$0xFFFFFE00]  }
0x284: {  	v3 =	vld [tilespmem:s5+$0xFFFFFE80]  }
0x285: {  	v4 =	vld [tilespmem:s13+$0xFFFFFE80]  }
0x286: {  	v5 =	vld [tilespmem:s5+$0xFFFFFF00]  }
0x287: {  	v6 =	vld [tilespmem:s13+$0xFFFFFF00]  }
0x288: {  	v7 =	vld [tilespmem:s13+$0xFFFFFF80]  }
0x289: {  	v9 =	vld [tilespmem:s5+$0x0]  }
0x28a: {  	v10 =	vld [tilespmem:s13+$0x0]  }
0x28b: {  	v11 =	vld [tilespmem:s5+$0x80]  }
0x28c: {  	v12 =	vld [tilespmem:s13+$0x80];
	v0 =	vsub.f32 v0, v1  }
0x28d: {  	s0 =	simm.s32 $0x1AA80;
	v1 =	vld [tilespmem:s5+$0xFFFFFF80]  }
0x28e: {  	v3 =	vsub.f32 v3, v4;
	v4 =	vld [tilespmem:s5+$0xFFFFFE00];
	[tilespmem:s0+$0x180] =	vst v0  }
0x28f: {  	v0 =	vld [tilespmem:s5+$0x190]  }
0x290: {  	v8 =	vld [tilespmem:s13+$0x190]  }
0x291: {  	v13 =	vld [tilespmem:s5+$0x100];
	[tilespmem:s0+$0xFFFFFE80] =	vst v3;
	v3 =	vsub.f32 v5, v6  }
0x292: {  	v6 =	vld [tilespmem:s5+$0xFFFFFE90]  }
0x293: {  	[tilespmem:s0+$0xFFFFFF00] =	vst v3;
	v3 =	vld [tilespmem:s13+$0xFFFFFE90];
	v1 =	vsub.f32 v1, v7  }
0x294: {  	v2 =	vsub.f32 v4, v2;
	v4 =	vld [tilespmem:s5+$0xFFFFFF10]  }
0x295: {  	[tilespmem:s0+$0xFFFFFF80] =	vst v1;
	v1 =	vld [tilespmem:s13+$0xFFFFFF10];
	v0 =	vsub.f32 v0, v8  }
0x296: {  	[tilespmem:s0+$0xFFFFFE00] =	vst v2;
	v2 =	vld [tilespmem:s5+$0xFFFFFF90]  }
0x297: {  	v32 =	vld [tilespmem:s13+$0xFFFFFF90];
	[tilespmem:s0+$0x190] =	vst v0  }
0x298: {  	v0 =	vld [tilespmem:s5+$0x1A0]  }
0x299: {  	v3 =	vsub.f32 v6, v3;
	v5 =	vld [tilespmem:s13+$0x1A0]  }
0x29a: {  	v8 =	vld [tilespmem:s13+$0x100]  }
0x29b: {  	v7 =	vld [tilespmem:s13+$0xFFFFFE10];
	[tilespmem:s0+$0xFFFFFE90] =	vst v3;
	v1 =	vsub.f32 v4, v1  }
0x29c: {  	v4 =	vld [tilespmem:s5+$0xFFFFFEA0]  }
0x29d: {  	[tilespmem:s0+$0xFFFFFF10] =	vst v1;
	v1 =	vsub.f32 v2, v32;
	v2 =	vld [tilespmem:s13+$0xFFFFFEA0]  }
0x29e: {  	v0 =	vsub.f32 v0, v5;
	v5 =	vld [tilespmem:s5+$0xFFFFFE10]  }
0x29f: {  	v36 =	vld [tilespmem:s5+$0xFFFFFF20];
	[tilespmem:s0+$0xFFFFFF90] =	vst v1  }
0x2a0: {  	v1 =	vld [tilespmem:s13+$0xFFFFFF20];
	[tilespmem:s0+$0x1A0] =	vst v0;
	v0 =	vsub.f32 v9, v10  }
0x2a1: {  	v37 =	vld [tilespmem:s5+$0xFFFFFFA0]  }
0x2a2: {  	v30 =	vld [tilespmem:s5+$0x1B0];
	[tilespmem:s0+$0x0] =	vst v0;
	v0 =	vsub.f32 v11, v12  }
0x2a3: {  	v31 =	vld [tilespmem:s13+$0x1B0];
	v5 =	vsub.f32 v5, v7  }
0x2a4: {  	v33 =	vld [tilespmem:s5+$0x10];
	[tilespmem:s0+$0x80] =	vst v0;
	v0 =	vsub.f32 v13, v8  }
0x2a5: {  	v34 =	vld [tilespmem:s5+$0x90];
	[tilespmem:s0+$0xFFFFFE10] =	vst v5  }
0x2a6: {  	[tilespmem:s0+$0x100] =	vst v0;
	v0 =	vld [tilespmem:s13+$0x90]  }
0x2a7: {  	v6 =	vld [tilespmem:s5+$0xFFFFFE20]  }
0x2a8: {  	v9 =	vsub.f32 v30, v31;
	v3 =	vld [tilespmem:s13+$0xFFFFFE20]  }
0x2a9: {  	v35 =	vld [tilespmem:s5+$0x110]  }
0x2aa: {  	v7 =	vld [tilespmem:s13+$0x110];
	[tilespmem:s0+$0x1B0] =	vst v9  }
0x2ab: {  	v2 =	vsub.f32 v4, v2;
	v9 =	vld [tilespmem:s5+$0x1C0]  }
0x2ac: {  	v1 =	vsub.f32 v36, v1;
	v5 =	vld [tilespmem:s13+$0x1C0]  }
0x2ad: {  	[tilespmem:s0+$0xFFFFFEA0] =	vst v2;
	v8 =	vld [tilespmem:s13+$0x10];
	v0 =	vsub.f32 v34, v0  }
0x2ae: {  	v42 =	vld [tilespmem:s5+$0xFFFFFEB0];
	[tilespmem:s0+$0xFFFFFF20] =	vst v1;
	v3 =	vsub.f32 v6, v3  }
0x2af: {  	v43 =	vld [tilespmem:s5+$0xFFFFFF30];
	[tilespmem:s0+$0x90] =	vst v0  }
0x2b0: {  	v0 =	vsub.f32 v35, v7;
	[tilespmem:s0+$0xFFFFFE20] =	vst v3;
	v40 =	vld [tilespmem:s5+$0xA0]  }
0x2b1: {  	v5 =	vsub.f32 v9, v5;
	v4 =	vld [tilespmem:s5+$0xFFFFFE30]  }
0x2b2: {  	[tilespmem:s0+$0x110] =	vst v0;
	v0 =	vld [tilespmem:s13+$0xA0]  }
0x2b3: {  	[tilespmem:s0+$0x1C0] =	vst v5;
	v41 =	vld [tilespmem:s5+$0x120]  }
0x2b4: {  	v5 =	vsub.f32 v33, v8;
	v8 =	vld [tilespmem:s5+$0x1D0]  }
0x2b5: {  	v38 =	vld [tilespmem:s13+$0x1D0]  }
0x2b6: {  	[tilespmem:s0+$0x10] =	vst v5;
	v5 =	vld [tilespmem:s13+$0xFFFFFFA0]  }
0x2b7: {  	v6 =	vld [tilespmem:s13+$0x120]  }
0x2b8: {  	v2 =	vld [tilespmem:s13+$0xFFFFFE30]  }
0x2b9: {  	v39 =	vld [tilespmem:s5+$0x20];
	v0 =	vsub.f32 v40, v0  }
0x2ba: {  	v7 =	vld [tilespmem:s13+$0x20];
	v8 =	vsub.f32 v8, v38  }
0x2bb: {  	[tilespmem:s0+$0xA0] =	vst v0;
	v1 =	vsub.f32 v37, v5;
	v5 =	vld [tilespmem:s13+$0xFFFFFEB0]  }
0x2bc: {  	v0 =	vsub.f32 v41, v6;
	v46 =	vld [tilespmem:s5+$0xB0];
	[tilespmem:s0+$0x1D0] =	vst v8  }
0x2bd: {  	v8 =	vld [tilespmem:s5+$0x1E0]  }
0x2be: {  	[tilespmem:s0+$0x120] =	vst v0;
	v3 =	vld [tilespmem:s13+$0x1E0]  }
0x2bf: {  	v0 =	vsub.f32 v4, v2;
	[tilespmem:s0+$0xFFFFFFA0] =	vst v1;
	v1 =	vld [tilespmem:s13+$0xFFFFFF30]  }
0x2c0: {  	v2 =	vld [tilespmem:s13+$0xB0]  }
0x2c1: {  	v4 =	vld [tilespmem:s5+$0x130];
	[tilespmem:s0+$0xFFFFFE30] =	vst v0  }
0x2c2: {  	v47 =	vld [tilespmem:s5+$0xFFFFFE40];
	v0 =	vsub.f32 v42, v5  }
0x2c3: {  	v5 =	vld [tilespmem:s13+$0x130]  }
0x2c4: {  	v3 =	vsub.f32 v8, v3;
	[tilespmem:s0+$0xFFFFFEB0] =	vst v0;
	v0 =	vsub.f32 v43, v1;
	v1 =	vld [tilespmem:s13+$0xFFFFFE40]  }
0x2c5: {  	v8 =	vld [tilespmem:s5+$0xFFFFFFB0]  }
0x2c6: {  	v48 =	vld [tilespmem:s5+$0xFFFFFEC0];
	[tilespmem:s0+$0x1E0] =	vst v3;
	v3 =	vsub.f32 v39, v7  }
0x2c7: {  	v7 =	vld [tilespmem:s5+$0x1F0]  }
0x2c8: {  	[tilespmem:s0+$0x20] =	vst v3;
	v3 =	vld [tilespmem:s13+$0xFFFFFFB0]  }
0x2c9: {  	v45 =	vld [tilespmem:s5+$0x30];
	v1 =	vsub.f32 v47, v1  }
0x2ca: {  	v6 =	vld [tilespmem:s13+$0x30]  }
0x2cb: {  	v44 =	vld [tilespmem:s13+$0x1F0];
	[tilespmem:s0+$0xFFFFFE40] =	vst v1  }
0x2cc: {  	v52 =	vld [tilespmem:s5+$0xFFFFFE50]  }
0x2cd: {  	[tilespmem:s0+$0xFFFFFF30] =	vst v0;
	v0 =	vsub.f32 v8, v3;
	v3 =	vld [tilespmem:s13+$0xFFFFFEC0]  }
0x2ce: {  	v8 =	vld [tilespmem:s5+$0xFFFFFF40]  }
0x2cf: {  	[tilespmem:s0+$0xFFFFFFB0] =	vst v0;
	v0 =	vsub.f32 v45, v6;
	v6 =	vld [tilespmem:s13+$0xFFFFFF40]  }
0x2d0: {  	v49 =	vld [tilespmem:s5+$0xFFFFFFC0]  }
0x2d1: {  	[tilespmem:s0+$0x30] =	vst v0;
	v0 =	vsub.f32 v46, v2;
	v2 =	vld [tilespmem:s13+$0xFFFFFFC0]  }
0x2d2: {  	v50 =	vld [tilespmem:s5+$0x40]  }
0x2d3: {  	v1 =	vsub.f32 v48, v3;
	[tilespmem:s0+$0xB0] =	vst v0;
	v0 =	vsub.f32 v4, v5;
	v4 =	vld [tilespmem:s13+$0x40]  }
0x2d4: {  	v5 =	vld [tilespmem:s5+$0xC0]  }
0x2d5: {  	[tilespmem:s0+$0xFFFFFEC0] =	vst v1;
	v1 =	vsub.f32 v8, v6;
	v6 =	vld [tilespmem:s13+$0xFFFFFE50]  }
0x2d6: {  	[tilespmem:s0+$0x130] =	vst v0;
	v0 =	vld [tilespmem:s13+$0xC0]  }
0x2d7: {  	v8 =	vld [tilespmem:s5+$0xFFFFFED0]  }
0x2d8: {  	v51 =	vld [tilespmem:s5+$0x140]  }
0x2d9: {  	v3 =	vld [tilespmem:s13+$0x140]  }
0x2da: {  	[tilespmem:s0+$0xFFFFFF40] =	vst v1;
	v1 =	vsub.f32 v49, v2;
	v2 =	vld [tilespmem:s13+$0xFFFFFED0]  }
0x2db: {  	v53 =	vld [tilespmem:s5+$0xFFFFFF50]  }
0x2dc: {  	[tilespmem:s0+$0xFFFFFFC0] =	vst v1;
	v1 =	vsub.f32 v50, v4;
	v4 =	vld [tilespmem:s13+$0xFFFFFF50]  }
0x2dd: {  	v54 =	vld [tilespmem:s5+$0xFFFFFFD0];
	v6 =	vsub.f32 v52, v6  }
0x2de: {  	[tilespmem:s0+$0x40] =	vst v1;
	v0 =	vsub.f32 v5, v0;
	v1 =	vld [tilespmem:s13+$0xFFFFFFD0]  }
0x2df: {  	v5 =	vld [tilespmem:s5+$0x50];
	[tilespmem:s0+$0xFFFFFE50] =	vst v6  }
0x2e0: {  	[tilespmem:s0+$0xC0] =	vst v0;
	v0 =	vsub.f32 v51, v3;
	v3 =	vld [tilespmem:s13+$0x50]  }
0x2e1: {  	v2 =	vsub.f32 v8, v2;
	v8 =	vld [tilespmem:s5+$0xFFFFFE60]  }
0x2e2: {  	v55 =	vld [tilespmem:s5+$0xD0]  }
0x2e3: {  	[tilespmem:s0+$0xFFFFFED0] =	vst v2;
	v2 =	vsub.f32 v53, v4;
	v4 =	vld [tilespmem:s13+$0xFFFFFE60]  }
0x2e4: {  	[tilespmem:s0+$0x140] =	vst v0;
	v0 =	vld [tilespmem:s13+$0xD0]  }
0x2e5: {  	v57 =	vld [tilespmem:s5+$0xFFFFFEE0]  }
0x2e6: {  	v56 =	vld [tilespmem:s5+$0x150]  }
0x2e7: {  	v6 =	vld [tilespmem:s13+$0x150]  }
0x2e8: {  	[tilespmem:s0+$0xFFFFFF50] =	vst v2;
	v1 =	vsub.f32 v54, v1;
	v2 =	vld [tilespmem:s13+$0xFFFFFEE0]  }
0x2e9: {  	v58 =	vld [tilespmem:s5+$0xFFFFFF60]  }
0x2ea: {  	[tilespmem:s0+$0xFFFFFFD0] =	vst v1;
	v1 =	vsub.f32 v5, v3;
	v3 =	vld [tilespmem:s13+$0xFFFFFF60]  }
0x2eb: {  	v5 =	vld [tilespmem:s5+$0xFFFFFFE0];
	v4 =	vsub.f32 v8, v4  }
0x2ec: {  	[tilespmem:s0+$0x50] =	vst v1;
	v0 =	vsub.f32 v55, v0;
	v1 =	vld [tilespmem:s13+$0xFFFFFFE0]  }
0x2ed: {  	v59 =	vld [tilespmem:s5+$0x60];
	[tilespmem:s0+$0xFFFFFE60] =	vst v4  }
0x2ee: {  	[tilespmem:s0+$0xD0] =	vst v0;
	v0 =	vsub.f32 v56, v6;
	v6 =	vld [tilespmem:s13+$0x60]  }
0x2ef: {  	v2 =	vsub.f32 v57, v2;
	v61 =	vld [tilespmem:s5+$0xFFFFFE70]  }
0x2f0: {  	v60 =	vld [tilespmem:s5+$0xE0]  }
0x2f1: {  	[tilespmem:s0+$0xFFFFFEE0] =	vst v2;
	v2 =	vsub.f32 v58, v3;
	v3 =	vld [tilespmem:s13+$0xFFFFFE70]  }
0x2f2: {  	[tilespmem:s0+$0x150] =	vst v0;
	v0 =	vld [tilespmem:s13+$0xE0]  }
0x2f3: {  	v62 =	vld [tilespmem:s5+$0xFFFFFEF0]  }
0x2f4: {  	v8 =	vld [tilespmem:s5+$0x160]  }
0x2f5: {  	v4 =	vld [tilespmem:s13+$0x160]  }
0x2f6: {  	[tilespmem:s0+$0xFFFFFF60] =	vst v2;
	v1 =	vsub.f32 v5, v1;
	v5 =	vld [tilespmem:s13+$0xFFFFFEF0]  }
0x2f7: {  	v14 =	vld [tilespmem:s5+$0xFFFFFF70]  }
0x2f8: {  	[tilespmem:s0+$0xFFFFFFE0] =	vst v1;
	v1 =	vsub.f32 v59, v6;
	v6 =	vld [tilespmem:s13+$0xFFFFFF70]  }
0x2f9: {  	v2 =	vsub.f32 v7, v44;
	v7 =	vld [tilespmem:s5+$0xFFFFFFF0]  }
0x2fa: {  	v63 =	vld [tilespmem:s13+$0xFFFFFFF0];
	[tilespmem:s0+$0x60] =	vst v1;
	v1 =	vsub.f32 v60, v0  }
0x2fb: {  	[tilespmem:s0+$0x1F0] =	vst v2;
	v3 =	vsub.f32 v61, v3;
	v0 =	vld [tilespmem:s5+$0x70]  }
0x2fc: {  	v4 =	vsub.f32 v8, v4;
	v2 =	vld [tilespmem:s13+$0x70];
	[tilespmem:s0+$0xE0] =	vst v1  }
0x2fd: {  	[tilespmem:s0+$0xFFFFFE70] =	vst v3;
	v1 =	vld [tilespmem:s5+$0xF0];
	v6 =	vsub.f32 v14, v6  }
0x2fe: {  	v5 =	vsub.f32 v62, v5;
	[tilespmem:s0+$0x160] =	vst v4;
	v4 =	vld [tilespmem:s13+$0xF0]  }
0x2ff: {  	v3 =	vld [tilespmem:s5+$0x170];
	[tilespmem:s0+$0xFFFFFF70] =	vst v6;
	v6 =	vsub.f32 v7, v63  }
0x300: {  	s8 =	simm.s32 $0x15E80;
	[tilespmem:s0+$0xFFFFFEF0] =	vst v5;
	s5 =	simm.s32 $0x0;
	v5 =	vld [tilespmem:s13+$0x170]  }
.LBB2_9:
0x301: {  	v7 =	vld [tilespmem:s8+$0x180];
	[tilespmem:s0+$0xFFFFFFF0] =	vst v6;
	v0 =	vsub.f32 v0, v2;
	s13 =	sadd.s32 $0x400, s13  }
0x302: {  	v2 =	vld [tilespmem:s13+$0x180]  }
0x303: {  	v6 =	vld [tilespmem:s13+$0xFFFFFE00];
	[tilespmem:s0+$0x70] =	vst v0;
	v0 =	vsub.f32 v1, v4  }
0x304: {  	v1 =	vld [tilespmem:s8+$0xFFFFFE80]  }
0x305: {  	v4 =	vld [tilespmem:s13+$0xFFFFFE80];
	[tilespmem:s0+$0xF0] =	vst v0;
	v0 =	vsub.f32 v3, v5  }
0x306: {  	v3 =	vld [tilespmem:s8+$0xFFFFFF00]  }
0x307: {  	v5 =	vld [tilespmem:s13+$0xFFFFFF00];
	v2 =	vsub.f32 v7, v2;
	[tilespmem:s0+$0x170] =	vst v0  }
0x308: {  	s0 =	sadd.s32 $0x400, s0;
	v0 =	vld [tilespmem:s8+$0xFFFFFF80]  }
0x309: {  	s5 =	sadd.s32 $0x8, s5;
	v7 =	vld [tilespmem:s13+$0xFFFFFF80];
	[tilespmem:s0+$0x180] =	vst v2  }
0x30a: {  	p1 =	slt.u32 s5, $0x20;
	v1 =	vsub.f32 v1, v4;
	v2 =	vld [tilespmem:s8+$0x190]  }
0x30b: {  	v4 =	vld [tilespmem:s13+$0x190]  }
0x30c: {  	[tilespmem:s0+$0xFFFFFE80] =	vst v1;
	v1 =	vsub.f32 v3, v5;
	v3 =	vld [tilespmem:s8+$0x0]  }
0x30d: {  	v5 =	vld [tilespmem:s13+$0x0]  }
0x30e: {  	[tilespmem:s0+$0xFFFFFF00] =	vst v1;
	v0 =	vsub.f32 v0, v7;
	v1 =	vld [tilespmem:s8+$0x80]  }
0x30f: {  	v7 =	vld [tilespmem:s13+$0x80]  }
0x310: {  	[tilespmem:s0+$0xFFFFFF80] =	vst v0;
	v0 =	vld [tilespmem:s8+$0x100];
	v2 =	vsub.f32 v2, v4  }
0x311: {  	v4 =	vld [tilespmem:s13+$0x100]  }
0x312: {  	v8 =	vld [tilespmem:s8+$0xFFFFFE00];
	v3 =	vsub.f32 v3, v5;
	[tilespmem:s0+$0x190] =	vst v2  }
0x313: {  	v2 =	vld [tilespmem:s8+$0x1A0]  }
0x314: {  	[tilespmem:s0+$0x0] =	vst v3;
	v1 =	vsub.f32 v1, v7;
	v3 =	vld [tilespmem:s13+$0x1A0]  }
0x315: {  	v5 =	vld [tilespmem:s8+$0xFFFFFE90]  }
0x316: {  	v7 =	vld [tilespmem:s13+$0xFFFFFE90];
	[tilespmem:s0+$0x80] =	vst v1;
	v0 =	vsub.f32 v0, v4  }
0x317: {  	v1 =	vsub.f32 v8, v6;
	v4 =	vld [tilespmem:s8+$0xFFFFFF10]  }
0x318: {  	v6 =	vld [tilespmem:s13+$0xFFFFFF10];
	[tilespmem:s0+$0x100] =	vst v0  }
0x319: {  	[tilespmem:s0+$0xFFFFFE00] =	vst v1;
	v0 =	vld [tilespmem:s8+$0xFFFFFF90];
	v1 =	vsub.f32 v2, v3  }
0x31a: {  	v2 =	vld [tilespmem:s8+$0xFFFFFE10]  }
0x31b: {  	v3 =	vld [tilespmem:s13+$0xFFFFFE10];
	v5 =	vsub.f32 v5, v7;
	[tilespmem:s0+$0x1A0] =	vst v1  }
0x31c: {  	v1 =	vld [tilespmem:s8+$0x1B0]  }
0x31d: {  	[tilespmem:s0+$0xFFFFFE90] =	vst v5;
	v4 =	vsub.f32 v4, v6;
	v5 =	vld [tilespmem:s13+$0x1B0]  }
0x31e: {  	v6 =	vld [tilespmem:s13+$0xFFFFFF90]  }
0x31f: {  	[tilespmem:s0+$0xFFFFFF10] =	vst v4;
	v4 =	vld [tilespmem:s8+$0x10]  }
0x320: {  	v2 =	vsub.f32 v2, v3;
	v3 =	vld [tilespmem:s13+$0x10]  }
0x321: {  	v7 =	vld [tilespmem:s8+$0x90]  }
0x322: {  	[tilespmem:s0+$0xFFFFFE10] =	vst v2;
	v2 =	vld [tilespmem:s13+$0x90];
	v1 =	vsub.f32 v1, v5  }
0x323: {  	v0 =	vsub.f32 v0, v6;
	v5 =	vld [tilespmem:s8+$0x110]  }
0x324: {  	v6 =	vld [tilespmem:s13+$0x110];
	[tilespmem:s0+$0x1B0] =	vst v1  }
0x325: {  	[tilespmem:s0+$0xFFFFFF90] =	vst v0;
	v0 =	vsub.f32 v4, v3;
	v1 =	vld [tilespmem:s8+$0x1C0]  }
0x326: {  	v3 =	vld [tilespmem:s13+$0x1C0]  }
0x327: {  	v4 =	vld [tilespmem:s8+$0xFFFFFE20];
	[tilespmem:s0+$0x10] =	vst v0;
	v0 =	vsub.f32 v7, v2  }
0x328: {  	v2 =	vld [tilespmem:s13+$0xFFFFFE20]  }
0x329: {  	v7 =	vld [tilespmem:s8+$0xFFFFFEA0];
	[tilespmem:s0+$0x90] =	vst v0;
	v0 =	vsub.f32 v5, v6  }
0x32a: {  	v5 =	vld [tilespmem:s13+$0xFFFFFEA0]  }
0x32b: {  	v6 =	vld [tilespmem:s8+$0xFFFFFF20];
	[tilespmem:s0+$0x110] =	vst v0;
	v0 =	vsub.f32 v1, v3  }
0x32c: {  	v1 =	vld [tilespmem:s13+$0xFFFFFF20]  }
0x32d: {  	v2 =	vsub.f32 v4, v2;
	v3 =	vld [tilespmem:s8+$0xFFFFFFA0];
	[tilespmem:s0+$0x1C0] =	vst v0  }
0x32e: {  	v0 =	vld [tilespmem:s8+$0x1D0]  }
0x32f: {  	[tilespmem:s0+$0xFFFFFE20] =	vst v2;
	v2 =	vsub.f32 v7, v5;
	v4 =	vld [tilespmem:s13+$0x1D0]  }
0x330: {  	v5 =	vld [tilespmem:s13+$0xFFFFFFA0]  }
0x331: {  	[tilespmem:s0+$0xFFFFFEA0] =	vst v2;
	v1 =	vsub.f32 v6, v1;
	v2 =	vld [tilespmem:s8+$0x20]  }
0x332: {  	v6 =	vld [tilespmem:s13+$0x20]  }
0x333: {  	[tilespmem:s0+$0xFFFFFF20] =	vst v1;
	v1 =	vld [tilespmem:s8+$0xA0]  }
0x334: {  	v7 =	vld [tilespmem:s13+$0xA0];
	v0 =	vsub.f32 v0, v4  }
0x335: {  	v3 =	vsub.f32 v3, v5;
	v4 =	vld [tilespmem:s8+$0x120]  }
0x336: {  	v5 =	vld [tilespmem:s13+$0x120];
	[tilespmem:s0+$0x1D0] =	vst v0  }
0x337: {  	[tilespmem:s0+$0xFFFFFFA0] =	vst v3;
	v0 =	vsub.f32 v2, v6;
	v2 =	vld [tilespmem:s8+$0x1E0]  }
0x338: {  	v3 =	vld [tilespmem:s13+$0x1E0]  }
0x339: {  	v6 =	vld [tilespmem:s8+$0xFFFFFE30];
	[tilespmem:s0+$0x20] =	vst v0;
	v0 =	vsub.f32 v1, v7  }
0x33a: {  	v1 =	vld [tilespmem:s13+$0xFFFFFE30]  }
0x33b: {  	v7 =	vld [tilespmem:s8+$0xFFFFFEB0];
	[tilespmem:s0+$0xA0] =	vst v0;
	v0 =	vsub.f32 v4, v5  }
0x33c: {  	v4 =	vld [tilespmem:s13+$0xFFFFFEB0]  }
0x33d: {  	v5 =	vld [tilespmem:s8+$0xFFFFFF30];
	[tilespmem:s0+$0x120] =	vst v0;
	v0 =	vsub.f32 v2, v3  }
0x33e: {  	v2 =	vld [tilespmem:s13+$0xFFFFFF30]  }
0x33f: {  	v1 =	vsub.f32 v6, v1;
	v3 =	vld [tilespmem:s8+$0xFFFFFFB0];
	[tilespmem:s0+$0x1E0] =	vst v0  }
0x340: {  	v0 =	vld [tilespmem:s8+$0x1F0]  }
0x341: {  	[tilespmem:s0+$0xFFFFFE30] =	vst v1;
	v1 =	vsub.f32 v7, v4;
	v4 =	vld [tilespmem:s13+$0x1F0]  }
0x342: {  	v6 =	vld [tilespmem:s13+$0xFFFFFFB0]  }
0x343: {  	[tilespmem:s0+$0xFFFFFEB0] =	vst v1;
	v1 =	vsub.f32 v5, v2;
	v2 =	vld [tilespmem:s8+$0x30]  }
0x344: {  	v5 =	vld [tilespmem:s13+$0x30]  }
0x345: {  	[tilespmem:s0+$0xFFFFFF30] =	vst v1;
	v1 =	vld [tilespmem:s8+$0xB0]  }
0x346: {  	v7 =	vld [tilespmem:s13+$0xB0];
	v0 =	vsub.f32 v0, v4  }
0x347: {  	v3 =	vsub.f32 v3, v6;
	v4 =	vld [tilespmem:s8+$0x130]  }
0x348: {  	v6 =	vld [tilespmem:s13+$0x130];
	[tilespmem:s0+$0x1F0] =	vst v0  }
0x349: {  	v0 =	vld [tilespmem:s8+$0xFFFFFE40];
	[tilespmem:s0+$0xFFFFFFB0] =	vst v3;
	v2 =	vsub.f32 v2, v5  }
0x34a: {  	v3 =	vld [tilespmem:s13+$0xFFFFFE40]  }
0x34b: {  	v5 =	vld [tilespmem:s8+$0xFFFFFEC0];
	[tilespmem:s0+$0x30] =	vst v2;
	v1 =	vsub.f32 v1, v7  }
0x34c: {  	v2 =	vld [tilespmem:s13+$0xFFFFFEC0]  }
0x34d: {  	v7 =	vld [tilespmem:s8+$0xFFFFFF40];
	[tilespmem:s0+$0xB0] =	vst v1;
	v1 =	vsub.f32 v4, v6  }
0x34e: {  	v4 =	vld [tilespmem:s13+$0xFFFFFF40]  }
0x34f: {  	v0 =	vsub.f32 v0, v3;
	v3 =	vld [tilespmem:s8+$0xFFFFFFC0];
	[tilespmem:s0+$0x130] =	vst v1  }
0x350: {  	v1 =	vld [tilespmem:s13+$0xFFFFFFC0]  }
0x351: {  	[tilespmem:s0+$0xFFFFFE40] =	vst v0;
	v0 =	vsub.f32 v5, v2;
	v2 =	vld [tilespmem:s8+$0x40]  }
0x352: {  	v5 =	vld [tilespmem:s13+$0x40]  }
0x353: {  	[tilespmem:s0+$0xFFFFFEC0] =	vst v0;
	v0 =	vsub.f32 v7, v4;
	v4 =	vld [tilespmem:s8+$0xC0]  }
0x354: {  	v6 =	vld [tilespmem:s13+$0xC0]  }
0x355: {  	[tilespmem:s0+$0xFFFFFF40] =	vst v0;
	v0 =	vsub.f32 v3, v1;
	v1 =	vld [tilespmem:s8+$0x140]  }
0x356: {  	v3 =	vld [tilespmem:s13+$0x140]  }
0x357: {  	v7 =	vld [tilespmem:s8+$0xFFFFFE50];
	[tilespmem:s0+$0xFFFFFFC0] =	vst v0;
	v0 =	vsub.f32 v2, v5  }
0x358: {  	v2 =	vld [tilespmem:s13+$0xFFFFFE50]  }
0x359: {  	v5 =	vld [tilespmem:s8+$0xFFFFFED0];
	[tilespmem:s0+$0x40] =	vst v0;
	v0 =	vsub.f32 v4, v6  }
0x35a: {  	v4 =	vld [tilespmem:s13+$0xFFFFFED0]  }
0x35b: {  	v6 =	vld [tilespmem:s8+$0xFFFFFF50];
	[tilespmem:s0+$0xC0] =	vst v0;
	v0 =	vsub.f32 v1, v3  }
0x35c: {  	v1 =	vld [tilespmem:s13+$0xFFFFFF50]  }
0x35d: {  	v2 =	vsub.f32 v7, v2;
	v3 =	vld [tilespmem:s8+$0xFFFFFFD0];
	[tilespmem:s0+$0x140] =	vst v0  }
0x35e: {  	v0 =	vld [tilespmem:s13+$0xFFFFFFD0]  }
0x35f: {  	[tilespmem:s0+$0xFFFFFE50] =	vst v2;
	v2 =	vsub.f32 v5, v4;
	v4 =	vld [tilespmem:s8+$0x50]  }
0x360: {  	v5 =	vld [tilespmem:s13+$0x50]  }
0x361: {  	[tilespmem:s0+$0xFFFFFED0] =	vst v2;
	v1 =	vsub.f32 v6, v1;
	v2 =	vld [tilespmem:s8+$0xD0]  }
0x362: {  	v6 =	vld [tilespmem:s13+$0xD0]  }
0x363: {  	[tilespmem:s0+$0xFFFFFF50] =	vst v1;
	v0 =	vsub.f32 v3, v0;
	v1 =	vld [tilespmem:s8+$0x150]  }
0x364: {  	v3 =	vld [tilespmem:s13+$0x150]  }
0x365: {  	v7 =	vld [tilespmem:s8+$0xFFFFFE60];
	[tilespmem:s0+$0xFFFFFFD0] =	vst v0;
	v0 =	vsub.f32 v4, v5  }
0x366: {  	v4 =	vld [tilespmem:s13+$0xFFFFFE60]  }
0x367: {  	v5 =	vld [tilespmem:s8+$0xFFFFFEE0];
	[tilespmem:s0+$0x50] =	vst v0;
	v0 =	vsub.f32 v2, v6  }
0x368: {  	v2 =	vld [tilespmem:s13+$0xFFFFFEE0]  }
0x369: {  	v6 =	vld [tilespmem:s8+$0xFFFFFF60];
	[tilespmem:s0+$0xD0] =	vst v0;
	v0 =	vsub.f32 v1, v3  }
0x36a: {  	v1 =	vld [tilespmem:s13+$0xFFFFFF60]  }
0x36b: {  	v3 =	vsub.f32 v7, v4;
	v4 =	vld [tilespmem:s8+$0xFFFFFFE0];
	[tilespmem:s0+$0x150] =	vst v0  }
0x36c: {  	v0 =	vld [tilespmem:s13+$0xFFFFFFE0]  }
0x36d: {  	[tilespmem:s0+$0xFFFFFE60] =	vst v3;
	v2 =	vsub.f32 v5, v2;
	v3 =	vld [tilespmem:s8+$0x60]  }
0x36e: {  	v5 =	vld [tilespmem:s13+$0x60]  }
0x36f: {  	[tilespmem:s0+$0xFFFFFEE0] =	vst v2;
	v1 =	vsub.f32 v6, v1;
	v2 =	vld [tilespmem:s8+$0xE0]  }
0x370: {  	v6 =	vld [tilespmem:s13+$0xE0]  }
0x371: {  	[tilespmem:s0+$0xFFFFFF60] =	vst v1;
	v0 =	vsub.f32 v4, v0;
	v1 =	vld [tilespmem:s8+$0x160]  }
0x372: {  	v4 =	vld [tilespmem:s13+$0x160]  }
0x373: {  	v7 =	vld [tilespmem:s8+$0xFFFFFE70];
	[tilespmem:s0+$0xFFFFFFE0] =	vst v0;
	v0 =	vsub.f32 v3, v5  }
0x374: {  	v3 =	vld [tilespmem:s13+$0xFFFFFE70]  }
0x375: {  	v5 =	vld [tilespmem:s8+$0xFFFFFEF0];
	[tilespmem:s0+$0x60] =	vst v0;
	v0 =	vsub.f32 v2, v6  }
0x376: {  	v2 =	vld [tilespmem:s13+$0xFFFFFEF0]  }
0x377: {  	v6 =	vld [tilespmem:s8+$0xFFFFFF70];
	[tilespmem:s0+$0xE0] =	vst v0;
	v0 =	vsub.f32 v1, v4  }
0x378: {  	v1 =	vld [tilespmem:s13+$0xFFFFFF70]  }
0x379: {  	v3 =	vsub.f32 v7, v3;
	v7 =	vld [tilespmem:s8+$0xFFFFFFF0];
	[tilespmem:s0+$0x160] =	vst v0  }
0x37a: {  	v8 =	vld [tilespmem:s13+$0xFFFFFFF0]  }
0x37b: {  	[tilespmem:s0+$0xFFFFFE70] =	vst v3;
	v3 =	vsub.f32 v5, v2;
	v0 =	vld [tilespmem:s8+$0x70]  }
.Ltmp3:
0x37c: {  	v2 =	vld [tilespmem:s13+$0x70];
	(pc) =	sbr.rel @p1 .LBB2_9-.Ltmp3, $4  }
0x37d: {  	[tilespmem:s0+$0xFFFFFEF0] =	vst v3;
	v3 =	vsub.f32 v6, v1;
	v1 =	vld [tilespmem:s8+$0xF0]  }
0x37e: {  	v4 =	vld [tilespmem:s13+$0xF0]  }
0x37f: {  	[tilespmem:s0+$0xFFFFFF70] =	vst v3;
	v6 =	vsub.f32 v7, v8;
	v3 =	vld [tilespmem:s8+$0x170]  }
0x380: {  	s8 =	sadd.s32 $0x400, s8;
	v5 =	vld [tilespmem:s13+$0x170]  }
0x381: {  	_ =	sdelay $0x1  }
0x382: {  	v0 =	vsub.f32 v0, v2  }
0x383: {  	[tilespmem:s0+$0xFFFFFFF0] =	vst v6;
	p1 =	seq.s32 s12, $0x18;
	v1 =	vsub.f32 v1, v4  }
0x384: {  	s13 =	smul.u32 @!p1 $0x50, s12;
	[tilespmem:s0+$0x70] =	vst v0;
	v0 =	vsub.f32 v3, v5  }
0x385: {  	[tilespmem:s0+$0xF0] =	vst v1  }
0x386: {  	s5 =	simm.s32 @!p1 $0x28;
	s8 =	simm.s32 @!p1 $0x15880;
	[tilespmem:s0+$0x170] =	vst v0;
	s0 =	sadd.s32 @!p1 $0x148D0, s13  }
0x387: {  	[tilespmem:s8], [sflag:$0x1] =	stream.indirect.gather @!p1 [spmem:s3], $0x80, s0, s5, $0xb8;
	[tilespmem:$0x1D080] =	vst v63  }
0x388: {  	s0 =	sadd.s32 @!p1 $0x150D0, s13;
	s8 =	simm.s32 @!p1 $0x18080;
	s13 =	simm.s32 @p1 $0x780  }
0x389: {  	[tilespmem:s8], [sflag:$0x1] =	stream.indirect.gather @!p1 [spmem:s3], $0x80, s0, s5, $0xb8;
	[tilespmem:$0x1D080] =	vst v63  }
0x38a: {  	s8 =	sadd.s32 s13, s14  }
0x38b: {  	s0 =	sshll.u32 s8, $0x4  }
0x38c: {  	s0 =	sadd.s32 s2, s0  }
0x38d: {  	[hbm4b:s0+s4] =	stream.linear.scatter [tilespmem:s17], [sflag:$0x3], $0x1400, $0x38;
	[tilespmem:$0x1D080] =	vst v63  }
0x38e: {  	_ =	swait.ge [sflag:s20], $0x1400  }
0x38f: {  	[sflag:s20] =	ssyncset.done $0x0  }
0x390: {  	[sflag:s20] =	ssyncadd.s32 $0xFFFFEC00  }
0x391: {  	_ =	swait.ge [sflag:s20], $0x1400  }
0x392: {  	[sflag:s20] =	ssyncset.done $0x0  }
0x393: {  	[sflag:s20] =	ssyncadd.s32 $0xFFFFEC00  }
0x394: {  	_ =	swait.ge [sflag:s7], $0x1400  }
0x395: {  	[sflag:s7] =	ssyncset.done $0x0  }
0x396: {  	s10 =	simm.s32 $0x16E80;
	[sflag:s7] =	ssyncadd.s32 $0xFFFFEC00  }
0x397: {  	s0 =	simm.s32 $0x19680;
	v0 =	vld [tilespmem:s10+$0x180]  }
0x398: {  	v1 =	vld [tilespmem:s0+$0x180]  }
0x399: {  	v2 =	vld [tilespmem:s0+$0xFFFFFE00]  }
0x39a: {  	v3 =	vld [tilespmem:s10+$0xFFFFFE80]  }
0x39b: {  	v4 =	vld [tilespmem:s0+$0xFFFFFE80]  }
0x39c: {  	v5 =	vld [tilespmem:s10+$0xFFFFFF00]  }
0x39d: {  	v6 =	vld [tilespmem:s0+$0xFFFFFF00]  }
0x39e: {  	v7 =	vld [tilespmem:s0+$0xFFFFFF80]  }
0x39f: {  	v9 =	vld [tilespmem:s10+$0x0]  }
0x3a0: {  	v10 =	vld [tilespmem:s0+$0x0]  }
0x3a1: {  	v11 =	vld [tilespmem:s10+$0x80]  }
0x3a2: {  	v12 =	vld [tilespmem:s0+$0x80];
	v0 =	vsub.f32 v0, v1  }
0x3a3: {  	s5 =	simm.s32 $0x1BE80;
	v1 =	vld [tilespmem:s10+$0xFFFFFF80]  }
0x3a4: {  	v3 =	vsub.f32 v3, v4;
	v4 =	vld [tilespmem:s10+$0xFFFFFE00];
	[tilespmem:s5+$0x180] =	vst v0  }
0x3a5: {  	v0 =	vld [tilespmem:s10+$0x190]  }
0x3a6: {  	v8 =	vld [tilespmem:s0+$0x190]  }
0x3a7: {  	v13 =	vld [tilespmem:s10+$0x100];
	[tilespmem:s5+$0xFFFFFE80] =	vst v3;
	v3 =	vsub.f32 v5, v6  }
0x3a8: {  	v6 =	vld [tilespmem:s10+$0xFFFFFE90]  }
0x3a9: {  	[tilespmem:s5+$0xFFFFFF00] =	vst v3;
	v3 =	vld [tilespmem:s0+$0xFFFFFE90];
	v1 =	vsub.f32 v1, v7  }
0x3aa: {  	v2 =	vsub.f32 v4, v2;
	v4 =	vld [tilespmem:s10+$0xFFFFFF10]  }
0x3ab: {  	[tilespmem:s5+$0xFFFFFF80] =	vst v1;
	v1 =	vld [tilespmem:s0+$0xFFFFFF10];
	v0 =	vsub.f32 v0, v8  }
0x3ac: {  	[tilespmem:s5+$0xFFFFFE00] =	vst v2;
	v2 =	vld [tilespmem:s10+$0xFFFFFF90]  }
0x3ad: {  	v32 =	vld [tilespmem:s0+$0xFFFFFF90];
	[tilespmem:s5+$0x190] =	vst v0  }
0x3ae: {  	v0 =	vld [tilespmem:s10+$0x1A0]  }
0x3af: {  	v3 =	vsub.f32 v6, v3;
	v5 =	vld [tilespmem:s0+$0x1A0]  }
0x3b0: {  	v8 =	vld [tilespmem:s0+$0x100]  }
0x3b1: {  	v7 =	vld [tilespmem:s0+$0xFFFFFE10];
	[tilespmem:s5+$0xFFFFFE90] =	vst v3;
	v1 =	vsub.f32 v4, v1  }
0x3b2: {  	v4 =	vld [tilespmem:s10+$0xFFFFFEA0]  }
0x3b3: {  	[tilespmem:s5+$0xFFFFFF10] =	vst v1;
	v1 =	vsub.f32 v2, v32;
	v2 =	vld [tilespmem:s0+$0xFFFFFEA0]  }
0x3b4: {  	v0 =	vsub.f32 v0, v5;
	v5 =	vld [tilespmem:s10+$0xFFFFFE10]  }
0x3b5: {  	v36 =	vld [tilespmem:s10+$0xFFFFFF20];
	[tilespmem:s5+$0xFFFFFF90] =	vst v1  }
0x3b6: {  	v1 =	vld [tilespmem:s0+$0xFFFFFF20];
	[tilespmem:s5+$0x1A0] =	vst v0;
	v0 =	vsub.f32 v9, v10  }
0x3b7: {  	v37 =	vld [tilespmem:s10+$0xFFFFFFA0]  }
0x3b8: {  	v30 =	vld [tilespmem:s10+$0x1B0];
	[tilespmem:s5+$0x0] =	vst v0;
	v0 =	vsub.f32 v11, v12  }
0x3b9: {  	v31 =	vld [tilespmem:s0+$0x1B0];
	v5 =	vsub.f32 v5, v7  }
0x3ba: {  	v33 =	vld [tilespmem:s10+$0x10];
	[tilespmem:s5+$0x80] =	vst v0;
	v0 =	vsub.f32 v13, v8  }
0x3bb: {  	v34 =	vld [tilespmem:s10+$0x90];
	[tilespmem:s5+$0xFFFFFE10] =	vst v5  }
0x3bc: {  	[tilespmem:s5+$0x100] =	vst v0;
	v0 =	vld [tilespmem:s0+$0x90]  }
0x3bd: {  	v6 =	vld [tilespmem:s10+$0xFFFFFE20]  }
0x3be: {  	v9 =	vsub.f32 v30, v31;
	v3 =	vld [tilespmem:s0+$0xFFFFFE20]  }
0x3bf: {  	v35 =	vld [tilespmem:s10+$0x110]  }
0x3c0: {  	v7 =	vld [tilespmem:s0+$0x110];
	[tilespmem:s5+$0x1B0] =	vst v9  }
0x3c1: {  	v2 =	vsub.f32 v4, v2;
	v9 =	vld [tilespmem:s10+$0x1C0]  }
0x3c2: {  	v1 =	vsub.f32 v36, v1;
	v5 =	vld [tilespmem:s0+$0x1C0]  }
0x3c3: {  	[tilespmem:s5+$0xFFFFFEA0] =	vst v2;
	v8 =	vld [tilespmem:s0+$0x10];
	v0 =	vsub.f32 v34, v0  }
0x3c4: {  	v42 =	vld [tilespmem:s10+$0xFFFFFEB0];
	[tilespmem:s5+$0xFFFFFF20] =	vst v1;
	v3 =	vsub.f32 v6, v3  }
0x3c5: {  	v43 =	vld [tilespmem:s10+$0xFFFFFF30];
	[tilespmem:s5+$0x90] =	vst v0  }
0x3c6: {  	v0 =	vsub.f32 v35, v7;
	[tilespmem:s5+$0xFFFFFE20] =	vst v3;
	v40 =	vld [tilespmem:s10+$0xA0]  }
0x3c7: {  	v5 =	vsub.f32 v9, v5;
	v4 =	vld [tilespmem:s10+$0xFFFFFE30]  }
0x3c8: {  	[tilespmem:s5+$0x110] =	vst v0;
	v0 =	vld [tilespmem:s0+$0xA0]  }
0x3c9: {  	[tilespmem:s5+$0x1C0] =	vst v5;
	v41 =	vld [tilespmem:s10+$0x120]  }
0x3ca: {  	v5 =	vsub.f32 v33, v8;
	v8 =	vld [tilespmem:s10+$0x1D0]  }
0x3cb: {  	v38 =	vld [tilespmem:s0+$0x1D0]  }
0x3cc: {  	[tilespmem:s5+$0x10] =	vst v5;
	v5 =	vld [tilespmem:s0+$0xFFFFFFA0]  }
0x3cd: {  	v6 =	vld [tilespmem:s0+$0x120]  }
0x3ce: {  	v2 =	vld [tilespmem:s0+$0xFFFFFE30]  }
0x3cf: {  	v39 =	vld [tilespmem:s10+$0x20];
	v0 =	vsub.f32 v40, v0  }
0x3d0: {  	v7 =	vld [tilespmem:s0+$0x20];
	v8 =	vsub.f32 v8, v38  }
0x3d1: {  	[tilespmem:s5+$0xA0] =	vst v0;
	v1 =	vsub.f32 v37, v5;
	v5 =	vld [tilespmem:s0+$0xFFFFFEB0]  }
0x3d2: {  	v0 =	vsub.f32 v41, v6;
	v46 =	vld [tilespmem:s10+$0xB0];
	[tilespmem:s5+$0x1D0] =	vst v8  }
0x3d3: {  	v8 =	vld [tilespmem:s10+$0x1E0]  }
0x3d4: {  	[tilespmem:s5+$0x120] =	vst v0;
	v3 =	vld [tilespmem:s0+$0x1E0]  }
0x3d5: {  	v0 =	vsub.f32 v4, v2;
	[tilespmem:s5+$0xFFFFFFA0] =	vst v1;
	v1 =	vld [tilespmem:s0+$0xFFFFFF30]  }
0x3d6: {  	v2 =	vld [tilespmem:s0+$0xB0]  }
0x3d7: {  	v4 =	vld [tilespmem:s10+$0x130];
	[tilespmem:s5+$0xFFFFFE30] =	vst v0  }
0x3d8: {  	v47 =	vld [tilespmem:s10+$0xFFFFFE40];
	v0 =	vsub.f32 v42, v5  }
0x3d9: {  	v5 =	vld [tilespmem:s0+$0x130]  }
0x3da: {  	v3 =	vsub.f32 v8, v3;
	[tilespmem:s5+$0xFFFFFEB0] =	vst v0;
	v0 =	vsub.f32 v43, v1;
	v1 =	vld [tilespmem:s0+$0xFFFFFE40]  }
0x3db: {  	v8 =	vld [tilespmem:s10+$0xFFFFFFB0]  }
0x3dc: {  	v48 =	vld [tilespmem:s10+$0xFFFFFEC0];
	[tilespmem:s5+$0x1E0] =	vst v3;
	v3 =	vsub.f32 v39, v7  }
0x3dd: {  	v7 =	vld [tilespmem:s10+$0x1F0]  }
0x3de: {  	[tilespmem:s5+$0x20] =	vst v3;
	v3 =	vld [tilespmem:s0+$0xFFFFFFB0]  }
0x3df: {  	v45 =	vld [tilespmem:s10+$0x30];
	v1 =	vsub.f32 v47, v1  }
0x3e0: {  	v6 =	vld [tilespmem:s0+$0x30]  }
0x3e1: {  	v44 =	vld [tilespmem:s0+$0x1F0];
	[tilespmem:s5+$0xFFFFFE40] =	vst v1  }
0x3e2: {  	v52 =	vld [tilespmem:s10+$0xFFFFFE50]  }
0x3e3: {  	[tilespmem:s5+$0xFFFFFF30] =	vst v0;
	v0 =	vsub.f32 v8, v3;
	v3 =	vld [tilespmem:s0+$0xFFFFFEC0]  }
0x3e4: {  	v8 =	vld [tilespmem:s10+$0xFFFFFF40]  }
0x3e5: {  	[tilespmem:s5+$0xFFFFFFB0] =	vst v0;
	v0 =	vsub.f32 v45, v6;
	v6 =	vld [tilespmem:s0+$0xFFFFFF40]  }
0x3e6: {  	v49 =	vld [tilespmem:s10+$0xFFFFFFC0]  }
0x3e7: {  	[tilespmem:s5+$0x30] =	vst v0;
	v0 =	vsub.f32 v46, v2;
	v2 =	vld [tilespmem:s0+$0xFFFFFFC0]  }
0x3e8: {  	v50 =	vld [tilespmem:s10+$0x40]  }
0x3e9: {  	v1 =	vsub.f32 v48, v3;
	[tilespmem:s5+$0xB0] =	vst v0;
	v0 =	vsub.f32 v4, v5;
	v4 =	vld [tilespmem:s0+$0x40]  }
0x3ea: {  	v5 =	vld [tilespmem:s10+$0xC0]  }
0x3eb: {  	[tilespmem:s5+$0xFFFFFEC0] =	vst v1;
	v1 =	vsub.f32 v8, v6;
	v6 =	vld [tilespmem:s0+$0xFFFFFE50]  }
0x3ec: {  	[tilespmem:s5+$0x130] =	vst v0;
	v0 =	vld [tilespmem:s0+$0xC0]  }
0x3ed: {  	v8 =	vld [tilespmem:s10+$0xFFFFFED0]  }
0x3ee: {  	v51 =	vld [tilespmem:s10+$0x140]  }
0x3ef: {  	v3 =	vld [tilespmem:s0+$0x140]  }
0x3f0: {  	[tilespmem:s5+$0xFFFFFF40] =	vst v1;
	v1 =	vsub.f32 v49, v2;
	v2 =	vld [tilespmem:s0+$0xFFFFFED0]  }
0x3f1: {  	v53 =	vld [tilespmem:s10+$0xFFFFFF50]  }
0x3f2: {  	[tilespmem:s5+$0xFFFFFFC0] =	vst v1;
	v1 =	vsub.f32 v50, v4;
	v4 =	vld [tilespmem:s0+$0xFFFFFF50]  }
0x3f3: {  	v54 =	vld [tilespmem:s10+$0xFFFFFFD0];
	v6 =	vsub.f32 v52, v6  }
0x3f4: {  	[tilespmem:s5+$0x40] =	vst v1;
	v0 =	vsub.f32 v5, v0;
	v1 =	vld [tilespmem:s0+$0xFFFFFFD0]  }
0x3f5: {  	v5 =	vld [tilespmem:s10+$0x50];
	[tilespmem:s5+$0xFFFFFE50] =	vst v6  }
0x3f6: {  	[tilespmem:s5+$0xC0] =	vst v0;
	v0 =	vsub.f32 v51, v3;
	v3 =	vld [tilespmem:s0+$0x50]  }
0x3f7: {  	v2 =	vsub.f32 v8, v2;
	v8 =	vld [tilespmem:s10+$0xFFFFFE60]  }
0x3f8: {  	v55 =	vld [tilespmem:s10+$0xD0]  }
0x3f9: {  	[tilespmem:s5+$0xFFFFFED0] =	vst v2;
	v2 =	vsub.f32 v53, v4;
	v4 =	vld [tilespmem:s0+$0xFFFFFE60]  }
0x3fa: {  	[tilespmem:s5+$0x140] =	vst v0;
	v0 =	vld [tilespmem:s0+$0xD0]  }
0x3fb: {  	v57 =	vld [tilespmem:s10+$0xFFFFFEE0]  }
0x3fc: {  	v56 =	vld [tilespmem:s10+$0x150]  }
0x3fd: {  	v6 =	vld [tilespmem:s0+$0x150]  }
0x3fe: {  	[tilespmem:s5+$0xFFFFFF50] =	vst v2;
	v1 =	vsub.f32 v54, v1;
	v2 =	vld [tilespmem:s0+$0xFFFFFEE0]  }
0x3ff: {  	v58 =	vld [tilespmem:s10+$0xFFFFFF60]  }
0x400: {  	[tilespmem:s5+$0xFFFFFFD0] =	vst v1;
	v1 =	vsub.f32 v5, v3;
	v3 =	vld [tilespmem:s0+$0xFFFFFF60]  }
0x401: {  	v5 =	vld [tilespmem:s10+$0xFFFFFFE0];
	v4 =	vsub.f32 v8, v4  }
0x402: {  	[tilespmem:s5+$0x50] =	vst v1;
	v0 =	vsub.f32 v55, v0;
	v1 =	vld [tilespmem:s0+$0xFFFFFFE0]  }
0x403: {  	v59 =	vld [tilespmem:s10+$0x60];
	[tilespmem:s5+$0xFFFFFE60] =	vst v4  }
0x404: {  	[tilespmem:s5+$0xD0] =	vst v0;
	v0 =	vsub.f32 v56, v6;
	v6 =	vld [tilespmem:s0+$0x60]  }
0x405: {  	v2 =	vsub.f32 v57, v2;
	v61 =	vld [tilespmem:s10+$0xFFFFFE70]  }
0x406: {  	v60 =	vld [tilespmem:s10+$0xE0]  }
0x407: {  	[tilespmem:s5+$0xFFFFFEE0] =	vst v2;
	v2 =	vsub.f32 v58, v3;
	v3 =	vld [tilespmem:s0+$0xFFFFFE70]  }
0x408: {  	[tilespmem:s5+$0x150] =	vst v0;
	v0 =	vld [tilespmem:s0+$0xE0]  }
0x409: {  	v62 =	vld [tilespmem:s10+$0xFFFFFEF0]  }
0x40a: {  	v8 =	vld [tilespmem:s10+$0x160]  }
0x40b: {  	v4 =	vld [tilespmem:s0+$0x160]  }
0x40c: {  	[tilespmem:s5+$0xFFFFFF60] =	vst v2;
	v1 =	vsub.f32 v5, v1;
	v5 =	vld [tilespmem:s0+$0xFFFFFEF0]  }
0x40d: {  	v14 =	vld [tilespmem:s10+$0xFFFFFF70]  }
0x40e: {  	[tilespmem:s5+$0xFFFFFFE0] =	vst v1;
	v1 =	vsub.f32 v59, v6;
	v6 =	vld [tilespmem:s0+$0xFFFFFF70]  }
0x40f: {  	v2 =	vsub.f32 v7, v44;
	v7 =	vld [tilespmem:s10+$0xFFFFFFF0]  }
0x410: {  	v63 =	vld [tilespmem:s0+$0xFFFFFFF0];
	[tilespmem:s5+$0x60] =	vst v1;
	v1 =	vsub.f32 v60, v0  }
0x411: {  	[tilespmem:s5+$0x1F0] =	vst v2;
	v3 =	vsub.f32 v61, v3;
	v0 =	vld [tilespmem:s10+$0x70]  }
0x412: {  	v4 =	vsub.f32 v8, v4;
	v2 =	vld [tilespmem:s0+$0x70];
	[tilespmem:s5+$0xE0] =	vst v1  }
0x413: {  	[tilespmem:s5+$0xFFFFFE70] =	vst v3;
	v1 =	vld [tilespmem:s10+$0xF0];
	v6 =	vsub.f32 v14, v6  }
0x414: {  	v5 =	vsub.f32 v62, v5;
	[tilespmem:s5+$0x160] =	vst v4;
	v4 =	vld [tilespmem:s0+$0xF0]  }
0x415: {  	v3 =	vld [tilespmem:s10+$0x170];
	[tilespmem:s5+$0xFFFFFF70] =	vst v6;
	v6 =	vsub.f32 v7, v63  }
0x416: {  	s8 =	simm.s32 $0x0;
	[tilespmem:s5+$0xFFFFFEF0] =	vst v5;
	v5 =	vld [tilespmem:s0+$0x170];
	s10 =	simm.s32 $0x17280  }
.LBB2_11:
0x417: {  	v7 =	vld [tilespmem:s10+$0x180];
	[tilespmem:s5+$0xFFFFFFF0] =	vst v6;
	v0 =	vsub.f32 v0, v2;
	s0 =	sadd.s32 $0x400, s0  }
0x418: {  	v2 =	vld [tilespmem:s0+$0x180]  }
0x419: {  	v6 =	vld [tilespmem:s0+$0xFFFFFE00];
	[tilespmem:s5+$0x70] =	vst v0;
	v0 =	vsub.f32 v1, v4  }
0x41a: {  	v1 =	vld [tilespmem:s10+$0xFFFFFE80]  }
0x41b: {  	v4 =	vld [tilespmem:s0+$0xFFFFFE80];
	[tilespmem:s5+$0xF0] =	vst v0;
	v0 =	vsub.f32 v3, v5  }
0x41c: {  	v3 =	vld [tilespmem:s10+$0xFFFFFF00]  }
0x41d: {  	v5 =	vld [tilespmem:s0+$0xFFFFFF00];
	v2 =	vsub.f32 v7, v2;
	[tilespmem:s5+$0x170] =	vst v0  }
0x41e: {  	s5 =	sadd.s32 $0x400, s5;
	v0 =	vld [tilespmem:s10+$0xFFFFFF80]  }
0x41f: {  	s8 =	sadd.s32 $0x8, s8;
	v7 =	vld [tilespmem:s0+$0xFFFFFF80];
	[tilespmem:s5+$0x180] =	vst v2  }
0x420: {  	p2 =	slt.u32 s8, $0x20;
	v1 =	vsub.f32 v1, v4;
	v2 =	vld [tilespmem:s10+$0x190]  }
0x421: {  	v4 =	vld [tilespmem:s0+$0x190]  }
0x422: {  	[tilespmem:s5+$0xFFFFFE80] =	vst v1;
	v1 =	vsub.f32 v3, v5;
	v3 =	vld [tilespmem:s10+$0x0]  }
0x423: {  	v5 =	vld [tilespmem:s0+$0x0]  }
0x424: {  	[tilespmem:s5+$0xFFFFFF00] =	vst v1;
	v0 =	vsub.f32 v0, v7;
	v1 =	vld [tilespmem:s10+$0x80]  }
0x425: {  	v7 =	vld [tilespmem:s0+$0x80]  }
0x426: {  	[tilespmem:s5+$0xFFFFFF80] =	vst v0;
	v0 =	vld [tilespmem:s10+$0x100];
	v2 =	vsub.f32 v2, v4  }
0x427: {  	v4 =	vld [tilespmem:s0+$0x100]  }
0x428: {  	v8 =	vld [tilespmem:s10+$0xFFFFFE00];
	v3 =	vsub.f32 v3, v5;
	[tilespmem:s5+$0x190] =	vst v2  }
0x429: {  	v2 =	vld [tilespmem:s10+$0x1A0]  }
0x42a: {  	[tilespmem:s5+$0x0] =	vst v3;
	v1 =	vsub.f32 v1, v7;
	v3 =	vld [tilespmem:s0+$0x1A0]  }
0x42b: {  	v5 =	vld [tilespmem:s10+$0xFFFFFE90]  }
0x42c: {  	v7 =	vld [tilespmem:s0+$0xFFFFFE90];
	[tilespmem:s5+$0x80] =	vst v1;
	v0 =	vsub.f32 v0, v4  }
0x42d: {  	v1 =	vsub.f32 v8, v6;
	v4 =	vld [tilespmem:s10+$0xFFFFFF10]  }
0x42e: {  	v6 =	vld [tilespmem:s0+$0xFFFFFF10];
	[tilespmem:s5+$0x100] =	vst v0  }
0x42f: {  	[tilespmem:s5+$0xFFFFFE00] =	vst v1;
	v0 =	vld [tilespmem:s10+$0xFFFFFF90];
	v1 =	vsub.f32 v2, v3  }
0x430: {  	v2 =	vld [tilespmem:s10+$0xFFFFFE10]  }
0x431: {  	v3 =	vld [tilespmem:s0+$0xFFFFFE10];
	v5 =	vsub.f32 v5, v7;
	[tilespmem:s5+$0x1A0] =	vst v1  }
0x432: {  	v1 =	vld [tilespmem:s10+$0x1B0]  }
0x433: {  	[tilespmem:s5+$0xFFFFFE90] =	vst v5;
	v4 =	vsub.f32 v4, v6;
	v5 =	vld [tilespmem:s0+$0x1B0]  }
0x434: {  	v6 =	vld [tilespmem:s0+$0xFFFFFF90]  }
0x435: {  	[tilespmem:s5+$0xFFFFFF10] =	vst v4;
	v4 =	vld [tilespmem:s10+$0x10]  }
0x436: {  	v2 =	vsub.f32 v2, v3;
	v3 =	vld [tilespmem:s0+$0x10]  }
0x437: {  	v7 =	vld [tilespmem:s10+$0x90]  }
0x438: {  	[tilespmem:s5+$0xFFFFFE10] =	vst v2;
	v2 =	vld [tilespmem:s0+$0x90];
	v1 =	vsub.f32 v1, v5  }
0x439: {  	v0 =	vsub.f32 v0, v6;
	v5 =	vld [tilespmem:s10+$0x110]  }
0x43a: {  	v6 =	vld [tilespmem:s0+$0x110];
	[tilespmem:s5+$0x1B0] =	vst v1  }
0x43b: {  	[tilespmem:s5+$0xFFFFFF90] =	vst v0;
	v0 =	vsub.f32 v4, v3;
	v1 =	vld [tilespmem:s10+$0x1C0]  }
0x43c: {  	v3 =	vld [tilespmem:s0+$0x1C0]  }
0x43d: {  	v4 =	vld [tilespmem:s10+$0xFFFFFE20];
	[tilespmem:s5+$0x10] =	vst v0;
	v0 =	vsub.f32 v7, v2  }
0x43e: {  	v2 =	vld [tilespmem:s0+$0xFFFFFE20]  }
0x43f: {  	v7 =	vld [tilespmem:s10+$0xFFFFFEA0];
	[tilespmem:s5+$0x90] =	vst v0;
	v0 =	vsub.f32 v5, v6  }
0x440: {  	v5 =	vld [tilespmem:s0+$0xFFFFFEA0]  }
0x441: {  	v6 =	vld [tilespmem:s10+$0xFFFFFF20];
	[tilespmem:s5+$0x110] =	vst v0;
	v0 =	vsub.f32 v1, v3  }
0x442: {  	v1 =	vld [tilespmem:s0+$0xFFFFFF20]  }
0x443: {  	v2 =	vsub.f32 v4, v2;
	v3 =	vld [tilespmem:s10+$0xFFFFFFA0];
	[tilespmem:s5+$0x1C0] =	vst v0  }
0x444: {  	v0 =	vld [tilespmem:s10+$0x1D0]  }
0x445: {  	[tilespmem:s5+$0xFFFFFE20] =	vst v2;
	v2 =	vsub.f32 v7, v5;
	v4 =	vld [tilespmem:s0+$0x1D0]  }
0x446: {  	v5 =	vld [tilespmem:s0+$0xFFFFFFA0]  }
0x447: {  	[tilespmem:s5+$0xFFFFFEA0] =	vst v2;
	v1 =	vsub.f32 v6, v1;
	v2 =	vld [tilespmem:s10+$0x20]  }
0x448: {  	v6 =	vld [tilespmem:s0+$0x20]  }
0x449: {  	[tilespmem:s5+$0xFFFFFF20] =	vst v1;
	v1 =	vld [tilespmem:s10+$0xA0]  }
0x44a: {  	v7 =	vld [tilespmem:s0+$0xA0];
	v0 =	vsub.f32 v0, v4  }
0x44b: {  	v3 =	vsub.f32 v3, v5;
	v4 =	vld [tilespmem:s10+$0x120]  }
0x44c: {  	v5 =	vld [tilespmem:s0+$0x120];
	[tilespmem:s5+$0x1D0] =	vst v0  }
0x44d: {  	[tilespmem:s5+$0xFFFFFFA0] =	vst v3;
	v0 =	vsub.f32 v2, v6;
	v2 =	vld [tilespmem:s10+$0x1E0]  }
0x44e: {  	v3 =	vld [tilespmem:s0+$0x1E0]  }
0x44f: {  	v6 =	vld [tilespmem:s10+$0xFFFFFE30];
	[tilespmem:s5+$0x20] =	vst v0;
	v0 =	vsub.f32 v1, v7  }
0x450: {  	v1 =	vld [tilespmem:s0+$0xFFFFFE30]  }
0x451: {  	v7 =	vld [tilespmem:s10+$0xFFFFFEB0];
	[tilespmem:s5+$0xA0] =	vst v0;
	v0 =	vsub.f32 v4, v5  }
0x452: {  	v4 =	vld [tilespmem:s0+$0xFFFFFEB0]  }
0x453: {  	v5 =	vld [tilespmem:s10+$0xFFFFFF30];
	[tilespmem:s5+$0x120] =	vst v0;
	v0 =	vsub.f32 v2, v3  }
0x454: {  	v2 =	vld [tilespmem:s0+$0xFFFFFF30]  }
0x455: {  	v1 =	vsub.f32 v6, v1;
	v3 =	vld [tilespmem:s10+$0xFFFFFFB0];
	[tilespmem:s5+$0x1E0] =	vst v0  }
0x456: {  	v0 =	vld [tilespmem:s10+$0x1F0]  }
0x457: {  	[tilespmem:s5+$0xFFFFFE30] =	vst v1;
	v1 =	vsub.f32 v7, v4;
	v4 =	vld [tilespmem:s0+$0x1F0]  }
0x458: {  	v6 =	vld [tilespmem:s0+$0xFFFFFFB0]  }
0x459: {  	[tilespmem:s5+$0xFFFFFEB0] =	vst v1;
	v1 =	vsub.f32 v5, v2;
	v2 =	vld [tilespmem:s10+$0x30]  }
0x45a: {  	v5 =	vld [tilespmem:s0+$0x30]  }
0x45b: {  	[tilespmem:s5+$0xFFFFFF30] =	vst v1;
	v1 =	vld [tilespmem:s10+$0xB0]  }
0x45c: {  	v7 =	vld [tilespmem:s0+$0xB0];
	v0 =	vsub.f32 v0, v4  }
0x45d: {  	v3 =	vsub.f32 v3, v6;
	v4 =	vld [tilespmem:s10+$0x130]  }
0x45e: {  	v6 =	vld [tilespmem:s0+$0x130];
	[tilespmem:s5+$0x1F0] =	vst v0  }
0x45f: {  	v0 =	vld [tilespmem:s10+$0xFFFFFE40];
	[tilespmem:s5+$0xFFFFFFB0] =	vst v3;
	v2 =	vsub.f32 v2, v5  }
0x460: {  	v3 =	vld [tilespmem:s0+$0xFFFFFE40]  }
0x461: {  	v5 =	vld [tilespmem:s10+$0xFFFFFEC0];
	[tilespmem:s5+$0x30] =	vst v2;
	v1 =	vsub.f32 v1, v7  }
0x462: {  	v2 =	vld [tilespmem:s0+$0xFFFFFEC0]  }
0x463: {  	v7 =	vld [tilespmem:s10+$0xFFFFFF40];
	[tilespmem:s5+$0xB0] =	vst v1;
	v1 =	vsub.f32 v4, v6  }
0x464: {  	v4 =	vld [tilespmem:s0+$0xFFFFFF40]  }
0x465: {  	v0 =	vsub.f32 v0, v3;
	v3 =	vld [tilespmem:s10+$0xFFFFFFC0];
	[tilespmem:s5+$0x130] =	vst v1  }
0x466: {  	v1 =	vld [tilespmem:s0+$0xFFFFFFC0]  }
0x467: {  	[tilespmem:s5+$0xFFFFFE40] =	vst v0;
	v0 =	vsub.f32 v5, v2;
	v2 =	vld [tilespmem:s10+$0x40]  }
0x468: {  	v5 =	vld [tilespmem:s0+$0x40]  }
0x469: {  	[tilespmem:s5+$0xFFFFFEC0] =	vst v0;
	v0 =	vsub.f32 v7, v4;
	v4 =	vld [tilespmem:s10+$0xC0]  }
0x46a: {  	v6 =	vld [tilespmem:s0+$0xC0]  }
0x46b: {  	[tilespmem:s5+$0xFFFFFF40] =	vst v0;
	v0 =	vsub.f32 v3, v1;
	v1 =	vld [tilespmem:s10+$0x140]  }
0x46c: {  	v3 =	vld [tilespmem:s0+$0x140]  }
0x46d: {  	v7 =	vld [tilespmem:s10+$0xFFFFFE50];
	[tilespmem:s5+$0xFFFFFFC0] =	vst v0;
	v0 =	vsub.f32 v2, v5  }
0x46e: {  	v2 =	vld [tilespmem:s0+$0xFFFFFE50]  }
0x46f: {  	v5 =	vld [tilespmem:s10+$0xFFFFFED0];
	[tilespmem:s5+$0x40] =	vst v0;
	v0 =	vsub.f32 v4, v6  }
0x470: {  	v4 =	vld [tilespmem:s0+$0xFFFFFED0]  }
0x471: {  	v6 =	vld [tilespmem:s10+$0xFFFFFF50];
	[tilespmem:s5+$0xC0] =	vst v0;
	v0 =	vsub.f32 v1, v3  }
0x472: {  	v1 =	vld [tilespmem:s0+$0xFFFFFF50]  }
0x473: {  	v2 =	vsub.f32 v7, v2;
	v3 =	vld [tilespmem:s10+$0xFFFFFFD0];
	[tilespmem:s5+$0x140] =	vst v0  }
0x474: {  	v0 =	vld [tilespmem:s0+$0xFFFFFFD0]  }
0x475: {  	[tilespmem:s5+$0xFFFFFE50] =	vst v2;
	v2 =	vsub.f32 v5, v4;
	v4 =	vld [tilespmem:s10+$0x50]  }
0x476: {  	v5 =	vld [tilespmem:s0+$0x50]  }
0x477: {  	[tilespmem:s5+$0xFFFFFED0] =	vst v2;
	v1 =	vsub.f32 v6, v1;
	v2 =	vld [tilespmem:s10+$0xD0]  }
0x478: {  	v6 =	vld [tilespmem:s0+$0xD0]  }
0x479: {  	[tilespmem:s5+$0xFFFFFF50] =	vst v1;
	v0 =	vsub.f32 v3, v0;
	v1 =	vld [tilespmem:s10+$0x150]  }
0x47a: {  	v3 =	vld [tilespmem:s0+$0x150]  }
0x47b: {  	v7 =	vld [tilespmem:s10+$0xFFFFFE60];
	[tilespmem:s5+$0xFFFFFFD0] =	vst v0;
	v0 =	vsub.f32 v4, v5  }
0x47c: {  	v4 =	vld [tilespmem:s0+$0xFFFFFE60]  }
0x47d: {  	v5 =	vld [tilespmem:s10+$0xFFFFFEE0];
	[tilespmem:s5+$0x50] =	vst v0;
	v0 =	vsub.f32 v2, v6  }
0x47e: {  	v2 =	vld [tilespmem:s0+$0xFFFFFEE0]  }
0x47f: {  	v6 =	vld [tilespmem:s10+$0xFFFFFF60];
	[tilespmem:s5+$0xD0] =	vst v0;
	v0 =	vsub.f32 v1, v3  }
0x480: {  	v1 =	vld [tilespmem:s0+$0xFFFFFF60]  }
0x481: {  	v3 =	vsub.f32 v7, v4;
	v4 =	vld [tilespmem:s10+$0xFFFFFFE0];
	[tilespmem:s5+$0x150] =	vst v0  }
0x482: {  	v0 =	vld [tilespmem:s0+$0xFFFFFFE0]  }
0x483: {  	[tilespmem:s5+$0xFFFFFE60] =	vst v3;
	v2 =	vsub.f32 v5, v2;
	v3 =	vld [tilespmem:s10+$0x60]  }
0x484: {  	v5 =	vld [tilespmem:s0+$0x60]  }
0x485: {  	[tilespmem:s5+$0xFFFFFEE0] =	vst v2;
	v1 =	vsub.f32 v6, v1;
	v2 =	vld [tilespmem:s10+$0xE0]  }
0x486: {  	v6 =	vld [tilespmem:s0+$0xE0]  }
0x487: {  	[tilespmem:s5+$0xFFFFFF60] =	vst v1;
	v0 =	vsub.f32 v4, v0;
	v1 =	vld [tilespmem:s10+$0x160]  }
0x488: {  	v4 =	vld [tilespmem:s0+$0x160]  }
0x489: {  	v7 =	vld [tilespmem:s10+$0xFFFFFE70];
	[tilespmem:s5+$0xFFFFFFE0] =	vst v0;
	v0 =	vsub.f32 v3, v5  }
0x48a: {  	v3 =	vld [tilespmem:s0+$0xFFFFFE70]  }
0x48b: {  	v5 =	vld [tilespmem:s10+$0xFFFFFEF0];
	[tilespmem:s5+$0x60] =	vst v0;
	v0 =	vsub.f32 v2, v6  }
0x48c: {  	v2 =	vld [tilespmem:s0+$0xFFFFFEF0]  }
0x48d: {  	v6 =	vld [tilespmem:s10+$0xFFFFFF70];
	[tilespmem:s5+$0xE0] =	vst v0;
	v0 =	vsub.f32 v1, v4  }
0x48e: {  	v1 =	vld [tilespmem:s0+$0xFFFFFF70]  }
0x48f: {  	v3 =	vsub.f32 v7, v3;
	v7 =	vld [tilespmem:s10+$0xFFFFFFF0];
	[tilespmem:s5+$0x160] =	vst v0  }
0x490: {  	v8 =	vld [tilespmem:s0+$0xFFFFFFF0]  }
0x491: {  	[tilespmem:s5+$0xFFFFFE70] =	vst v3;
	v3 =	vsub.f32 v5, v2;
	v0 =	vld [tilespmem:s10+$0x70]  }
.Ltmp4:
0x492: {  	v2 =	vld [tilespmem:s0+$0x70];
	(pc) =	sbr.rel @p2 .LBB2_11-.Ltmp4, $4  }
0x493: {  	[tilespmem:s5+$0xFFFFFEF0] =	vst v3;
	v3 =	vsub.f32 v6, v1;
	v1 =	vld [tilespmem:s10+$0xF0]  }
0x494: {  	v4 =	vld [tilespmem:s0+$0xF0]  }
0x495: {  	[tilespmem:s5+$0xFFFFFF70] =	vst v3;
	v6 =	vsub.f32 v7, v8;
	v3 =	vld [tilespmem:s10+$0x170]  }
0x496: {  	s10 =	sadd.s32 $0x400, s10;
	v5 =	vld [tilespmem:s0+$0x170]  }
0x497: {  	_ =	sdelay $0x1  }
0x498: {  	v0 =	vsub.f32 v0, v2  }
0x499: {  	[tilespmem:s5+$0xFFFFFFF0] =	vst v6;
	v1 =	vsub.f32 v1, v4  }
0x49a: {  	[tilespmem:s5+$0x70] =	vst v0;
	v63 =	vsub.f32 v3, v5  }
0x49b: {  	[tilespmem:s5+$0xF0] =	vst v1  }
0x49c: {  	s0 =	sadd.s32 @!p1 $0x148F8, s13;
	s8 =	simm.s32 @!p1 $0x16C80;
	[tilespmem:s5+$0x170] =	vst v63;
	s5 =	simm.s32 @!p1 $0x28  }
0x49d: {  	[tilespmem:s8], [sflag:$0x2] =	stream.indirect.gather @!p1 [spmem:s3], $0x80, s0, s5, $0xb8;
	[tilespmem:$0x1D080] =	vst v63  }
0x49e: {  	s12 =	sadd.s32 $0x1, s12;
	s0 =	sadd.s32 @!p1 $0x150F8, s13;
	s8 =	simm.s32 @!p1 $0x19480  }
0x49f: {  	[tilespmem:s8], [sflag:$0x2] =	stream.indirect.gather @!p1 [spmem:s3], $0x80, s0, s5, $0xb8;
	[tilespmem:$0x1D080] =	vst v63  }
0x4a0: {  	p1 =	sne.s32 s12, $0x19  }
.Ltmp5:
0x4a1: {  	_ = 	snop;
	(pc) =	sbr.rel @p1 .LBB2_8-.Ltmp5, $4  }
0x4a2: {  	s13 =	sadd.s32 s13, s15  }
0x4a3: {  	s0 =	sshll.u32 s13, $0x4  }
0x4a4: {  	s0 =	sadd.s32 s2, s0  }
0x4a5: {  	[hbm4b:s0+s4] =	stream.linear.scatter [tilespmem:s21], [sflag:$0x4], $0x1400, $0x38;
	[tilespmem:$0x1D080] =	vst v63  }
0x4a6: {  	_ =	swait.ge [sflag:s24], $0x7D0  }
0x4a7: {  	[sflag:s24] =	ssyncset.done $0x0  }
0x4a8: {  	[sflag:s24] =	ssyncadd.s32 $0xFFFFF830  }
0x4a9: {  	_ =	swait.ge [sflag:s24], $0x7D0  }
0x4aa: {  	[sflag:s24] =	ssyncset.done $0x0  }
0x4ab: {  	s0 =	simm.s32 $0x15880;
	[sflag:s24] =	ssyncadd.s32 $0xFFFFF830  }
0x4ac: {  	[tilespmem:s0], [sflag:$0x1] =	stream.indirect.gather [spmem:s3], $0x80, s29, s1, $0xb8;
	[tilespmem:$0x1D080] =	vst v63  }
0x4ad: {  	s8 =	simm.s32 $0x18080  }
0x4ae: {  	[tilespmem:s8], [sflag:$0x1] =	stream.indirect.gather [spmem:s3], $0x80, s31, s1, $0xb8;
	[tilespmem:$0x1D080] =	vst v63  }
0x4af: {  	s10 =	simm.s32 $0x138A8;
	s5 =	simm.s32 $0x16C80  }
0x4b0: {  	[tilespmem:s5], [sflag:$0x2] =	stream.indirect.gather [spmem:s3], $0x80, s10, s1, $0xb8;
	[tilespmem:$0x1D080] =	vst v63  }
0x4b1: {  	s12 =	simm.s32 $0x140A8;
	s13 =	simm.s32 $0x19480  }
0x4b2: {  	[tilespmem:s13], [sflag:$0x2] =	stream.indirect.gather [spmem:s3], $0x80, s12, s1, $0xb8;
	[tilespmem:$0x1D080] =	vst v63  }
0x4b3: {  	s8 =	simm.s32 $0x14880;
	s5 =	rddreg [dreg:$0xb];
	s12 =	simm.s32 $0x0  }
0x4b4: {  	[tilespmem:s8], [sflag:$0x5] =	stream.linear.gather [hbm4b:s5+s12], $0x7D0, $0x38;
	[tilespmem:$0x1D080] =	vst v63  }
0x4b5: {  	s10 =	rddreg [dreg:$0xc];
	s13 =	simm.s32 $0x15080  }
0x4b6: {  	[tilespmem:s13], [sflag:$0x5] =	stream.linear.gather [hbm4b:s10+s12], $0x7D0, $0x38;
	[tilespmem:$0x1D080] =	vst v63  }
.LBB2_14:
0x4b7: {  	_ =	swait.ge [sflag:s16], $0x1400  }
0x4b8: {  	[sflag:s16] =	ssyncset.done $0x0  }
0x4b9: {  	[sflag:s16] =	ssyncadd.s32 $0xFFFFEC00  }
0x4ba: {  	_ =	swait.ge [sflag:s16], $0x1400  }
0x4bb: {  	[sflag:s16] =	ssyncset.done $0x0  }
0x4bc: {  	[sflag:s16] =	ssyncadd.s32 $0xFFFFEC00  }
0x4bd: {  	_ =	swait.ge [sflag:s25], $0x1400  }
0x4be: {  	[sflag:s25] =	ssyncset.done $0x0  }
0x4bf: {  	s5 =	simm.s32 $0x15A80;
	[sflag:s25] =	ssyncadd.s32 $0xFFFFEC00  }
0x4c0: {  	s13 =	simm.s32 $0x18280;
	v0 =	vld [tilespmem:s5+$0x180]  }
0x4c1: {  	v1 =	vld [tilespmem:s13+$0x180]  }
0x4c2: {  	v2 =	vld [tilespmem:s13+$0xFFFFFE00]  }
0x4c3: {  	v3 =	vld [tilespmem:s5+$0xFFFFFE80]  }
0x4c4: {  	v4 =	vld [tilespmem:s13+$0xFFFFFE80]  }
0x4c5: {  	v5 =	vld [tilespmem:s5+$0xFFFFFF00]  }
0x4c6: {  	v6 =	vld [tilespmem:s13+$0xFFFFFF00]  }
0x4c7: {  	v7 =	vld [tilespmem:s13+$0xFFFFFF80]  }
0x4c8: {  	v9 =	vld [tilespmem:s5+$0x0]  }
0x4c9: {  	v10 =	vld [tilespmem:s13+$0x0]  }
0x4ca: {  	v11 =	vld [tilespmem:s5+$0x80]  }
0x4cb: {  	v12 =	vld [tilespmem:s13+$0x80];
	v0 =	vsub.f32 v0, v1  }
0x4cc: {  	s0 =	simm.s32 $0x1AA80;
	v1 =	vld [tilespmem:s5+$0xFFFFFF80]  }
0x4cd: {  	v3 =	vsub.f32 v3, v4;
	v4 =	vld [tilespmem:s5+$0xFFFFFE00];
	[tilespmem:s0+$0x180] =	vst v0  }
0x4ce: {  	v0 =	vld [tilespmem:s5+$0x190]  }
0x4cf: {  	v8 =	vld [tilespmem:s13+$0x190]  }
0x4d0: {  	v13 =	vld [tilespmem:s5+$0x100];
	[tilespmem:s0+$0xFFFFFE80] =	vst v3;
	v3 =	vsub.f32 v5, v6  }
0x4d1: {  	v6 =	vld [tilespmem:s5+$0xFFFFFE90]  }
0x4d2: {  	[tilespmem:s0+$0xFFFFFF00] =	vst v3;
	v3 =	vld [tilespmem:s13+$0xFFFFFE90];
	v1 =	vsub.f32 v1, v7  }
0x4d3: {  	v2 =	vsub.f32 v4, v2;
	v4 =	vld [tilespmem:s5+$0xFFFFFF10]  }
0x4d4: {  	[tilespmem:s0+$0xFFFFFF80] =	vst v1;
	v1 =	vld [tilespmem:s13+$0xFFFFFF10];
	v0 =	vsub.f32 v0, v8  }
0x4d5: {  	[tilespmem:s0+$0xFFFFFE00] =	vst v2;
	v2 =	vld [tilespmem:s5+$0xFFFFFF90]  }
0x4d6: {  	v32 =	vld [tilespmem:s13+$0xFFFFFF90];
	[tilespmem:s0+$0x190] =	vst v0  }
0x4d7: {  	v0 =	vld [tilespmem:s5+$0x1A0]  }
0x4d8: {  	v3 =	vsub.f32 v6, v3;
	v5 =	vld [tilespmem:s13+$0x1A0]  }
0x4d9: {  	v8 =	vld [tilespmem:s13+$0x100]  }
0x4da: {  	v7 =	vld [tilespmem:s13+$0xFFFFFE10];
	[tilespmem:s0+$0xFFFFFE90] =	vst v3;
	v1 =	vsub.f32 v4, v1  }
0x4db: {  	v4 =	vld [tilespmem:s5+$0xFFFFFEA0]  }
0x4dc: {  	[tilespmem:s0+$0xFFFFFF10] =	vst v1;
	v1 =	vsub.f32 v2, v32;
	v2 =	vld [tilespmem:s13+$0xFFFFFEA0]  }
0x4dd: {  	v0 =	vsub.f32 v0, v5;
	v5 =	vld [tilespmem:s5+$0xFFFFFE10]  }
0x4de: {  	v36 =	vld [tilespmem:s5+$0xFFFFFF20];
	[tilespmem:s0+$0xFFFFFF90] =	vst v1  }
0x4df: {  	v1 =	vld [tilespmem:s13+$0xFFFFFF20];
	[tilespmem:s0+$0x1A0] =	vst v0;
	v0 =	vsub.f32 v9, v10  }
0x4e0: {  	v37 =	vld [tilespmem:s5+$0xFFFFFFA0]  }
0x4e1: {  	v30 =	vld [tilespmem:s5+$0x1B0];
	[tilespmem:s0+$0x0] =	vst v0;
	v0 =	vsub.f32 v11, v12  }
0x4e2: {  	v31 =	vld [tilespmem:s13+$0x1B0];
	v5 =	vsub.f32 v5, v7  }
0x4e3: {  	v33 =	vld [tilespmem:s5+$0x10];
	[tilespmem:s0+$0x80] =	vst v0;
	v0 =	vsub.f32 v13, v8  }
0x4e4: {  	v34 =	vld [tilespmem:s5+$0x90];
	[tilespmem:s0+$0xFFFFFE10] =	vst v5  }
0x4e5: {  	[tilespmem:s0+$0x100] =	vst v0;
	v0 =	vld [tilespmem:s13+$0x90]  }
0x4e6: {  	v6 =	vld [tilespmem:s5+$0xFFFFFE20]  }
0x4e7: {  	v9 =	vsub.f32 v30, v31;
	v3 =	vld [tilespmem:s13+$0xFFFFFE20]  }
0x4e8: {  	v35 =	vld [tilespmem:s5+$0x110]  }
0x4e9: {  	v7 =	vld [tilespmem:s13+$0x110];
	[tilespmem:s0+$0x1B0] =	vst v9  }
0x4ea: {  	v2 =	vsub.f32 v4, v2;
	v9 =	vld [tilespmem:s5+$0x1C0]  }
0x4eb: {  	v1 =	vsub.f32 v36, v1;
	v5 =	vld [tilespmem:s13+$0x1C0]  }
0x4ec: {  	[tilespmem:s0+$0xFFFFFEA0] =	vst v2;
	v8 =	vld [tilespmem:s13+$0x10];
	v0 =	vsub.f32 v34, v0  }
0x4ed: {  	v42 =	vld [tilespmem:s5+$0xFFFFFEB0];
	[tilespmem:s0+$0xFFFFFF20] =	vst v1;
	v3 =	vsub.f32 v6, v3  }
0x4ee: {  	v43 =	vld [tilespmem:s5+$0xFFFFFF30];
	[tilespmem:s0+$0x90] =	vst v0  }
0x4ef: {  	v0 =	vsub.f32 v35, v7;
	[tilespmem:s0+$0xFFFFFE20] =	vst v3;
	v40 =	vld [tilespmem:s5+$0xA0]  }
0x4f0: {  	v5 =	vsub.f32 v9, v5;
	v4 =	vld [tilespmem:s5+$0xFFFFFE30]  }
0x4f1: {  	[tilespmem:s0+$0x110] =	vst v0;
	v0 =	vld [tilespmem:s13+$0xA0]  }
0x4f2: {  	[tilespmem:s0+$0x1C0] =	vst v5;
	v41 =	vld [tilespmem:s5+$0x120]  }
0x4f3: {  	v5 =	vsub.f32 v33, v8;
	v8 =	vld [tilespmem:s5+$0x1D0]  }
0x4f4: {  	v38 =	vld [tilespmem:s13+$0x1D0]  }
0x4f5: {  	[tilespmem:s0+$0x10] =	vst v5;
	v5 =	vld [tilespmem:s13+$0xFFFFFFA0]  }
0x4f6: {  	v6 =	vld [tilespmem:s13+$0x120]  }
0x4f7: {  	v2 =	vld [tilespmem:s13+$0xFFFFFE30]  }
0x4f8: {  	v39 =	vld [tilespmem:s5+$0x20];
	v0 =	vsub.f32 v40, v0  }
0x4f9: {  	v7 =	vld [tilespmem:s13+$0x20];
	v8 =	vsub.f32 v8, v38  }
0x4fa: {  	[tilespmem:s0+$0xA0] =	vst v0;
	v1 =	vsub.f32 v37, v5;
	v5 =	vld [tilespmem:s13+$0xFFFFFEB0]  }
0x4fb: {  	v0 =	vsub.f32 v41, v6;
	v46 =	vld [tilespmem:s5+$0xB0];
	[tilespmem:s0+$0x1D0] =	vst v8  }
0x4fc: {  	v8 =	vld [tilespmem:s5+$0x1E0]  }
0x4fd: {  	[tilespmem:s0+$0x120] =	vst v0;
	v3 =	vld [tilespmem:s13+$0x1E0]  }
0x4fe: {  	v0 =	vsub.f32 v4, v2;
	[tilespmem:s0+$0xFFFFFFA0] =	vst v1;
	v1 =	vld [tilespmem:s13+$0xFFFFFF30]  }
0x4ff: {  	v2 =	vld [tilespmem:s13+$0xB0]  }
0x500: {  	v4 =	vld [tilespmem:s5+$0x130];
	[tilespmem:s0+$0xFFFFFE30] =	vst v0  }
0x501: {  	v47 =	vld [tilespmem:s5+$0xFFFFFE40];
	v0 =	vsub.f32 v42, v5  }
0x502: {  	v5 =	vld [tilespmem:s13+$0x130]  }
0x503: {  	v3 =	vsub.f32 v8, v3;
	[tilespmem:s0+$0xFFFFFEB0] =	vst v0;
	v0 =	vsub.f32 v43, v1;
	v1 =	vld [tilespmem:s13+$0xFFFFFE40]  }
0x504: {  	v8 =	vld [tilespmem:s5+$0xFFFFFFB0]  }
0x505: {  	v48 =	vld [tilespmem:s5+$0xFFFFFEC0];
	[tilespmem:s0+$0x1E0] =	vst v3;
	v3 =	vsub.f32 v39, v7  }
0x506: {  	v7 =	vld [tilespmem:s5+$0x1F0]  }
0x507: {  	[tilespmem:s0+$0x20] =	vst v3;
	v3 =	vld [tilespmem:s13+$0xFFFFFFB0]  }
0x508: {  	v45 =	vld [tilespmem:s5+$0x30];
	v1 =	vsub.f32 v47, v1  }
0x509: {  	v6 =	vld [tilespmem:s13+$0x30]  }
0x50a: {  	v44 =	vld [tilespmem:s13+$0x1F0];
	[tilespmem:s0+$0xFFFFFE40] =	vst v1  }
0x50b: {  	v52 =	vld [tilespmem:s5+$0xFFFFFE50]  }
0x50c: {  	[tilespmem:s0+$0xFFFFFF30] =	vst v0;
	v0 =	vsub.f32 v8, v3;
	v3 =	vld [tilespmem:s13+$0xFFFFFEC0]  }
0x50d: {  	v8 =	vld [tilespmem:s5+$0xFFFFFF40]  }
0x50e: {  	[tilespmem:s0+$0xFFFFFFB0] =	vst v0;
	v0 =	vsub.f32 v45, v6;
	v6 =	vld [tilespmem:s13+$0xFFFFFF40]  }
0x50f: {  	v49 =	vld [tilespmem:s5+$0xFFFFFFC0]  }
0x510: {  	[tilespmem:s0+$0x30] =	vst v0;
	v0 =	vsub.f32 v46, v2;
	v2 =	vld [tilespmem:s13+$0xFFFFFFC0]  }
0x511: {  	v50 =	vld [tilespmem:s5+$0x40]  }
0x512: {  	v1 =	vsub.f32 v48, v3;
	[tilespmem:s0+$0xB0] =	vst v0;
	v0 =	vsub.f32 v4, v5;
	v4 =	vld [tilespmem:s13+$0x40]  }
0x513: {  	v5 =	vld [tilespmem:s5+$0xC0]  }
0x514: {  	[tilespmem:s0+$0xFFFFFEC0] =	vst v1;
	v1 =	vsub.f32 v8, v6;
	v6 =	vld [tilespmem:s13+$0xFFFFFE50]  }
0x515: {  	[tilespmem:s0+$0x130] =	vst v0;
	v0 =	vld [tilespmem:s13+$0xC0]  }
0x516: {  	v8 =	vld [tilespmem:s5+$0xFFFFFED0]  }
0x517: {  	v51 =	vld [tilespmem:s5+$0x140]  }
0x518: {  	v3 =	vld [tilespmem:s13+$0x140]  }
0x519: {  	[tilespmem:s0+$0xFFFFFF40] =	vst v1;
	v1 =	vsub.f32 v49, v2;
	v2 =	vld [tilespmem:s13+$0xFFFFFED0]  }
0x51a: {  	v53 =	vld [tilespmem:s5+$0xFFFFFF50]  }
0x51b: {  	[tilespmem:s0+$0xFFFFFFC0] =	vst v1;
	v1 =	vsub.f32 v50, v4;
	v4 =	vld [tilespmem:s13+$0xFFFFFF50]  }
0x51c: {  	v54 =	vld [tilespmem:s5+$0xFFFFFFD0];
	v6 =	vsub.f32 v52, v6  }
0x51d: {  	[tilespmem:s0+$0x40] =	vst v1;
	v0 =	vsub.f32 v5, v0;
	v1 =	vld [tilespmem:s13+$0xFFFFFFD0]  }
0x51e: {  	v5 =	vld [tilespmem:s5+$0x50];
	[tilespmem:s0+$0xFFFFFE50] =	vst v6  }
0x51f: {  	[tilespmem:s0+$0xC0] =	vst v0;
	v0 =	vsub.f32 v51, v3;
	v3 =	vld [tilespmem:s13+$0x50]  }
0x520: {  	v2 =	vsub.f32 v8, v2;
	v8 =	vld [tilespmem:s5+$0xFFFFFE60]  }
0x521: {  	v55 =	vld [tilespmem:s5+$0xD0]  }
0x522: {  	[tilespmem:s0+$0xFFFFFED0] =	vst v2;
	v2 =	vsub.f32 v53, v4;
	v4 =	vld [tilespmem:s13+$0xFFFFFE60]  }
0x523: {  	[tilespmem:s0+$0x140] =	vst v0;
	v0 =	vld [tilespmem:s13+$0xD0]  }
0x524: {  	v57 =	vld [tilespmem:s5+$0xFFFFFEE0]  }
0x525: {  	v56 =	vld [tilespmem:s5+$0x150]  }
0x526: {  	v6 =	vld [tilespmem:s13+$0x150]  }
0x527: {  	[tilespmem:s0+$0xFFFFFF50] =	vst v2;
	v1 =	vsub.f32 v54, v1;
	v2 =	vld [tilespmem:s13+$0xFFFFFEE0]  }
0x528: {  	v58 =	vld [tilespmem:s5+$0xFFFFFF60]  }
0x529: {  	[tilespmem:s0+$0xFFFFFFD0] =	vst v1;
	v1 =	vsub.f32 v5, v3;
	v3 =	vld [tilespmem:s13+$0xFFFFFF60]  }
0x52a: {  	v5 =	vld [tilespmem:s5+$0xFFFFFFE0];
	v4 =	vsub.f32 v8, v4  }
0x52b: {  	[tilespmem:s0+$0x50] =	vst v1;
	v0 =	vsub.f32 v55, v0;
	v1 =	vld [tilespmem:s13+$0xFFFFFFE0]  }
0x52c: {  	v59 =	vld [tilespmem:s5+$0x60];
	[tilespmem:s0+$0xFFFFFE60] =	vst v4  }
0x52d: {  	[tilespmem:s0+$0xD0] =	vst v0;
	v0 =	vsub.f32 v56, v6;
	v6 =	vld [tilespmem:s13+$0x60]  }
0x52e: {  	v2 =	vsub.f32 v57, v2;
	v61 =	vld [tilespmem:s5+$0xFFFFFE70]  }
0x52f: {  	v60 =	vld [tilespmem:s5+$0xE0]  }
0x530: {  	[tilespmem:s0+$0xFFFFFEE0] =	vst v2;
	v2 =	vsub.f32 v58, v3;
	v3 =	vld [tilespmem:s13+$0xFFFFFE70]  }
0x531: {  	[tilespmem:s0+$0x150] =	vst v0;
	v0 =	vld [tilespmem:s13+$0xE0]  }
0x532: {  	v62 =	vld [tilespmem:s5+$0xFFFFFEF0]  }
0x533: {  	v8 =	vld [tilespmem:s5+$0x160]  }
0x534: {  	v4 =	vld [tilespmem:s13+$0x160]  }
0x535: {  	[tilespmem:s0+$0xFFFFFF60] =	vst v2;
	v1 =	vsub.f32 v5, v1;
	v5 =	vld [tilespmem:s13+$0xFFFFFEF0]  }
0x536: {  	v14 =	vld [tilespmem:s5+$0xFFFFFF70]  }
0x537: {  	[tilespmem:s0+$0xFFFFFFE0] =	vst v1;
	v1 =	vsub.f32 v59, v6;
	v6 =	vld [tilespmem:s13+$0xFFFFFF70]  }
0x538: {  	v2 =	vsub.f32 v7, v44;
	v7 =	vld [tilespmem:s5+$0xFFFFFFF0]  }
0x539: {  	v63 =	vld [tilespmem:s13+$0xFFFFFFF0];
	[tilespmem:s0+$0x60] =	vst v1;
	v1 =	vsub.f32 v60, v0  }
0x53a: {  	[tilespmem:s0+$0x1F0] =	vst v2;
	v3 =	vsub.f32 v61, v3;
	v0 =	vld [tilespmem:s5+$0x70]  }
0x53b: {  	v4 =	vsub.f32 v8, v4;
	v2 =	vld [tilespmem:s13+$0x70];
	[tilespmem:s0+$0xE0] =	vst v1  }
0x53c: {  	[tilespmem:s0+$0xFFFFFE70] =	vst v3;
	v1 =	vld [tilespmem:s5+$0xF0];
	v6 =	vsub.f32 v14, v6  }
0x53d: {  	v5 =	vsub.f32 v62, v5;
	[tilespmem:s0+$0x160] =	vst v4;
	v4 =	vld [tilespmem:s13+$0xF0]  }
0x53e: {  	v3 =	vld [tilespmem:s5+$0x170];
	[tilespmem:s0+$0xFFFFFF70] =	vst v6;
	v6 =	vsub.f32 v7, v63  }
0x53f: {  	s8 =	simm.s32 $0x15E80;
	[tilespmem:s0+$0xFFFFFEF0] =	vst v5;
	s5 =	simm.s32 $0x0;
	v5 =	vld [tilespmem:s13+$0x170]  }
.LBB2_15:
0x540: {  	v7 =	vld [tilespmem:s8+$0x180];
	[tilespmem:s0+$0xFFFFFFF0] =	vst v6;
	v0 =	vsub.f32 v0, v2;
	s13 =	sadd.s32 $0x400, s13  }
0x541: {  	v2 =	vld [tilespmem:s13+$0x180]  }
0x542: {  	v6 =	vld [tilespmem:s13+$0xFFFFFE00];
	[tilespmem:s0+$0x70] =	vst v0;
	v0 =	vsub.f32 v1, v4  }
0x543: {  	v1 =	vld [tilespmem:s8+$0xFFFFFE80]  }
0x544: {  	v4 =	vld [tilespmem:s13+$0xFFFFFE80];
	[tilespmem:s0+$0xF0] =	vst v0;
	v0 =	vsub.f32 v3, v5  }
0x545: {  	v3 =	vld [tilespmem:s8+$0xFFFFFF00]  }
0x546: {  	v5 =	vld [tilespmem:s13+$0xFFFFFF00];
	v2 =	vsub.f32 v7, v2;
	[tilespmem:s0+$0x170] =	vst v0  }
0x547: {  	s0 =	sadd.s32 $0x400, s0;
	v0 =	vld [tilespmem:s8+$0xFFFFFF80]  }
0x548: {  	s5 =	sadd.s32 $0x8, s5;
	v7 =	vld [tilespmem:s13+$0xFFFFFF80];
	[tilespmem:s0+$0x180] =	vst v2  }
0x549: {  	p1 =	slt.u32 s5, $0x20;
	v1 =	vsub.f32 v1, v4;
	v2 =	vld [tilespmem:s8+$0x190]  }
0x54a: {  	v4 =	vld [tilespmem:s13+$0x190]  }
0x54b: {  	[tilespmem:s0+$0xFFFFFE80] =	vst v1;
	v1 =	vsub.f32 v3, v5;
	v3 =	vld [tilespmem:s8+$0x0]  }
0x54c: {  	v5 =	vld [tilespmem:s13+$0x0]  }
0x54d: {  	[tilespmem:s0+$0xFFFFFF00] =	vst v1;
	v0 =	vsub.f32 v0, v7;
	v1 =	vld [tilespmem:s8+$0x80]  }
0x54e: {  	v7 =	vld [tilespmem:s13+$0x80]  }
0x54f: {  	[tilespmem:s0+$0xFFFFFF80] =	vst v0;
	v0 =	vld [tilespmem:s8+$0x100];
	v2 =	vsub.f32 v2, v4  }
0x550: {  	v4 =	vld [tilespmem:s13+$0x100]  }
0x551: {  	v8 =	vld [tilespmem:s8+$0xFFFFFE00];
	v3 =	vsub.f32 v3, v5;
	[tilespmem:s0+$0x190] =	vst v2  }
0x552: {  	v2 =	vld [tilespmem:s8+$0x1A0]  }
0x553: {  	[tilespmem:s0+$0x0] =	vst v3;
	v1 =	vsub.f32 v1, v7;
	v3 =	vld [tilespmem:s13+$0x1A0]  }
0x554: {  	v5 =	vld [tilespmem:s8+$0xFFFFFE90]  }
0x555: {  	v7 =	vld [tilespmem:s13+$0xFFFFFE90];
	[tilespmem:s0+$0x80] =	vst v1;
	v0 =	vsub.f32 v0, v4  }
0x556: {  	v1 =	vsub.f32 v8, v6;
	v4 =	vld [tilespmem:s8+$0xFFFFFF10]  }
0x557: {  	v6 =	vld [tilespmem:s13+$0xFFFFFF10];
	[tilespmem:s0+$0x100] =	vst v0  }
0x558: {  	[tilespmem:s0+$0xFFFFFE00] =	vst v1;
	v0 =	vld [tilespmem:s8+$0xFFFFFF90];
	v1 =	vsub.f32 v2, v3  }
0x559: {  	v2 =	vld [tilespmem:s8+$0xFFFFFE10]  }
0x55a: {  	v3 =	vld [tilespmem:s13+$0xFFFFFE10];
	v5 =	vsub.f32 v5, v7;
	[tilespmem:s0+$0x1A0] =	vst v1  }
0x55b: {  	v1 =	vld [tilespmem:s8+$0x1B0]  }
0x55c: {  	[tilespmem:s0+$0xFFFFFE90] =	vst v5;
	v4 =	vsub.f32 v4, v6;
	v5 =	vld [tilespmem:s13+$0x1B0]  }
0x55d: {  	v6 =	vld [tilespmem:s13+$0xFFFFFF90]  }
0x55e: {  	[tilespmem:s0+$0xFFFFFF10] =	vst v4;
	v4 =	vld [tilespmem:s8+$0x10]  }
0x55f: {  	v2 =	vsub.f32 v2, v3;
	v3 =	vld [tilespmem:s13+$0x10]  }
0x560: {  	v7 =	vld [tilespmem:s8+$0x90]  }
0x561: {  	[tilespmem:s0+$0xFFFFFE10] =	vst v2;
	v2 =	vld [tilespmem:s13+$0x90];
	v1 =	vsub.f32 v1, v5  }
0x562: {  	v0 =	vsub.f32 v0, v6;
	v5 =	vld [tilespmem:s8+$0x110]  }
0x563: {  	v6 =	vld [tilespmem:s13+$0x110];
	[tilespmem:s0+$0x1B0] =	vst v1  }
0x564: {  	[tilespmem:s0+$0xFFFFFF90] =	vst v0;
	v0 =	vsub.f32 v4, v3;
	v1 =	vld [tilespmem:s8+$0x1C0]  }
0x565: {  	v3 =	vld [tilespmem:s13+$0x1C0]  }
0x566: {  	v4 =	vld [tilespmem:s8+$0xFFFFFE20];
	[tilespmem:s0+$0x10] =	vst v0;
	v0 =	vsub.f32 v7, v2  }
0x567: {  	v2 =	vld [tilespmem:s13+$0xFFFFFE20]  }
0x568: {  	v7 =	vld [tilespmem:s8+$0xFFFFFEA0];
	[tilespmem:s0+$0x90] =	vst v0;
	v0 =	vsub.f32 v5, v6  }
0x569: {  	v5 =	vld [tilespmem:s13+$0xFFFFFEA0]  }
0x56a: {  	v6 =	vld [tilespmem:s8+$0xFFFFFF20];
	[tilespmem:s0+$0x110] =	vst v0;
	v0 =	vsub.f32 v1, v3  }
0x56b: {  	v1 =	vld [tilespmem:s13+$0xFFFFFF20]  }
0x56c: {  	v2 =	vsub.f32 v4, v2;
	v3 =	vld [tilespmem:s8+$0xFFFFFFA0];
	[tilespmem:s0+$0x1C0] =	vst v0  }
0x56d: {  	v0 =	vld [tilespmem:s8+$0x1D0]  }
0x56e: {  	[tilespmem:s0+$0xFFFFFE20] =	vst v2;
	v2 =	vsub.f32 v7, v5;
	v4 =	vld [tilespmem:s13+$0x1D0]  }
0x56f: {  	v5 =	vld [tilespmem:s13+$0xFFFFFFA0]  }
0x570: {  	[tilespmem:s0+$0xFFFFFEA0] =	vst v2;
	v1 =	vsub.f32 v6, v1;
	v2 =	vld [tilespmem:s8+$0x20]  }
0x571: {  	v6 =	vld [tilespmem:s13+$0x20]  }
0x572: {  	[tilespmem:s0+$0xFFFFFF20] =	vst v1;
	v1 =	vld [tilespmem:s8+$0xA0]  }
0x573: {  	v7 =	vld [tilespmem:s13+$0xA0];
	v0 =	vsub.f32 v0, v4  }
0x574: {  	v3 =	vsub.f32 v3, v5;
	v4 =	vld [tilespmem:s8+$0x120]  }
0x575: {  	v5 =	vld [tilespmem:s13+$0x120];
	[tilespmem:s0+$0x1D0] =	vst v0  }
0x576: {  	[tilespmem:s0+$0xFFFFFFA0] =	vst v3;
	v0 =	vsub.f32 v2, v6;
	v2 =	vld [tilespmem:s8+$0x1E0]  }
0x577: {  	v3 =	vld [tilespmem:s13+$0x1E0]  }
0x578: {  	v6 =	vld [tilespmem:s8+$0xFFFFFE30];
	[tilespmem:s0+$0x20] =	vst v0;
	v0 =	vsub.f32 v1, v7  }
0x579: {  	v1 =	vld [tilespmem:s13+$0xFFFFFE30]  }
0x57a: {  	v7 =	vld [tilespmem:s8+$0xFFFFFEB0];
	[tilespmem:s0+$0xA0] =	vst v0;
	v0 =	vsub.f32 v4, v5  }
0x57b: {  	v4 =	vld [tilespmem:s13+$0xFFFFFEB0]  }
0x57c: {  	v5 =	vld [tilespmem:s8+$0xFFFFFF30];
	[tilespmem:s0+$0x120] =	vst v0;
	v0 =	vsub.f32 v2, v3  }
0x57d: {  	v2 =	vld [tilespmem:s13+$0xFFFFFF30]  }
0x57e: {  	v1 =	vsub.f32 v6, v1;
	v3 =	vld [tilespmem:s8+$0xFFFFFFB0];
	[tilespmem:s0+$0x1E0] =	vst v0  }
0x57f: {  	v0 =	vld [tilespmem:s8+$0x1F0]  }
0x580: {  	[tilespmem:s0+$0xFFFFFE30] =	vst v1;
	v1 =	vsub.f32 v7, v4;
	v4 =	vld [tilespmem:s13+$0x1F0]  }
0x581: {  	v6 =	vld [tilespmem:s13+$0xFFFFFFB0]  }
0x582: {  	[tilespmem:s0+$0xFFFFFEB0] =	vst v1;
	v1 =	vsub.f32 v5, v2;
	v2 =	vld [tilespmem:s8+$0x30]  }
0x583: {  	v5 =	vld [tilespmem:s13+$0x30]  }
0x584: {  	[tilespmem:s0+$0xFFFFFF30] =	vst v1;
	v1 =	vld [tilespmem:s8+$0xB0]  }
0x585: {  	v7 =	vld [tilespmem:s13+$0xB0];
	v0 =	vsub.f32 v0, v4  }
0x586: {  	v3 =	vsub.f32 v3, v6;
	v4 =	vld [tilespmem:s8+$0x130]  }
0x587: {  	v6 =	vld [tilespmem:s13+$0x130];
	[tilespmem:s0+$0x1F0] =	vst v0  }
0x588: {  	v0 =	vld [tilespmem:s8+$0xFFFFFE40];
	[tilespmem:s0+$0xFFFFFFB0] =	vst v3;
	v2 =	vsub.f32 v2, v5  }
0x589: {  	v3 =	vld [tilespmem:s13+$0xFFFFFE40]  }
0x58a: {  	v5 =	vld [tilespmem:s8+$0xFFFFFEC0];
	[tilespmem:s0+$0x30] =	vst v2;
	v1 =	vsub.f32 v1, v7  }
0x58b: {  	v2 =	vld [tilespmem:s13+$0xFFFFFEC0]  }
0x58c: {  	v7 =	vld [tilespmem:s8+$0xFFFFFF40];
	[tilespmem:s0+$0xB0] =	vst v1;
	v1 =	vsub.f32 v4, v6  }
0x58d: {  	v4 =	vld [tilespmem:s13+$0xFFFFFF40]  }
0x58e: {  	v0 =	vsub.f32 v0, v3;
	v3 =	vld [tilespmem:s8+$0xFFFFFFC0];
	[tilespmem:s0+$0x130] =	vst v1  }
0x58f: {  	v1 =	vld [tilespmem:s13+$0xFFFFFFC0]  }
0x590: {  	[tilespmem:s0+$0xFFFFFE40] =	vst v0;
	v0 =	vsub.f32 v5, v2;
	v2 =	vld [tilespmem:s8+$0x40]  }
0x591: {  	v5 =	vld [tilespmem:s13+$0x40]  }
0x592: {  	[tilespmem:s0+$0xFFFFFEC0] =	vst v0;
	v0 =	vsub.f32 v7, v4;
	v4 =	vld [tilespmem:s8+$0xC0]  }
0x593: {  	v6 =	vld [tilespmem:s13+$0xC0]  }
0x594: {  	[tilespmem:s0+$0xFFFFFF40] =	vst v0;
	v0 =	vsub.f32 v3, v1;
	v1 =	vld [tilespmem:s8+$0x140]  }
0x595: {  	v3 =	vld [tilespmem:s13+$0x140]  }
0x596: {  	v7 =	vld [tilespmem:s8+$0xFFFFFE50];
	[tilespmem:s0+$0xFFFFFFC0] =	vst v0;
	v0 =	vsub.f32 v2, v5  }
0x597: {  	v2 =	vld [tilespmem:s13+$0xFFFFFE50]  }
0x598: {  	v5 =	vld [tilespmem:s8+$0xFFFFFED0];
	[tilespmem:s0+$0x40] =	vst v0;
	v0 =	vsub.f32 v4, v6  }
0x599: {  	v4 =	vld [tilespmem:s13+$0xFFFFFED0]  }
0x59a: {  	v6 =	vld [tilespmem:s8+$0xFFFFFF50];
	[tilespmem:s0+$0xC0] =	vst v0;
	v0 =	vsub.f32 v1, v3  }
0x59b: {  	v1 =	vld [tilespmem:s13+$0xFFFFFF50]  }
0x59c: {  	v2 =	vsub.f32 v7, v2;
	v3 =	vld [tilespmem:s8+$0xFFFFFFD0];
	[tilespmem:s0+$0x140] =	vst v0  }
0x59d: {  	v0 =	vld [tilespmem:s13+$0xFFFFFFD0]  }
0x59e: {  	[tilespmem:s0+$0xFFFFFE50] =	vst v2;
	v2 =	vsub.f32 v5, v4;
	v4 =	vld [tilespmem:s8+$0x50]  }
0x59f: {  	v5 =	vld [tilespmem:s13+$0x50]  }
0x5a0: {  	[tilespmem:s0+$0xFFFFFED0] =	vst v2;
	v1 =	vsub.f32 v6, v1;
	v2 =	vld [tilespmem:s8+$0xD0]  }
0x5a1: {  	v6 =	vld [tilespmem:s13+$0xD0]  }
0x5a2: {  	[tilespmem:s0+$0xFFFFFF50] =	vst v1;
	v0 =	vsub.f32 v3, v0;
	v1 =	vld [tilespmem:s8+$0x150]  }
0x5a3: {  	v3 =	vld [tilespmem:s13+$0x150]  }
0x5a4: {  	v7 =	vld [tilespmem:s8+$0xFFFFFE60];
	[tilespmem:s0+$0xFFFFFFD0] =	vst v0;
	v0 =	vsub.f32 v4, v5  }
0x5a5: {  	v4 =	vld [tilespmem:s13+$0xFFFFFE60]  }
0x5a6: {  	v5 =	vld [tilespmem:s8+$0xFFFFFEE0];
	[tilespmem:s0+$0x50] =	vst v0;
	v0 =	vsub.f32 v2, v6  }
0x5a7: {  	v2 =	vld [tilespmem:s13+$0xFFFFFEE0]  }
0x5a8: {  	v6 =	vld [tilespmem:s8+$0xFFFFFF60];
	[tilespmem:s0+$0xD0] =	vst v0;
	v0 =	vsub.f32 v1, v3  }
0x5a9: {  	v1 =	vld [tilespmem:s13+$0xFFFFFF60]  }
0x5aa: {  	v3 =	vsub.f32 v7, v4;
	v4 =	vld [tilespmem:s8+$0xFFFFFFE0];
	[tilespmem:s0+$0x150] =	vst v0  }
0x5ab: {  	v0 =	vld [tilespmem:s13+$0xFFFFFFE0]  }
0x5ac: {  	[tilespmem:s0+$0xFFFFFE60] =	vst v3;
	v2 =	vsub.f32 v5, v2;
	v3 =	vld [tilespmem:s8+$0x60]  }
0x5ad: {  	v5 =	vld [tilespmem:s13+$0x60]  }
0x5ae: {  	[tilespmem:s0+$0xFFFFFEE0] =	vst v2;
	v1 =	vsub.f32 v6, v1;
	v2 =	vld [tilespmem:s8+$0xE0]  }
0x5af: {  	v6 =	vld [tilespmem:s13+$0xE0]  }
0x5b0: {  	[tilespmem:s0+$0xFFFFFF60] =	vst v1;
	v0 =	vsub.f32 v4, v0;
	v1 =	vld [tilespmem:s8+$0x160]  }
0x5b1: {  	v4 =	vld [tilespmem:s13+$0x160]  }
0x5b2: {  	v7 =	vld [tilespmem:s8+$0xFFFFFE70];
	[tilespmem:s0+$0xFFFFFFE0] =	vst v0;
	v0 =	vsub.f32 v3, v5  }
0x5b3: {  	v3 =	vld [tilespmem:s13+$0xFFFFFE70]  }
0x5b4: {  	v5 =	vld [tilespmem:s8+$0xFFFFFEF0];
	[tilespmem:s0+$0x60] =	vst v0;
	v0 =	vsub.f32 v2, v6  }
0x5b5: {  	v2 =	vld [tilespmem:s13+$0xFFFFFEF0]  }
0x5b6: {  	v6 =	vld [tilespmem:s8+$0xFFFFFF70];
	[tilespmem:s0+$0xE0] =	vst v0;
	v0 =	vsub.f32 v1, v4  }
0x5b7: {  	v1 =	vld [tilespmem:s13+$0xFFFFFF70]  }
0x5b8: {  	v3 =	vsub.f32 v7, v3;
	v7 =	vld [tilespmem:s8+$0xFFFFFFF0];
	[tilespmem:s0+$0x160] =	vst v0  }
0x5b9: {  	v8 =	vld [tilespmem:s13+$0xFFFFFFF0]  }
0x5ba: {  	[tilespmem:s0+$0xFFFFFE70] =	vst v3;
	v3 =	vsub.f32 v5, v2;
	v0 =	vld [tilespmem:s8+$0x70]  }
.Ltmp6:
0x5bb: {  	v2 =	vld [tilespmem:s13+$0x70];
	(pc) =	sbr.rel @p1 .LBB2_15-.Ltmp6, $4  }
0x5bc: {  	[tilespmem:s0+$0xFFFFFEF0] =	vst v3;
	v3 =	vsub.f32 v6, v1;
	v1 =	vld [tilespmem:s8+$0xF0]  }
0x5bd: {  	v4 =	vld [tilespmem:s13+$0xF0]  }
0x5be: {  	[tilespmem:s0+$0xFFFFFF70] =	vst v3;
	v6 =	vsub.f32 v7, v8;
	v3 =	vld [tilespmem:s8+$0x170]  }
0x5bf: {  	s8 =	sadd.s32 $0x400, s8;
	v5 =	vld [tilespmem:s13+$0x170]  }
0x5c0: {  	_ =	sdelay $0x1  }
0x5c1: {  	v0 =	vsub.f32 v0, v2  }
0x5c2: {  	[tilespmem:s0+$0xFFFFFFF0] =	vst v6;
	p1 =	seq.s32 s12, $0x18;
	v1 =	vsub.f32 v1, v4  }
0x5c3: {  	s13 =	smul.u32 @!p1 $0x50, s12;
	[tilespmem:s0+$0x70] =	vst v0;
	v0 =	vsub.f32 v3, v5  }
0x5c4: {  	[tilespmem:s0+$0xF0] =	vst v1  }
0x5c5: {  	s5 =	simm.s32 @!p1 $0x28;
	s8 =	simm.s32 @!p1 $0x15880;
	[tilespmem:s0+$0x170] =	vst v0;
	s0 =	sadd.s32 @!p1 $0x138D0, s13  }
0x5c6: {  	[tilespmem:s8], [sflag:$0x1] =	stream.indirect.gather @!p1 [spmem:s3], $0x80, s0, s5, $0xb8;
	[tilespmem:$0x1D080] =	vst v63  }
0x5c7: {  	s0 =	sadd.s32 @!p1 $0x140D0, s13;
	s8 =	simm.s32 @!p1 $0x18080;
	s13 =	simm.s32 @p1 $0x780  }
0x5c8: {  	[tilespmem:s8], [sflag:$0x1] =	stream.indirect.gather @!p1 [spmem:s3], $0x80, s0, s5, $0xb8;
	[tilespmem:$0x1D080] =	vst v63  }
0x5c9: {  	s8 =	sadd.s32 s13, s18  }
0x5ca: {  	s0 =	sshll.u32 s8, $0x4  }
0x5cb: {  	s0 =	sadd.s32 s2, s0  }
0x5cc: {  	[hbm4b:s0+s4] =	stream.linear.scatter [tilespmem:s17], [sflag:$0x3], $0x1400, $0x38;
	[tilespmem:$0x1D080] =	vst v63  }
0x5cd: {  	_ =	swait.ge [sflag:s20], $0x1400  }
0x5ce: {  	[sflag:s20] =	ssyncset.done $0x0  }
0x5cf: {  	[sflag:s20] =	ssyncadd.s32 $0xFFFFEC00  }
0x5d0: {  	_ =	swait.ge [sflag:s20], $0x1400  }
0x5d1: {  	[sflag:s20] =	ssyncset.done $0x0  }
0x5d2: {  	[sflag:s20] =	ssyncadd.s32 $0xFFFFEC00  }
0x5d3: {  	_ =	swait.ge [sflag:s7], $0x1400  }
0x5d4: {  	[sflag:s7] =	ssyncset.done $0x0  }
0x5d5: {  	s10 =	simm.s32 $0x16E80;
	[sflag:s7] =	ssyncadd.s32 $0xFFFFEC00  }
0x5d6: {  	s0 =	simm.s32 $0x19680;
	v0 =	vld [tilespmem:s10+$0x180]  }
0x5d7: {  	v1 =	vld [tilespmem:s0+$0x180]  }
0x5d8: {  	v2 =	vld [tilespmem:s0+$0xFFFFFE00]  }
0x5d9: {  	v3 =	vld [tilespmem:s10+$0xFFFFFE80]  }
0x5da: {  	v4 =	vld [tilespmem:s0+$0xFFFFFE80]  }
0x5db: {  	v5 =	vld [tilespmem:s10+$0xFFFFFF00]  }
0x5dc: {  	v6 =	vld [tilespmem:s0+$0xFFFFFF00]  }
0x5dd: {  	v7 =	vld [tilespmem:s0+$0xFFFFFF80]  }
0x5de: {  	v9 =	vld [tilespmem:s10+$0x0]  }
0x5df: {  	v10 =	vld [tilespmem:s0+$0x0]  }
0x5e0: {  	v11 =	vld [tilespmem:s10+$0x80]  }
0x5e1: {  	v12 =	vld [tilespmem:s0+$0x80];
	v0 =	vsub.f32 v0, v1  }
0x5e2: {  	s5 =	simm.s32 $0x1BE80;
	v1 =	vld [tilespmem:s10+$0xFFFFFF80]  }
0x5e3: {  	v3 =	vsub.f32 v3, v4;
	v4 =	vld [tilespmem:s10+$0xFFFFFE00];
	[tilespmem:s5+$0x180] =	vst v0  }
0x5e4: {  	v0 =	vld [tilespmem:s10+$0x190]  }
0x5e5: {  	v8 =	vld [tilespmem:s0+$0x190]  }
0x5e6: {  	v13 =	vld [tilespmem:s10+$0x100];
	[tilespmem:s5+$0xFFFFFE80] =	vst v3;
	v3 =	vsub.f32 v5, v6  }
0x5e7: {  	v6 =	vld [tilespmem:s10+$0xFFFFFE90]  }
0x5e8: {  	[tilespmem:s5+$0xFFFFFF00] =	vst v3;
	v3 =	vld [tilespmem:s0+$0xFFFFFE90];
	v1 =	vsub.f32 v1, v7  }
0x5e9: {  	v2 =	vsub.f32 v4, v2;
	v4 =	vld [tilespmem:s10+$0xFFFFFF10]  }
0x5ea: {  	[tilespmem:s5+$0xFFFFFF80] =	vst v1;
	v1 =	vld [tilespmem:s0+$0xFFFFFF10];
	v0 =	vsub.f32 v0, v8  }
0x5eb: {  	[tilespmem:s5+$0xFFFFFE00] =	vst v2;
	v2 =	vld [tilespmem:s10+$0xFFFFFF90]  }
0x5ec: {  	v32 =	vld [tilespmem:s0+$0xFFFFFF90];
	[tilespmem:s5+$0x190] =	vst v0  }
0x5ed: {  	v0 =	vld [tilespmem:s10+$0x1A0]  }
0x5ee: {  	v3 =	vsub.f32 v6, v3;
	v5 =	vld [tilespmem:s0+$0x1A0]  }
0x5ef: {  	v8 =	vld [tilespmem:s0+$0x100]  }
0x5f0: {  	v7 =	vld [tilespmem:s0+$0xFFFFFE10];
	[tilespmem:s5+$0xFFFFFE90] =	vst v3;
	v1 =	vsub.f32 v4, v1  }
0x5f1: {  	v4 =	vld [tilespmem:s10+$0xFFFFFEA0]  }
0x5f2: {  	[tilespmem:s5+$0xFFFFFF10] =	vst v1;
	v1 =	vsub.f32 v2, v32;
	v2 =	vld [tilespmem:s0+$0xFFFFFEA0]  }
0x5f3: {  	v0 =	vsub.f32 v0, v5;
	v5 =	vld [tilespmem:s10+$0xFFFFFE10]  }
0x5f4: {  	v36 =	vld [tilespmem:s10+$0xFFFFFF20];
	[tilespmem:s5+$0xFFFFFF90] =	vst v1  }
0x5f5: {  	v1 =	vld [tilespmem:s0+$0xFFFFFF20];
	[tilespmem:s5+$0x1A0] =	vst v0;
	v0 =	vsub.f32 v9, v10  }
0x5f6: {  	v37 =	vld [tilespmem:s10+$0xFFFFFFA0]  }
0x5f7: {  	v30 =	vld [tilespmem:s10+$0x1B0];
	[tilespmem:s5+$0x0] =	vst v0;
	v0 =	vsub.f32 v11, v12  }
0x5f8: {  	v31 =	vld [tilespmem:s0+$0x1B0];
	v5 =	vsub.f32 v5, v7  }
0x5f9: {  	v33 =	vld [tilespmem:s10+$0x10];
	[tilespmem:s5+$0x80] =	vst v0;
	v0 =	vsub.f32 v13, v8  }
0x5fa: {  	v34 =	vld [tilespmem:s10+$0x90];
	[tilespmem:s5+$0xFFFFFE10] =	vst v5  }
0x5fb: {  	[tilespmem:s5+$0x100] =	vst v0;
	v0 =	vld [tilespmem:s0+$0x90]  }
0x5fc: {  	v6 =	vld [tilespmem:s10+$0xFFFFFE20]  }
0x5fd: {  	v9 =	vsub.f32 v30, v31;
	v3 =	vld [tilespmem:s0+$0xFFFFFE20]  }
0x5fe: {  	v35 =	vld [tilespmem:s10+$0x110]  }
0x5ff: {  	v7 =	vld [tilespmem:s0+$0x110];
	[tilespmem:s5+$0x1B0] =	vst v9  }
0x600: {  	v2 =	vsub.f32 v4, v2;
	v9 =	vld [tilespmem:s10+$0x1C0]  }
0x601: {  	v1 =	vsub.f32 v36, v1;
	v5 =	vld [tilespmem:s0+$0x1C0]  }
0x602: {  	[tilespmem:s5+$0xFFFFFEA0] =	vst v2;
	v8 =	vld [tilespmem:s0+$0x10];
	v0 =	vsub.f32 v34, v0  }
0x603: {  	v42 =	vld [tilespmem:s10+$0xFFFFFEB0];
	[tilespmem:s5+$0xFFFFFF20] =	vst v1;
	v3 =	vsub.f32 v6, v3  }
0x604: {  	v43 =	vld [tilespmem:s10+$0xFFFFFF30];
	[tilespmem:s5+$0x90] =	vst v0  }
0x605: {  	v0 =	vsub.f32 v35, v7;
	[tilespmem:s5+$0xFFFFFE20] =	vst v3;
	v40 =	vld [tilespmem:s10+$0xA0]  }
0x606: {  	v5 =	vsub.f32 v9, v5;
	v4 =	vld [tilespmem:s10+$0xFFFFFE30]  }
0x607: {  	[tilespmem:s5+$0x110] =	vst v0;
	v0 =	vld [tilespmem:s0+$0xA0]  }
0x608: {  	[tilespmem:s5+$0x1C0] =	vst v5;
	v41 =	vld [tilespmem:s10+$0x120]  }
0x609: {  	v5 =	vsub.f32 v33, v8;
	v8 =	vld [tilespmem:s10+$0x1D0]  }
0x60a: {  	v38 =	vld [tilespmem:s0+$0x1D0]  }
0x60b: {  	[tilespmem:s5+$0x10] =	vst v5;
	v5 =	vld [tilespmem:s0+$0xFFFFFFA0]  }
0x60c: {  	v6 =	vld [tilespmem:s0+$0x120]  }
0x60d: {  	v2 =	vld [tilespmem:s0+$0xFFFFFE30]  }
0x60e: {  	v39 =	vld [tilespmem:s10+$0x20];
	v0 =	vsub.f32 v40, v0  }
0x60f: {  	v7 =	vld [tilespmem:s0+$0x20];
	v8 =	vsub.f32 v8, v38  }
0x610: {  	[tilespmem:s5+$0xA0] =	vst v0;
	v1 =	vsub.f32 v37, v5;
	v5 =	vld [tilespmem:s0+$0xFFFFFEB0]  }
0x611: {  	v0 =	vsub.f32 v41, v6;
	v46 =	vld [tilespmem:s10+$0xB0];
	[tilespmem:s5+$0x1D0] =	vst v8  }
0x612: {  	v8 =	vld [tilespmem:s10+$0x1E0]  }
0x613: {  	[tilespmem:s5+$0x120] =	vst v0;
	v3 =	vld [tilespmem:s0+$0x1E0]  }
0x614: {  	v0 =	vsub.f32 v4, v2;
	[tilespmem:s5+$0xFFFFFFA0] =	vst v1;
	v1 =	vld [tilespmem:s0+$0xFFFFFF30]  }
0x615: {  	v2 =	vld [tilespmem:s0+$0xB0]  }
0x616: {  	v4 =	vld [tilespmem:s10+$0x130];
	[tilespmem:s5+$0xFFFFFE30] =	vst v0  }
0x617: {  	v47 =	vld [tilespmem:s10+$0xFFFFFE40];
	v0 =	vsub.f32 v42, v5  }
0x618: {  	v5 =	vld [tilespmem:s0+$0x130]  }
0x619: {  	v3 =	vsub.f32 v8, v3;
	[tilespmem:s5+$0xFFFFFEB0] =	vst v0;
	v0 =	vsub.f32 v43, v1;
	v1 =	vld [tilespmem:s0+$0xFFFFFE40]  }
0x61a: {  	v8 =	vld [tilespmem:s10+$0xFFFFFFB0]  }
0x61b: {  	v48 =	vld [tilespmem:s10+$0xFFFFFEC0];
	[tilespmem:s5+$0x1E0] =	vst v3;
	v3 =	vsub.f32 v39, v7  }
0x61c: {  	v7 =	vld [tilespmem:s10+$0x1F0]  }
0x61d: {  	[tilespmem:s5+$0x20] =	vst v3;
	v3 =	vld [tilespmem:s0+$0xFFFFFFB0]  }
0x61e: {  	v45 =	vld [tilespmem:s10+$0x30];
	v1 =	vsub.f32 v47, v1  }
0x61f: {  	v6 =	vld [tilespmem:s0+$0x30]  }
0x620: {  	v44 =	vld [tilespmem:s0+$0x1F0];
	[tilespmem:s5+$0xFFFFFE40] =	vst v1  }
0x621: {  	v52 =	vld [tilespmem:s10+$0xFFFFFE50]  }
0x622: {  	[tilespmem:s5+$0xFFFFFF30] =	vst v0;
	v0 =	vsub.f32 v8, v3;
	v3 =	vld [tilespmem:s0+$0xFFFFFEC0]  }
0x623: {  	v8 =	vld [tilespmem:s10+$0xFFFFFF40]  }
0x624: {  	[tilespmem:s5+$0xFFFFFFB0] =	vst v0;
	v0 =	vsub.f32 v45, v6;
	v6 =	vld [tilespmem:s0+$0xFFFFFF40]  }
0x625: {  	v49 =	vld [tilespmem:s10+$0xFFFFFFC0]  }
0x626: {  	[tilespmem:s5+$0x30] =	vst v0;
	v0 =	vsub.f32 v46, v2;
	v2 =	vld [tilespmem:s0+$0xFFFFFFC0]  }
0x627: {  	v50 =	vld [tilespmem:s10+$0x40]  }
0x628: {  	v1 =	vsub.f32 v48, v3;
	[tilespmem:s5+$0xB0] =	vst v0;
	v0 =	vsub.f32 v4, v5;
	v4 =	vld [tilespmem:s0+$0x40]  }
0x629: {  	v5 =	vld [tilespmem:s10+$0xC0]  }
0x62a: {  	[tilespmem:s5+$0xFFFFFEC0] =	vst v1;
	v1 =	vsub.f32 v8, v6;
	v6 =	vld [tilespmem:s0+$0xFFFFFE50]  }
0x62b: {  	[tilespmem:s5+$0x130] =	vst v0;
	v0 =	vld [tilespmem:s0+$0xC0]  }
0x62c: {  	v8 =	vld [tilespmem:s10+$0xFFFFFED0]  }
0x62d: {  	v51 =	vld [tilespmem:s10+$0x140]  }
0x62e: {  	v3 =	vld [tilespmem:s0+$0x140]  }
0x62f: {  	[tilespmem:s5+$0xFFFFFF40] =	vst v1;
	v1 =	vsub.f32 v49, v2;
	v2 =	vld [tilespmem:s0+$0xFFFFFED0]  }
0x630: {  	v53 =	vld [tilespmem:s10+$0xFFFFFF50]  }
0x631: {  	[tilespmem:s5+$0xFFFFFFC0] =	vst v1;
	v1 =	vsub.f32 v50, v4;
	v4 =	vld [tilespmem:s0+$0xFFFFFF50]  }
0x632: {  	v54 =	vld [tilespmem:s10+$0xFFFFFFD0];
	v6 =	vsub.f32 v52, v6  }
0x633: {  	[tilespmem:s5+$0x40] =	vst v1;
	v0 =	vsub.f32 v5, v0;
	v1 =	vld [tilespmem:s0+$0xFFFFFFD0]  }
0x634: {  	v5 =	vld [tilespmem:s10+$0x50];
	[tilespmem:s5+$0xFFFFFE50] =	vst v6  }
0x635: {  	[tilespmem:s5+$0xC0] =	vst v0;
	v0 =	vsub.f32 v51, v3;
	v3 =	vld [tilespmem:s0+$0x50]  }
0x636: {  	v2 =	vsub.f32 v8, v2;
	v8 =	vld [tilespmem:s10+$0xFFFFFE60]  }
0x637: {  	v55 =	vld [tilespmem:s10+$0xD0]  }
0x638: {  	[tilespmem:s5+$0xFFFFFED0] =	vst v2;
	v2 =	vsub.f32 v53, v4;
	v4 =	vld [tilespmem:s0+$0xFFFFFE60]  }
0x639: {  	[tilespmem:s5+$0x140] =	vst v0;
	v0 =	vld [tilespmem:s0+$0xD0]  }
0x63a: {  	v57 =	vld [tilespmem:s10+$0xFFFFFEE0]  }
0x63b: {  	v56 =	vld [tilespmem:s10+$0x150]  }
0x63c: {  	v6 =	vld [tilespmem:s0+$0x150]  }
0x63d: {  	[tilespmem:s5+$0xFFFFFF50] =	vst v2;
	v1 =	vsub.f32 v54, v1;
	v2 =	vld [tilespmem:s0+$0xFFFFFEE0]  }
0x63e: {  	v58 =	vld [tilespmem:s10+$0xFFFFFF60]  }
0x63f: {  	[tilespmem:s5+$0xFFFFFFD0] =	vst v1;
	v1 =	vsub.f32 v5, v3;
	v3 =	vld [tilespmem:s0+$0xFFFFFF60]  }
0x640: {  	v5 =	vld [tilespmem:s10+$0xFFFFFFE0];
	v4 =	vsub.f32 v8, v4  }
0x641: {  	[tilespmem:s5+$0x50] =	vst v1;
	v0 =	vsub.f32 v55, v0;
	v1 =	vld [tilespmem:s0+$0xFFFFFFE0]  }
0x642: {  	v59 =	vld [tilespmem:s10+$0x60];
	[tilespmem:s5+$0xFFFFFE60] =	vst v4  }
0x643: {  	[tilespmem:s5+$0xD0] =	vst v0;
	v0 =	vsub.f32 v56, v6;
	v6 =	vld [tilespmem:s0+$0x60]  }
0x644: {  	v2 =	vsub.f32 v57, v2;
	v61 =	vld [tilespmem:s10+$0xFFFFFE70]  }
0x645: {  	v60 =	vld [tilespmem:s10+$0xE0]  }
0x646: {  	[tilespmem:s5+$0xFFFFFEE0] =	vst v2;
	v2 =	vsub.f32 v58, v3;
	v3 =	vld [tilespmem:s0+$0xFFFFFE70]  }
0x647: {  	[tilespmem:s5+$0x150] =	vst v0;
	v0 =	vld [tilespmem:s0+$0xE0]  }
0x648: {  	v62 =	vld [tilespmem:s10+$0xFFFFFEF0]  }
0x649: {  	v8 =	vld [tilespmem:s10+$0x160]  }
0x64a: {  	v4 =	vld [tilespmem:s0+$0x160]  }
0x64b: {  	[tilespmem:s5+$0xFFFFFF60] =	vst v2;
	v1 =	vsub.f32 v5, v1;
	v5 =	vld [tilespmem:s0+$0xFFFFFEF0]  }
0x64c: {  	v14 =	vld [tilespmem:s10+$0xFFFFFF70]  }
0x64d: {  	[tilespmem:s5+$0xFFFFFFE0] =	vst v1;
	v1 =	vsub.f32 v59, v6;
	v6 =	vld [tilespmem:s0+$0xFFFFFF70]  }
0x64e: {  	v2 =	vsub.f32 v7, v44;
	v7 =	vld [tilespmem:s10+$0xFFFFFFF0]  }
0x64f: {  	v63 =	vld [tilespmem:s0+$0xFFFFFFF0];
	[tilespmem:s5+$0x60] =	vst v1;
	v1 =	vsub.f32 v60, v0  }
0x650: {  	[tilespmem:s5+$0x1F0] =	vst v2;
	v3 =	vsub.f32 v61, v3;
	v0 =	vld [tilespmem:s10+$0x70]  }
0x651: {  	v4 =	vsub.f32 v8, v4;
	v2 =	vld [tilespmem:s0+$0x70];
	[tilespmem:s5+$0xE0] =	vst v1  }
0x652: {  	[tilespmem:s5+$0xFFFFFE70] =	vst v3;
	v1 =	vld [tilespmem:s10+$0xF0];
	v6 =	vsub.f32 v14, v6  }
0x653: {  	v5 =	vsub.f32 v62, v5;
	[tilespmem:s5+$0x160] =	vst v4;
	v4 =	vld [tilespmem:s0+$0xF0]  }
0x654: {  	v3 =	vld [tilespmem:s10+$0x170];
	[tilespmem:s5+$0xFFFFFF70] =	vst v6;
	v6 =	vsub.f32 v7, v63  }
0x655: {  	s8 =	simm.s32 $0x0;
	[tilespmem:s5+$0xFFFFFEF0] =	vst v5;
	v5 =	vld [tilespmem:s0+$0x170];
	s10 =	simm.s32 $0x17280  }
.LBB2_17:
0x656: {  	v7 =	vld [tilespmem:s10+$0x180];
	[tilespmem:s5+$0xFFFFFFF0] =	vst v6;
	v0 =	vsub.f32 v0, v2;
	s0 =	sadd.s32 $0x400, s0  }
0x657: {  	v2 =	vld [tilespmem:s0+$0x180]  }
0x658: {  	v6 =	vld [tilespmem:s0+$0xFFFFFE00];
	[tilespmem:s5+$0x70] =	vst v0;
	v0 =	vsub.f32 v1, v4  }
0x659: {  	v1 =	vld [tilespmem:s10+$0xFFFFFE80]  }
0x65a: {  	v4 =	vld [tilespmem:s0+$0xFFFFFE80];
	[tilespmem:s5+$0xF0] =	vst v0;
	v0 =	vsub.f32 v3, v5  }
0x65b: {  	v3 =	vld [tilespmem:s10+$0xFFFFFF00]  }
0x65c: {  	v5 =	vld [tilespmem:s0+$0xFFFFFF00];
	v2 =	vsub.f32 v7, v2;
	[tilespmem:s5+$0x170] =	vst v0  }
0x65d: {  	s5 =	sadd.s32 $0x400, s5;
	v0 =	vld [tilespmem:s10+$0xFFFFFF80]  }
0x65e: {  	s8 =	sadd.s32 $0x8, s8;
	v7 =	vld [tilespmem:s0+$0xFFFFFF80];
	[tilespmem:s5+$0x180] =	vst v2  }
0x65f: {  	p2 =	slt.u32 s8, $0x20;
	v1 =	vsub.f32 v1, v4;
	v2 =	vld [tilespmem:s10+$0x190]  }
0x660: {  	v4 =	vld [tilespmem:s0+$0x190]  }
0x661: {  	[tilespmem:s5+$0xFFFFFE80] =	vst v1;
	v1 =	vsub.f32 v3, v5;
	v3 =	vld [tilespmem:s10+$0x0]  }
0x662: {  	v5 =	vld [tilespmem:s0+$0x0]  }
0x663: {  	[tilespmem:s5+$0xFFFFFF00] =	vst v1;
	v0 =	vsub.f32 v0, v7;
	v1 =	vld [tilespmem:s10+$0x80]  }
0x664: {  	v7 =	vld [tilespmem:s0+$0x80]  }
0x665: {  	[tilespmem:s5+$0xFFFFFF80] =	vst v0;
	v0 =	vld [tilespmem:s10+$0x100];
	v2 =	vsub.f32 v2, v4  }
0x666: {  	v4 =	vld [tilespmem:s0+$0x100]  }
0x667: {  	v8 =	vld [tilespmem:s10+$0xFFFFFE00];
	v3 =	vsub.f32 v3, v5;
	[tilespmem:s5+$0x190] =	vst v2  }
0x668: {  	v2 =	vld [tilespmem:s10+$0x1A0]  }
0x669: {  	[tilespmem:s5+$0x0] =	vst v3;
	v1 =	vsub.f32 v1, v7;
	v3 =	vld [tilespmem:s0+$0x1A0]  }
0x66a: {  	v5 =	vld [tilespmem:s10+$0xFFFFFE90]  }
0x66b: {  	v7 =	vld [tilespmem:s0+$0xFFFFFE90];
	[tilespmem:s5+$0x80] =	vst v1;
	v0 =	vsub.f32 v0, v4  }
0x66c: {  	v1 =	vsub.f32 v8, v6;
	v4 =	vld [tilespmem:s10+$0xFFFFFF10]  }
0x66d: {  	v6 =	vld [tilespmem:s0+$0xFFFFFF10];
	[tilespmem:s5+$0x100] =	vst v0  }
0x66e: {  	[tilespmem:s5+$0xFFFFFE00] =	vst v1;
	v0 =	vld [tilespmem:s10+$0xFFFFFF90];
	v1 =	vsub.f32 v2, v3  }
0x66f: {  	v2 =	vld [tilespmem:s10+$0xFFFFFE10]  }
0x670: {  	v3 =	vld [tilespmem:s0+$0xFFFFFE10];
	v5 =	vsub.f32 v5, v7;
	[tilespmem:s5+$0x1A0] =	vst v1  }
0x671: {  	v1 =	vld [tilespmem:s10+$0x1B0]  }
0x672: {  	[tilespmem:s5+$0xFFFFFE90] =	vst v5;
	v4 =	vsub.f32 v4, v6;
	v5 =	vld [tilespmem:s0+$0x1B0]  }
0x673: {  	v6 =	vld [tilespmem:s0+$0xFFFFFF90]  }
0x674: {  	[tilespmem:s5+$0xFFFFFF10] =	vst v4;
	v4 =	vld [tilespmem:s10+$0x10]  }
0x675: {  	v2 =	vsub.f32 v2, v3;
	v3 =	vld [tilespmem:s0+$0x10]  }
0x676: {  	v7 =	vld [tilespmem:s10+$0x90]  }
0x677: {  	[tilespmem:s5+$0xFFFFFE10] =	vst v2;
	v2 =	vld [tilespmem:s0+$0x90];
	v1 =	vsub.f32 v1, v5  }
0x678: {  	v0 =	vsub.f32 v0, v6;
	v5 =	vld [tilespmem:s10+$0x110]  }
0x679: {  	v6 =	vld [tilespmem:s0+$0x110];
	[tilespmem:s5+$0x1B0] =	vst v1  }
0x67a: {  	[tilespmem:s5+$0xFFFFFF90] =	vst v0;
	v0 =	vsub.f32 v4, v3;
	v1 =	vld [tilespmem:s10+$0x1C0]  }
0x67b: {  	v3 =	vld [tilespmem:s0+$0x1C0]  }
0x67c: {  	v4 =	vld [tilespmem:s10+$0xFFFFFE20];
	[tilespmem:s5+$0x10] =	vst v0;
	v0 =	vsub.f32 v7, v2  }
0x67d: {  	v2 =	vld [tilespmem:s0+$0xFFFFFE20]  }
0x67e: {  	v7 =	vld [tilespmem:s10+$0xFFFFFEA0];
	[tilespmem:s5+$0x90] =	vst v0;
	v0 =	vsub.f32 v5, v6  }
0x67f: {  	v5 =	vld [tilespmem:s0+$0xFFFFFEA0]  }
0x680: {  	v6 =	vld [tilespmem:s10+$0xFFFFFF20];
	[tilespmem:s5+$0x110] =	vst v0;
	v0 =	vsub.f32 v1, v3  }
0x681: {  	v1 =	vld [tilespmem:s0+$0xFFFFFF20]  }
0x682: {  	v2 =	vsub.f32 v4, v2;
	v3 =	vld [tilespmem:s10+$0xFFFFFFA0];
	[tilespmem:s5+$0x1C0] =	vst v0  }
0x683: {  	v0 =	vld [tilespmem:s10+$0x1D0]  }
0x684: {  	[tilespmem:s5+$0xFFFFFE20] =	vst v2;
	v2 =	vsub.f32 v7, v5;
	v4 =	vld [tilespmem:s0+$0x1D0]  }
0x685: {  	v5 =	vld [tilespmem:s0+$0xFFFFFFA0]  }
0x686: {  	[tilespmem:s5+$0xFFFFFEA0] =	vst v2;
	v1 =	vsub.f32 v6, v1;
	v2 =	vld [tilespmem:s10+$0x20]  }
0x687: {  	v6 =	vld [tilespmem:s0+$0x20]  }
0x688: {  	[tilespmem:s5+$0xFFFFFF20] =	vst v1;
	v1 =	vld [tilespmem:s10+$0xA0]  }
0x689: {  	v7 =	vld [tilespmem:s0+$0xA0];
	v0 =	vsub.f32 v0, v4  }
0x68a: {  	v3 =	vsub.f32 v3, v5;
	v4 =	vld [tilespmem:s10+$0x120]  }
0x68b: {  	v5 =	vld [tilespmem:s0+$0x120];
	[tilespmem:s5+$0x1D0] =	vst v0  }
0x68c: {  	[tilespmem:s5+$0xFFFFFFA0] =	vst v3;
	v0 =	vsub.f32 v2, v6;
	v2 =	vld [tilespmem:s10+$0x1E0]  }
0x68d: {  	v3 =	vld [tilespmem:s0+$0x1E0]  }
0x68e: {  	v6 =	vld [tilespmem:s10+$0xFFFFFE30];
	[tilespmem:s5+$0x20] =	vst v0;
	v0 =	vsub.f32 v1, v7  }
0x68f: {  	v1 =	vld [tilespmem:s0+$0xFFFFFE30]  }
0x690: {  	v7 =	vld [tilespmem:s10+$0xFFFFFEB0];
	[tilespmem:s5+$0xA0] =	vst v0;
	v0 =	vsub.f32 v4, v5  }
0x691: {  	v4 =	vld [tilespmem:s0+$0xFFFFFEB0]  }
0x692: {  	v5 =	vld [tilespmem:s10+$0xFFFFFF30];
	[tilespmem:s5+$0x120] =	vst v0;
	v0 =	vsub.f32 v2, v3  }
0x693: {  	v2 =	vld [tilespmem:s0+$0xFFFFFF30]  }
0x694: {  	v1 =	vsub.f32 v6, v1;
	v3 =	vld [tilespmem:s10+$0xFFFFFFB0];
	[tilespmem:s5+$0x1E0] =	vst v0  }
0x695: {  	v0 =	vld [tilespmem:s10+$0x1F0]  }
0x696: {  	[tilespmem:s5+$0xFFFFFE30] =	vst v1;
	v1 =	vsub.f32 v7, v4;
	v4 =	vld [tilespmem:s0+$0x1F0]  }
0x697: {  	v6 =	vld [tilespmem:s0+$0xFFFFFFB0]  }
0x698: {  	[tilespmem:s5+$0xFFFFFEB0] =	vst v1;
	v1 =	vsub.f32 v5, v2;
	v2 =	vld [tilespmem:s10+$0x30]  }
0x699: {  	v5 =	vld [tilespmem:s0+$0x30]  }
0x69a: {  	[tilespmem:s5+$0xFFFFFF30] =	vst v1;
	v1 =	vld [tilespmem:s10+$0xB0]  }
0x69b: {  	v7 =	vld [tilespmem:s0+$0xB0];
	v0 =	vsub.f32 v0, v4  }
0x69c: {  	v3 =	vsub.f32 v3, v6;
	v4 =	vld [tilespmem:s10+$0x130]  }
0x69d: {  	v6 =	vld [tilespmem:s0+$0x130];
	[tilespmem:s5+$0x1F0] =	vst v0  }
0x69e: {  	v0 =	vld [tilespmem:s10+$0xFFFFFE40];
	[tilespmem:s5+$0xFFFFFFB0] =	vst v3;
	v2 =	vsub.f32 v2, v5  }
0x69f: {  	v3 =	vld [tilespmem:s0+$0xFFFFFE40]  }
0x6a0: {  	v5 =	vld [tilespmem:s10+$0xFFFFFEC0];
	[tilespmem:s5+$0x30] =	vst v2;
	v1 =	vsub.f32 v1, v7  }
0x6a1: {  	v2 =	vld [tilespmem:s0+$0xFFFFFEC0]  }
0x6a2: {  	v7 =	vld [tilespmem:s10+$0xFFFFFF40];
	[tilespmem:s5+$0xB0] =	vst v1;
	v1 =	vsub.f32 v4, v6  }
0x6a3: {  	v4 =	vld [tilespmem:s0+$0xFFFFFF40]  }
0x6a4: {  	v0 =	vsub.f32 v0, v3;
	v3 =	vld [tilespmem:s10+$0xFFFFFFC0];
	[tilespmem:s5+$0x130] =	vst v1  }
0x6a5: {  	v1 =	vld [tilespmem:s0+$0xFFFFFFC0]  }
0x6a6: {  	[tilespmem:s5+$0xFFFFFE40] =	vst v0;
	v0 =	vsub.f32 v5, v2;
	v2 =	vld [tilespmem:s10+$0x40]  }
0x6a7: {  	v5 =	vld [tilespmem:s0+$0x40]  }
0x6a8: {  	[tilespmem:s5+$0xFFFFFEC0] =	vst v0;
	v0 =	vsub.f32 v7, v4;
	v4 =	vld [tilespmem:s10+$0xC0]  }
0x6a9: {  	v6 =	vld [tilespmem:s0+$0xC0]  }
0x6aa: {  	[tilespmem:s5+$0xFFFFFF40] =	vst v0;
	v0 =	vsub.f32 v3, v1;
	v1 =	vld [tilespmem:s10+$0x140]  }
0x6ab: {  	v3 =	vld [tilespmem:s0+$0x140]  }
0x6ac: {  	v7 =	vld [tilespmem:s10+$0xFFFFFE50];
	[tilespmem:s5+$0xFFFFFFC0] =	vst v0;
	v0 =	vsub.f32 v2, v5  }
0x6ad: {  	v2 =	vld [tilespmem:s0+$0xFFFFFE50]  }
0x6ae: {  	v5 =	vld [tilespmem:s10+$0xFFFFFED0];
	[tilespmem:s5+$0x40] =	vst v0;
	v0 =	vsub.f32 v4, v6  }
0x6af: {  	v4 =	vld [tilespmem:s0+$0xFFFFFED0]  }
0x6b0: {  	v6 =	vld [tilespmem:s10+$0xFFFFFF50];
	[tilespmem:s5+$0xC0] =	vst v0;
	v0 =	vsub.f32 v1, v3  }
0x6b1: {  	v1 =	vld [tilespmem:s0+$0xFFFFFF50]  }
0x6b2: {  	v2 =	vsub.f32 v7, v2;
	v3 =	vld [tilespmem:s10+$0xFFFFFFD0];
	[tilespmem:s5+$0x140] =	vst v0  }
0x6b3: {  	v0 =	vld [tilespmem:s0+$0xFFFFFFD0]  }
0x6b4: {  	[tilespmem:s5+$0xFFFFFE50] =	vst v2;
	v2 =	vsub.f32 v5, v4;
	v4 =	vld [tilespmem:s10+$0x50]  }
0x6b5: {  	v5 =	vld [tilespmem:s0+$0x50]  }
0x6b6: {  	[tilespmem:s5+$0xFFFFFED0] =	vst v2;
	v1 =	vsub.f32 v6, v1;
	v2 =	vld [tilespmem:s10+$0xD0]  }
0x6b7: {  	v6 =	vld [tilespmem:s0+$0xD0]  }
0x6b8: {  	[tilespmem:s5+$0xFFFFFF50] =	vst v1;
	v0 =	vsub.f32 v3, v0;
	v1 =	vld [tilespmem:s10+$0x150]  }
0x6b9: {  	v3 =	vld [tilespmem:s0+$0x150]  }
0x6ba: {  	v7 =	vld [tilespmem:s10+$0xFFFFFE60];
	[tilespmem:s5+$0xFFFFFFD0] =	vst v0;
	v0 =	vsub.f32 v4, v5  }
0x6bb: {  	v4 =	vld [tilespmem:s0+$0xFFFFFE60]  }
0x6bc: {  	v5 =	vld [tilespmem:s10+$0xFFFFFEE0];
	[tilespmem:s5+$0x50] =	vst v0;
	v0 =	vsub.f32 v2, v6  }
0x6bd: {  	v2 =	vld [tilespmem:s0+$0xFFFFFEE0]  }
0x6be: {  	v6 =	vld [tilespmem:s10+$0xFFFFFF60];
	[tilespmem:s5+$0xD0] =	vst v0;
	v0 =	vsub.f32 v1, v3  }
0x6bf: {  	v1 =	vld [tilespmem:s0+$0xFFFFFF60]  }
0x6c0: {  	v3 =	vsub.f32 v7, v4;
	v4 =	vld [tilespmem:s10+$0xFFFFFFE0];
	[tilespmem:s5+$0x150] =	vst v0  }
0x6c1: {  	v0 =	vld [tilespmem:s0+$0xFFFFFFE0]  }
0x6c2: {  	[tilespmem:s5+$0xFFFFFE60] =	vst v3;
	v2 =	vsub.f32 v5, v2;
	v3 =	vld [tilespmem:s10+$0x60]  }
0x6c3: {  	v5 =	vld [tilespmem:s0+$0x60]  }
0x6c4: {  	[tilespmem:s5+$0xFFFFFEE0] =	vst v2;
	v1 =	vsub.f32 v6, v1;
	v2 =	vld [tilespmem:s10+$0xE0]  }
0x6c5: {  	v6 =	vld [tilespmem:s0+$0xE0]  }
0x6c6: {  	[tilespmem:s5+$0xFFFFFF60] =	vst v1;
	v0 =	vsub.f32 v4, v0;
	v1 =	vld [tilespmem:s10+$0x160]  }
0x6c7: {  	v4 =	vld [tilespmem:s0+$0x160]  }
0x6c8: {  	v7 =	vld [tilespmem:s10+$0xFFFFFE70];
	[tilespmem:s5+$0xFFFFFFE0] =	vst v0;
	v0 =	vsub.f32 v3, v5  }
0x6c9: {  	v3 =	vld [tilespmem:s0+$0xFFFFFE70]  }
0x6ca: {  	v5 =	vld [tilespmem:s10+$0xFFFFFEF0];
	[tilespmem:s5+$0x60] =	vst v0;
	v0 =	vsub.f32 v2, v6  }
0x6cb: {  	v2 =	vld [tilespmem:s0+$0xFFFFFEF0]  }
0x6cc: {  	v6 =	vld [tilespmem:s10+$0xFFFFFF70];
	[tilespmem:s5+$0xE0] =	vst v0;
	v0 =	vsub.f32 v1, v4  }
0x6cd: {  	v1 =	vld [tilespmem:s0+$0xFFFFFF70]  }
0x6ce: {  	v3 =	vsub.f32 v7, v3;
	v7 =	vld [tilespmem:s10+$0xFFFFFFF0];
	[tilespmem:s5+$0x160] =	vst v0  }
0x6cf: {  	v8 =	vld [tilespmem:s0+$0xFFFFFFF0]  }
0x6d0: {  	[tilespmem:s5+$0xFFFFFE70] =	vst v3;
	v3 =	vsub.f32 v5, v2;
	v0 =	vld [tilespmem:s10+$0x70]  }
.Ltmp7:
0x6d1: {  	v2 =	vld [tilespmem:s0+$0x70];
	(pc) =	sbr.rel @p2 .LBB2_17-.Ltmp7, $4  }
0x6d2: {  	[tilespmem:s5+$0xFFFFFEF0] =	vst v3;
	v3 =	vsub.f32 v6, v1;
	v1 =	vld [tilespmem:s10+$0xF0]  }
0x6d3: {  	v4 =	vld [tilespmem:s0+$0xF0]  }
0x6d4: {  	[tilespmem:s5+$0xFFFFFF70] =	vst v3;
	v6 =	vsub.f32 v7, v8;
	v3 =	vld [tilespmem:s10+$0x170]  }
0x6d5: {  	s10 =	sadd.s32 $0x400, s10;
	v5 =	vld [tilespmem:s0+$0x170]  }
0x6d6: {  	_ =	sdelay $0x1  }
0x6d7: {  	v0 =	vsub.f32 v0, v2  }
0x6d8: {  	[tilespmem:s5+$0xFFFFFFF0] =	vst v6;
	v1 =	vsub.f32 v1, v4  }
0x6d9: {  	[tilespmem:s5+$0x70] =	vst v0;
	v63 =	vsub.f32 v3, v5  }
0x6da: {  	[tilespmem:s5+$0xF0] =	vst v1  }
0x6db: {  	s0 =	sadd.s32 @!p1 $0x138F8, s13;
	s8 =	simm.s32 @!p1 $0x16C80;
	[tilespmem:s5+$0x170] =	vst v63;
	s5 =	simm.s32 @!p1 $0x28  }
0x6dc: {  	[tilespmem:s8], [sflag:$0x2] =	stream.indirect.gather @!p1 [spmem:s3], $0x80, s0, s5, $0xb8;
	[tilespmem:$0x1D080] =	vst v63  }
0x6dd: {  	s12 =	sadd.s32 $0x1, s12;
	s0 =	sadd.s32 @!p1 $0x140F8, s13;
	s8 =	simm.s32 @!p1 $0x19480  }
0x6de: {  	[tilespmem:s8], [sflag:$0x2] =	stream.indirect.gather @!p1 [spmem:s3], $0x80, s0, s5, $0xb8;
	[tilespmem:$0x1D080] =	vst v63  }
0x6df: {  	p1 =	sne.s32 s12, $0x19  }
.Ltmp8:
0x6e0: {  	_ = 	snop;
	(pc) =	sbr.rel @p1 .LBB2_14-.Ltmp8, $4  }
0x6e1: {  	s13 =	sadd.s32 s13, s19  }
0x6e2: {  	s0 =	sshll.u32 s13, $0x4  }
0x6e3: {  	s0 =	sadd.s32 s2, s0  }
0x6e4: {  	[hbm4b:s0+s4] =	stream.linear.scatter [tilespmem:s21], [sflag:$0x4], $0x1400, $0x38;
	[tilespmem:$0x1D080] =	vst v63  }
0x6e5: {  	_ =	swait.ge [sflag:s24], $0x7D0  }
0x6e6: {  	[sflag:s24] =	ssyncset.done $0x0  }
0x6e7: {  	[sflag:s24] =	ssyncadd.s32 $0xFFFFF830  }
0x6e8: {  	_ =	swait.ge [sflag:s24], $0x7D0  }
0x6e9: {  	[sflag:s24] =	ssyncset.done $0x0  }
0x6ea: {  	s0 =	simm.s32 $0x15880;
	s5 =	simm.s32 $0x14880;
	[sflag:s24] =	ssyncadd.s32 $0xFFFFF830  }
0x6eb: {  	[tilespmem:s0], [sflag:$0x1] =	stream.indirect.gather [spmem:s3], $0x80, s5, s1, $0xb8;
	[tilespmem:$0x1D080] =	vst v63  }
0x6ec: {  	s8 =	simm.s32 $0x18080;
	s10 =	simm.s32 $0x15080  }
0x6ed: {  	[tilespmem:s8], [sflag:$0x1] =	stream.indirect.gather [spmem:s3], $0x80, s10, s1, $0xb8;
	[tilespmem:$0x1D080] =	vst v63  }
0x6ee: {  	s12 =	simm.s32 $0x16C80;
	s13 =	simm.s32 $0x148A8  }
0x6ef: {  	[tilespmem:s12], [sflag:$0x2] =	stream.indirect.gather [spmem:s3], $0x80, s13, s1, $0xb8;
	[tilespmem:$0x1D080] =	vst v63  }
0x6f0: {  	s5 =	simm.s32 $0x19480;
	s8 =	simm.s32 $0x150A8  }
0x6f1: {  	[tilespmem:s5], [sflag:$0x2] =	stream.indirect.gather [spmem:s3], $0x80, s8, s1, $0xb8;
	[tilespmem:$0x1D080] =	vst v63  }
0x6f2: {  	s10 =	rddreg [dreg:$0xd];
	s12 =	simm.s32 $0x0  }
0x6f3: {  	[tilespmem:s29], [sflag:$0x5] =	stream.linear.gather [hbm4b:s10+s12], $0x7D0, $0x38;
	[tilespmem:$0x1D080] =	vst v63  }
0x6f4: {  	s13 =	rddreg [dreg:$0xe]  }
0x6f5: {  	[tilespmem:s31], [sflag:$0x5] =	stream.linear.gather [hbm4b:s13+s12], $0x7D0, $0x38;
	[tilespmem:$0x1D080] =	vst v63  }
.LBB2_20:
0x6f6: {  	_ =	swait.ge [sflag:s16], $0x1400  }
0x6f7: {  	[sflag:s16] =	ssyncset.done $0x0  }
0x6f8: {  	[sflag:s16] =	ssyncadd.s32 $0xFFFFEC00  }
0x6f9: {  	_ =	swait.ge [sflag:s16], $0x1400  }
0x6fa: {  	[sflag:s16] =	ssyncset.done $0x0  }
0x6fb: {  	[sflag:s16] =	ssyncadd.s32 $0xFFFFEC00  }
0x6fc: {  	_ =	swait.ge [sflag:s25], $0x1400  }
0x6fd: {  	[sflag:s25] =	ssyncset.done $0x0  }
0x6fe: {  	s5 =	simm.s32 $0x15A80;
	[sflag:s25] =	ssyncadd.s32 $0xFFFFEC00  }
0x6ff: {  	s13 =	simm.s32 $0x18280;
	v0 =	vld [tilespmem:s5+$0x180]  }
0x700: {  	v1 =	vld [tilespmem:s13+$0x180]  }
0x701: {  	v2 =	vld [tilespmem:s13+$0xFFFFFE00]  }
0x702: {  	v3 =	vld [tilespmem:s5+$0xFFFFFE80]  }
0x703: {  	v4 =	vld [tilespmem:s13+$0xFFFFFE80]  }
0x704: {  	v5 =	vld [tilespmem:s5+$0xFFFFFF00]  }
0x705: {  	v6 =	vld [tilespmem:s13+$0xFFFFFF00]  }
0x706: {  	v7 =	vld [tilespmem:s13+$0xFFFFFF80]  }
0x707: {  	v9 =	vld [tilespmem:s5+$0x0]  }
0x708: {  	v10 =	vld [tilespmem:s13+$0x0]  }
0x709: {  	v11 =	vld [tilespmem:s5+$0x80]  }
0x70a: {  	v12 =	vld [tilespmem:s13+$0x80];
	v0 =	vsub.f32 v0, v1  }
0x70b: {  	s0 =	simm.s32 $0x1AA80;
	v1 =	vld [tilespmem:s5+$0xFFFFFF80]  }
0x70c: {  	v3 =	vsub.f32 v3, v4;
	v4 =	vld [tilespmem:s5+$0xFFFFFE00];
	[tilespmem:s0+$0x180] =	vst v0  }
0x70d: {  	v0 =	vld [tilespmem:s5+$0x190]  }
0x70e: {  	v8 =	vld [tilespmem:s13+$0x190]  }
0x70f: {  	v13 =	vld [tilespmem:s5+$0x100];
	[tilespmem:s0+$0xFFFFFE80] =	vst v3;
	v3 =	vsub.f32 v5, v6  }
0x710: {  	v6 =	vld [tilespmem:s5+$0xFFFFFE90]  }
0x711: {  	[tilespmem:s0+$0xFFFFFF00] =	vst v3;
	v3 =	vld [tilespmem:s13+$0xFFFFFE90];
	v1 =	vsub.f32 v1, v7  }
0x712: {  	v2 =	vsub.f32 v4, v2;
	v4 =	vld [tilespmem:s5+$0xFFFFFF10]  }
0x713: {  	[tilespmem:s0+$0xFFFFFF80] =	vst v1;
	v1 =	vld [tilespmem:s13+$0xFFFFFF10];
	v0 =	vsub.f32 v0, v8  }
0x714: {  	[tilespmem:s0+$0xFFFFFE00] =	vst v2;
	v2 =	vld [tilespmem:s5+$0xFFFFFF90]  }
0x715: {  	v32 =	vld [tilespmem:s13+$0xFFFFFF90];
	[tilespmem:s0+$0x190] =	vst v0  }
0x716: {  	v0 =	vld [tilespmem:s5+$0x1A0]  }
0x717: {  	v3 =	vsub.f32 v6, v3;
	v5 =	vld [tilespmem:s13+$0x1A0]  }
0x718: {  	v8 =	vld [tilespmem:s13+$0x100]  }
0x719: {  	v7 =	vld [tilespmem:s13+$0xFFFFFE10];
	[tilespmem:s0+$0xFFFFFE90] =	vst v3;
	v1 =	vsub.f32 v4, v1  }
0x71a: {  	v4 =	vld [tilespmem:s5+$0xFFFFFEA0]  }
0x71b: {  	[tilespmem:s0+$0xFFFFFF10] =	vst v1;
	v1 =	vsub.f32 v2, v32;
	v2 =	vld [tilespmem:s13+$0xFFFFFEA0]  }
0x71c: {  	v0 =	vsub.f32 v0, v5;
	v5 =	vld [tilespmem:s5+$0xFFFFFE10]  }
0x71d: {  	v36 =	vld [tilespmem:s5+$0xFFFFFF20];
	[tilespmem:s0+$0xFFFFFF90] =	vst v1  }
0x71e: {  	v1 =	vld [tilespmem:s13+$0xFFFFFF20];
	[tilespmem:s0+$0x1A0] =	vst v0;
	v0 =	vsub.f32 v9, v10  }
0x71f: {  	v37 =	vld [tilespmem:s5+$0xFFFFFFA0]  }
0x720: {  	v30 =	vld [tilespmem:s5+$0x1B0];
	[tilespmem:s0+$0x0] =	vst v0;
	v0 =	vsub.f32 v11, v12  }
0x721: {  	v31 =	vld [tilespmem:s13+$0x1B0];
	v5 =	vsub.f32 v5, v7  }
0x722: {  	v33 =	vld [tilespmem:s5+$0x10];
	[tilespmem:s0+$0x80] =	vst v0;
	v0 =	vsub.f32 v13, v8  }
0x723: {  	v34 =	vld [tilespmem:s5+$0x90];
	[tilespmem:s0+$0xFFFFFE10] =	vst v5  }
0x724: {  	[tilespmem:s0+$0x100] =	vst v0;
	v0 =	vld [tilespmem:s13+$0x90]  }
0x725: {  	v6 =	vld [tilespmem:s5+$0xFFFFFE20]  }
0x726: {  	v9 =	vsub.f32 v30, v31;
	v3 =	vld [tilespmem:s13+$0xFFFFFE20]  }
0x727: {  	v35 =	vld [tilespmem:s5+$0x110]  }
0x728: {  	v7 =	vld [tilespmem:s13+$0x110];
	[tilespmem:s0+$0x1B0] =	vst v9  }
0x729: {  	v2 =	vsub.f32 v4, v2;
	v9 =	vld [tilespmem:s5+$0x1C0]  }
0x72a: {  	v1 =	vsub.f32 v36, v1;
	v5 =	vld [tilespmem:s13+$0x1C0]  }
0x72b: {  	[tilespmem:s0+$0xFFFFFEA0] =	vst v2;
	v8 =	vld [tilespmem:s13+$0x10];
	v0 =	vsub.f32 v34, v0  }
0x72c: {  	v42 =	vld [tilespmem:s5+$0xFFFFFEB0];
	[tilespmem:s0+$0xFFFFFF20] =	vst v1;
	v3 =	vsub.f32 v6, v3  }
0x72d: {  	v43 =	vld [tilespmem:s5+$0xFFFFFF30];
	[tilespmem:s0+$0x90] =	vst v0  }
0x72e: {  	v0 =	vsub.f32 v35, v7;
	[tilespmem:s0+$0xFFFFFE20] =	vst v3;
	v40 =	vld [tilespmem:s5+$0xA0]  }
0x72f: {  	v5 =	vsub.f32 v9, v5;
	v4 =	vld [tilespmem:s5+$0xFFFFFE30]  }
0x730: {  	[tilespmem:s0+$0x110] =	vst v0;
	v0 =	vld [tilespmem:s13+$0xA0]  }
0x731: {  	[tilespmem:s0+$0x1C0] =	vst v5;
	v41 =	vld [tilespmem:s5+$0x120]  }
0x732: {  	v5 =	vsub.f32 v33, v8;
	v8 =	vld [tilespmem:s5+$0x1D0]  }
0x733: {  	v38 =	vld [tilespmem:s13+$0x1D0]  }
0x734: {  	[tilespmem:s0+$0x10] =	vst v5;
	v5 =	vld [tilespmem:s13+$0xFFFFFFA0]  }
0x735: {  	v6 =	vld [tilespmem:s13+$0x120]  }
0x736: {  	v2 =	vld [tilespmem:s13+$0xFFFFFE30]  }
0x737: {  	v39 =	vld [tilespmem:s5+$0x20];
	v0 =	vsub.f32 v40, v0  }
0x738: {  	v7 =	vld [tilespmem:s13+$0x20];
	v8 =	vsub.f32 v8, v38  }
0x739: {  	[tilespmem:s0+$0xA0] =	vst v0;
	v1 =	vsub.f32 v37, v5;
	v5 =	vld [tilespmem:s13+$0xFFFFFEB0]  }
0x73a: {  	v0 =	vsub.f32 v41, v6;
	v46 =	vld [tilespmem:s5+$0xB0];
	[tilespmem:s0+$0x1D0] =	vst v8  }
0x73b: {  	v8 =	vld [tilespmem:s5+$0x1E0]  }
0x73c: {  	[tilespmem:s0+$0x120] =	vst v0;
	v3 =	vld [tilespmem:s13+$0x1E0]  }
0x73d: {  	v0 =	vsub.f32 v4, v2;
	[tilespmem:s0+$0xFFFFFFA0] =	vst v1;
	v1 =	vld [tilespmem:s13+$0xFFFFFF30]  }
0x73e: {  	v2 =	vld [tilespmem:s13+$0xB0]  }
0x73f: {  	v4 =	vld [tilespmem:s5+$0x130];
	[tilespmem:s0+$0xFFFFFE30] =	vst v0  }
0x740: {  	v47 =	vld [tilespmem:s5+$0xFFFFFE40];
	v0 =	vsub.f32 v42, v5  }
0x741: {  	v5 =	vld [tilespmem:s13+$0x130]  }
0x742: {  	v3 =	vsub.f32 v8, v3;
	[tilespmem:s0+$0xFFFFFEB0] =	vst v0;
	v0 =	vsub.f32 v43, v1;
	v1 =	vld [tilespmem:s13+$0xFFFFFE40]  }
0x743: {  	v8 =	vld [tilespmem:s5+$0xFFFFFFB0]  }
0x744: {  	v48 =	vld [tilespmem:s5+$0xFFFFFEC0];
	[tilespmem:s0+$0x1E0] =	vst v3;
	v3 =	vsub.f32 v39, v7  }
0x745: {  	v7 =	vld [tilespmem:s5+$0x1F0]  }
0x746: {  	[tilespmem:s0+$0x20] =	vst v3;
	v3 =	vld [tilespmem:s13+$0xFFFFFFB0]  }
0x747: {  	v45 =	vld [tilespmem:s5+$0x30];
	v1 =	vsub.f32 v47, v1  }
0x748: {  	v6 =	vld [tilespmem:s13+$0x30]  }
0x749: {  	v44 =	vld [tilespmem:s13+$0x1F0];
	[tilespmem:s0+$0xFFFFFE40] =	vst v1  }
0x74a: {  	v52 =	vld [tilespmem:s5+$0xFFFFFE50]  }
0x74b: {  	[tilespmem:s0+$0xFFFFFF30] =	vst v0;
	v0 =	vsub.f32 v8, v3;
	v3 =	vld [tilespmem:s13+$0xFFFFFEC0]  }
0x74c: {  	v8 =	vld [tilespmem:s5+$0xFFFFFF40]  }
0x74d: {  	[tilespmem:s0+$0xFFFFFFB0] =	vst v0;
	v0 =	vsub.f32 v45, v6;
	v6 =	vld [tilespmem:s13+$0xFFFFFF40]  }
0x74e: {  	v49 =	vld [tilespmem:s5+$0xFFFFFFC0]  }
0x74f: {  	[tilespmem:s0+$0x30] =	vst v0;
	v0 =	vsub.f32 v46, v2;
	v2 =	vld [tilespmem:s13+$0xFFFFFFC0]  }
0x750: {  	v50 =	vld [tilespmem:s5+$0x40]  }
0x751: {  	v1 =	vsub.f32 v48, v3;
	[tilespmem:s0+$0xB0] =	vst v0;
	v0 =	vsub.f32 v4, v5;
	v4 =	vld [tilespmem:s13+$0x40]  }
0x752: {  	v5 =	vld [tilespmem:s5+$0xC0]  }
0x753: {  	[tilespmem:s0+$0xFFFFFEC0] =	vst v1;
	v1 =	vsub.f32 v8, v6;
	v6 =	vld [tilespmem:s13+$0xFFFFFE50]  }
0x754: {  	[tilespmem:s0+$0x130] =	vst v0;
	v0 =	vld [tilespmem:s13+$0xC0]  }
0x755: {  	v8 =	vld [tilespmem:s5+$0xFFFFFED0]  }
0x756: {  	v51 =	vld [tilespmem:s5+$0x140]  }
0x757: {  	v3 =	vld [tilespmem:s13+$0x140]  }
0x758: {  	[tilespmem:s0+$0xFFFFFF40] =	vst v1;
	v1 =	vsub.f32 v49, v2;
	v2 =	vld [tilespmem:s13+$0xFFFFFED0]  }
0x759: {  	v53 =	vld [tilespmem:s5+$0xFFFFFF50]  }
0x75a: {  	[tilespmem:s0+$0xFFFFFFC0] =	vst v1;
	v1 =	vsub.f32 v50, v4;
	v4 =	vld [tilespmem:s13+$0xFFFFFF50]  }
0x75b: {  	v54 =	vld [tilespmem:s5+$0xFFFFFFD0];
	v6 =	vsub.f32 v52, v6  }
0x75c: {  	[tilespmem:s0+$0x40] =	vst v1;
	v0 =	vsub.f32 v5, v0;
	v1 =	vld [tilespmem:s13+$0xFFFFFFD0]  }
0x75d: {  	v5 =	vld [tilespmem:s5+$0x50];
	[tilespmem:s0+$0xFFFFFE50] =	vst v6  }
0x75e: {  	[tilespmem:s0+$0xC0] =	vst v0;
	v0 =	vsub.f32 v51, v3;
	v3 =	vld [tilespmem:s13+$0x50]  }
0x75f: {  	v2 =	vsub.f32 v8, v2;
	v8 =	vld [tilespmem:s5+$0xFFFFFE60]  }
0x760: {  	v55 =	vld [tilespmem:s5+$0xD0]  }
0x761: {  	[tilespmem:s0+$0xFFFFFED0] =	vst v2;
	v2 =	vsub.f32 v53, v4;
	v4 =	vld [tilespmem:s13+$0xFFFFFE60]  }
0x762: {  	[tilespmem:s0+$0x140] =	vst v0;
	v0 =	vld [tilespmem:s13+$0xD0]  }
0x763: {  	v57 =	vld [tilespmem:s5+$0xFFFFFEE0]  }
0x764: {  	v56 =	vld [tilespmem:s5+$0x150]  }
0x765: {  	v6 =	vld [tilespmem:s13+$0x150]  }
0x766: {  	[tilespmem:s0+$0xFFFFFF50] =	vst v2;
	v1 =	vsub.f32 v54, v1;
	v2 =	vld [tilespmem:s13+$0xFFFFFEE0]  }
0x767: {  	v58 =	vld [tilespmem:s5+$0xFFFFFF60]  }
0x768: {  	[tilespmem:s0+$0xFFFFFFD0] =	vst v1;
	v1 =	vsub.f32 v5, v3;
	v3 =	vld [tilespmem:s13+$0xFFFFFF60]  }
0x769: {  	v5 =	vld [tilespmem:s5+$0xFFFFFFE0];
	v4 =	vsub.f32 v8, v4  }
0x76a: {  	[tilespmem:s0+$0x50] =	vst v1;
	v0 =	vsub.f32 v55, v0;
	v1 =	vld [tilespmem:s13+$0xFFFFFFE0]  }
0x76b: {  	v59 =	vld [tilespmem:s5+$0x60];
	[tilespmem:s0+$0xFFFFFE60] =	vst v4  }
0x76c: {  	[tilespmem:s0+$0xD0] =	vst v0;
	v0 =	vsub.f32 v56, v6;
	v6 =	vld [tilespmem:s13+$0x60]  }
0x76d: {  	v2 =	vsub.f32 v57, v2;
	v61 =	vld [tilespmem:s5+$0xFFFFFE70]  }
0x76e: {  	v60 =	vld [tilespmem:s5+$0xE0]  }
0x76f: {  	[tilespmem:s0+$0xFFFFFEE0] =	vst v2;
	v2 =	vsub.f32 v58, v3;
	v3 =	vld [tilespmem:s13+$0xFFFFFE70]  }
0x770: {  	[tilespmem:s0+$0x150] =	vst v0;
	v0 =	vld [tilespmem:s13+$0xE0]  }
0x771: {  	v62 =	vld [tilespmem:s5+$0xFFFFFEF0]  }
0x772: {  	v8 =	vld [tilespmem:s5+$0x160]  }
0x773: {  	v4 =	vld [tilespmem:s13+$0x160]  }
0x774: {  	[tilespmem:s0+$0xFFFFFF60] =	vst v2;
	v1 =	vsub.f32 v5, v1;
	v5 =	vld [tilespmem:s13+$0xFFFFFEF0]  }
0x775: {  	v14 =	vld [tilespmem:s5+$0xFFFFFF70]  }
0x776: {  	[tilespmem:s0+$0xFFFFFFE0] =	vst v1;
	v1 =	vsub.f32 v59, v6;
	v6 =	vld [tilespmem:s13+$0xFFFFFF70]  }
0x777: {  	v2 =	vsub.f32 v7, v44;
	v7 =	vld [tilespmem:s5+$0xFFFFFFF0]  }
0x778: {  	v63 =	vld [tilespmem:s13+$0xFFFFFFF0];
	[tilespmem:s0+$0x60] =	vst v1;
	v1 =	vsub.f32 v60, v0  }
0x779: {  	[tilespmem:s0+$0x1F0] =	vst v2;
	v3 =	vsub.f32 v61, v3;
	v0 =	vld [tilespmem:s5+$0x70]  }
0x77a: {  	v4 =	vsub.f32 v8, v4;
	v2 =	vld [tilespmem:s13+$0x70];
	[tilespmem:s0+$0xE0] =	vst v1  }
0x77b: {  	[tilespmem:s0+$0xFFFFFE70] =	vst v3;
	v1 =	vld [tilespmem:s5+$0xF0];
	v6 =	vsub.f32 v14, v6  }
0x77c: {  	v5 =	vsub.f32 v62, v5;
	[tilespmem:s0+$0x160] =	vst v4;
	v4 =	vld [tilespmem:s13+$0xF0]  }
0x77d: {  	v3 =	vld [tilespmem:s5+$0x170];
	[tilespmem:s0+$0xFFFFFF70] =	vst v6;
	v6 =	vsub.f32 v7, v63  }
0x77e: {  	s8 =	simm.s32 $0x15E80;
	[tilespmem:s0+$0xFFFFFEF0] =	vst v5;
	s5 =	simm.s32 $0x0;
	v5 =	vld [tilespmem:s13+$0x170]  }
.LBB2_21:
0x77f: {  	v7 =	vld [tilespmem:s8+$0x180];
	[tilespmem:s0+$0xFFFFFFF0] =	vst v6;
	v0 =	vsub.f32 v0, v2;
	s13 =	sadd.s32 $0x400, s13  }
0x780: {  	v2 =	vld [tilespmem:s13+$0x180]  }
0x781: {  	v6 =	vld [tilespmem:s13+$0xFFFFFE00];
	[tilespmem:s0+$0x70] =	vst v0;
	v0 =	vsub.f32 v1, v4  }
0x782: {  	v1 =	vld [tilespmem:s8+$0xFFFFFE80]  }
0x783: {  	v4 =	vld [tilespmem:s13+$0xFFFFFE80];
	[tilespmem:s0+$0xF0] =	vst v0;
	v0 =	vsub.f32 v3, v5  }
0x784: {  	v3 =	vld [tilespmem:s8+$0xFFFFFF00]  }
0x785: {  	v5 =	vld [tilespmem:s13+$0xFFFFFF00];
	v2 =	vsub.f32 v7, v2;
	[tilespmem:s0+$0x170] =	vst v0  }
0x786: {  	s0 =	sadd.s32 $0x400, s0;
	v0 =	vld [tilespmem:s8+$0xFFFFFF80]  }
0x787: {  	s5 =	sadd.s32 $0x8, s5;
	v7 =	vld [tilespmem:s13+$0xFFFFFF80];
	[tilespmem:s0+$0x180] =	vst v2  }
0x788: {  	p1 =	slt.u32 s5, $0x20;
	v1 =	vsub.f32 v1, v4;
	v2 =	vld [tilespmem:s8+$0x190]  }
0x789: {  	v4 =	vld [tilespmem:s13+$0x190]  }
0x78a: {  	[tilespmem:s0+$0xFFFFFE80] =	vst v1;
	v1 =	vsub.f32 v3, v5;
	v3 =	vld [tilespmem:s8+$0x0]  }
0x78b: {  	v5 =	vld [tilespmem:s13+$0x0]  }
0x78c: {  	[tilespmem:s0+$0xFFFFFF00] =	vst v1;
	v0 =	vsub.f32 v0, v7;
	v1 =	vld [tilespmem:s8+$0x80]  }
0x78d: {  	v7 =	vld [tilespmem:s13+$0x80]  }
0x78e: {  	[tilespmem:s0+$0xFFFFFF80] =	vst v0;
	v0 =	vld [tilespmem:s8+$0x100];
	v2 =	vsub.f32 v2, v4  }
0x78f: {  	v4 =	vld [tilespmem:s13+$0x100]  }
0x790: {  	v8 =	vld [tilespmem:s8+$0xFFFFFE00];
	v3 =	vsub.f32 v3, v5;
	[tilespmem:s0+$0x190] =	vst v2  }
0x791: {  	v2 =	vld [tilespmem:s8+$0x1A0]  }
0x792: {  	[tilespmem:s0+$0x0] =	vst v3;
	v1 =	vsub.f32 v1, v7;
	v3 =	vld [tilespmem:s13+$0x1A0]  }
0x793: {  	v5 =	vld [tilespmem:s8+$0xFFFFFE90]  }
0x794: {  	v7 =	vld [tilespmem:s13+$0xFFFFFE90];
	[tilespmem:s0+$0x80] =	vst v1;
	v0 =	vsub.f32 v0, v4  }
0x795: {  	v1 =	vsub.f32 v8, v6;
	v4 =	vld [tilespmem:s8+$0xFFFFFF10]  }
0x796: {  	v6 =	vld [tilespmem:s13+$0xFFFFFF10];
	[tilespmem:s0+$0x100] =	vst v0  }
0x797: {  	[tilespmem:s0+$0xFFFFFE00] =	vst v1;
	v0 =	vld [tilespmem:s8+$0xFFFFFF90];
	v1 =	vsub.f32 v2, v3  }
0x798: {  	v2 =	vld [tilespmem:s8+$0xFFFFFE10]  }
0x799: {  	v3 =	vld [tilespmem:s13+$0xFFFFFE10];
	v5 =	vsub.f32 v5, v7;
	[tilespmem:s0+$0x1A0] =	vst v1  }
0x79a: {  	v1 =	vld [tilespmem:s8+$0x1B0]  }
0x79b: {  	[tilespmem:s0+$0xFFFFFE90] =	vst v5;
	v4 =	vsub.f32 v4, v6;
	v5 =	vld [tilespmem:s13+$0x1B0]  }
0x79c: {  	v6 =	vld [tilespmem:s13+$0xFFFFFF90]  }
0x79d: {  	[tilespmem:s0+$0xFFFFFF10] =	vst v4;
	v4 =	vld [tilespmem:s8+$0x10]  }
0x79e: {  	v2 =	vsub.f32 v2, v3;
	v3 =	vld [tilespmem:s13+$0x10]  }
0x79f: {  	v7 =	vld [tilespmem:s8+$0x90]  }
0x7a0: {  	[tilespmem:s0+$0xFFFFFE10] =	vst v2;
	v2 =	vld [tilespmem:s13+$0x90];
	v1 =	vsub.f32 v1, v5  }
0x7a1: {  	v0 =	vsub.f32 v0, v6;
	v5 =	vld [tilespmem:s8+$0x110]  }
0x7a2: {  	v6 =	vld [tilespmem:s13+$0x110];
	[tilespmem:s0+$0x1B0] =	vst v1  }
0x7a3: {  	[tilespmem:s0+$0xFFFFFF90] =	vst v0;
	v0 =	vsub.f32 v4, v3;
	v1 =	vld [tilespmem:s8+$0x1C0]  }
0x7a4: {  	v3 =	vld [tilespmem:s13+$0x1C0]  }
0x7a5: {  	v4 =	vld [tilespmem:s8+$0xFFFFFE20];
	[tilespmem:s0+$0x10] =	vst v0;
	v0 =	vsub.f32 v7, v2  }
0x7a6: {  	v2 =	vld [tilespmem:s13+$0xFFFFFE20]  }
0x7a7: {  	v7 =	vld [tilespmem:s8+$0xFFFFFEA0];
	[tilespmem:s0+$0x90] =	vst v0;
	v0 =	vsub.f32 v5, v6  }
0x7a8: {  	v5 =	vld [tilespmem:s13+$0xFFFFFEA0]  }
0x7a9: {  	v6 =	vld [tilespmem:s8+$0xFFFFFF20];
	[tilespmem:s0+$0x110] =	vst v0;
	v0 =	vsub.f32 v1, v3  }
0x7aa: {  	v1 =	vld [tilespmem:s13+$0xFFFFFF20]  }
0x7ab: {  	v2 =	vsub.f32 v4, v2;
	v3 =	vld [tilespmem:s8+$0xFFFFFFA0];
	[tilespmem:s0+$0x1C0] =	vst v0  }
0x7ac: {  	v0 =	vld [tilespmem:s8+$0x1D0]  }
0x7ad: {  	[tilespmem:s0+$0xFFFFFE20] =	vst v2;
	v2 =	vsub.f32 v7, v5;
	v4 =	vld [tilespmem:s13+$0x1D0]  }
0x7ae: {  	v5 =	vld [tilespmem:s13+$0xFFFFFFA0]  }
0x7af: {  	[tilespmem:s0+$0xFFFFFEA0] =	vst v2;
	v1 =	vsub.f32 v6, v1;
	v2 =	vld [tilespmem:s8+$0x20]  }
0x7b0: {  	v6 =	vld [tilespmem:s13+$0x20]  }
0x7b1: {  	[tilespmem:s0+$0xFFFFFF20] =	vst v1;
	v1 =	vld [tilespmem:s8+$0xA0]  }
0x7b2: {  	v7 =	vld [tilespmem:s13+$0xA0];
	v0 =	vsub.f32 v0, v4  }
0x7b3: {  	v3 =	vsub.f32 v3, v5;
	v4 =	vld [tilespmem:s8+$0x120]  }
0x7b4: {  	v5 =	vld [tilespmem:s13+$0x120];
	[tilespmem:s0+$0x1D0] =	vst v0  }
0x7b5: {  	[tilespmem:s0+$0xFFFFFFA0] =	vst v3;
	v0 =	vsub.f32 v2, v6;
	v2 =	vld [tilespmem:s8+$0x1E0]  }
0x7b6: {  	v3 =	vld [tilespmem:s13+$0x1E0]  }
0x7b7: {  	v6 =	vld [tilespmem:s8+$0xFFFFFE30];
	[tilespmem:s0+$0x20] =	vst v0;
	v0 =	vsub.f32 v1, v7  }
0x7b8: {  	v1 =	vld [tilespmem:s13+$0xFFFFFE30]  }
0x7b9: {  	v7 =	vld [tilespmem:s8+$0xFFFFFEB0];
	[tilespmem:s0+$0xA0] =	vst v0;
	v0 =	vsub.f32 v4, v5  }
0x7ba: {  	v4 =	vld [tilespmem:s13+$0xFFFFFEB0]  }
0x7bb: {  	v5 =	vld [tilespmem:s8+$0xFFFFFF30];
	[tilespmem:s0+$0x120] =	vst v0;
	v0 =	vsub.f32 v2, v3  }
0x7bc: {  	v2 =	vld [tilespmem:s13+$0xFFFFFF30]  }
0x7bd: {  	v1 =	vsub.f32 v6, v1;
	v3 =	vld [tilespmem:s8+$0xFFFFFFB0];
	[tilespmem:s0+$0x1E0] =	vst v0  }
0x7be: {  	v0 =	vld [tilespmem:s8+$0x1F0]  }
0x7bf: {  	[tilespmem:s0+$0xFFFFFE30] =	vst v1;
	v1 =	vsub.f32 v7, v4;
	v4 =	vld [tilespmem:s13+$0x1F0]  }
0x7c0: {  	v6 =	vld [tilespmem:s13+$0xFFFFFFB0]  }
0x7c1: {  	[tilespmem:s0+$0xFFFFFEB0] =	vst v1;
	v1 =	vsub.f32 v5, v2;
	v2 =	vld [tilespmem:s8+$0x30]  }
0x7c2: {  	v5 =	vld [tilespmem:s13+$0x30]  }
0x7c3: {  	[tilespmem:s0+$0xFFFFFF30] =	vst v1;
	v1 =	vld [tilespmem:s8+$0xB0]  }
0x7c4: {  	v7 =	vld [tilespmem:s13+$0xB0];
	v0 =	vsub.f32 v0, v4  }
0x7c5: {  	v3 =	vsub.f32 v3, v6;
	v4 =	vld [tilespmem:s8+$0x130]  }
0x7c6: {  	v6 =	vld [tilespmem:s13+$0x130];
	[tilespmem:s0+$0x1F0] =	vst v0  }
0x7c7: {  	v0 =	vld [tilespmem:s8+$0xFFFFFE40];
	[tilespmem:s0+$0xFFFFFFB0] =	vst v3;
	v2 =	vsub.f32 v2, v5  }
0x7c8: {  	v3 =	vld [tilespmem:s13+$0xFFFFFE40]  }
0x7c9: {  	v5 =	vld [tilespmem:s8+$0xFFFFFEC0];
	[tilespmem:s0+$0x30] =	vst v2;
	v1 =	vsub.f32 v1, v7  }
0x7ca: {  	v2 =	vld [tilespmem:s13+$0xFFFFFEC0]  }
0x7cb: {  	v7 =	vld [tilespmem:s8+$0xFFFFFF40];
	[tilespmem:s0+$0xB0] =	vst v1;
	v1 =	vsub.f32 v4, v6  }
0x7cc: {  	v4 =	vld [tilespmem:s13+$0xFFFFFF40]  }
0x7cd: {  	v0 =	vsub.f32 v0, v3;
	v3 =	vld [tilespmem:s8+$0xFFFFFFC0];
	[tilespmem:s0+$0x130] =	vst v1  }
0x7ce: {  	v1 =	vld [tilespmem:s13+$0xFFFFFFC0]  }
0x7cf: {  	[tilespmem:s0+$0xFFFFFE40] =	vst v0;
	v0 =	vsub.f32 v5, v2;
	v2 =	vld [tilespmem:s8+$0x40]  }
0x7d0: {  	v5 =	vld [tilespmem:s13+$0x40]  }
0x7d1: {  	[tilespmem:s0+$0xFFFFFEC0] =	vst v0;
	v0 =	vsub.f32 v7, v4;
	v4 =	vld [tilespmem:s8+$0xC0]  }
0x7d2: {  	v6 =	vld [tilespmem:s13+$0xC0]  }
0x7d3: {  	[tilespmem:s0+$0xFFFFFF40] =	vst v0;
	v0 =	vsub.f32 v3, v1;
	v1 =	vld [tilespmem:s8+$0x140]  }
0x7d4: {  	v3 =	vld [tilespmem:s13+$0x140]  }
0x7d5: {  	v7 =	vld [tilespmem:s8+$0xFFFFFE50];
	[tilespmem:s0+$0xFFFFFFC0] =	vst v0;
	v0 =	vsub.f32 v2, v5  }
0x7d6: {  	v2 =	vld [tilespmem:s13+$0xFFFFFE50]  }
0x7d7: {  	v5 =	vld [tilespmem:s8+$0xFFFFFED0];
	[tilespmem:s0+$0x40] =	vst v0;
	v0 =	vsub.f32 v4, v6  }
0x7d8: {  	v4 =	vld [tilespmem:s13+$0xFFFFFED0]  }
0x7d9: {  	v6 =	vld [tilespmem:s8+$0xFFFFFF50];
	[tilespmem:s0+$0xC0] =	vst v0;
	v0 =	vsub.f32 v1, v3  }
0x7da: {  	v1 =	vld [tilespmem:s13+$0xFFFFFF50]  }
0x7db: {  	v2 =	vsub.f32 v7, v2;
	v3 =	vld [tilespmem:s8+$0xFFFFFFD0];
	[tilespmem:s0+$0x140] =	vst v0  }
0x7dc: {  	v0 =	vld [tilespmem:s13+$0xFFFFFFD0]  }
0x7dd: {  	[tilespmem:s0+$0xFFFFFE50] =	vst v2;
	v2 =	vsub.f32 v5, v4;
	v4 =	vld [tilespmem:s8+$0x50]  }
0x7de: {  	v5 =	vld [tilespmem:s13+$0x50]  }
0x7df: {  	[tilespmem:s0+$0xFFFFFED0] =	vst v2;
	v1 =	vsub.f32 v6, v1;
	v2 =	vld [tilespmem:s8+$0xD0]  }
0x7e0: {  	v6 =	vld [tilespmem:s13+$0xD0]  }
0x7e1: {  	[tilespmem:s0+$0xFFFFFF50] =	vst v1;
	v0 =	vsub.f32 v3, v0;
	v1 =	vld [tilespmem:s8+$0x150]  }
0x7e2: {  	v3 =	vld [tilespmem:s13+$0x150]  }
0x7e3: {  	v7 =	vld [tilespmem:s8+$0xFFFFFE60];
	[tilespmem:s0+$0xFFFFFFD0] =	vst v0;
	v0 =	vsub.f32 v4, v5  }
0x7e4: {  	v4 =	vld [tilespmem:s13+$0xFFFFFE60]  }
0x7e5: {  	v5 =	vld [tilespmem:s8+$0xFFFFFEE0];
	[tilespmem:s0+$0x50] =	vst v0;
	v0 =	vsub.f32 v2, v6  }
0x7e6: {  	v2 =	vld [tilespmem:s13+$0xFFFFFEE0]  }
0x7e7: {  	v6 =	vld [tilespmem:s8+$0xFFFFFF60];
	[tilespmem:s0+$0xD0] =	vst v0;
	v0 =	vsub.f32 v1, v3  }
0x7e8: {  	v1 =	vld [tilespmem:s13+$0xFFFFFF60]  }
0x7e9: {  	v3 =	vsub.f32 v7, v4;
	v4 =	vld [tilespmem:s8+$0xFFFFFFE0];
	[tilespmem:s0+$0x150] =	vst v0  }
0x7ea: {  	v0 =	vld [tilespmem:s13+$0xFFFFFFE0]  }
0x7eb: {  	[tilespmem:s0+$0xFFFFFE60] =	vst v3;
	v2 =	vsub.f32 v5, v2;
	v3 =	vld [tilespmem:s8+$0x60]  }
0x7ec: {  	v5 =	vld [tilespmem:s13+$0x60]  }
0x7ed: {  	[tilespmem:s0+$0xFFFFFEE0] =	vst v2;
	v1 =	vsub.f32 v6, v1;
	v2 =	vld [tilespmem:s8+$0xE0]  }
0x7ee: {  	v6 =	vld [tilespmem:s13+$0xE0]  }
0x7ef: {  	[tilespmem:s0+$0xFFFFFF60] =	vst v1;
	v0 =	vsub.f32 v4, v0;
	v1 =	vld [tilespmem:s8+$0x160]  }
0x7f0: {  	v4 =	vld [tilespmem:s13+$0x160]  }
0x7f1: {  	v7 =	vld [tilespmem:s8+$0xFFFFFE70];
	[tilespmem:s0+$0xFFFFFFE0] =	vst v0;
	v0 =	vsub.f32 v3, v5  }
0x7f2: {  	v3 =	vld [tilespmem:s13+$0xFFFFFE70]  }
0x7f3: {  	v5 =	vld [tilespmem:s8+$0xFFFFFEF0];
	[tilespmem:s0+$0x60] =	vst v0;
	v0 =	vsub.f32 v2, v6  }
0x7f4: {  	v2 =	vld [tilespmem:s13+$0xFFFFFEF0]  }
0x7f5: {  	v6 =	vld [tilespmem:s8+$0xFFFFFF70];
	[tilespmem:s0+$0xE0] =	vst v0;
	v0 =	vsub.f32 v1, v4  }
0x7f6: {  	v1 =	vld [tilespmem:s13+$0xFFFFFF70]  }
0x7f7: {  	v3 =	vsub.f32 v7, v3;
	v7 =	vld [tilespmem:s8+$0xFFFFFFF0];
	[tilespmem:s0+$0x160] =	vst v0  }
0x7f8: {  	v8 =	vld [tilespmem:s13+$0xFFFFFFF0]  }
0x7f9: {  	[tilespmem:s0+$0xFFFFFE70] =	vst v3;
	v3 =	vsub.f32 v5, v2;
	v0 =	vld [tilespmem:s8+$0x70]  }
.Ltmp9:
0x7fa: {  	v2 =	vld [tilespmem:s13+$0x70];
	(pc) =	sbr.rel @p1 .LBB2_21-.Ltmp9, $4  }
0x7fb: {  	[tilespmem:s0+$0xFFFFFEF0] =	vst v3;
	v3 =	vsub.f32 v6, v1;
	v1 =	vld [tilespmem:s8+$0xF0]  }
0x7fc: {  	v4 =	vld [tilespmem:s13+$0xF0]  }
0x7fd: {  	[tilespmem:s0+$0xFFFFFF70] =	vst v3;
	v6 =	vsub.f32 v7, v8;
	v3 =	vld [tilespmem:s8+$0x170]  }
0x7fe: {  	s8 =	sadd.s32 $0x400, s8;
	v5 =	vld [tilespmem:s13+$0x170]  }
0x7ff: {  	_ =	sdelay $0x1  }
0x800: {  	v0 =	vsub.f32 v0, v2  }
0x801: {  	[tilespmem:s0+$0xFFFFFFF0] =	vst v6;
	p1 =	seq.s32 s12, $0x18;
	v1 =	vsub.f32 v1, v4  }
0x802: {  	s13 =	smul.u32 @!p1 $0x50, s12;
	[tilespmem:s0+$0x70] =	vst v0;
	v0 =	vsub.f32 v3, v5  }
0x803: {  	[tilespmem:s0+$0xF0] =	vst v1  }
0x804: {  	s5 =	simm.s32 @!p1 $0x28;
	s8 =	simm.s32 @!p1 $0x15880;
	[tilespmem:s0+$0x170] =	vst v0;
	s0 =	sadd.s32 @!p1 $0x148D0, s13  }
0x805: {  	[tilespmem:s8], [sflag:$0x1] =	stream.indirect.gather @!p1 [spmem:s3], $0x80, s0, s5, $0xb8;
	[tilespmem:$0x1D080] =	vst v63  }
0x806: {  	s0 =	sadd.s32 @!p1 $0x150D0, s13;
	s8 =	simm.s32 @!p1 $0x18080;
	s13 =	simm.s32 @p1 $0x780  }
0x807: {  	[tilespmem:s8], [sflag:$0x1] =	stream.indirect.gather @!p1 [spmem:s3], $0x80, s0, s5, $0xb8;
	[tilespmem:$0x1D080] =	vst v63  }
0x808: {  	s8 =	sadd.s32 s13, s22  }
0x809: {  	s0 =	sshll.u32 s8, $0x4  }
0x80a: {  	s0 =	sadd.s32 s2, s0  }
0x80b: {  	[hbm4b:s0+s4] =	stream.linear.scatter [tilespmem:s17], [sflag:$0x3], $0x1400, $0x38;
	[tilespmem:$0x1D080] =	vst v63  }
0x80c: {  	_ =	swait.ge [sflag:s20], $0x1400  }
0x80d: {  	[sflag:s20] =	ssyncset.done $0x0  }
0x80e: {  	[sflag:s20] =	ssyncadd.s32 $0xFFFFEC00  }
0x80f: {  	_ =	swait.ge [sflag:s20], $0x1400  }
0x810: {  	[sflag:s20] =	ssyncset.done $0x0  }
0x811: {  	[sflag:s20] =	ssyncadd.s32 $0xFFFFEC00  }
0x812: {  	_ =	swait.ge [sflag:s7], $0x1400  }
0x813: {  	[sflag:s7] =	ssyncset.done $0x0  }
0x814: {  	s10 =	simm.s32 $0x16E80;
	[sflag:s7] =	ssyncadd.s32 $0xFFFFEC00  }
0x815: {  	s0 =	simm.s32 $0x19680;
	v0 =	vld [tilespmem:s10+$0x180]  }
0x816: {  	v1 =	vld [tilespmem:s0+$0x180]  }
0x817: {  	v2 =	vld [tilespmem:s0+$0xFFFFFE00]  }
0x818: {  	v3 =	vld [tilespmem:s10+$0xFFFFFE80]  }
0x819: {  	v4 =	vld [tilespmem:s0+$0xFFFFFE80]  }
0x81a: {  	v5 =	vld [tilespmem:s10+$0xFFFFFF00]  }
0x81b: {  	v6 =	vld [tilespmem:s0+$0xFFFFFF00]  }
0x81c: {  	v7 =	vld [tilespmem:s0+$0xFFFFFF80]  }
0x81d: {  	v9 =	vld [tilespmem:s10+$0x0]  }
0x81e: {  	v10 =	vld [tilespmem:s0+$0x0]  }
0x81f: {  	v11 =	vld [tilespmem:s10+$0x80]  }
0x820: {  	v12 =	vld [tilespmem:s0+$0x80];
	v0 =	vsub.f32 v0, v1  }
0x821: {  	s5 =	simm.s32 $0x1BE80;
	v1 =	vld [tilespmem:s10+$0xFFFFFF80]  }
0x822: {  	v3 =	vsub.f32 v3, v4;
	v4 =	vld [tilespmem:s10+$0xFFFFFE00];
	[tilespmem:s5+$0x180] =	vst v0  }
0x823: {  	v0 =	vld [tilespmem:s10+$0x190]  }
0x824: {  	v8 =	vld [tilespmem:s0+$0x190]  }
0x825: {  	v13 =	vld [tilespmem:s10+$0x100];
	[tilespmem:s5+$0xFFFFFE80] =	vst v3;
	v3 =	vsub.f32 v5, v6  }
0x826: {  	v6 =	vld [tilespmem:s10+$0xFFFFFE90]  }
0x827: {  	[tilespmem:s5+$0xFFFFFF00] =	vst v3;
	v3 =	vld [tilespmem:s0+$0xFFFFFE90];
	v1 =	vsub.f32 v1, v7  }
0x828: {  	v2 =	vsub.f32 v4, v2;
	v4 =	vld [tilespmem:s10+$0xFFFFFF10]  }
0x829: {  	[tilespmem:s5+$0xFFFFFF80] =	vst v1;
	v1 =	vld [tilespmem:s0+$0xFFFFFF10];
	v0 =	vsub.f32 v0, v8  }
0x82a: {  	[tilespmem:s5+$0xFFFFFE00] =	vst v2;
	v2 =	vld [tilespmem:s10+$0xFFFFFF90]  }
0x82b: {  	v32 =	vld [tilespmem:s0+$0xFFFFFF90];
	[tilespmem:s5+$0x190] =	vst v0  }
0x82c: {  	v0 =	vld [tilespmem:s10+$0x1A0]  }
0x82d: {  	v3 =	vsub.f32 v6, v3;
	v5 =	vld [tilespmem:s0+$0x1A0]  }
0x82e: {  	v8 =	vld [tilespmem:s0+$0x100]  }
0x82f: {  	v7 =	vld [tilespmem:s0+$0xFFFFFE10];
	[tilespmem:s5+$0xFFFFFE90] =	vst v3;
	v1 =	vsub.f32 v4, v1  }
0x830: {  	v4 =	vld [tilespmem:s10+$0xFFFFFEA0]  }
0x831: {  	[tilespmem:s5+$0xFFFFFF10] =	vst v1;
	v1 =	vsub.f32 v2, v32;
	v2 =	vld [tilespmem:s0+$0xFFFFFEA0]  }
0x832: {  	v0 =	vsub.f32 v0, v5;
	v5 =	vld [tilespmem:s10+$0xFFFFFE10]  }
0x833: {  	v36 =	vld [tilespmem:s10+$0xFFFFFF20];
	[tilespmem:s5+$0xFFFFFF90] =	vst v1  }
0x834: {  	v1 =	vld [tilespmem:s0+$0xFFFFFF20];
	[tilespmem:s5+$0x1A0] =	vst v0;
	v0 =	vsub.f32 v9, v10  }
0x835: {  	v37 =	vld [tilespmem:s10+$0xFFFFFFA0]  }
0x836: {  	v30 =	vld [tilespmem:s10+$0x1B0];
	[tilespmem:s5+$0x0] =	vst v0;
	v0 =	vsub.f32 v11, v12  }
0x837: {  	v31 =	vld [tilespmem:s0+$0x1B0];
	v5 =	vsub.f32 v5, v7  }
0x838: {  	v33 =	vld [tilespmem:s10+$0x10];
	[tilespmem:s5+$0x80] =	vst v0;
	v0 =	vsub.f32 v13, v8  }
0x839: {  	v34 =	vld [tilespmem:s10+$0x90];
	[tilespmem:s5+$0xFFFFFE10] =	vst v5  }
0x83a: {  	[tilespmem:s5+$0x100] =	vst v0;
	v0 =	vld [tilespmem:s0+$0x90]  }
0x83b: {  	v6 =	vld [tilespmem:s10+$0xFFFFFE20]  }
0x83c: {  	v9 =	vsub.f32 v30, v31;
	v3 =	vld [tilespmem:s0+$0xFFFFFE20]  }
0x83d: {  	v35 =	vld [tilespmem:s10+$0x110]  }
0x83e: {  	v7 =	vld [tilespmem:s0+$0x110];
	[tilespmem:s5+$0x1B0] =	vst v9  }
0x83f: {  	v2 =	vsub.f32 v4, v2;
	v9 =	vld [tilespmem:s10+$0x1C0]  }
0x840: {  	v1 =	vsub.f32 v36, v1;
	v5 =	vld [tilespmem:s0+$0x1C0]  }
0x841: {  	[tilespmem:s5+$0xFFFFFEA0] =	vst v2;
	v8 =	vld [tilespmem:s0+$0x10];
	v0 =	vsub.f32 v34, v0  }
0x842: {  	v42 =	vld [tilespmem:s10+$0xFFFFFEB0];
	[tilespmem:s5+$0xFFFFFF20] =	vst v1;
	v3 =	vsub.f32 v6, v3  }
0x843: {  	v43 =	vld [tilespmem:s10+$0xFFFFFF30];
	[tilespmem:s5+$0x90] =	vst v0  }
0x844: {  	v0 =	vsub.f32 v35, v7;
	[tilespmem:s5+$0xFFFFFE20] =	vst v3;
	v40 =	vld [tilespmem:s10+$0xA0]  }
0x845: {  	v5 =	vsub.f32 v9, v5;
	v4 =	vld [tilespmem:s10+$0xFFFFFE30]  }
0x846: {  	[tilespmem:s5+$0x110] =	vst v0;
	v0 =	vld [tilespmem:s0+$0xA0]  }
0x847: {  	[tilespmem:s5+$0x1C0] =	vst v5;
	v41 =	vld [tilespmem:s10+$0x120]  }
0x848: {  	v5 =	vsub.f32 v33, v8;
	v8 =	vld [tilespmem:s10+$0x1D0]  }
0x849: {  	v38 =	vld [tilespmem:s0+$0x1D0]  }
0x84a: {  	[tilespmem:s5+$0x10] =	vst v5;
	v5 =	vld [tilespmem:s0+$0xFFFFFFA0]  }
0x84b: {  	v6 =	vld [tilespmem:s0+$0x120]  }
0x84c: {  	v2 =	vld [tilespmem:s0+$0xFFFFFE30]  }
0x84d: {  	v39 =	vld [tilespmem:s10+$0x20];
	v0 =	vsub.f32 v40, v0  }
0x84e: {  	v7 =	vld [tilespmem:s0+$0x20];
	v8 =	vsub.f32 v8, v38  }
0x84f: {  	[tilespmem:s5+$0xA0] =	vst v0;
	v1 =	vsub.f32 v37, v5;
	v5 =	vld [tilespmem:s0+$0xFFFFFEB0]  }
0x850: {  	v0 =	vsub.f32 v41, v6;
	v46 =	vld [tilespmem:s10+$0xB0];
	[tilespmem:s5+$0x1D0] =	vst v8  }
0x851: {  	v8 =	vld [tilespmem:s10+$0x1E0]  }
0x852: {  	[tilespmem:s5+$0x120] =	vst v0;
	v3 =	vld [tilespmem:s0+$0x1E0]  }
0x853: {  	v0 =	vsub.f32 v4, v2;
	[tilespmem:s5+$0xFFFFFFA0] =	vst v1;
	v1 =	vld [tilespmem:s0+$0xFFFFFF30]  }
0x854: {  	v2 =	vld [tilespmem:s0+$0xB0]  }
0x855: {  	v4 =	vld [tilespmem:s10+$0x130];
	[tilespmem:s5+$0xFFFFFE30] =	vst v0  }
0x856: {  	v47 =	vld [tilespmem:s10+$0xFFFFFE40];
	v0 =	vsub.f32 v42, v5  }
0x857: {  	v5 =	vld [tilespmem:s0+$0x130]  }
0x858: {  	v3 =	vsub.f32 v8, v3;
	[tilespmem:s5+$0xFFFFFEB0] =	vst v0;
	v0 =	vsub.f32 v43, v1;
	v1 =	vld [tilespmem:s0+$0xFFFFFE40]  }
0x859: {  	v8 =	vld [tilespmem:s10+$0xFFFFFFB0]  }
0x85a: {  	v48 =	vld [tilespmem:s10+$0xFFFFFEC0];
	[tilespmem:s5+$0x1E0] =	vst v3;
	v3 =	vsub.f32 v39, v7  }
0x85b: {  	v7 =	vld [tilespmem:s10+$0x1F0]  }
0x85c: {  	[tilespmem:s5+$0x20] =	vst v3;
	v3 =	vld [tilespmem:s0+$0xFFFFFFB0]  }
0x85d: {  	v45 =	vld [tilespmem:s10+$0x30];
	v1 =	vsub.f32 v47, v1  }
0x85e: {  	v6 =	vld [tilespmem:s0+$0x30]  }
0x85f: {  	v44 =	vld [tilespmem:s0+$0x1F0];
	[tilespmem:s5+$0xFFFFFE40] =	vst v1  }
0x860: {  	v52 =	vld [tilespmem:s10+$0xFFFFFE50]  }
0x861: {  	[tilespmem:s5+$0xFFFFFF30] =	vst v0;
	v0 =	vsub.f32 v8, v3;
	v3 =	vld [tilespmem:s0+$0xFFFFFEC0]  }
0x862: {  	v8 =	vld [tilespmem:s10+$0xFFFFFF40]  }
0x863: {  	[tilespmem:s5+$0xFFFFFFB0] =	vst v0;
	v0 =	vsub.f32 v45, v6;
	v6 =	vld [tilespmem:s0+$0xFFFFFF40]  }
0x864: {  	v49 =	vld [tilespmem:s10+$0xFFFFFFC0]  }
0x865: {  	[tilespmem:s5+$0x30] =	vst v0;
	v0 =	vsub.f32 v46, v2;
	v2 =	vld [tilespmem:s0+$0xFFFFFFC0]  }
0x866: {  	v50 =	vld [tilespmem:s10+$0x40]  }
0x867: {  	v1 =	vsub.f32 v48, v3;
	[tilespmem:s5+$0xB0] =	vst v0;
	v0 =	vsub.f32 v4, v5;
	v4 =	vld [tilespmem:s0+$0x40]  }
0x868: {  	v5 =	vld [tilespmem:s10+$0xC0]  }
0x869: {  	[tilespmem:s5+$0xFFFFFEC0] =	vst v1;
	v1 =	vsub.f32 v8, v6;
	v6 =	vld [tilespmem:s0+$0xFFFFFE50]  }
0x86a: {  	[tilespmem:s5+$0x130] =	vst v0;
	v0 =	vld [tilespmem:s0+$0xC0]  }
0x86b: {  	v8 =	vld [tilespmem:s10+$0xFFFFFED0]  }
0x86c: {  	v51 =	vld [tilespmem:s10+$0x140]  }
0x86d: {  	v3 =	vld [tilespmem:s0+$0x140]  }
0x86e: {  	[tilespmem:s5+$0xFFFFFF40] =	vst v1;
	v1 =	vsub.f32 v49, v2;
	v2 =	vld [tilespmem:s0+$0xFFFFFED0]  }
0x86f: {  	v53 =	vld [tilespmem:s10+$0xFFFFFF50]  }
0x870: {  	[tilespmem:s5+$0xFFFFFFC0] =	vst v1;
	v1 =	vsub.f32 v50, v4;
	v4 =	vld [tilespmem:s0+$0xFFFFFF50]  }
0x871: {  	v54 =	vld [tilespmem:s10+$0xFFFFFFD0];
	v6 =	vsub.f32 v52, v6  }
0x872: {  	[tilespmem:s5+$0x40] =	vst v1;
	v0 =	vsub.f32 v5, v0;
	v1 =	vld [tilespmem:s0+$0xFFFFFFD0]  }
0x873: {  	v5 =	vld [tilespmem:s10+$0x50];
	[tilespmem:s5+$0xFFFFFE50] =	vst v6  }
0x874: {  	[tilespmem:s5+$0xC0] =	vst v0;
	v0 =	vsub.f32 v51, v3;
	v3 =	vld [tilespmem:s0+$0x50]  }
0x875: {  	v2 =	vsub.f32 v8, v2;
	v8 =	vld [tilespmem:s10+$0xFFFFFE60]  }
0x876: {  	v55 =	vld [tilespmem:s10+$0xD0]  }
0x877: {  	[tilespmem:s5+$0xFFFFFED0] =	vst v2;
	v2 =	vsub.f32 v53, v4;
	v4 =	vld [tilespmem:s0+$0xFFFFFE60]  }
0x878: {  	[tilespmem:s5+$0x140] =	vst v0;
	v0 =	vld [tilespmem:s0+$0xD0]  }
0x879: {  	v57 =	vld [tilespmem:s10+$0xFFFFFEE0]  }
0x87a: {  	v56 =	vld [tilespmem:s10+$0x150]  }
0x87b: {  	v6 =	vld [tilespmem:s0+$0x150]  }
0x87c: {  	[tilespmem:s5+$0xFFFFFF50] =	vst v2;
	v1 =	vsub.f32 v54, v1;
	v2 =	vld [tilespmem:s0+$0xFFFFFEE0]  }
0x87d: {  	v58 =	vld [tilespmem:s10+$0xFFFFFF60]  }
0x87e: {  	[tilespmem:s5+$0xFFFFFFD0] =	vst v1;
	v1 =	vsub.f32 v5, v3;
	v3 =	vld [tilespmem:s0+$0xFFFFFF60]  }
0x87f: {  	v5 =	vld [tilespmem:s10+$0xFFFFFFE0];
	v4 =	vsub.f32 v8, v4  }
0x880: {  	[tilespmem:s5+$0x50] =	vst v1;
	v0 =	vsub.f32 v55, v0;
	v1 =	vld [tilespmem:s0+$0xFFFFFFE0]  }
0x881: {  	v59 =	vld [tilespmem:s10+$0x60];
	[tilespmem:s5+$0xFFFFFE60] =	vst v4  }
0x882: {  	[tilespmem:s5+$0xD0] =	vst v0;
	v0 =	vsub.f32 v56, v6;
	v6 =	vld [tilespmem:s0+$0x60]  }
0x883: {  	v2 =	vsub.f32 v57, v2;
	v61 =	vld [tilespmem:s10+$0xFFFFFE70]  }
0x884: {  	v60 =	vld [tilespmem:s10+$0xE0]  }
0x885: {  	[tilespmem:s5+$0xFFFFFEE0] =	vst v2;
	v2 =	vsub.f32 v58, v3;
	v3 =	vld [tilespmem:s0+$0xFFFFFE70]  }
0x886: {  	[tilespmem:s5+$0x150] =	vst v0;
	v0 =	vld [tilespmem:s0+$0xE0]  }
0x887: {  	v62 =	vld [tilespmem:s10+$0xFFFFFEF0]  }
0x888: {  	v8 =	vld [tilespmem:s10+$0x160]  }
0x889: {  	v4 =	vld [tilespmem:s0+$0x160]  }
0x88a: {  	[tilespmem:s5+$0xFFFFFF60] =	vst v2;
	v1 =	vsub.f32 v5, v1;
	v5 =	vld [tilespmem:s0+$0xFFFFFEF0]  }
0x88b: {  	v14 =	vld [tilespmem:s10+$0xFFFFFF70]  }
0x88c: {  	[tilespmem:s5+$0xFFFFFFE0] =	vst v1;
	v1 =	vsub.f32 v59, v6;
	v6 =	vld [tilespmem:s0+$0xFFFFFF70]  }
0x88d: {  	v2 =	vsub.f32 v7, v44;
	v7 =	vld [tilespmem:s10+$0xFFFFFFF0]  }
0x88e: {  	v63 =	vld [tilespmem:s0+$0xFFFFFFF0];
	[tilespmem:s5+$0x60] =	vst v1;
	v1 =	vsub.f32 v60, v0  }
0x88f: {  	[tilespmem:s5+$0x1F0] =	vst v2;
	v3 =	vsub.f32 v61, v3;
	v0 =	vld [tilespmem:s10+$0x70]  }
0x890: {  	v4 =	vsub.f32 v8, v4;
	v2 =	vld [tilespmem:s0+$0x70];
	[tilespmem:s5+$0xE0] =	vst v1  }
0x891: {  	[tilespmem:s5+$0xFFFFFE70] =	vst v3;
	v1 =	vld [tilespmem:s10+$0xF0];
	v6 =	vsub.f32 v14, v6  }
0x892: {  	v5 =	vsub.f32 v62, v5;
	[tilespmem:s5+$0x160] =	vst v4;
	v4 =	vld [tilespmem:s0+$0xF0]  }
0x893: {  	v3 =	vld [tilespmem:s10+$0x170];
	[tilespmem:s5+$0xFFFFFF70] =	vst v6;
	v6 =	vsub.f32 v7, v63  }
0x894: {  	s8 =	simm.s32 $0x0;
	[tilespmem:s5+$0xFFFFFEF0] =	vst v5;
	v5 =	vld [tilespmem:s0+$0x170];
	s10 =	simm.s32 $0x17280  }
.LBB2_23:
0x895: {  	v7 =	vld [tilespmem:s10+$0x180];
	[tilespmem:s5+$0xFFFFFFF0] =	vst v6;
	v0 =	vsub.f32 v0, v2;
	s0 =	sadd.s32 $0x400, s0  }
0x896: {  	v2 =	vld [tilespmem:s0+$0x180]  }
0x897: {  	v6 =	vld [tilespmem:s0+$0xFFFFFE00];
	[tilespmem:s5+$0x70] =	vst v0;
	v0 =	vsub.f32 v1, v4  }
0x898: {  	v1 =	vld [tilespmem:s10+$0xFFFFFE80]  }
0x899: {  	v4 =	vld [tilespmem:s0+$0xFFFFFE80];
	[tilespmem:s5+$0xF0] =	vst v0;
	v0 =	vsub.f32 v3, v5  }
0x89a: {  	v3 =	vld [tilespmem:s10+$0xFFFFFF00]  }
0x89b: {  	v5 =	vld [tilespmem:s0+$0xFFFFFF00];
	v2 =	vsub.f32 v7, v2;
	[tilespmem:s5+$0x170] =	vst v0  }
0x89c: {  	s5 =	sadd.s32 $0x400, s5;
	v0 =	vld [tilespmem:s10+$0xFFFFFF80]  }
0x89d: {  	s8 =	sadd.s32 $0x8, s8;
	v7 =	vld [tilespmem:s0+$0xFFFFFF80];
	[tilespmem:s5+$0x180] =	vst v2  }
0x89e: {  	p2 =	slt.u32 s8, $0x20;
	v1 =	vsub.f32 v1, v4;
	v2 =	vld [tilespmem:s10+$0x190]  }
0x89f: {  	v4 =	vld [tilespmem:s0+$0x190]  }
0x8a0: {  	[tilespmem:s5+$0xFFFFFE80] =	vst v1;
	v1 =	vsub.f32 v3, v5;
	v3 =	vld [tilespmem:s10+$0x0]  }
0x8a1: {  	v5 =	vld [tilespmem:s0+$0x0]  }
0x8a2: {  	[tilespmem:s5+$0xFFFFFF00] =	vst v1;
	v0 =	vsub.f32 v0, v7;
	v1 =	vld [tilespmem:s10+$0x80]  }
0x8a3: {  	v7 =	vld [tilespmem:s0+$0x80]  }
0x8a4: {  	[tilespmem:s5+$0xFFFFFF80] =	vst v0;
	v0 =	vld [tilespmem:s10+$0x100];
	v2 =	vsub.f32 v2, v4  }
0x8a5: {  	v4 =	vld [tilespmem:s0+$0x100]  }
0x8a6: {  	v8 =	vld [tilespmem:s10+$0xFFFFFE00];
	v3 =	vsub.f32 v3, v5;
	[tilespmem:s5+$0x190] =	vst v2  }
0x8a7: {  	v2 =	vld [tilespmem:s10+$0x1A0]  }
0x8a8: {  	[tilespmem:s5+$0x0] =	vst v3;
	v1 =	vsub.f32 v1, v7;
	v3 =	vld [tilespmem:s0+$0x1A0]  }
0x8a9: {  	v5 =	vld [tilespmem:s10+$0xFFFFFE90]  }
0x8aa: {  	v7 =	vld [tilespmem:s0+$0xFFFFFE90];
	[tilespmem:s5+$0x80] =	vst v1;
	v0 =	vsub.f32 v0, v4  }
0x8ab: {  	v1 =	vsub.f32 v8, v6;
	v4 =	vld [tilespmem:s10+$0xFFFFFF10]  }
0x8ac: {  	v6 =	vld [tilespmem:s0+$0xFFFFFF10];
	[tilespmem:s5+$0x100] =	vst v0  }
0x8ad: {  	[tilespmem:s5+$0xFFFFFE00] =	vst v1;
	v0 =	vld [tilespmem:s10+$0xFFFFFF90];
	v1 =	vsub.f32 v2, v3  }
0x8ae: {  	v2 =	vld [tilespmem:s10+$0xFFFFFE10]  }
0x8af: {  	v3 =	vld [tilespmem:s0+$0xFFFFFE10];
	v5 =	vsub.f32 v5, v7;
	[tilespmem:s5+$0x1A0] =	vst v1  }
0x8b0: {  	v1 =	vld [tilespmem:s10+$0x1B0]  }
0x8b1: {  	[tilespmem:s5+$0xFFFFFE90] =	vst v5;
	v4 =	vsub.f32 v4, v6;
	v5 =	vld [tilespmem:s0+$0x1B0]  }
0x8b2: {  	v6 =	vld [tilespmem:s0+$0xFFFFFF90]  }
0x8b3: {  	[tilespmem:s5+$0xFFFFFF10] =	vst v4;
	v4 =	vld [tilespmem:s10+$0x10]  }
0x8b4: {  	v2 =	vsub.f32 v2, v3;
	v3 =	vld [tilespmem:s0+$0x10]  }
0x8b5: {  	v7 =	vld [tilespmem:s10+$0x90]  }
0x8b6: {  	[tilespmem:s5+$0xFFFFFE10] =	vst v2;
	v2 =	vld [tilespmem:s0+$0x90];
	v1 =	vsub.f32 v1, v5  }
0x8b7: {  	v0 =	vsub.f32 v0, v6;
	v5 =	vld [tilespmem:s10+$0x110]  }
0x8b8: {  	v6 =	vld [tilespmem:s0+$0x110];
	[tilespmem:s5+$0x1B0] =	vst v1  }
0x8b9: {  	[tilespmem:s5+$0xFFFFFF90] =	vst v0;
	v0 =	vsub.f32 v4, v3;
	v1 =	vld [tilespmem:s10+$0x1C0]  }
0x8ba: {  	v3 =	vld [tilespmem:s0+$0x1C0]  }
0x8bb: {  	v4 =	vld [tilespmem:s10+$0xFFFFFE20];
	[tilespmem:s5+$0x10] =	vst v0;
	v0 =	vsub.f32 v7, v2  }
0x8bc: {  	v2 =	vld [tilespmem:s0+$0xFFFFFE20]  }
0x8bd: {  	v7 =	vld [tilespmem:s10+$0xFFFFFEA0];
	[tilespmem:s5+$0x90] =	vst v0;
	v0 =	vsub.f32 v5, v6  }
0x8be: {  	v5 =	vld [tilespmem:s0+$0xFFFFFEA0]  }
0x8bf: {  	v6 =	vld [tilespmem:s10+$0xFFFFFF20];
	[tilespmem:s5+$0x110] =	vst v0;
	v0 =	vsub.f32 v1, v3  }
0x8c0: {  	v1 =	vld [tilespmem:s0+$0xFFFFFF20]  }
0x8c1: {  	v2 =	vsub.f32 v4, v2;
	v3 =	vld [tilespmem:s10+$0xFFFFFFA0];
	[tilespmem:s5+$0x1C0] =	vst v0  }
0x8c2: {  	v0 =	vld [tilespmem:s10+$0x1D0]  }
0x8c3: {  	[tilespmem:s5+$0xFFFFFE20] =	vst v2;
	v2 =	vsub.f32 v7, v5;
	v4 =	vld [tilespmem:s0+$0x1D0]  }
0x8c4: {  	v5 =	vld [tilespmem:s0+$0xFFFFFFA0]  }
0x8c5: {  	[tilespmem:s5+$0xFFFFFEA0] =	vst v2;
	v1 =	vsub.f32 v6, v1;
	v2 =	vld [tilespmem:s10+$0x20]  }
0x8c6: {  	v6 =	vld [tilespmem:s0+$0x20]  }
0x8c7: {  	[tilespmem:s5+$0xFFFFFF20] =	vst v1;
	v1 =	vld [tilespmem:s10+$0xA0]  }
0x8c8: {  	v7 =	vld [tilespmem:s0+$0xA0];
	v0 =	vsub.f32 v0, v4  }
0x8c9: {  	v3 =	vsub.f32 v3, v5;
	v4 =	vld [tilespmem:s10+$0x120]  }
0x8ca: {  	v5 =	vld [tilespmem:s0+$0x120];
	[tilespmem:s5+$0x1D0] =	vst v0  }
0x8cb: {  	[tilespmem:s5+$0xFFFFFFA0] =	vst v3;
	v0 =	vsub.f32 v2, v6;
	v2 =	vld [tilespmem:s10+$0x1E0]  }
0x8cc: {  	v3 =	vld [tilespmem:s0+$0x1E0]  }
0x8cd: {  	v6 =	vld [tilespmem:s10+$0xFFFFFE30];
	[tilespmem:s5+$0x20] =	vst v0;
	v0 =	vsub.f32 v1, v7  }
0x8ce: {  	v1 =	vld [tilespmem:s0+$0xFFFFFE30]  }
0x8cf: {  	v7 =	vld [tilespmem:s10+$0xFFFFFEB0];
	[tilespmem:s5+$0xA0] =	vst v0;
	v0 =	vsub.f32 v4, v5  }
0x8d0: {  	v4 =	vld [tilespmem:s0+$0xFFFFFEB0]  }
0x8d1: {  	v5 =	vld [tilespmem:s10+$0xFFFFFF30];
	[tilespmem:s5+$0x120] =	vst v0;
	v0 =	vsub.f32 v2, v3  }
0x8d2: {  	v2 =	vld [tilespmem:s0+$0xFFFFFF30]  }
0x8d3: {  	v1 =	vsub.f32 v6, v1;
	v3 =	vld [tilespmem:s10+$0xFFFFFFB0];
	[tilespmem:s5+$0x1E0] =	vst v0  }
0x8d4: {  	v0 =	vld [tilespmem:s10+$0x1F0]  }
0x8d5: {  	[tilespmem:s5+$0xFFFFFE30] =	vst v1;
	v1 =	vsub.f32 v7, v4;
	v4 =	vld [tilespmem:s0+$0x1F0]  }
0x8d6: {  	v6 =	vld [tilespmem:s0+$0xFFFFFFB0]  }
0x8d7: {  	[tilespmem:s5+$0xFFFFFEB0] =	vst v1;
	v1 =	vsub.f32 v5, v2;
	v2 =	vld [tilespmem:s10+$0x30]  }
0x8d8: {  	v5 =	vld [tilespmem:s0+$0x30]  }
0x8d9: {  	[tilespmem:s5+$0xFFFFFF30] =	vst v1;
	v1 =	vld [tilespmem:s10+$0xB0]  }
0x8da: {  	v7 =	vld [tilespmem:s0+$0xB0];
	v0 =	vsub.f32 v0, v4  }
0x8db: {  	v3 =	vsub.f32 v3, v6;
	v4 =	vld [tilespmem:s10+$0x130]  }
0x8dc: {  	v6 =	vld [tilespmem:s0+$0x130];
	[tilespmem:s5+$0x1F0] =	vst v0  }
0x8dd: {  	v0 =	vld [tilespmem:s10+$0xFFFFFE40];
	[tilespmem:s5+$0xFFFFFFB0] =	vst v3;
	v2 =	vsub.f32 v2, v5  }
0x8de: {  	v3 =	vld [tilespmem:s0+$0xFFFFFE40]  }
0x8df: {  	v5 =	vld [tilespmem:s10+$0xFFFFFEC0];
	[tilespmem:s5+$0x30] =	vst v2;
	v1 =	vsub.f32 v1, v7  }
0x8e0: {  	v2 =	vld [tilespmem:s0+$0xFFFFFEC0]  }
0x8e1: {  	v7 =	vld [tilespmem:s10+$0xFFFFFF40];
	[tilespmem:s5+$0xB0] =	vst v1;
	v1 =	vsub.f32 v4, v6  }
0x8e2: {  	v4 =	vld [tilespmem:s0+$0xFFFFFF40]  }
0x8e3: {  	v0 =	vsub.f32 v0, v3;
	v3 =	vld [tilespmem:s10+$0xFFFFFFC0];
	[tilespmem:s5+$0x130] =	vst v1  }
0x8e4: {  	v1 =	vld [tilespmem:s0+$0xFFFFFFC0]  }
0x8e5: {  	[tilespmem:s5+$0xFFFFFE40] =	vst v0;
	v0 =	vsub.f32 v5, v2;
	v2 =	vld [tilespmem:s10+$0x40]  }
0x8e6: {  	v5 =	vld [tilespmem:s0+$0x40]  }
0x8e7: {  	[tilespmem:s5+$0xFFFFFEC0] =	vst v0;
	v0 =	vsub.f32 v7, v4;
	v4 =	vld [tilespmem:s10+$0xC0]  }
0x8e8: {  	v6 =	vld [tilespmem:s0+$0xC0]  }
0x8e9: {  	[tilespmem:s5+$0xFFFFFF40] =	vst v0;
	v0 =	vsub.f32 v3, v1;
	v1 =	vld [tilespmem:s10+$0x140]  }
0x8ea: {  	v3 =	vld [tilespmem:s0+$0x140]  }
0x8eb: {  	v7 =	vld [tilespmem:s10+$0xFFFFFE50];
	[tilespmem:s5+$0xFFFFFFC0] =	vst v0;
	v0 =	vsub.f32 v2, v5  }
0x8ec: {  	v2 =	vld [tilespmem:s0+$0xFFFFFE50]  }
0x8ed: {  	v5 =	vld [tilespmem:s10+$0xFFFFFED0];
	[tilespmem:s5+$0x40] =	vst v0;
	v0 =	vsub.f32 v4, v6  }
0x8ee: {  	v4 =	vld [tilespmem:s0+$0xFFFFFED0]  }
0x8ef: {  	v6 =	vld [tilespmem:s10+$0xFFFFFF50];
	[tilespmem:s5+$0xC0] =	vst v0;
	v0 =	vsub.f32 v1, v3  }
0x8f0: {  	v1 =	vld [tilespmem:s0+$0xFFFFFF50]  }
0x8f1: {  	v2 =	vsub.f32 v7, v2;
	v3 =	vld [tilespmem:s10+$0xFFFFFFD0];
	[tilespmem:s5+$0x140] =	vst v0  }
0x8f2: {  	v0 =	vld [tilespmem:s0+$0xFFFFFFD0]  }
0x8f3: {  	[tilespmem:s5+$0xFFFFFE50] =	vst v2;
	v2 =	vsub.f32 v5, v4;
	v4 =	vld [tilespmem:s10+$0x50]  }
0x8f4: {  	v5 =	vld [tilespmem:s0+$0x50]  }
0x8f5: {  	[tilespmem:s5+$0xFFFFFED0] =	vst v2;
	v1 =	vsub.f32 v6, v1;
	v2 =	vld [tilespmem:s10+$0xD0]  }
0x8f6: {  	v6 =	vld [tilespmem:s0+$0xD0]  }
0x8f7: {  	[tilespmem:s5+$0xFFFFFF50] =	vst v1;
	v0 =	vsub.f32 v3, v0;
	v1 =	vld [tilespmem:s10+$0x150]  }
0x8f8: {  	v3 =	vld [tilespmem:s0+$0x150]  }
0x8f9: {  	v7 =	vld [tilespmem:s10+$0xFFFFFE60];
	[tilespmem:s5+$0xFFFFFFD0] =	vst v0;
	v0 =	vsub.f32 v4, v5  }
0x8fa: {  	v4 =	vld [tilespmem:s0+$0xFFFFFE60]  }
0x8fb: {  	v5 =	vld [tilespmem:s10+$0xFFFFFEE0];
	[tilespmem:s5+$0x50] =	vst v0;
	v0 =	vsub.f32 v2, v6  }
0x8fc: {  	v2 =	vld [tilespmem:s0+$0xFFFFFEE0]  }
0x8fd: {  	v6 =	vld [tilespmem:s10+$0xFFFFFF60];
	[tilespmem:s5+$0xD0] =	vst v0;
	v0 =	vsub.f32 v1, v3  }
0x8fe: {  	v1 =	vld [tilespmem:s0+$0xFFFFFF60]  }
0x8ff: {  	v3 =	vsub.f32 v7, v4;
	v4 =	vld [tilespmem:s10+$0xFFFFFFE0];
	[tilespmem:s5+$0x150] =	vst v0  }
0x900: {  	v0 =	vld [tilespmem:s0+$0xFFFFFFE0]  }
0x901: {  	[tilespmem:s5+$0xFFFFFE60] =	vst v3;
	v2 =	vsub.f32 v5, v2;
	v3 =	vld [tilespmem:s10+$0x60]  }
0x902: {  	v5 =	vld [tilespmem:s0+$0x60]  }
0x903: {  	[tilespmem:s5+$0xFFFFFEE0] =	vst v2;
	v1 =	vsub.f32 v6, v1;
	v2 =	vld [tilespmem:s10+$0xE0]  }
0x904: {  	v6 =	vld [tilespmem:s0+$0xE0]  }
0x905: {  	[tilespmem:s5+$0xFFFFFF60] =	vst v1;
	v0 =	vsub.f32 v4, v0;
	v1 =	vld [tilespmem:s10+$0x160]  }
0x906: {  	v4 =	vld [tilespmem:s0+$0x160]  }
0x907: {  	v7 =	vld [tilespmem:s10+$0xFFFFFE70];
	[tilespmem:s5+$0xFFFFFFE0] =	vst v0;
	v0 =	vsub.f32 v3, v5  }
0x908: {  	v3 =	vld [tilespmem:s0+$0xFFFFFE70]  }
0x909: {  	v5 =	vld [tilespmem:s10+$0xFFFFFEF0];
	[tilespmem:s5+$0x60] =	vst v0;
	v0 =	vsub.f32 v2, v6  }
0x90a: {  	v2 =	vld [tilespmem:s0+$0xFFFFFEF0]  }
0x90b: {  	v6 =	vld [tilespmem:s10+$0xFFFFFF70];
	[tilespmem:s5+$0xE0] =	vst v0;
	v0 =	vsub.f32 v1, v4  }
0x90c: {  	v1 =	vld [tilespmem:s0+$0xFFFFFF70]  }
0x90d: {  	v3 =	vsub.f32 v7, v3;
	v7 =	vld [tilespmem:s10+$0xFFFFFFF0];
	[tilespmem:s5+$0x160] =	vst v0  }
0x90e: {  	v8 =	vld [tilespmem:s0+$0xFFFFFFF0]  }
0x90f: {  	[tilespmem:s5+$0xFFFFFE70] =	vst v3;
	v3 =	vsub.f32 v5, v2;
	v0 =	vld [tilespmem:s10+$0x70]  }
.Ltmp10:
0x910: {  	v2 =	vld [tilespmem:s0+$0x70];
	(pc) =	sbr.rel @p2 .LBB2_23-.Ltmp10, $4  }
0x911: {  	[tilespmem:s5+$0xFFFFFEF0] =	vst v3;
	v3 =	vsub.f32 v6, v1;
	v1 =	vld [tilespmem:s10+$0xF0]  }
0x912: {  	v4 =	vld [tilespmem:s0+$0xF0]  }
0x913: {  	[tilespmem:s5+$0xFFFFFF70] =	vst v3;
	v6 =	vsub.f32 v7, v8;
	v3 =	vld [tilespmem:s10+$0x170]  }
0x914: {  	s10 =	sadd.s32 $0x400, s10;
	v5 =	vld [tilespmem:s0+$0x170]  }
0x915: {  	_ =	sdelay $0x1  }
0x916: {  	v0 =	vsub.f32 v0, v2  }
0x917: {  	[tilespmem:s5+$0xFFFFFFF0] =	vst v6;
	v1 =	vsub.f32 v1, v4  }
0x918: {  	[tilespmem:s5+$0x70] =	vst v0;
	v63 =	vsub.f32 v3, v5  }
0x919: {  	[tilespmem:s5+$0xF0] =	vst v1  }
0x91a: {  	s0 =	sadd.s32 @!p1 $0x148F8, s13;
	s8 =	simm.s32 @!p1 $0x16C80;
	[tilespmem:s5+$0x170] =	vst v63;
	s5 =	simm.s32 @!p1 $0x28  }
0x91b: {  	[tilespmem:s8], [sflag:$0x2] =	stream.indirect.gather @!p1 [spmem:s3], $0x80, s0, s5, $0xb8;
	[tilespmem:$0x1D080] =	vst v63  }
0x91c: {  	s12 =	sadd.s32 $0x1, s12;
	s0 =	sadd.s32 @!p1 $0x150F8, s13;
	s8 =	simm.s32 @!p1 $0x19480  }
0x91d: {  	[tilespmem:s8], [sflag:$0x2] =	stream.indirect.gather @!p1 [spmem:s3], $0x80, s0, s5, $0xb8;
	[tilespmem:$0x1D080] =	vst v63  }
0x91e: {  	p1 =	sne.s32 s12, $0x19  }
.Ltmp11:
0x91f: {  	_ = 	snop;
	(pc) =	sbr.rel @p1 .LBB2_20-.Ltmp11, $4  }
0x920: {  	s13 =	sadd.s32 s13, s23  }
0x921: {  	s0 =	sshll.u32 s13, $0x4  }
0x922: {  	s0 =	sadd.s32 s2, s0  }
0x923: {  	[hbm4b:s0+s4] =	stream.linear.scatter [tilespmem:s21], [sflag:$0x4], $0x1400, $0x38;
	[tilespmem:$0x1D080] =	vst v63  }
0x924: {  	_ =	swait.ge [sflag:s24], $0x7D0  }
0x925: {  	[sflag:s24] =	ssyncset.done $0x0  }
0x926: {  	[sflag:s24] =	ssyncadd.s32 $0xFFFFF830  }
0x927: {  	_ =	swait.ge [sflag:s24], $0x7D0  }
0x928: {  	[sflag:s24] =	ssyncset.done $0x0  }
0x929: {  	s0 =	simm.s32 $0x15880;
	[sflag:s24] =	ssyncadd.s32 $0xFFFFF830  }
0x92a: {  	[tilespmem:s0], [sflag:$0x1] =	stream.indirect.gather [spmem:s3], $0x80, s29, s1, $0xb8;
	[tilespmem:$0x1D080] =	vst v63  }
0x92b: {  	s8 =	simm.s32 $0x18080  }
0x92c: {  	[tilespmem:s8], [sflag:$0x1] =	stream.indirect.gather [spmem:s3], $0x80, s31, s1, $0xb8;
	[tilespmem:$0x1D080] =	vst v63  }
0x92d: {  	s10 =	simm.s32 $0x138A8;
	s5 =	simm.s32 $0x16C80  }
0x92e: {  	[tilespmem:s5], [sflag:$0x2] =	stream.indirect.gather [spmem:s3], $0x80, s10, s1, $0xb8;
	[tilespmem:$0x1D080] =	vst v63  }
0x92f: {  	s12 =	simm.s32 $0x140A8;
	s13 =	simm.s32 $0x19480  }
0x930: {  	[tilespmem:s13], [sflag:$0x2] =	stream.indirect.gather [spmem:s3], $0x80, s12, s1, $0xb8;
	[tilespmem:$0x1D080] =	vst v63  }
0x931: {  	s12 =	simm.s32 $0x0  }
.LBB2_26:
0x932: {  	_ =	swait.ge [sflag:s16], $0x1400  }
0x933: {  	[sflag:s16] =	ssyncset.done $0x0  }
0x934: {  	[sflag:s16] =	ssyncadd.s32 $0xFFFFEC00  }
0x935: {  	_ =	swait.ge [sflag:s16], $0x1400  }
0x936: {  	[sflag:s16] =	ssyncset.done $0x0  }
0x937: {  	[sflag:s16] =	ssyncadd.s32 $0xFFFFEC00  }
0x938: {  	_ =	swait.ge [sflag:s25], $0x1400  }
0x939: {  	[sflag:s25] =	ssyncset.done $0x0  }
0x93a: {  	s5 =	simm.s32 $0x15A80;
	[sflag:s25] =	ssyncadd.s32 $0xFFFFEC00  }
0x93b: {  	s13 =	simm.s32 $0x18280;
	v0 =	vld [tilespmem:s5+$0x180]  }
0x93c: {  	v1 =	vld [tilespmem:s13+$0x180]  }
0x93d: {  	v2 =	vld [tilespmem:s13+$0xFFFFFE00]  }
0x93e: {  	v3 =	vld [tilespmem:s5+$0xFFFFFE80]  }
0x93f: {  	v4 =	vld [tilespmem:s13+$0xFFFFFE80]  }
0x940: {  	v5 =	vld [tilespmem:s5+$0xFFFFFF00]  }
0x941: {  	v6 =	vld [tilespmem:s13+$0xFFFFFF00]  }
0x942: {  	v7 =	vld [tilespmem:s13+$0xFFFFFF80]  }
0x943: {  	v9 =	vld [tilespmem:s5+$0x0]  }
0x944: {  	v10 =	vld [tilespmem:s13+$0x0]  }
0x945: {  	v11 =	vld [tilespmem:s5+$0x80]  }
0x946: {  	v12 =	vld [tilespmem:s13+$0x80];
	v0 =	vsub.f32 v0, v1  }
0x947: {  	s0 =	simm.s32 $0x1AA80;
	v1 =	vld [tilespmem:s5+$0xFFFFFF80]  }
0x948: {  	v3 =	vsub.f32 v3, v4;
	v4 =	vld [tilespmem:s5+$0xFFFFFE00];
	[tilespmem:s0+$0x180] =	vst v0  }
0x949: {  	v0 =	vld [tilespmem:s5+$0x190]  }
0x94a: {  	v8 =	vld [tilespmem:s13+$0x190]  }
0x94b: {  	v13 =	vld [tilespmem:s5+$0x100];
	[tilespmem:s0+$0xFFFFFE80] =	vst v3;
	v3 =	vsub.f32 v5, v6  }
0x94c: {  	v6 =	vld [tilespmem:s5+$0xFFFFFE90]  }
0x94d: {  	[tilespmem:s0+$0xFFFFFF00] =	vst v3;
	v3 =	vld [tilespmem:s13+$0xFFFFFE90];
	v1 =	vsub.f32 v1, v7  }
0x94e: {  	v2 =	vsub.f32 v4, v2;
	v4 =	vld [tilespmem:s5+$0xFFFFFF10]  }
0x94f: {  	[tilespmem:s0+$0xFFFFFF80] =	vst v1;
	v1 =	vld [tilespmem:s13+$0xFFFFFF10];
	v0 =	vsub.f32 v0, v8  }
0x950: {  	[tilespmem:s0+$0xFFFFFE00] =	vst v2;
	v2 =	vld [tilespmem:s5+$0xFFFFFF90]  }
0x951: {  	v32 =	vld [tilespmem:s13+$0xFFFFFF90];
	[tilespmem:s0+$0x190] =	vst v0  }
0x952: {  	v0 =	vld [tilespmem:s5+$0x1A0]  }
0x953: {  	v3 =	vsub.f32 v6, v3;
	v5 =	vld [tilespmem:s13+$0x1A0]  }
0x954: {  	v8 =	vld [tilespmem:s13+$0x100]  }
0x955: {  	v7 =	vld [tilespmem:s13+$0xFFFFFE10];
	[tilespmem:s0+$0xFFFFFE90] =	vst v3;
	v1 =	vsub.f32 v4, v1  }
0x956: {  	v4 =	vld [tilespmem:s5+$0xFFFFFEA0]  }
0x957: {  	[tilespmem:s0+$0xFFFFFF10] =	vst v1;
	v1 =	vsub.f32 v2, v32;
	v2 =	vld [tilespmem:s13+$0xFFFFFEA0]  }
0x958: {  	v0 =	vsub.f32 v0, v5;
	v5 =	vld [tilespmem:s5+$0xFFFFFE10]  }
0x959: {  	v36 =	vld [tilespmem:s5+$0xFFFFFF20];
	[tilespmem:s0+$0xFFFFFF90] =	vst v1  }
0x95a: {  	v1 =	vld [tilespmem:s13+$0xFFFFFF20];
	[tilespmem:s0+$0x1A0] =	vst v0;
	v0 =	vsub.f32 v9, v10  }
0x95b: {  	v37 =	vld [tilespmem:s5+$0xFFFFFFA0]  }
0x95c: {  	v30 =	vld [tilespmem:s5+$0x1B0];
	[tilespmem:s0+$0x0] =	vst v0;
	v0 =	vsub.f32 v11, v12  }
0x95d: {  	v31 =	vld [tilespmem:s13+$0x1B0];
	v5 =	vsub.f32 v5, v7  }
0x95e: {  	v33 =	vld [tilespmem:s5+$0x10];
	[tilespmem:s0+$0x80] =	vst v0;
	v0 =	vsub.f32 v13, v8  }
0x95f: {  	v34 =	vld [tilespmem:s5+$0x90];
	[tilespmem:s0+$0xFFFFFE10] =	vst v5  }
0x960: {  	[tilespmem:s0+$0x100] =	vst v0;
	v0 =	vld [tilespmem:s13+$0x90]  }
0x961: {  	v6 =	vld [tilespmem:s5+$0xFFFFFE20]  }
0x962: {  	v9 =	vsub.f32 v30, v31;
	v3 =	vld [tilespmem:s13+$0xFFFFFE20]  }
0x963: {  	v35 =	vld [tilespmem:s5+$0x110]  }
0x964: {  	v7 =	vld [tilespmem:s13+$0x110];
	[tilespmem:s0+$0x1B0] =	vst v9  }
0x965: {  	v2 =	vsub.f32 v4, v2;
	v9 =	vld [tilespmem:s5+$0x1C0]  }
0x966: {  	v1 =	vsub.f32 v36, v1;
	v5 =	vld [tilespmem:s13+$0x1C0]  }
0x967: {  	[tilespmem:s0+$0xFFFFFEA0] =	vst v2;
	v8 =	vld [tilespmem:s13+$0x10];
	v0 =	vsub.f32 v34, v0  }
0x968: {  	v42 =	vld [tilespmem:s5+$0xFFFFFEB0];
	[tilespmem:s0+$0xFFFFFF20] =	vst v1;
	v3 =	vsub.f32 v6, v3  }
0x969: {  	v43 =	vld [tilespmem:s5+$0xFFFFFF30];
	[tilespmem:s0+$0x90] =	vst v0  }
0x96a: {  	v0 =	vsub.f32 v35, v7;
	[tilespmem:s0+$0xFFFFFE20] =	vst v3;
	v40 =	vld [tilespmem:s5+$0xA0]  }
0x96b: {  	v5 =	vsub.f32 v9, v5;
	v4 =	vld [tilespmem:s5+$0xFFFFFE30]  }
0x96c: {  	[tilespmem:s0+$0x110] =	vst v0;
	v0 =	vld [tilespmem:s13+$0xA0]  }
0x96d: {  	[tilespmem:s0+$0x1C0] =	vst v5;
	v41 =	vld [tilespmem:s5+$0x120]  }
0x96e: {  	v5 =	vsub.f32 v33, v8;
	v8 =	vld [tilespmem:s5+$0x1D0]  }
0x96f: {  	v38 =	vld [tilespmem:s13+$0x1D0]  }
0x970: {  	[tilespmem:s0+$0x10] =	vst v5;
	v5 =	vld [tilespmem:s13+$0xFFFFFFA0]  }
0x971: {  	v6 =	vld [tilespmem:s13+$0x120]  }
0x972: {  	v2 =	vld [tilespmem:s13+$0xFFFFFE30]  }
0x973: {  	v39 =	vld [tilespmem:s5+$0x20];
	v0 =	vsub.f32 v40, v0  }
0x974: {  	v7 =	vld [tilespmem:s13+$0x20];
	v8 =	vsub.f32 v8, v38  }
0x975: {  	[tilespmem:s0+$0xA0] =	vst v0;
	v1 =	vsub.f32 v37, v5;
	v5 =	vld [tilespmem:s13+$0xFFFFFEB0]  }
0x976: {  	v0 =	vsub.f32 v41, v6;
	v46 =	vld [tilespmem:s5+$0xB0];
	[tilespmem:s0+$0x1D0] =	vst v8  }
0x977: {  	v8 =	vld [tilespmem:s5+$0x1E0]  }
0x978: {  	[tilespmem:s0+$0x120] =	vst v0;
	v3 =	vld [tilespmem:s13+$0x1E0]  }
0x979: {  	v0 =	vsub.f32 v4, v2;
	[tilespmem:s0+$0xFFFFFFA0] =	vst v1;
	v1 =	vld [tilespmem:s13+$0xFFFFFF30]  }
0x97a: {  	v2 =	vld [tilespmem:s13+$0xB0]  }
0x97b: {  	v4 =	vld [tilespmem:s5+$0x130];
	[tilespmem:s0+$0xFFFFFE30] =	vst v0  }
0x97c: {  	v47 =	vld [tilespmem:s5+$0xFFFFFE40];
	v0 =	vsub.f32 v42, v5  }
0x97d: {  	v5 =	vld [tilespmem:s13+$0x130]  }
0x97e: {  	v3 =	vsub.f32 v8, v3;
	[tilespmem:s0+$0xFFFFFEB0] =	vst v0;
	v0 =	vsub.f32 v43, v1;
	v1 =	vld [tilespmem:s13+$0xFFFFFE40]  }
0x97f: {  	v8 =	vld [tilespmem:s5+$0xFFFFFFB0]  }
0x980: {  	v48 =	vld [tilespmem:s5+$0xFFFFFEC0];
	[tilespmem:s0+$0x1E0] =	vst v3;
	v3 =	vsub.f32 v39, v7  }
0x981: {  	v7 =	vld [tilespmem:s5+$0x1F0]  }
0x982: {  	[tilespmem:s0+$0x20] =	vst v3;
	v3 =	vld [tilespmem:s13+$0xFFFFFFB0]  }
0x983: {  	v45 =	vld [tilespmem:s5+$0x30];
	v1 =	vsub.f32 v47, v1  }
0x984: {  	v6 =	vld [tilespmem:s13+$0x30]  }
0x985: {  	v44 =	vld [tilespmem:s13+$0x1F0];
	[tilespmem:s0+$0xFFFFFE40] =	vst v1  }
0x986: {  	v52 =	vld [tilespmem:s5+$0xFFFFFE50]  }
0x987: {  	[tilespmem:s0+$0xFFFFFF30] =	vst v0;
	v0 =	vsub.f32 v8, v3;
	v3 =	vld [tilespmem:s13+$0xFFFFFEC0]  }
0x988: {  	v8 =	vld [tilespmem:s5+$0xFFFFFF40]  }
0x989: {  	[tilespmem:s0+$0xFFFFFFB0] =	vst v0;
	v0 =	vsub.f32 v45, v6;
	v6 =	vld [tilespmem:s13+$0xFFFFFF40]  }
0x98a: {  	v49 =	vld [tilespmem:s5+$0xFFFFFFC0]  }
0x98b: {  	[tilespmem:s0+$0x30] =	vst v0;
	v0 =	vsub.f32 v46, v2;
	v2 =	vld [tilespmem:s13+$0xFFFFFFC0]  }
0x98c: {  	v50 =	vld [tilespmem:s5+$0x40]  }
0x98d: {  	v1 =	vsub.f32 v48, v3;
	[tilespmem:s0+$0xB0] =	vst v0;
	v0 =	vsub.f32 v4, v5;
	v4 =	vld [tilespmem:s13+$0x40]  }
0x98e: {  	v5 =	vld [tilespmem:s5+$0xC0]  }
0x98f: {  	[tilespmem:s0+$0xFFFFFEC0] =	vst v1;
	v1 =	vsub.f32 v8, v6;
	v6 =	vld [tilespmem:s13+$0xFFFFFE50]  }
0x990: {  	[tilespmem:s0+$0x130] =	vst v0;
	v0 =	vld [tilespmem:s13+$0xC0]  }
0x991: {  	v8 =	vld [tilespmem:s5+$0xFFFFFED0]  }
0x992: {  	v51 =	vld [tilespmem:s5+$0x140]  }
0x993: {  	v3 =	vld [tilespmem:s13+$0x140]  }
0x994: {  	[tilespmem:s0+$0xFFFFFF40] =	vst v1;
	v1 =	vsub.f32 v49, v2;
	v2 =	vld [tilespmem:s13+$0xFFFFFED0]  }
0x995: {  	v53 =	vld [tilespmem:s5+$0xFFFFFF50]  }
0x996: {  	[tilespmem:s0+$0xFFFFFFC0] =	vst v1;
	v1 =	vsub.f32 v50, v4;
	v4 =	vld [tilespmem:s13+$0xFFFFFF50]  }
0x997: {  	v54 =	vld [tilespmem:s5+$0xFFFFFFD0];
	v6 =	vsub.f32 v52, v6  }
0x998: {  	[tilespmem:s0+$0x40] =	vst v1;
	v0 =	vsub.f32 v5, v0;
	v1 =	vld [tilespmem:s13+$0xFFFFFFD0]  }
0x999: {  	v5 =	vld [tilespmem:s5+$0x50];
	[tilespmem:s0+$0xFFFFFE50] =	vst v6  }
0x99a: {  	[tilespmem:s0+$0xC0] =	vst v0;
	v0 =	vsub.f32 v51, v3;
	v3 =	vld [tilespmem:s13+$0x50]  }
0x99b: {  	v2 =	vsub.f32 v8, v2;
	v8 =	vld [tilespmem:s5+$0xFFFFFE60]  }
0x99c: {  	v55 =	vld [tilespmem:s5+$0xD0]  }
0x99d: {  	[tilespmem:s0+$0xFFFFFED0] =	vst v2;
	v2 =	vsub.f32 v53, v4;
	v4 =	vld [tilespmem:s13+$0xFFFFFE60]  }
0x99e: {  	[tilespmem:s0+$0x140] =	vst v0;
	v0 =	vld [tilespmem:s13+$0xD0]  }
0x99f: {  	v57 =	vld [tilespmem:s5+$0xFFFFFEE0]  }
0x9a0: {  	v56 =	vld [tilespmem:s5+$0x150]  }
0x9a1: {  	v6 =	vld [tilespmem:s13+$0x150]  }
0x9a2: {  	[tilespmem:s0+$0xFFFFFF50] =	vst v2;
	v1 =	vsub.f32 v54, v1;
	v2 =	vld [tilespmem:s13+$0xFFFFFEE0]  }
0x9a3: {  	v58 =	vld [tilespmem:s5+$0xFFFFFF60]  }
0x9a4: {  	[tilespmem:s0+$0xFFFFFFD0] =	vst v1;
	v1 =	vsub.f32 v5, v3;
	v3 =	vld [tilespmem:s13+$0xFFFFFF60]  }
0x9a5: {  	v5 =	vld [tilespmem:s5+$0xFFFFFFE0];
	v4 =	vsub.f32 v8, v4  }
0x9a6: {  	[tilespmem:s0+$0x50] =	vst v1;
	v0 =	vsub.f32 v55, v0;
	v1 =	vld [tilespmem:s13+$0xFFFFFFE0]  }
0x9a7: {  	v59 =	vld [tilespmem:s5+$0x60];
	[tilespmem:s0+$0xFFFFFE60] =	vst v4  }
0x9a8: {  	[tilespmem:s0+$0xD0] =	vst v0;
	v0 =	vsub.f32 v56, v6;
	v6 =	vld [tilespmem:s13+$0x60]  }
0x9a9: {  	v2 =	vsub.f32 v57, v2;
	v61 =	vld [tilespmem:s5+$0xFFFFFE70]  }
0x9aa: {  	v60 =	vld [tilespmem:s5+$0xE0]  }
0x9ab: {  	[tilespmem:s0+$0xFFFFFEE0] =	vst v2;
	v2 =	vsub.f32 v58, v3;
	v3 =	vld [tilespmem:s13+$0xFFFFFE70]  }
0x9ac: {  	[tilespmem:s0+$0x150] =	vst v0;
	v0 =	vld [tilespmem:s13+$0xE0]  }
0x9ad: {  	v62 =	vld [tilespmem:s5+$0xFFFFFEF0]  }
0x9ae: {  	v8 =	vld [tilespmem:s5+$0x160]  }
0x9af: {  	v4 =	vld [tilespmem:s13+$0x160]  }
0x9b0: {  	[tilespmem:s0+$0xFFFFFF60] =	vst v2;
	v1 =	vsub.f32 v5, v1;
	v5 =	vld [tilespmem:s13+$0xFFFFFEF0]  }
0x9b1: {  	v14 =	vld [tilespmem:s5+$0xFFFFFF70]  }
0x9b2: {  	[tilespmem:s0+$0xFFFFFFE0] =	vst v1;
	v1 =	vsub.f32 v59, v6;
	v6 =	vld [tilespmem:s13+$0xFFFFFF70]  }
0x9b3: {  	v2 =	vsub.f32 v7, v44;
	v7 =	vld [tilespmem:s5+$0xFFFFFFF0]  }
0x9b4: {  	v63 =	vld [tilespmem:s13+$0xFFFFFFF0];
	[tilespmem:s0+$0x60] =	vst v1;
	v1 =	vsub.f32 v60, v0  }
0x9b5: {  	[tilespmem:s0+$0x1F0] =	vst v2;
	v3 =	vsub.f32 v61, v3;
	v0 =	vld [tilespmem:s5+$0x70]  }
0x9b6: {  	v4 =	vsub.f32 v8, v4;
	v2 =	vld [tilespmem:s13+$0x70];
	[tilespmem:s0+$0xE0] =	vst v1  }
0x9b7: {  	[tilespmem:s0+$0xFFFFFE70] =	vst v3;
	v1 =	vld [tilespmem:s5+$0xF0];
	v6 =	vsub.f32 v14, v6  }
0x9b8: {  	v5 =	vsub.f32 v62, v5;
	[tilespmem:s0+$0x160] =	vst v4;
	v4 =	vld [tilespmem:s13+$0xF0]  }
0x9b9: {  	v3 =	vld [tilespmem:s5+$0x170];
	[tilespmem:s0+$0xFFFFFF70] =	vst v6;
	v6 =	vsub.f32 v7, v63  }
0x9ba: {  	s8 =	simm.s32 $0x15E80;
	[tilespmem:s0+$0xFFFFFEF0] =	vst v5;
	s5 =	simm.s32 $0x0;
	v5 =	vld [tilespmem:s13+$0x170]  }
.LBB2_27:
0x9bb: {  	v7 =	vld [tilespmem:s8+$0x180];
	[tilespmem:s0+$0xFFFFFFF0] =	vst v6;
	v0 =	vsub.f32 v0, v2;
	s13 =	sadd.s32 $0x400, s13  }
0x9bc: {  	v2 =	vld [tilespmem:s13+$0x180]  }
0x9bd: {  	v6 =	vld [tilespmem:s13+$0xFFFFFE00];
	[tilespmem:s0+$0x70] =	vst v0;
	v0 =	vsub.f32 v1, v4  }
0x9be: {  	v1 =	vld [tilespmem:s8+$0xFFFFFE80]  }
0x9bf: {  	v4 =	vld [tilespmem:s13+$0xFFFFFE80];
	[tilespmem:s0+$0xF0] =	vst v0;
	v0 =	vsub.f32 v3, v5  }
0x9c0: {  	v3 =	vld [tilespmem:s8+$0xFFFFFF00]  }
0x9c1: {  	v5 =	vld [tilespmem:s13+$0xFFFFFF00];
	v2 =	vsub.f32 v7, v2;
	[tilespmem:s0+$0x170] =	vst v0  }
0x9c2: {  	s0 =	sadd.s32 $0x400, s0;
	v0 =	vld [tilespmem:s8+$0xFFFFFF80]  }
0x9c3: {  	s5 =	sadd.s32 $0x8, s5;
	v7 =	vld [tilespmem:s13+$0xFFFFFF80];
	[tilespmem:s0+$0x180] =	vst v2  }
0x9c4: {  	p1 =	slt.u32 s5, $0x20;
	v1 =	vsub.f32 v1, v4;
	v2 =	vld [tilespmem:s8+$0x190]  }
0x9c5: {  	v4 =	vld [tilespmem:s13+$0x190]  }
0x9c6: {  	[tilespmem:s0+$0xFFFFFE80] =	vst v1;
	v1 =	vsub.f32 v3, v5;
	v3 =	vld [tilespmem:s8+$0x0]  }
0x9c7: {  	v5 =	vld [tilespmem:s13+$0x0]  }
0x9c8: {  	[tilespmem:s0+$0xFFFFFF00] =	vst v1;
	v0 =	vsub.f32 v0, v7;
	v1 =	vld [tilespmem:s8+$0x80]  }
0x9c9: {  	v7 =	vld [tilespmem:s13+$0x80]  }
0x9ca: {  	[tilespmem:s0+$0xFFFFFF80] =	vst v0;
	v0 =	vld [tilespmem:s8+$0x100];
	v2 =	vsub.f32 v2, v4  }
0x9cb: {  	v4 =	vld [tilespmem:s13+$0x100]  }
0x9cc: {  	v8 =	vld [tilespmem:s8+$0xFFFFFE00];
	v3 =	vsub.f32 v3, v5;
	[tilespmem:s0+$0x190] =	vst v2  }
0x9cd: {  	v2 =	vld [tilespmem:s8+$0x1A0]  }
0x9ce: {  	[tilespmem:s0+$0x0] =	vst v3;
	v1 =	vsub.f32 v1, v7;
	v3 =	vld [tilespmem:s13+$0x1A0]  }
0x9cf: {  	v5 =	vld [tilespmem:s8+$0xFFFFFE90]  }
0x9d0: {  	v7 =	vld [tilespmem:s13+$0xFFFFFE90];
	[tilespmem:s0+$0x80] =	vst v1;
	v0 =	vsub.f32 v0, v4  }
0x9d1: {  	v1 =	vsub.f32 v8, v6;
	v4 =	vld [tilespmem:s8+$0xFFFFFF10]  }
0x9d2: {  	v6 =	vld [tilespmem:s13+$0xFFFFFF10];
	[tilespmem:s0+$0x100] =	vst v0  }
0x9d3: {  	[tilespmem:s0+$0xFFFFFE00] =	vst v1;
	v0 =	vld [tilespmem:s8+$0xFFFFFF90];
	v1 =	vsub.f32 v2, v3  }
0x9d4: {  	v2 =	vld [tilespmem:s8+$0xFFFFFE10]  }
0x9d5: {  	v3 =	vld [tilespmem:s13+$0xFFFFFE10];
	v5 =	vsub.f32 v5, v7;
	[tilespmem:s0+$0x1A0] =	vst v1  }
0x9d6: {  	v1 =	vld [tilespmem:s8+$0x1B0]  }
0x9d7: {  	[tilespmem:s0+$0xFFFFFE90] =	vst v5;
	v4 =	vsub.f32 v4, v6;
	v5 =	vld [tilespmem:s13+$0x1B0]  }
0x9d8: {  	v6 =	vld [tilespmem:s13+$0xFFFFFF90]  }
0x9d9: {  	[tilespmem:s0+$0xFFFFFF10] =	vst v4;
	v4 =	vld [tilespmem:s8+$0x10]  }
0x9da: {  	v2 =	vsub.f32 v2, v3;
	v3 =	vld [tilespmem:s13+$0x10]  }
0x9db: {  	v7 =	vld [tilespmem:s8+$0x90]  }
0x9dc: {  	[tilespmem:s0+$0xFFFFFE10] =	vst v2;
	v2 =	vld [tilespmem:s13+$0x90];
	v1 =	vsub.f32 v1, v5  }
0x9dd: {  	v0 =	vsub.f32 v0, v6;
	v5 =	vld [tilespmem:s8+$0x110]  }
0x9de: {  	v6 =	vld [tilespmem:s13+$0x110];
	[tilespmem:s0+$0x1B0] =	vst v1  }
0x9df: {  	[tilespmem:s0+$0xFFFFFF90] =	vst v0;
	v0 =	vsub.f32 v4, v3;
	v1 =	vld [tilespmem:s8+$0x1C0]  }
0x9e0: {  	v3 =	vld [tilespmem:s13+$0x1C0]  }
0x9e1: {  	v4 =	vld [tilespmem:s8+$0xFFFFFE20];
	[tilespmem:s0+$0x10] =	vst v0;
	v0 =	vsub.f32 v7, v2  }
0x9e2: {  	v2 =	vld [tilespmem:s13+$0xFFFFFE20]  }
0x9e3: {  	v7 =	vld [tilespmem:s8+$0xFFFFFEA0];
	[tilespmem:s0+$0x90] =	vst v0;
	v0 =	vsub.f32 v5, v6  }
0x9e4: {  	v5 =	vld [tilespmem:s13+$0xFFFFFEA0]  }
0x9e5: {  	v6 =	vld [tilespmem:s8+$0xFFFFFF20];
	[tilespmem:s0+$0x110] =	vst v0;
	v0 =	vsub.f32 v1, v3  }
0x9e6: {  	v1 =	vld [tilespmem:s13+$0xFFFFFF20]  }
0x9e7: {  	v2 =	vsub.f32 v4, v2;
	v3 =	vld [tilespmem:s8+$0xFFFFFFA0];
	[tilespmem:s0+$0x1C0] =	vst v0  }
0x9e8: {  	v0 =	vld [tilespmem:s8+$0x1D0]  }
0x9e9: {  	[tilespmem:s0+$0xFFFFFE20] =	vst v2;
	v2 =	vsub.f32 v7, v5;
	v4 =	vld [tilespmem:s13+$0x1D0]  }
0x9ea: {  	v5 =	vld [tilespmem:s13+$0xFFFFFFA0]  }
0x9eb: {  	[tilespmem:s0+$0xFFFFFEA0] =	vst v2;
	v1 =	vsub.f32 v6, v1;
	v2 =	vld [tilespmem:s8+$0x20]  }
0x9ec: {  	v6 =	vld [tilespmem:s13+$0x20]  }
0x9ed: {  	[tilespmem:s0+$0xFFFFFF20] =	vst v1;
	v1 =	vld [tilespmem:s8+$0xA0]  }
0x9ee: {  	v7 =	vld [tilespmem:s13+$0xA0];
	v0 =	vsub.f32 v0, v4  }
0x9ef: {  	v3 =	vsub.f32 v3, v5;
	v4 =	vld [tilespmem:s8+$0x120]  }
0x9f0: {  	v5 =	vld [tilespmem:s13+$0x120];
	[tilespmem:s0+$0x1D0] =	vst v0  }
0x9f1: {  	[tilespmem:s0+$0xFFFFFFA0] =	vst v3;
	v0 =	vsub.f32 v2, v6;
	v2 =	vld [tilespmem:s8+$0x1E0]  }
0x9f2: {  	v3 =	vld [tilespmem:s13+$0x1E0]  }
0x9f3: {  	v6 =	vld [tilespmem:s8+$0xFFFFFE30];
	[tilespmem:s0+$0x20] =	vst v0;
	v0 =	vsub.f32 v1, v7  }
0x9f4: {  	v1 =	vld [tilespmem:s13+$0xFFFFFE30]  }
0x9f5: {  	v7 =	vld [tilespmem:s8+$0xFFFFFEB0];
	[tilespmem:s0+$0xA0] =	vst v0;
	v0 =	vsub.f32 v4, v5  }
0x9f6: {  	v4 =	vld [tilespmem:s13+$0xFFFFFEB0]  }
0x9f7: {  	v5 =	vld [tilespmem:s8+$0xFFFFFF30];
	[tilespmem:s0+$0x120] =	vst v0;
	v0 =	vsub.f32 v2, v3  }
0x9f8: {  	v2 =	vld [tilespmem:s13+$0xFFFFFF30]  }
0x9f9: {  	v1 =	vsub.f32 v6, v1;
	v3 =	vld [tilespmem:s8+$0xFFFFFFB0];
	[tilespmem:s0+$0x1E0] =	vst v0  }
0x9fa: {  	v0 =	vld [tilespmem:s8+$0x1F0]  }
0x9fb: {  	[tilespmem:s0+$0xFFFFFE30] =	vst v1;
	v1 =	vsub.f32 v7, v4;
	v4 =	vld [tilespmem:s13+$0x1F0]  }
0x9fc: {  	v6 =	vld [tilespmem:s13+$0xFFFFFFB0]  }
0x9fd: {  	[tilespmem:s0+$0xFFFFFEB0] =	vst v1;
	v1 =	vsub.f32 v5, v2;
	v2 =	vld [tilespmem:s8+$0x30]  }
0x9fe: {  	v5 =	vld [tilespmem:s13+$0x30]  }
0x9ff: {  	[tilespmem:s0+$0xFFFFFF30] =	vst v1;
	v1 =	vld [tilespmem:s8+$0xB0]  }
0xa00: {  	v7 =	vld [tilespmem:s13+$0xB0];
	v0 =	vsub.f32 v0, v4  }
0xa01: {  	v3 =	vsub.f32 v3, v6;
	v4 =	vld [tilespmem:s8+$0x130]  }
0xa02: {  	v6 =	vld [tilespmem:s13+$0x130];
	[tilespmem:s0+$0x1F0] =	vst v0  }
0xa03: {  	v0 =	vld [tilespmem:s8+$0xFFFFFE40];
	[tilespmem:s0+$0xFFFFFFB0] =	vst v3;
	v2 =	vsub.f32 v2, v5  }
0xa04: {  	v3 =	vld [tilespmem:s13+$0xFFFFFE40]  }
0xa05: {  	v5 =	vld [tilespmem:s8+$0xFFFFFEC0];
	[tilespmem:s0+$0x30] =	vst v2;
	v1 =	vsub.f32 v1, v7  }
0xa06: {  	v2 =	vld [tilespmem:s13+$0xFFFFFEC0]  }
0xa07: {  	v7 =	vld [tilespmem:s8+$0xFFFFFF40];
	[tilespmem:s0+$0xB0] =	vst v1;
	v1 =	vsub.f32 v4, v6  }
0xa08: {  	v4 =	vld [tilespmem:s13+$0xFFFFFF40]  }
0xa09: {  	v0 =	vsub.f32 v0, v3;
	v3 =	vld [tilespmem:s8+$0xFFFFFFC0];
	[tilespmem:s0+$0x130] =	vst v1  }
0xa0a: {  	v1 =	vld [tilespmem:s13+$0xFFFFFFC0]  }
0xa0b: {  	[tilespmem:s0+$0xFFFFFE40] =	vst v0;
	v0 =	vsub.f32 v5, v2;
	v2 =	vld [tilespmem:s8+$0x40]  }
0xa0c: {  	v5 =	vld [tilespmem:s13+$0x40]  }
0xa0d: {  	[tilespmem:s0+$0xFFFFFEC0] =	vst v0;
	v0 =	vsub.f32 v7, v4;
	v4 =	vld [tilespmem:s8+$0xC0]  }
0xa0e: {  	v6 =	vld [tilespmem:s13+$0xC0]  }
0xa0f: {  	[tilespmem:s0+$0xFFFFFF40] =	vst v0;
	v0 =	vsub.f32 v3, v1;
	v1 =	vld [tilespmem:s8+$0x140]  }
0xa10: {  	v3 =	vld [tilespmem:s13+$0x140]  }
0xa11: {  	v7 =	vld [tilespmem:s8+$0xFFFFFE50];
	[tilespmem:s0+$0xFFFFFFC0] =	vst v0;
	v0 =	vsub.f32 v2, v5  }
0xa12: {  	v2 =	vld [tilespmem:s13+$0xFFFFFE50]  }
0xa13: {  	v5 =	vld [tilespmem:s8+$0xFFFFFED0];
	[tilespmem:s0+$0x40] =	vst v0;
	v0 =	vsub.f32 v4, v6  }
0xa14: {  	v4 =	vld [tilespmem:s13+$0xFFFFFED0]  }
0xa15: {  	v6 =	vld [tilespmem:s8+$0xFFFFFF50];
	[tilespmem:s0+$0xC0] =	vst v0;
	v0 =	vsub.f32 v1, v3  }
0xa16: {  	v1 =	vld [tilespmem:s13+$0xFFFFFF50]  }
0xa17: {  	v2 =	vsub.f32 v7, v2;
	v3 =	vld [tilespmem:s8+$0xFFFFFFD0];
	[tilespmem:s0+$0x140] =	vst v0  }
0xa18: {  	v0 =	vld [tilespmem:s13+$0xFFFFFFD0]  }
0xa19: {  	[tilespmem:s0+$0xFFFFFE50] =	vst v2;
	v2 =	vsub.f32 v5, v4;
	v4 =	vld [tilespmem:s8+$0x50]  }
0xa1a: {  	v5 =	vld [tilespmem:s13+$0x50]  }
0xa1b: {  	[tilespmem:s0+$0xFFFFFED0] =	vst v2;
	v1 =	vsub.f32 v6, v1;
	v2 =	vld [tilespmem:s8+$0xD0]  }
0xa1c: {  	v6 =	vld [tilespmem:s13+$0xD0]  }
0xa1d: {  	[tilespmem:s0+$0xFFFFFF50] =	vst v1;
	v0 =	vsub.f32 v3, v0;
	v1 =	vld [tilespmem:s8+$0x150]  }
0xa1e: {  	v3 =	vld [tilespmem:s13+$0x150]  }
0xa1f: {  	v7 =	vld [tilespmem:s8+$0xFFFFFE60];
	[tilespmem:s0+$0xFFFFFFD0] =	vst v0;
	v0 =	vsub.f32 v4, v5  }
0xa20: {  	v4 =	vld [tilespmem:s13+$0xFFFFFE60]  }
0xa21: {  	v5 =	vld [tilespmem:s8+$0xFFFFFEE0];
	[tilespmem:s0+$0x50] =	vst v0;
	v0 =	vsub.f32 v2, v6  }
0xa22: {  	v2 =	vld [tilespmem:s13+$0xFFFFFEE0]  }
0xa23: {  	v6 =	vld [tilespmem:s8+$0xFFFFFF60];
	[tilespmem:s0+$0xD0] =	vst v0;
	v0 =	vsub.f32 v1, v3  }
0xa24: {  	v1 =	vld [tilespmem:s13+$0xFFFFFF60]  }
0xa25: {  	v3 =	vsub.f32 v7, v4;
	v4 =	vld [tilespmem:s8+$0xFFFFFFE0];
	[tilespmem:s0+$0x150] =	vst v0  }
0xa26: {  	v0 =	vld [tilespmem:s13+$0xFFFFFFE0]  }
0xa27: {  	[tilespmem:s0+$0xFFFFFE60] =	vst v3;
	v2 =	vsub.f32 v5, v2;
	v3 =	vld [tilespmem:s8+$0x60]  }
0xa28: {  	v5 =	vld [tilespmem:s13+$0x60]  }
0xa29: {  	[tilespmem:s0+$0xFFFFFEE0] =	vst v2;
	v1 =	vsub.f32 v6, v1;
	v2 =	vld [tilespmem:s8+$0xE0]  }
0xa2a: {  	v6 =	vld [tilespmem:s13+$0xE0]  }
0xa2b: {  	[tilespmem:s0+$0xFFFFFF60] =	vst v1;
	v0 =	vsub.f32 v4, v0;
	v1 =	vld [tilespmem:s8+$0x160]  }
0xa2c: {  	v4 =	vld [tilespmem:s13+$0x160]  }
0xa2d: {  	v7 =	vld [tilespmem:s8+$0xFFFFFE70];
	[tilespmem:s0+$0xFFFFFFE0] =	vst v0;
	v0 =	vsub.f32 v3, v5  }
0xa2e: {  	v3 =	vld [tilespmem:s13+$0xFFFFFE70]  }
0xa2f: {  	v5 =	vld [tilespmem:s8+$0xFFFFFEF0];
	[tilespmem:s0+$0x60] =	vst v0;
	v0 =	vsub.f32 v2, v6  }
0xa30: {  	v2 =	vld [tilespmem:s13+$0xFFFFFEF0]  }
0xa31: {  	v6 =	vld [tilespmem:s8+$0xFFFFFF70];
	[tilespmem:s0+$0xE0] =	vst v0;
	v0 =	vsub.f32 v1, v4  }
0xa32: {  	v1 =	vld [tilespmem:s13+$0xFFFFFF70]  }
0xa33: {  	v3 =	vsub.f32 v7, v3;
	v7 =	vld [tilespmem:s8+$0xFFFFFFF0];
	[tilespmem:s0+$0x160] =	vst v0  }
0xa34: {  	v8 =	vld [tilespmem:s13+$0xFFFFFFF0]  }
0xa35: {  	[tilespmem:s0+$0xFFFFFE70] =	vst v3;
	v3 =	vsub.f32 v5, v2;
	v0 =	vld [tilespmem:s8+$0x70]  }
.Ltmp12:
0xa36: {  	v2 =	vld [tilespmem:s13+$0x70];
	(pc) =	sbr.rel @p1 .LBB2_27-.Ltmp12, $4  }
0xa37: {  	[tilespmem:s0+$0xFFFFFEF0] =	vst v3;
	v3 =	vsub.f32 v6, v1;
	v1 =	vld [tilespmem:s8+$0xF0]  }
0xa38: {  	v4 =	vld [tilespmem:s13+$0xF0]  }
0xa39: {  	[tilespmem:s0+$0xFFFFFF70] =	vst v3;
	v6 =	vsub.f32 v7, v8;
	v3 =	vld [tilespmem:s8+$0x170]  }
0xa3a: {  	s8 =	sadd.s32 $0x400, s8;
	v5 =	vld [tilespmem:s13+$0x170]  }
0xa3b: {  	_ =	sdelay $0x1  }
0xa3c: {  	v0 =	vsub.f32 v0, v2  }
0xa3d: {  	[tilespmem:s0+$0xFFFFFFF0] =	vst v6;
	p1 =	seq.s32 s12, $0x18;
	v1 =	vsub.f32 v1, v4  }
0xa3e: {  	s13 =	smul.u32 @!p1 $0x50, s12;
	[tilespmem:s0+$0x70] =	vst v0;
	v0 =	vsub.f32 v3, v5  }
0xa3f: {  	[tilespmem:s0+$0xF0] =	vst v1  }
0xa40: {  	s5 =	simm.s32 @!p1 $0x28;
	s8 =	simm.s32 @!p1 $0x15880;
	[tilespmem:s0+$0x170] =	vst v0;
	s0 =	sadd.s32 @!p1 $0x138D0, s13  }
0xa41: {  	[tilespmem:s8], [sflag:$0x1] =	stream.indirect.gather @!p1 [spmem:s3], $0x80, s0, s5, $0xb8;
	[tilespmem:$0x1D080] =	vst v63  }
0xa42: {  	s0 =	sadd.s32 @!p1 $0x140D0, s13;
	s8 =	simm.s32 @!p1 $0x18080;
	s13 =	simm.s32 @p1 $0x780  }
0xa43: {  	[tilespmem:s8], [sflag:$0x1] =	stream.indirect.gather @!p1 [spmem:s3], $0x80, s0, s5, $0xb8;
	[tilespmem:$0x1D080] =	vst v63  }
0xa44: {  	s8 =	sadd.s32 s13, s26  }
0xa45: {  	s0 =	sshll.u32 s8, $0x4  }
0xa46: {  	s0 =	sadd.s32 s2, s0  }
0xa47: {  	[hbm4b:s0+s4] =	stream.linear.scatter [tilespmem:s17], [sflag:$0x3], $0x1400, $0x38;
	[tilespmem:$0x1D080] =	vst v63  }
0xa48: {  	_ =	swait.ge [sflag:s20], $0x1400  }
0xa49: {  	[sflag:s20] =	ssyncset.done $0x0  }
0xa4a: {  	[sflag:s20] =	ssyncadd.s32 $0xFFFFEC00  }
0xa4b: {  	_ =	swait.ge [sflag:s20], $0x1400  }
0xa4c: {  	[sflag:s20] =	ssyncset.done $0x0  }
0xa4d: {  	[sflag:s20] =	ssyncadd.s32 $0xFFFFEC00  }
0xa4e: {  	_ =	swait.ge [sflag:s7], $0x1400  }
0xa4f: {  	[sflag:s7] =	ssyncset.done $0x0  }
0xa50: {  	s10 =	simm.s32 $0x16E80;
	[sflag:s7] =	ssyncadd.s32 $0xFFFFEC00  }
0xa51: {  	s0 =	simm.s32 $0x19680;
	v0 =	vld [tilespmem:s10+$0x180]  }
0xa52: {  	v1 =	vld [tilespmem:s0+$0x180]  }
0xa53: {  	v2 =	vld [tilespmem:s0+$0xFFFFFE00]  }
0xa54: {  	v3 =	vld [tilespmem:s10+$0xFFFFFE80]  }
0xa55: {  	v4 =	vld [tilespmem:s0+$0xFFFFFE80]  }
0xa56: {  	v5 =	vld [tilespmem:s10+$0xFFFFFF00]  }
0xa57: {  	v6 =	vld [tilespmem:s0+$0xFFFFFF00]  }
0xa58: {  	v7 =	vld [tilespmem:s0+$0xFFFFFF80]  }
0xa59: {  	v9 =	vld [tilespmem:s10+$0x0]  }
0xa5a: {  	v10 =	vld [tilespmem:s0+$0x0]  }
0xa5b: {  	v11 =	vld [tilespmem:s10+$0x80]  }
0xa5c: {  	v12 =	vld [tilespmem:s0+$0x80];
	v0 =	vsub.f32 v0, v1  }
0xa5d: {  	s5 =	simm.s32 $0x1BE80;
	v1 =	vld [tilespmem:s10+$0xFFFFFF80]  }
0xa5e: {  	v3 =	vsub.f32 v3, v4;
	v4 =	vld [tilespmem:s10+$0xFFFFFE00];
	[tilespmem:s5+$0x180] =	vst v0  }
0xa5f: {  	v0 =	vld [tilespmem:s10+$0x190]  }
0xa60: {  	v8 =	vld [tilespmem:s0+$0x190]  }
0xa61: {  	v13 =	vld [tilespmem:s10+$0x100];
	[tilespmem:s5+$0xFFFFFE80] =	vst v3;
	v3 =	vsub.f32 v5, v6  }
0xa62: {  	v6 =	vld [tilespmem:s10+$0xFFFFFE90]  }
0xa63: {  	[tilespmem:s5+$0xFFFFFF00] =	vst v3;
	v3 =	vld [tilespmem:s0+$0xFFFFFE90];
	v1 =	vsub.f32 v1, v7  }
0xa64: {  	v2 =	vsub.f32 v4, v2;
	v4 =	vld [tilespmem:s10+$0xFFFFFF10]  }
0xa65: {  	[tilespmem:s5+$0xFFFFFF80] =	vst v1;
	v1 =	vld [tilespmem:s0+$0xFFFFFF10];
	v0 =	vsub.f32 v0, v8  }
0xa66: {  	[tilespmem:s5+$0xFFFFFE00] =	vst v2;
	v2 =	vld [tilespmem:s10+$0xFFFFFF90]  }
0xa67: {  	v32 =	vld [tilespmem:s0+$0xFFFFFF90];
	[tilespmem:s5+$0x190] =	vst v0  }
0xa68: {  	v0 =	vld [tilespmem:s10+$0x1A0]  }
0xa69: {  	v3 =	vsub.f32 v6, v3;
	v5 =	vld [tilespmem:s0+$0x1A0]  }
0xa6a: {  	v8 =	vld [tilespmem:s0+$0x100]  }
0xa6b: {  	v7 =	vld [tilespmem:s0+$0xFFFFFE10];
	[tilespmem:s5+$0xFFFFFE90] =	vst v3;
	v1 =	vsub.f32 v4, v1  }
0xa6c: {  	v4 =	vld [tilespmem:s10+$0xFFFFFEA0]  }
0xa6d: {  	[tilespmem:s5+$0xFFFFFF10] =	vst v1;
	v1 =	vsub.f32 v2, v32;
	v2 =	vld [tilespmem:s0+$0xFFFFFEA0]  }
0xa6e: {  	v0 =	vsub.f32 v0, v5;
	v5 =	vld [tilespmem:s10+$0xFFFFFE10]  }
0xa6f: {  	v36 =	vld [tilespmem:s10+$0xFFFFFF20];
	[tilespmem:s5+$0xFFFFFF90] =	vst v1  }
0xa70: {  	v1 =	vld [tilespmem:s0+$0xFFFFFF20];
	[tilespmem:s5+$0x1A0] =	vst v0;
	v0 =	vsub.f32 v9, v10  }
0xa71: {  	v37 =	vld [tilespmem:s10+$0xFFFFFFA0]  }
0xa72: {  	v30 =	vld [tilespmem:s10+$0x1B0];
	[tilespmem:s5+$0x0] =	vst v0;
	v0 =	vsub.f32 v11, v12  }
0xa73: {  	v31 =	vld [tilespmem:s0+$0x1B0];
	v5 =	vsub.f32 v5, v7  }
0xa74: {  	v33 =	vld [tilespmem:s10+$0x10];
	[tilespmem:s5+$0x80] =	vst v0;
	v0 =	vsub.f32 v13, v8  }
0xa75: {  	v34 =	vld [tilespmem:s10+$0x90];
	[tilespmem:s5+$0xFFFFFE10] =	vst v5  }
0xa76: {  	[tilespmem:s5+$0x100] =	vst v0;
	v0 =	vld [tilespmem:s0+$0x90]  }
0xa77: {  	v6 =	vld [tilespmem:s10+$0xFFFFFE20]  }
0xa78: {  	v9 =	vsub.f32 v30, v31;
	v3 =	vld [tilespmem:s0+$0xFFFFFE20]  }
0xa79: {  	v35 =	vld [tilespmem:s10+$0x110]  }
0xa7a: {  	v7 =	vld [tilespmem:s0+$0x110];
	[tilespmem:s5+$0x1B0] =	vst v9  }
0xa7b: {  	v2 =	vsub.f32 v4, v2;
	v9 =	vld [tilespmem:s10+$0x1C0]  }
0xa7c: {  	v1 =	vsub.f32 v36, v1;
	v5 =	vld [tilespmem:s0+$0x1C0]  }
0xa7d: {  	[tilespmem:s5+$0xFFFFFEA0] =	vst v2;
	v8 =	vld [tilespmem:s0+$0x10];
	v0 =	vsub.f32 v34, v0  }
0xa7e: {  	v42 =	vld [tilespmem:s10+$0xFFFFFEB0];
	[tilespmem:s5+$0xFFFFFF20] =	vst v1;
	v3 =	vsub.f32 v6, v3  }
0xa7f: {  	v43 =	vld [tilespmem:s10+$0xFFFFFF30];
	[tilespmem:s5+$0x90] =	vst v0  }
0xa80: {  	v0 =	vsub.f32 v35, v7;
	[tilespmem:s5+$0xFFFFFE20] =	vst v3;
	v40 =	vld [tilespmem:s10+$0xA0]  }
0xa81: {  	v5 =	vsub.f32 v9, v5;
	v4 =	vld [tilespmem:s10+$0xFFFFFE30]  }
0xa82: {  	[tilespmem:s5+$0x110] =	vst v0;
	v0 =	vld [tilespmem:s0+$0xA0]  }
0xa83: {  	[tilespmem:s5+$0x1C0] =	vst v5;
	v41 =	vld [tilespmem:s10+$0x120]  }
0xa84: {  	v5 =	vsub.f32 v33, v8;
	v8 =	vld [tilespmem:s10+$0x1D0]  }
0xa85: {  	v38 =	vld [tilespmem:s0+$0x1D0]  }
0xa86: {  	[tilespmem:s5+$0x10] =	vst v5;
	v5 =	vld [tilespmem:s0+$0xFFFFFFA0]  }
0xa87: {  	v6 =	vld [tilespmem:s0+$0x120]  }
0xa88: {  	v2 =	vld [tilespmem:s0+$0xFFFFFE30]  }
0xa89: {  	v39 =	vld [tilespmem:s10+$0x20];
	v0 =	vsub.f32 v40, v0  }
0xa8a: {  	v7 =	vld [tilespmem:s0+$0x20];
	v8 =	vsub.f32 v8, v38  }
0xa8b: {  	[tilespmem:s5+$0xA0] =	vst v0;
	v1 =	vsub.f32 v37, v5;
	v5 =	vld [tilespmem:s0+$0xFFFFFEB0]  }
0xa8c: {  	v0 =	vsub.f32 v41, v6;
	v46 =	vld [tilespmem:s10+$0xB0];
	[tilespmem:s5+$0x1D0] =	vst v8  }
0xa8d: {  	v8 =	vld [tilespmem:s10+$0x1E0]  }
0xa8e: {  	[tilespmem:s5+$0x120] =	vst v0;
	v3 =	vld [tilespmem:s0+$0x1E0]  }
0xa8f: {  	v0 =	vsub.f32 v4, v2;
	[tilespmem:s5+$0xFFFFFFA0] =	vst v1;
	v1 =	vld [tilespmem:s0+$0xFFFFFF30]  }
0xa90: {  	v2 =	vld [tilespmem:s0+$0xB0]  }
0xa91: {  	v4 =	vld [tilespmem:s10+$0x130];
	[tilespmem:s5+$0xFFFFFE30] =	vst v0  }
0xa92: {  	v47 =	vld [tilespmem:s10+$0xFFFFFE40];
	v0 =	vsub.f32 v42, v5  }
0xa93: {  	v5 =	vld [tilespmem:s0+$0x130]  }
0xa94: {  	v3 =	vsub.f32 v8, v3;
	[tilespmem:s5+$0xFFFFFEB0] =	vst v0;
	v0 =	vsub.f32 v43, v1;
	v1 =	vld [tilespmem:s0+$0xFFFFFE40]  }
0xa95: {  	v8 =	vld [tilespmem:s10+$0xFFFFFFB0]  }
0xa96: {  	v48 =	vld [tilespmem:s10+$0xFFFFFEC0];
	[tilespmem:s5+$0x1E0] =	vst v3;
	v3 =	vsub.f32 v39, v7  }
0xa97: {  	v7 =	vld [tilespmem:s10+$0x1F0]  }
0xa98: {  	[tilespmem:s5+$0x20] =	vst v3;
	v3 =	vld [tilespmem:s0+$0xFFFFFFB0]  }
0xa99: {  	v45 =	vld [tilespmem:s10+$0x30];
	v1 =	vsub.f32 v47, v1  }
0xa9a: {  	v6 =	vld [tilespmem:s0+$0x30]  }
0xa9b: {  	v44 =	vld [tilespmem:s0+$0x1F0];
	[tilespmem:s5+$0xFFFFFE40] =	vst v1  }
0xa9c: {  	v52 =	vld [tilespmem:s10+$0xFFFFFE50]  }
0xa9d: {  	[tilespmem:s5+$0xFFFFFF30] =	vst v0;
	v0 =	vsub.f32 v8, v3;
	v3 =	vld [tilespmem:s0+$0xFFFFFEC0]  }
0xa9e: {  	v8 =	vld [tilespmem:s10+$0xFFFFFF40]  }
0xa9f: {  	[tilespmem:s5+$0xFFFFFFB0] =	vst v0;
	v0 =	vsub.f32 v45, v6;
	v6 =	vld [tilespmem:s0+$0xFFFFFF40]  }
0xaa0: {  	v49 =	vld [tilespmem:s10+$0xFFFFFFC0]  }
0xaa1: {  	[tilespmem:s5+$0x30] =	vst v0;
	v0 =	vsub.f32 v46, v2;
	v2 =	vld [tilespmem:s0+$0xFFFFFFC0]  }
0xaa2: {  	v50 =	vld [tilespmem:s10+$0x40]  }
0xaa3: {  	v1 =	vsub.f32 v48, v3;
	[tilespmem:s5+$0xB0] =	vst v0;
	v0 =	vsub.f32 v4, v5;
	v4 =	vld [tilespmem:s0+$0x40]  }
0xaa4: {  	v5 =	vld [tilespmem:s10+$0xC0]  }
0xaa5: {  	[tilespmem:s5+$0xFFFFFEC0] =	vst v1;
	v1 =	vsub.f32 v8, v6;
	v6 =	vld [tilespmem:s0+$0xFFFFFE50]  }
0xaa6: {  	[tilespmem:s5+$0x130] =	vst v0;
	v0 =	vld [tilespmem:s0+$0xC0]  }
0xaa7: {  	v8 =	vld [tilespmem:s10+$0xFFFFFED0]  }
0xaa8: {  	v51 =	vld [tilespmem:s10+$0x140]  }
0xaa9: {  	v3 =	vld [tilespmem:s0+$0x140]  }
0xaaa: {  	[tilespmem:s5+$0xFFFFFF40] =	vst v1;
	v1 =	vsub.f32 v49, v2;
	v2 =	vld [tilespmem:s0+$0xFFFFFED0]  }
0xaab: {  	v53 =	vld [tilespmem:s10+$0xFFFFFF50]  }
0xaac: {  	[tilespmem:s5+$0xFFFFFFC0] =	vst v1;
	v1 =	vsub.f32 v50, v4;
	v4 =	vld [tilespmem:s0+$0xFFFFFF50]  }
0xaad: {  	v54 =	vld [tilespmem:s10+$0xFFFFFFD0];
	v6 =	vsub.f32 v52, v6  }
0xaae: {  	[tilespmem:s5+$0x40] =	vst v1;
	v0 =	vsub.f32 v5, v0;
	v1 =	vld [tilespmem:s0+$0xFFFFFFD0]  }
0xaaf: {  	v5 =	vld [tilespmem:s10+$0x50];
	[tilespmem:s5+$0xFFFFFE50] =	vst v6  }
0xab0: {  	[tilespmem:s5+$0xC0] =	vst v0;
	v0 =	vsub.f32 v51, v3;
	v3 =	vld [tilespmem:s0+$0x50]  }
0xab1: {  	v2 =	vsub.f32 v8, v2;
	v8 =	vld [tilespmem:s10+$0xFFFFFE60]  }
0xab2: {  	v55 =	vld [tilespmem:s10+$0xD0]  }
0xab3: {  	[tilespmem:s5+$0xFFFFFED0] =	vst v2;
	v2 =	vsub.f32 v53, v4;
	v4 =	vld [tilespmem:s0+$0xFFFFFE60]  }
0xab4: {  	[tilespmem:s5+$0x140] =	vst v0;
	v0 =	vld [tilespmem:s0+$0xD0]  }
0xab5: {  	v57 =	vld [tilespmem:s10+$0xFFFFFEE0]  }
0xab6: {  	v56 =	vld [tilespmem:s10+$0x150]  }
0xab7: {  	v6 =	vld [tilespmem:s0+$0x150]  }
0xab8: {  	[tilespmem:s5+$0xFFFFFF50] =	vst v2;
	v1 =	vsub.f32 v54, v1;
	v2 =	vld [tilespmem:s0+$0xFFFFFEE0]  }
0xab9: {  	v58 =	vld [tilespmem:s10+$0xFFFFFF60]  }
0xaba: {  	[tilespmem:s5+$0xFFFFFFD0] =	vst v1;
	v1 =	vsub.f32 v5, v3;
	v3 =	vld [tilespmem:s0+$0xFFFFFF60]  }
0xabb: {  	v5 =	vld [tilespmem:s10+$0xFFFFFFE0];
	v4 =	vsub.f32 v8, v4  }
0xabc: {  	[tilespmem:s5+$0x50] =	vst v1;
	v0 =	vsub.f32 v55, v0;
	v1 =	vld [tilespmem:s0+$0xFFFFFFE0]  }
0xabd: {  	v59 =	vld [tilespmem:s10+$0x60];
	[tilespmem:s5+$0xFFFFFE60] =	vst v4  }
0xabe: {  	[tilespmem:s5+$0xD0] =	vst v0;
	v0 =	vsub.f32 v56, v6;
	v6 =	vld [tilespmem:s0+$0x60]  }
0xabf: {  	v2 =	vsub.f32 v57, v2;
	v61 =	vld [tilespmem:s10+$0xFFFFFE70]  }
0xac0: {  	v60 =	vld [tilespmem:s10+$0xE0]  }
0xac1: {  	[tilespmem:s5+$0xFFFFFEE0] =	vst v2;
	v2 =	vsub.f32 v58, v3;
	v3 =	vld [tilespmem:s0+$0xFFFFFE70]  }
0xac2: {  	[tilespmem:s5+$0x150] =	vst v0;
	v0 =	vld [tilespmem:s0+$0xE0]  }
0xac3: {  	v62 =	vld [tilespmem:s10+$0xFFFFFEF0]  }
0xac4: {  	v8 =	vld [tilespmem:s10+$0x160]  }
0xac5: {  	v4 =	vld [tilespmem:s0+$0x160]  }
0xac6: {  	[tilespmem:s5+$0xFFFFFF60] =	vst v2;
	v1 =	vsub.f32 v5, v1;
	v5 =	vld [tilespmem:s0+$0xFFFFFEF0]  }
0xac7: {  	v14 =	vld [tilespmem:s10+$0xFFFFFF70]  }
0xac8: {  	[tilespmem:s5+$0xFFFFFFE0] =	vst v1;
	v1 =	vsub.f32 v59, v6;
	v6 =	vld [tilespmem:s0+$0xFFFFFF70]  }
0xac9: {  	v2 =	vsub.f32 v7, v44;
	v7 =	vld [tilespmem:s10+$0xFFFFFFF0]  }
0xaca: {  	v63 =	vld [tilespmem:s0+$0xFFFFFFF0];
	[tilespmem:s5+$0x60] =	vst v1;
	v1 =	vsub.f32 v60, v0  }
0xacb: {  	[tilespmem:s5+$0x1F0] =	vst v2;
	v3 =	vsub.f32 v61, v3;
	v0 =	vld [tilespmem:s10+$0x70]  }
0xacc: {  	v4 =	vsub.f32 v8, v4;
	v2 =	vld [tilespmem:s0+$0x70];
	[tilespmem:s5+$0xE0] =	vst v1  }
0xacd: {  	[tilespmem:s5+$0xFFFFFE70] =	vst v3;
	v1 =	vld [tilespmem:s10+$0xF0];
	v6 =	vsub.f32 v14, v6  }
0xace: {  	v5 =	vsub.f32 v62, v5;
	[tilespmem:s5+$0x160] =	vst v4;
	v4 =	vld [tilespmem:s0+$0xF0]  }
0xacf: {  	v3 =	vld [tilespmem:s10+$0x170];
	[tilespmem:s5+$0xFFFFFF70] =	vst v6;
	v6 =	vsub.f32 v7, v63  }
0xad0: {  	s8 =	simm.s32 $0x0;
	[tilespmem:s5+$0xFFFFFEF0] =	vst v5;
	v5 =	vld [tilespmem:s0+$0x170];
	s10 =	simm.s32 $0x17280  }
.LBB2_29:
0xad1: {  	v7 =	vld [tilespmem:s10+$0x180];
	[tilespmem:s5+$0xFFFFFFF0] =	vst v6;
	v0 =	vsub.f32 v0, v2;
	s0 =	sadd.s32 $0x400, s0  }
0xad2: {  	v2 =	vld [tilespmem:s0+$0x180]  }
0xad3: {  	v6 =	vld [tilespmem:s0+$0xFFFFFE00];
	[tilespmem:s5+$0x70] =	vst v0;
	v0 =	vsub.f32 v1, v4  }
0xad4: {  	v1 =	vld [tilespmem:s10+$0xFFFFFE80]  }
0xad5: {  	v4 =	vld [tilespmem:s0+$0xFFFFFE80];
	[tilespmem:s5+$0xF0] =	vst v0;
	v0 =	vsub.f32 v3, v5  }
0xad6: {  	v3 =	vld [tilespmem:s10+$0xFFFFFF00]  }
0xad7: {  	v5 =	vld [tilespmem:s0+$0xFFFFFF00];
	v2 =	vsub.f32 v7, v2;
	[tilespmem:s5+$0x170] =	vst v0  }
0xad8: {  	s5 =	sadd.s32 $0x400, s5;
	v0 =	vld [tilespmem:s10+$0xFFFFFF80]  }
0xad9: {  	s8 =	sadd.s32 $0x8, s8;
	v7 =	vld [tilespmem:s0+$0xFFFFFF80];
	[tilespmem:s5+$0x180] =	vst v2  }
0xada: {  	p2 =	slt.u32 s8, $0x20;
	v1 =	vsub.f32 v1, v4;
	v2 =	vld [tilespmem:s10+$0x190]  }
0xadb: {  	v4 =	vld [tilespmem:s0+$0x190]  }
0xadc: {  	[tilespmem:s5+$0xFFFFFE80] =	vst v1;
	v1 =	vsub.f32 v3, v5;
	v3 =	vld [tilespmem:s10+$0x0]  }
0xadd: {  	v5 =	vld [tilespmem:s0+$0x0]  }
0xade: {  	[tilespmem:s5+$0xFFFFFF00] =	vst v1;
	v0 =	vsub.f32 v0, v7;
	v1 =	vld [tilespmem:s10+$0x80]  }
0xadf: {  	v7 =	vld [tilespmem:s0+$0x80]  }
0xae0: {  	[tilespmem:s5+$0xFFFFFF80] =	vst v0;
	v0 =	vld [tilespmem:s10+$0x100];
	v2 =	vsub.f32 v2, v4  }
0xae1: {  	v4 =	vld [tilespmem:s0+$0x100]  }
0xae2: {  	v8 =	vld [tilespmem:s10+$0xFFFFFE00];
	v3 =	vsub.f32 v3, v5;
	[tilespmem:s5+$0x190] =	vst v2  }
0xae3: {  	v2 =	vld [tilespmem:s10+$0x1A0]  }
0xae4: {  	[tilespmem:s5+$0x0] =	vst v3;
	v1 =	vsub.f32 v1, v7;
	v3 =	vld [tilespmem:s0+$0x1A0]  }
0xae5: {  	v5 =	vld [tilespmem:s10+$0xFFFFFE90]  }
0xae6: {  	v7 =	vld [tilespmem:s0+$0xFFFFFE90];
	[tilespmem:s5+$0x80] =	vst v1;
	v0 =	vsub.f32 v0, v4  }
0xae7: {  	v1 =	vsub.f32 v8, v6;
	v4 =	vld [tilespmem:s10+$0xFFFFFF10]  }
0xae8: {  	v6 =	vld [tilespmem:s0+$0xFFFFFF10];
	[tilespmem:s5+$0x100] =	vst v0  }
0xae9: {  	[tilespmem:s5+$0xFFFFFE00] =	vst v1;
	v0 =	vld [tilespmem:s10+$0xFFFFFF90];
	v1 =	vsub.f32 v2, v3  }
0xaea: {  	v2 =	vld [tilespmem:s10+$0xFFFFFE10]  }
0xaeb: {  	v3 =	vld [tilespmem:s0+$0xFFFFFE10];
	v5 =	vsub.f32 v5, v7;
	[tilespmem:s5+$0x1A0] =	vst v1  }
0xaec: {  	v1 =	vld [tilespmem:s10+$0x1B0]  }
0xaed: {  	[tilespmem:s5+$0xFFFFFE90] =	vst v5;
	v4 =	vsub.f32 v4, v6;
	v5 =	vld [tilespmem:s0+$0x1B0]  }
0xaee: {  	v6 =	vld [tilespmem:s0+$0xFFFFFF90]  }
0xaef: {  	[tilespmem:s5+$0xFFFFFF10] =	vst v4;
	v4 =	vld [tilespmem:s10+$0x10]  }
0xaf0: {  	v2 =	vsub.f32 v2, v3;
	v3 =	vld [tilespmem:s0+$0x10]  }
0xaf1: {  	v7 =	vld [tilespmem:s10+$0x90]  }
0xaf2: {  	[tilespmem:s5+$0xFFFFFE10] =	vst v2;
	v2 =	vld [tilespmem:s0+$0x90];
	v1 =	vsub.f32 v1, v5  }
0xaf3: {  	v0 =	vsub.f32 v0, v6;
	v5 =	vld [tilespmem:s10+$0x110]  }
0xaf4: {  	v6 =	vld [tilespmem:s0+$0x110];
	[tilespmem:s5+$0x1B0] =	vst v1  }
0xaf5: {  	[tilespmem:s5+$0xFFFFFF90] =	vst v0;
	v0 =	vsub.f32 v4, v3;
	v1 =	vld [tilespmem:s10+$0x1C0]  }
0xaf6: {  	v3 =	vld [tilespmem:s0+$0x1C0]  }
0xaf7: {  	v4 =	vld [tilespmem:s10+$0xFFFFFE20];
	[tilespmem:s5+$0x10] =	vst v0;
	v0 =	vsub.f32 v7, v2  }
0xaf8: {  	v2 =	vld [tilespmem:s0+$0xFFFFFE20]  }
0xaf9: {  	v7 =	vld [tilespmem:s10+$0xFFFFFEA0];
	[tilespmem:s5+$0x90] =	vst v0;
	v0 =	vsub.f32 v5, v6  }
0xafa: {  	v5 =	vld [tilespmem:s0+$0xFFFFFEA0]  }
0xafb: {  	v6 =	vld [tilespmem:s10+$0xFFFFFF20];
	[tilespmem:s5+$0x110] =	vst v0;
	v0 =	vsub.f32 v1, v3  }
0xafc: {  	v1 =	vld [tilespmem:s0+$0xFFFFFF20]  }
0xafd: {  	v2 =	vsub.f32 v4, v2;
	v3 =	vld [tilespmem:s10+$0xFFFFFFA0];
	[tilespmem:s5+$0x1C0] =	vst v0  }
0xafe: {  	v0 =	vld [tilespmem:s10+$0x1D0]  }
0xaff: {  	[tilespmem:s5+$0xFFFFFE20] =	vst v2;
	v2 =	vsub.f32 v7, v5;
	v4 =	vld [tilespmem:s0+$0x1D0]  }
0xb00: {  	v5 =	vld [tilespmem:s0+$0xFFFFFFA0]  }
0xb01: {  	[tilespmem:s5+$0xFFFFFEA0] =	vst v2;
	v1 =	vsub.f32 v6, v1;
	v2 =	vld [tilespmem:s10+$0x20]  }
0xb02: {  	v6 =	vld [tilespmem:s0+$0x20]  }
0xb03: {  	[tilespmem:s5+$0xFFFFFF20] =	vst v1;
	v1 =	vld [tilespmem:s10+$0xA0]  }
0xb04: {  	v7 =	vld [tilespmem:s0+$0xA0];
	v0 =	vsub.f32 v0, v4  }
0xb05: {  	v3 =	vsub.f32 v3, v5;
	v4 =	vld [tilespmem:s10+$0x120]  }
0xb06: {  	v5 =	vld [tilespmem:s0+$0x120];
	[tilespmem:s5+$0x1D0] =	vst v0  }
0xb07: {  	[tilespmem:s5+$0xFFFFFFA0] =	vst v3;
	v0 =	vsub.f32 v2, v6;
	v2 =	vld [tilespmem:s10+$0x1E0]  }
0xb08: {  	v3 =	vld [tilespmem:s0+$0x1E0]  }
0xb09: {  	v6 =	vld [tilespmem:s10+$0xFFFFFE30];
	[tilespmem:s5+$0x20] =	vst v0;
	v0 =	vsub.f32 v1, v7  }
0xb0a: {  	v1 =	vld [tilespmem:s0+$0xFFFFFE30]  }
0xb0b: {  	v7 =	vld [tilespmem:s10+$0xFFFFFEB0];
	[tilespmem:s5+$0xA0] =	vst v0;
	v0 =	vsub.f32 v4, v5  }
0xb0c: {  	v4 =	vld [tilespmem:s0+$0xFFFFFEB0]  }
0xb0d: {  	v5 =	vld [tilespmem:s10+$0xFFFFFF30];
	[tilespmem:s5+$0x120] =	vst v0;
	v0 =	vsub.f32 v2, v3  }
0xb0e: {  	v2 =	vld [tilespmem:s0+$0xFFFFFF30]  }
0xb0f: {  	v1 =	vsub.f32 v6, v1;
	v3 =	vld [tilespmem:s10+$0xFFFFFFB0];
	[tilespmem:s5+$0x1E0] =	vst v0  }
0xb10: {  	v0 =	vld [tilespmem:s10+$0x1F0]  }
0xb11: {  	[tilespmem:s5+$0xFFFFFE30] =	vst v1;
	v1 =	vsub.f32 v7, v4;
	v4 =	vld [tilespmem:s0+$0x1F0]  }
0xb12: {  	v6 =	vld [tilespmem:s0+$0xFFFFFFB0]  }
0xb13: {  	[tilespmem:s5+$0xFFFFFEB0] =	vst v1;
	v1 =	vsub.f32 v5, v2;
	v2 =	vld [tilespmem:s10+$0x30]  }
0xb14: {  	v5 =	vld [tilespmem:s0+$0x30]  }
0xb15: {  	[tilespmem:s5+$0xFFFFFF30] =	vst v1;
	v1 =	vld [tilespmem:s10+$0xB0]  }
0xb16: {  	v7 =	vld [tilespmem:s0+$0xB0];
	v0 =	vsub.f32 v0, v4  }
0xb17: {  	v3 =	vsub.f32 v3, v6;
	v4 =	vld [tilespmem:s10+$0x130]  }
0xb18: {  	v6 =	vld [tilespmem:s0+$0x130];
	[tilespmem:s5+$0x1F0] =	vst v0  }
0xb19: {  	v0 =	vld [tilespmem:s10+$0xFFFFFE40];
	[tilespmem:s5+$0xFFFFFFB0] =	vst v3;
	v2 =	vsub.f32 v2, v5  }
0xb1a: {  	v3 =	vld [tilespmem:s0+$0xFFFFFE40]  }
0xb1b: {  	v5 =	vld [tilespmem:s10+$0xFFFFFEC0];
	[tilespmem:s5+$0x30] =	vst v2;
	v1 =	vsub.f32 v1, v7  }
0xb1c: {  	v2 =	vld [tilespmem:s0+$0xFFFFFEC0]  }
0xb1d: {  	v7 =	vld [tilespmem:s10+$0xFFFFFF40];
	[tilespmem:s5+$0xB0] =	vst v1;
	v1 =	vsub.f32 v4, v6  }
0xb1e: {  	v4 =	vld [tilespmem:s0+$0xFFFFFF40]  }
0xb1f: {  	v0 =	vsub.f32 v0, v3;
	v3 =	vld [tilespmem:s10+$0xFFFFFFC0];
	[tilespmem:s5+$0x130] =	vst v1  }
0xb20: {  	v1 =	vld [tilespmem:s0+$0xFFFFFFC0]  }
0xb21: {  	[tilespmem:s5+$0xFFFFFE40] =	vst v0;
	v0 =	vsub.f32 v5, v2;
	v2 =	vld [tilespmem:s10+$0x40]  }
0xb22: {  	v5 =	vld [tilespmem:s0+$0x40]  }
0xb23: {  	[tilespmem:s5+$0xFFFFFEC0] =	vst v0;
	v0 =	vsub.f32 v7, v4;
	v4 =	vld [tilespmem:s10+$0xC0]  }
0xb24: {  	v6 =	vld [tilespmem:s0+$0xC0]  }
0xb25: {  	[tilespmem:s5+$0xFFFFFF40] =	vst v0;
	v0 =	vsub.f32 v3, v1;
	v1 =	vld [tilespmem:s10+$0x140]  }
0xb26: {  	v3 =	vld [tilespmem:s0+$0x140]  }
0xb27: {  	v7 =	vld [tilespmem:s10+$0xFFFFFE50];
	[tilespmem:s5+$0xFFFFFFC0] =	vst v0;
	v0 =	vsub.f32 v2, v5  }
0xb28: {  	v2 =	vld [tilespmem:s0+$0xFFFFFE50]  }
0xb29: {  	v5 =	vld [tilespmem:s10+$0xFFFFFED0];
	[tilespmem:s5+$0x40] =	vst v0;
	v0 =	vsub.f32 v4, v6  }
0xb2a: {  	v4 =	vld [tilespmem:s0+$0xFFFFFED0]  }
0xb2b: {  	v6 =	vld [tilespmem:s10+$0xFFFFFF50];
	[tilespmem:s5+$0xC0] =	vst v0;
	v0 =	vsub.f32 v1, v3  }
0xb2c: {  	v1 =	vld [tilespmem:s0+$0xFFFFFF50]  }
0xb2d: {  	v2 =	vsub.f32 v7, v2;
	v3 =	vld [tilespmem:s10+$0xFFFFFFD0];
	[tilespmem:s5+$0x140] =	vst v0  }
0xb2e: {  	v0 =	vld [tilespmem:s0+$0xFFFFFFD0]  }
0xb2f: {  	[tilespmem:s5+$0xFFFFFE50] =	vst v2;
	v2 =	vsub.f32 v5, v4;
	v4 =	vld [tilespmem:s10+$0x50]  }
0xb30: {  	v5 =	vld [tilespmem:s0+$0x50]  }
0xb31: {  	[tilespmem:s5+$0xFFFFFED0] =	vst v2;
	v1 =	vsub.f32 v6, v1;
	v2 =	vld [tilespmem:s10+$0xD0]  }
0xb32: {  	v6 =	vld [tilespmem:s0+$0xD0]  }
0xb33: {  	[tilespmem:s5+$0xFFFFFF50] =	vst v1;
	v0 =	vsub.f32 v3, v0;
	v1 =	vld [tilespmem:s10+$0x150]  }
0xb34: {  	v3 =	vld [tilespmem:s0+$0x150]  }
0xb35: {  	v7 =	vld [tilespmem:s10+$0xFFFFFE60];
	[tilespmem:s5+$0xFFFFFFD0] =	vst v0;
	v0 =	vsub.f32 v4, v5  }
0xb36: {  	v4 =	vld [tilespmem:s0+$0xFFFFFE60]  }
0xb37: {  	v5 =	vld [tilespmem:s10+$0xFFFFFEE0];
	[tilespmem:s5+$0x50] =	vst v0;
	v0 =	vsub.f32 v2, v6  }
0xb38: {  	v2 =	vld [tilespmem:s0+$0xFFFFFEE0]  }
0xb39: {  	v6 =	vld [tilespmem:s10+$0xFFFFFF60];
	[tilespmem:s5+$0xD0] =	vst v0;
	v0 =	vsub.f32 v1, v3  }
0xb3a: {  	v1 =	vld [tilespmem:s0+$0xFFFFFF60]  }
0xb3b: {  	v3 =	vsub.f32 v7, v4;
	v4 =	vld [tilespmem:s10+$0xFFFFFFE0];
	[tilespmem:s5+$0x150] =	vst v0  }
0xb3c: {  	v0 =	vld [tilespmem:s0+$0xFFFFFFE0]  }
0xb3d: {  	[tilespmem:s5+$0xFFFFFE60] =	vst v3;
	v2 =	vsub.f32 v5, v2;
	v3 =	vld [tilespmem:s10+$0x60]  }
0xb3e: {  	v5 =	vld [tilespmem:s0+$0x60]  }
0xb3f: {  	[tilespmem:s5+$0xFFFFFEE0] =	vst v2;
	v1 =	vsub.f32 v6, v1;
	v2 =	vld [tilespmem:s10+$0xE0]  }
0xb40: {  	v6 =	vld [tilespmem:s0+$0xE0]  }
0xb41: {  	[tilespmem:s5+$0xFFFFFF60] =	vst v1;
	v0 =	vsub.f32 v4, v0;
	v1 =	vld [tilespmem:s10+$0x160]  }
0xb42: {  	v4 =	vld [tilespmem:s0+$0x160]  }
0xb43: {  	v7 =	vld [tilespmem:s10+$0xFFFFFE70];
	[tilespmem:s5+$0xFFFFFFE0] =	vst v0;
	v0 =	vsub.f32 v3, v5  }
0xb44: {  	v3 =	vld [tilespmem:s0+$0xFFFFFE70]  }
0xb45: {  	v5 =	vld [tilespmem:s10+$0xFFFFFEF0];
	[tilespmem:s5+$0x60] =	vst v0;
	v0 =	vsub.f32 v2, v6  }
0xb46: {  	v2 =	vld [tilespmem:s0+$0xFFFFFEF0]  }
0xb47: {  	v6 =	vld [tilespmem:s10+$0xFFFFFF70];
	[tilespmem:s5+$0xE0] =	vst v0;
	v0 =	vsub.f32 v1, v4  }
0xb48: {  	v1 =	vld [tilespmem:s0+$0xFFFFFF70]  }
0xb49: {  	v3 =	vsub.f32 v7, v3;
	v7 =	vld [tilespmem:s10+$0xFFFFFFF0];
	[tilespmem:s5+$0x160] =	vst v0  }
0xb4a: {  	v8 =	vld [tilespmem:s0+$0xFFFFFFF0]  }
0xb4b: {  	[tilespmem:s5+$0xFFFFFE70] =	vst v3;
	v3 =	vsub.f32 v5, v2;
	v0 =	vld [tilespmem:s10+$0x70]  }
.Ltmp13:
0xb4c: {  	v2 =	vld [tilespmem:s0+$0x70];
	(pc) =	sbr.rel @p2 .LBB2_29-.Ltmp13, $4  }
0xb4d: {  	[tilespmem:s5+$0xFFFFFEF0] =	vst v3;
	v3 =	vsub.f32 v6, v1;
	v1 =	vld [tilespmem:s10+$0xF0]  }
0xb4e: {  	v4 =	vld [tilespmem:s0+$0xF0]  }
0xb4f: {  	[tilespmem:s5+$0xFFFFFF70] =	vst v3;
	v6 =	vsub.f32 v7, v8;
	v3 =	vld [tilespmem:s10+$0x170]  }
0xb50: {  	s10 =	sadd.s32 $0x400, s10;
	v5 =	vld [tilespmem:s0+$0x170]  }
0xb51: {  	_ =	sdelay $0x1  }
0xb52: {  	v0 =	vsub.f32 v0, v2  }
0xb53: {  	[tilespmem:s5+$0xFFFFFFF0] =	vst v6;
	v1 =	vsub.f32 v1, v4  }
0xb54: {  	[tilespmem:s5+$0x70] =	vst v0;
	v63 =	vsub.f32 v3, v5  }
0xb55: {  	[tilespmem:s5+$0xF0] =	vst v1  }
0xb56: {  	s0 =	sadd.s32 @!p1 $0x138F8, s13;
	s8 =	simm.s32 @!p1 $0x16C80;
	[tilespmem:s5+$0x170] =	vst v63;
	s5 =	simm.s32 @!p1 $0x28  }
0xb57: {  	[tilespmem:s8], [sflag:$0x2] =	stream.indirect.gather @!p1 [spmem:s3], $0x80, s0, s5, $0xb8;
	[tilespmem:$0x1D080] =	vst v63  }
0xb58: {  	s12 =	sadd.s32 $0x1, s12;
	s0 =	sadd.s32 @!p1 $0x140F8, s13;
	s8 =	simm.s32 @!p1 $0x19480  }
0xb59: {  	[tilespmem:s8], [sflag:$0x2] =	stream.indirect.gather @!p1 [spmem:s3], $0x80, s0, s5, $0xb8;
	[tilespmem:$0x1D080] =	vst v63  }
0xb5a: {  	p1 =	sne.s32 s12, $0x19  }
.Ltmp14:
0xb5b: {  	_ = 	snop;
	(pc) =	sbr.rel @p1 .LBB2_26-.Ltmp14, $4  }
0xb5c: {  	s13 =	sadd.s32 s13, s28  }
0xb5d: {  	s0 =	sshll.u32 s13, $0x4  }
0xb5e: {  	s0 =	sadd.s32 s2, s0  }
0xb5f: {  	[hbm4b:s0+s4] =	stream.linear.scatter [tilespmem:s21], [sflag:$0x4], $0x1400, $0x38;
	[tilespmem:$0x1D080] =	vst v63  }
0xb60: {  	_ =	swait.ge [sflag:s25], $0x1400  }
0xb61: {  	[sflag:s25] =	ssyncset.done $0x0  }
0xb62: {  	[sflag:s25] =	ssyncadd.s32 $0xFFFFEC00  }
0xb63: {  	_ =	swait.ge [sflag:s7], $0x1400  }
0xb64: {  	s9 =	sadd.s32 $0x1, s9;
	s0 =	rddreg [dreg:$0xf]  }
0xb65: {  	p1 =	sne.s32 s9, s0  }
.Ltmp15:
0xb66: {  	_ = 	snop;
	(pc) =	sbr.rel @p1 .LBB2_1-.Ltmp15, $3  }
0xb67: {  	_ =	sdelay $0x1  }
0xb68: {  	[sflag:s7] =	ssyncset.done $0x0  }
0xb69: {  	[sflag:s7] =	ssyncadd.s32 $0xFFFFEC00  }
0xb6a: {  	_ =	sfence.sel $0x180000  }
0xb6b: {  	[bflag:$0x0] =	sbarrier.arrive $0xFFFF  }
0xb6c: {  	_ =	strace $0x90000047  }
0xb6d: {  	s0 =	stileid.u32;
	[bflag:$0x2] =	sbarrier.arrive $0xFFFF  }
0xb6e: {  	p0 =	sne.s32 s0, $0x0;
	s0 =	rddreg [dreg:$0x3]  }
0xb6f: {  	s0 =	sadd.s32 @!p0 $0x100000, s0  }
0xb70: {  	[sflag:s0] =	ssyncadd.tile.s32 @!p0 $0x1;
	_ =	shalt  }
.Lfunc_end2:
_tile_overlayer_lowered:
.L_overlay_start_2:
0xb71: {  	(tag) =	ssettag $0x2  }
0xb72: {  	s0 =	rddreg [dreg:$0x0];
	s2 =	stileid.u32  }
0xb73: {  	s1 =	rddreg [dreg:$0x1];
	p0 =	sne.s32 s2, $0x0  }
0xb74: {  	s3 =	rddreg [dreg:$0x2];
	[bflag:$0x3] =	sbarrier.arrive $0xFFFF;
	s2 =	simm.s32 @!p0 $0x1C06  }
0xb75: {  	[timem:s3], [sflag:s2] =	dma.local @!p0 [hbm:s0], s1  }
0xb76: {  	s0 =	simm.s32 @!p0 $0x6  }
0xb77: {  	_ =	swait.ge @!p0 [sflag:s0], s1  }
0xb78: {  	s1 =	ssub.s32 @!p0 $0x0, s1;
	[sflag:s0] =	ssyncset.done @!p0 $0x0  }
0xb79: {  	[sflag:s0] =	ssyncadd.s32 @!p0 s1  }
0xb7a: {  	[bflag:$0x3] =	sbarrier.arrive $0xFFFF  }
0xb7b: {  	_ =	shalt  }

</sc_bundles>
